<compile_context>
chip_gen: v7x
topology: tpu7x:2x2x1
jax: 0.10.2.dev20260603
libtpu: 0.0.44.dev20260713+nightly
codegen_flags: <defaults>
</compile_context>

<pallas_src>
import dataclasses
import functools

import jax
import jax.numpy as jnp
from jax import lax
from jax.experimental import pallas as pl
from jax.experimental.pallas import tpu as pltpu
from jax.experimental.pallas import tpu_sc as plsc

N = 10000
NPAD = 10240
E = 320000
F = 128

NCORES = 2
NSUB = 16
NTILES = NCORES * NSUB
EPT = E // NTILES
CH = 80
NCH = EPT // CH
CPB = 25
NBLK = NCH // CPB
NBUF = 2
ZR = 128
RPT = NPAD // NSUB

_mesh = plsc.VectorSubcoreMesh(core_axis_name="c", subcore_axis_name="s")

_sc_params = pltpu.CompilerParams()
if "needs_layout_passes" in pltpu.CompilerParams.__dataclass_fields__:
    _sc_params = dataclasses.replace(_sc_params, needs_layout_passes=False)


def _spmm_hop(table, col3, row3, w3):

    @functools.partial(
        pl.kernel,
        out_type=jax.ShapeDtypeStruct((NCORES, NPAD, F), jnp.float32),
        mesh=_mesh,
        compiler_params=_sc_params,
        scratch_types=[
            pltpu.VMEM((CPB, CH), jnp.int32),
            pltpu.VMEM((CPB, CH), jnp.int32),
            pltpu.VMEM((CPB, CH), jnp.float32),
            pltpu.VMEM((CH, F), jnp.float32),
            pltpu.VMEM((CH, F), jnp.float32),
            pltpu.VMEM_SHARED((NPAD, F), jnp.float32),
            pltpu.SemaphoreType.DMA,
            pltpu.SemaphoreType.DMA,
        ],
    )
    def hop(table_hbm, col_hbm, row_hbm, w_hbm, out_hbm,
            col_t, row_t, w_t, rows0, rows1, acc, gsem0, gsem1):
        c = lax.axis_index("c")
        s = lax.axis_index("s")
        t = c * NSUB + s
        rows = (rows0, rows1)
        gsem = (gsem0, gsem1)

        @pl.loop(0, RPT // ZR)
        def _(i):
            pltpu.sync_copy(table_hbm.at[pl.ds(N, ZR)],
                            acc.at[pl.ds(s * RPT + i * ZR, ZR)])

        plsc.subcore_barrier()

        def scale(kk, b):
            kv = jnp.full((16,), kk, jnp.int32)

            @pl.loop(0, CH, step=2)
            def _(e):
                for d in range(2):
                    ee = e + d
                    wv = plsc.load_gather(
                        w_t, [kv, jnp.full((16,), ee, jnp.int32)])
                    for j in range(F // 16):
                        sl = (ee, pl.ds(j * 16, 16))
                        rows[b][sl] = rows[b][sl] * wv

        @pl.loop(0, NBLK)
        def _(blk):
            pltpu.sync_copy(col_hbm.at[t].at[blk], col_t)
            pltpu.sync_copy(row_hbm.at[t].at[blk], row_t)
            pltpu.sync_copy(w_hbm.at[t].at[blk], w_t)

            for b in range(NBUF):
                pltpu.async_copy(table_hbm.at[col_t.at[b]], rows[b], gsem[b])

            @pl.loop(0, CPB - 3, step=NBUF)
            def _(k):
                for b in range(NBUF):
                    kk = k + b
                    pltpu.make_async_copy(
                        table_hbm.at[col_t.at[kk]], rows[b], gsem[b]).wait()
                    scale(kk, b)
                    pltpu.sync_copy(rows[b], acc.at[row_t.at[kk]], add=True)
                    pltpu.async_copy(
                        table_hbm.at[col_t.at[kk + NBUF]], rows[b], gsem[b])

            kk = CPB - 3
            pltpu.make_async_copy(table_hbm.at[col_t.at[kk]], rows[0], gsem[0]).wait()
            scale(kk, 0)
            pltpu.sync_copy(rows[0], acc.at[row_t.at[kk]], add=True)
            pltpu.async_copy(table_hbm.at[col_t.at[CPB - 1]], rows[0], gsem[0])
            kk = CPB - 2
            pltpu.make_async_copy(table_hbm.at[col_t.at[kk]], rows[1], gsem[1]).wait()
            scale(kk, 1)
            pltpu.sync_copy(rows[1], acc.at[row_t.at[kk]], add=True)
            kk = CPB - 1
            pltpu.make_async_copy(table_hbm.at[col_t.at[kk]], rows[0], gsem[0]).wait()
            scale(kk, 0)
            pltpu.sync_copy(rows[0], acc.at[row_t.at[kk]], add=True)

        plsc.subcore_barrier()

        @pl.loop(0, RPT // ZR)
        def _(i):
            off = s * RPT + i * ZR
            pltpu.sync_copy(acc.at[pl.ds(off, ZR)], out_hbm.at[c].at[pl.ds(off, ZR)])

    return hop(table, col3, row3, w3)


def _combine(p):

    def body(p_ref, o_ref):
        o_ref[...] = p_ref[0] + p_ref[1]

    return pl.pallas_call(
        body,
        out_shape=jax.ShapeDtypeStruct((NPAD, F), jnp.float32),
        grid=(8,),
        in_specs=[pl.BlockSpec((NCORES, NPAD // 8, F), lambda i: (0, i, 0))],
        out_specs=pl.BlockSpec((NPAD // 8, F), lambda i: (i, 0)),
    )(p)


def _final(p, W, b2):

    def body(p_ref, w_ref, b_ref, o_ref):
        h = p_ref[0] + p_ref[1]
        o_ref[...] = lax.dot_general(
            h, w_ref[...], (((1,), (1,)), ((), ())),
            precision=lax.Precision.HIGHEST,
            preferred_element_type=jnp.float32,
        ) + b_ref[...]

    return pl.pallas_call(
        body,
        out_shape=jax.ShapeDtypeStruct((N, F), jnp.float32),
        grid=(10,),
        in_specs=[
            pl.BlockSpec((NCORES, N // 10, F), lambda i: (0, i, 0)),
            pl.BlockSpec((F, F), lambda i: (0, 0)),
            pl.BlockSpec((1, F), lambda i: (0, 0)),
        ],
        out_specs=pl.BlockSpec((N // 10, F), lambda i: (i, 0)),
    )(p, W, b2)


@jax.jit
def _run(x, edge_index, edge_weight, W, b):
    row3 = edge_index[0].reshape(NTILES, NBLK, CPB, CH)
    col3 = edge_index[1].reshape(NTILES, NBLK, CPB, CH)
    w3 = edge_weight.reshape(NTILES, NBLK, CPB, CH)
    xp = jnp.concatenate([x, jnp.zeros((NPAD - N, F), jnp.float32)], axis=0)
    p1 = _spmm_hop(xp, col3, row3, w3)
    h1 = _combine(p1)
    p2 = _spmm_hop(h1, col3, row3, w3)
    return _final(p2, W, b.reshape(1, F))


def kernel(x, edge_index, edge_weight, W, b):
    return _run(x, edge_index, edge_weight, W, b)

# --- scband reference (transcript-rebuilt; emitter-appended) ---
"""Pipeline reference for scband-sgc-22110491640592 (READ-ONLY COPY).

The authoritative reference and input builder live on the scoring server;
editing this copy changes nothing except your own understanding.
"""

import jax, jax.numpy as jnp
import numpy as np

K = 2
N = 10000
E = 320000
NFEAT = 128
NCLASS = 128


def setup_inputs(seed: int = 0) -> dict:
    key = jax.random.key(seed)
    k1, k2, k3, k4, k5 = jax.random.split(key, 5)
    x = jax.random.normal(k1, (N, NFEAT), dtype=jnp.float32)
    edge_index = jax.random.randint(k2, (2, E), 0, N, dtype=jnp.int32)
    edge_weight = jax.random.uniform(k3, (E,), dtype=jnp.float32)
    # nn.Linear(nfeat, nclass) parameters: W [nclass, nfeat], b [nclass]
    bound = 1.0 / np.sqrt(NFEAT)
    W = jax.random.uniform(k4, (NCLASS, NFEAT), dtype=jnp.float32, minval=-bound, maxval=bound)
    b = jax.random.uniform(k5, (NCLASS,), dtype=jnp.float32, minval=-bound, maxval=bound)
    return {"x": x, "edge_index": edge_index, "edge_weight": edge_weight, "W": W, "b": b}


def reference(x, edge_index, edge_weight, W, b):
    # adj is a sparse [N, N] matrix given in COO form: edge_index (row, col) + edge_weight.
    # torch.spmm(adj, x) == scatter-add of edge_weight * x[col] into rows.
    row = edge_index[0]
    col = edge_index[1]
    h = x
    for _ in range(K):
        gathered = edge_weight[:, None] * jnp.take(h, col, axis=0)
        h = jax.ops.segment_sum(gathered, row, num_segments=N)
    out = h @ W.T + b
    return out

if __name__ == "__main__":
    import jax
    _d = setup_inputs()
    print(jax.jit(kernel)(*tuple(_d.values())))

</pallas_src>

<mosaic_0001>
#map = affine_map<(d0, d1) -> (0, 0)>
#map1 = affine_map<(d0, d1) -> (0, 0, 0, 0)>
#map2 = affine_map<(d0, d1) -> (0, 0, 0)>
module attributes {stable_mosaic.version = 14 : i64} {
  func.func @hop(%arg0: i32, %arg1: i32, %arg2: memref<10240x128xf32, #tpu.memory_space<hbm>>, %arg3: memref<32x5x25x80xi32, #tpu.memory_space<hbm>>, %arg4: memref<32x5x25x80xi32, #tpu.memory_space<hbm>>, %arg5: memref<32x5x25x80xf32, #tpu.memory_space<hbm>>, %arg6: memref<2x10240x128xf32, #tpu.memory_space<hbm>>, %arg7: memref<25x80xi32, #tpu.memory_space<vmem>>, %arg8: memref<25x80xi32, #tpu.memory_space<vmem>>, %arg9: memref<25x80xf32, #tpu.memory_space<vmem>>, %arg10: memref<80x128xf32, #tpu.memory_space<vmem>>, %arg11: memref<80x128xf32, #tpu.memory_space<vmem>>, %arg12: memref<10240x128xf32, #tpu.memory_space<vmem_shared>>, %arg13: memref<!tpu.dma_semaphore, #tpu.memory_space<semaphore_mem>>, %arg14: memref<!tpu.dma_semaphore, #tpu.memory_space<semaphore_mem>>) attributes {dimension_semantics = [#tpu.dimension_semantics<core_parallel>, #tpu.dimension_semantics<subcore_parallel>], iteration_bounds = array<i64: 2, 16>, scalar_prefetch = 0 : i64, scratch_operands = 8 : i64, tpu.core_type = #tpu.core_type<sc_vector_subcore>, window_params = [{transform_indices = #map}, {transform_indices = #map1}, {transform_indices = #map1}, {transform_indices = #map1}, {transform_indices = #map2}]} {
    %mul3A = arith.constant 16 : i32
    %mul3A_0 = arith.muli %arg0, %mul3A : i32
    %add3A = arith.addi %mul3A_0, %arg1 : i32
    %scan3A = arith.constant 0 : i32
    %scan3A_1 = arith.constant 5 : i32
    %scan3A_2 = arith.addi %scan3A, %scan3A_1 : i32
    %scan3A_3 = arith.constant 1 : i32
    scf.for %scan3A_16 = %scan3A to %scan3A_2 step %scan3A_3  : i32 {
      %mul3A_17 = arith.constant 1 : i32
      %mul3A_18 = arith.muli %scan3A_16, %mul3A_17 : i32
      %add3A_19 = arith.constant 0 : i32
      %add3A_20 = arith.addi %add3A_19, %mul3A_18 : i32
      %mul3A_21 = arith.constant 640 : i32
      %mul3A_22 = arith.muli %arg1, %mul3A_21 : i32
      %mul3A_23 = arith.constant 128 : i32
      %mul3A_24 = arith.muli %add3A_20, %mul3A_23 : i32
      %add3A_25 = arith.addi %mul3A_22, %mul3A_24 : i32
      "tpu.region"() ({
        %run_scoped3A = tpu.sem_alloc : memref<!tpu.dma_semaphore, #tpu.memory_space<semaphore_mem>>
        %dma_start3A = arith.constant 0 : i32
        %dma_start3A_26 = tpu.memref_slice %arg12[%add3A_25, %dma_start3A] : memref<10240x128xf32, #tpu.memory_space<vmem_shared>> -> memref<128x128xf32, #tpu.memory_space<vmem_shared>>
        %dma_start3A_27 = arith.constant 10000 : i32
        %dma_start3A_28 = arith.constant 0 : i32
        %dma_start3A_29 = tpu.memref_slice %arg2[%dma_start3A_27, %dma_start3A_28] : memref<10240x128xf32, #tpu.memory_space<hbm>> -> memref<128x128xf32, #tpu.memory_space<hbm>>
        tpu.enqueue_dma source(%dma_start3A_29 : memref<128x128xf32, #tpu.memory_space<hbm>>) target(%dma_start3A_26 : memref<128x128xf32, #tpu.memory_space<vmem_shared>>) target_semaphore(%run_scoped3A : memref<!tpu.dma_semaphore, #tpu.memory_space<semaphore_mem>>)
        %dma_wait3A = arith.constant 0 : i32
        %dma_wait3A_30 = tpu.memref_slice %arg12[%add3A_25, %dma_wait3A] : memref<10240x128xf32, #tpu.memory_space<vmem_shared>> -> memref<128x128xf32, #tpu.memory_space<vmem_shared>>
        %dma_wait3A_31 = arith.constant 10000 : i32
        %dma_wait3A_32 = arith.constant 0 : i32
        %dma_wait3A_33 = tpu.memref_slice %arg2[%dma_wait3A_31, %dma_wait3A_32] : memref<10240x128xf32, #tpu.memory_space<hbm>> -> memref<128x128xf32, #tpu.memory_space<hbm>>
        tpu.wait_dma2 semaphore(%run_scoped3A : memref<!tpu.dma_semaphore, #tpu.memory_space<semaphore_mem>>) src(%dma_wait3A_33 : memref<128x128xf32, #tpu.memory_space<hbm>>) dst(%dma_wait3A_30 : memref<128x128xf32, #tpu.memory_space<vmem_shared>>)
        tpu.yield
      }) : () -> ()
    }
    %scan3A_4 = arith.constant 5 : i32
    %barrier3A = arith.constant 0 : index
    tpu.barrier barrier_id(%barrier3A)
    %scan3A_5 = arith.constant 0 : i32
    %scan3A_6 = arith.constant 5 : i32
    %scan3A_7 = arith.addi %scan3A_5, %scan3A_6 : i32
    %scan3A_8 = arith.constant 1 : i32
    scf.for %scan3A_16 = %scan3A_5 to %scan3A_7 step %scan3A_8  : i32 {
      %mul3A_17 = arith.constant 1 : i32
      %mul3A_18 = arith.muli %scan3A_16, %mul3A_17 : i32
      %add3A_19 = arith.constant 0 : i32
      %add3A_20 = arith.addi %add3A_19, %mul3A_18 : i32
      "tpu.region"() ({
        %run_scoped3A_88 = tpu.sem_alloc : memref<!tpu.dma_semaphore, #tpu.memory_space<semaphore_mem>>
        %dma_start3A_89 = arith.constant 0 : i32
        %dma_start3A_90 = arith.constant 0 : i32
        %dma_start3A_91 = arith.constant 0 : i32
        %dma_start3A_92 = tpu.memref_slice %arg3[%add3A, %dma_start3A_89, %dma_start3A_90, %dma_start3A_91] : memref<32x5x25x80xi32, #tpu.memory_space<hbm>> -> memref<1x5x25x80xi32, #tpu.memory_space<hbm>>
        %dma_start3A_93 = tpu.memref_squeeze %dma_start3A_92 : memref<1x5x25x80xi32, #tpu.memory_space<hbm>> -> memref<5x25x80xi32, #tpu.memory_space<hbm>>
        %dma_start3A_94 = arith.constant 0 : i32
        %dma_start3A_95 = arith.constant 0 : i32
        %dma_start3A_96 = tpu.memref_slice %dma_start3A_93[%add3A_20, %dma_start3A_94, %dma_start3A_95] : memref<5x25x80xi32, #tpu.memory_space<hbm>> -> memref<1x25x80xi32, #tpu.memory_space<hbm>>
        %dma_start3A_97 = tpu.memref_squeeze %dma_start3A_96 : memref<1x25x80xi32, #tpu.memory_space<hbm>> -> memref<25x80xi32, #tpu.memory_space<hbm>>
        %dma_start3A_98 = arith.constant 0 : i32
        %dma_start3A_99 = arith.constant 0 : i32
        %dma_start3A_100 = arith.constant 0 : i32
        %dma_start3A_101 = tpu.memref_slice %arg3[%add3A, %dma_start3A_98, %dma_start3A_99, %dma_start3A_100] : memref<32x5x25x80xi32, #tpu.memory_space<hbm>> -> memref<1x5x25x80xi32, #tpu.memory_space<hbm>>
        %dma_start3A_102 = tpu.memref_squeeze %dma_start3A_101 : memref<1x5x25x80xi32, #tpu.memory_space<hbm>> -> memref<5x25x80xi32, #tpu.memory_space<hbm>>
        %dma_start3A_103 = arith.constant 0 : i32
        %dma_start3A_104 = arith.constant 0 : i32
        %dma_start3A_105 = tpu.memref_slice %dma_start3A_102[%add3A_20, %dma_start3A_103, %dma_start3A_104] : memref<5x25x80xi32, #tpu.memory_space<hbm>> -> memref<1x25x80xi32, #tpu.memory_space<hbm>>
        %dma_start3A_106 = tpu.memref_squeeze %dma_start3A_105 : memref<1x25x80xi32, #tpu.memory_space<hbm>> -> memref<25x80xi32, #tpu.memory_space<hbm>>
        tpu.enqueue_dma source(%dma_start3A_106 : memref<25x80xi32, #tpu.memory_space<hbm>>) target(%arg7 : memref<25x80xi32, #tpu.memory_space<vmem>>) target_semaphore(%run_scoped3A_88 : memref<!tpu.dma_semaphore, #tpu.memory_space<semaphore_mem>>)
        %dma_wait3A_107 = arith.constant 0 : i32
        %dma_wait3A_108 = arith.constant 0 : i32
        %dma_wait3A_109 = arith.constant 0 : i32
        %dma_wait3A_110 = tpu.memref_slice %arg3[%add3A, %dma_wait3A_107, %dma_wait3A_108, %dma_wait3A_109] : memref<32x5x25x80xi32, #tpu.memory_space<hbm>> -> memref<1x5x25x80xi32, #tpu.memory_space<hbm>>
        %dma_wait3A_111 = tpu.memref_squeeze %dma_wait3A_110 : memref<1x5x25x80xi32, #tpu.memory_space<hbm>> -> memref<5x25x80xi32, #tpu.memory_space<hbm>>
        %dma_wait3A_112 = arith.constant 0 : i32
        %dma_wait3A_113 = arith.constant 0 : i32
        %dma_wait3A_114 = tpu.memref_slice %dma_wait3A_111[%add3A_20, %dma_wait3A_112, %dma_wait3A_113] : memref<5x25x80xi32, #tpu.memory_space<hbm>> -> memref<1x25x80xi32, #tpu.memory_space<hbm>>
        %dma_wait3A_115 = tpu.memref_squeeze %dma_wait3A_114 : memref<1x25x80xi32, #tpu.memory_space<hbm>> -> memref<25x80xi32, #tpu.memory_space<hbm>>
        %dma_wait3A_116 = arith.constant 0 : i32
        %dma_wait3A_117 = arith.constant 0 : i32
        %dma_wait3A_118 = arith.constant 0 : i32
        %dma_wait3A_119 = tpu.memref_slice %arg3[%add3A, %dma_wait3A_116, %dma_wait3A_117, %dma_wait3A_118] : memref<32x5x25x80xi32, #tpu.memory_space<hbm>> -> memref<1x5x25x80xi32, #tpu.memory_space<hbm>>
        %dma_wait3A_120 = tpu.memref_squeeze %dma_wait3A_119 : memref<1x5x25x80xi32, #tpu.memory_space<hbm>> -> memref<5x25x80xi32, #tpu.memory_space<hbm>>
        %dma_wait3A_121 = arith.constant 0 : i32
        %dma_wait3A_122 = arith.constant 0 : i32
        %dma_wait3A_123 = tpu.memref_slice %dma_wait3A_120[%add3A_20, %dma_wait3A_121, %dma_wait3A_122] : memref<5x25x80xi32, #tpu.memory_space<hbm>> -> memref<1x25x80xi32, #tpu.memory_space<hbm>>
        %dma_wait3A_124 = tpu.memref_squeeze %dma_wait3A_123 : memref<1x25x80xi32, #tpu.memory_space<hbm>> -> memref<25x80xi32, #tpu.memory_space<hbm>>
        tpu.wait_dma2 semaphore(%run_scoped3A_88 : memref<!tpu.dma_semaphore, #tpu.memory_space<semaphore_mem>>) src(%dma_wait3A_124 : memref<25x80xi32, #tpu.memory_space<hbm>>) dst(%arg7 : memref<25x80xi32, #tpu.memory_space<vmem>>)
        tpu.yield
      }) : () -> ()
      "tpu.region"() ({
        %run_scoped3A_88 = tpu.sem_alloc : memref<!tpu.dma_semaphore, #tpu.memory_space<semaphore_mem>>
        %dma_start3A_89 = arith.constant 0 : i32
        %dma_start3A_90 = arith.constant 0 : i32
        %dma_start3A_91 = arith.constant 0 : i32
        %dma_start3A_92 = tpu.memref_slice %arg4[%add3A, %dma_start3A_89, %dma_start3A_90, %dma_start3A_91] : memref<32x5x25x80xi32, #tpu.memory_space<hbm>> -> memref<1x5x25x80xi32, #tpu.memory_space<hbm>>
        %dma_start3A_93 = tpu.memref_squeeze %dma_start3A_92 : memref<1x5x25x80xi32, #tpu.memory_space<hbm>> -> memref<5x25x80xi32, #tpu.memory_space<hbm>>
        %dma_start3A_94 = arith.constant 0 : i32
        %dma_start3A_95 = arith.constant 0 : i32
        %dma_start3A_96 = tpu.memref_slice %dma_start3A_93[%add3A_20, %dma_start3A_94, %dma_start3A_95] : memref<5x25x80xi32, #tpu.memory_space<hbm>> -> memref<1x25x80xi32, #tpu.memory_space<hbm>>
        %dma_start3A_97 = tpu.memref_squeeze %dma_start3A_96 : memref<1x25x80xi32, #tpu.memory_space<hbm>> -> memref<25x80xi32, #tpu.memory_space<hbm>>
        %dma_start3A_98 = arith.constant 0 : i32
        %dma_start3A_99 = arith.constant 0 : i32
        %dma_start3A_100 = arith.constant 0 : i32
        %dma_start3A_101 = tpu.memref_slice %arg4[%add3A, %dma_start3A_98, %dma_start3A_99, %dma_start3A_100] : memref<32x5x25x80xi32, #tpu.memory_space<hbm>> -> memref<1x5x25x80xi32, #tpu.memory_space<hbm>>
        %dma_start3A_102 = tpu.memref_squeeze %dma_start3A_101 : memref<1x5x25x80xi32, #tpu.memory_space<hbm>> -> memref<5x25x80xi32, #tpu.memory_space<hbm>>
        %dma_start3A_103 = arith.constant 0 : i32
        %dma_start3A_104 = arith.constant 0 : i32
        %dma_start3A_105 = tpu.memref_slice %dma_start3A_102[%add3A_20, %dma_start3A_103, %dma_start3A_104] : memref<5x25x80xi32, #tpu.memory_space<hbm>> -> memref<1x25x80xi32, #tpu.memory_space<hbm>>
        %dma_start3A_106 = tpu.memref_squeeze %dma_start3A_105 : memref<1x25x80xi32, #tpu.memory_space<hbm>> -> memref<25x80xi32, #tpu.memory_space<hbm>>
        tpu.enqueue_dma source(%dma_start3A_106 : memref<25x80xi32, #tpu.memory_space<hbm>>) target(%arg8 : memref<25x80xi32, #tpu.memory_space<vmem>>) target_semaphore(%run_scoped3A_88 : memref<!tpu.dma_semaphore, #tpu.memory_space<semaphore_mem>>)
        %dma_wait3A_107 = arith.constant 0 : i32
        %dma_wait3A_108 = arith.constant 0 : i32
        %dma_wait3A_109 = arith.constant 0 : i32
        %dma_wait3A_110 = tpu.memref_slice %arg4[%add3A, %dma_wait3A_107, %dma_wait3A_108, %dma_wait3A_109] : memref<32x5x25x80xi32, #tpu.memory_space<hbm>> -> memref<1x5x25x80xi32, #tpu.memory_space<hbm>>
        %dma_wait3A_111 = tpu.memref_squeeze %dma_wait3A_110 : memref<1x5x25x80xi32, #tpu.memory_space<hbm>> -> memref<5x25x80xi32, #tpu.memory_space<hbm>>
        %dma_wait3A_112 = arith.constant 0 : i32
        %dma_wait3A_113 = arith.constant 0 : i32
        %dma_wait3A_114 = tpu.memref_slice %dma_wait3A_111[%add3A_20, %dma_wait3A_112, %dma_wait3A_113] : memref<5x25x80xi32, #tpu.memory_space<hbm>> -> memref<1x25x80xi32, #tpu.memory_space<hbm>>
        %dma_wait3A_115 = tpu.memref_squeeze %dma_wait3A_114 : memref<1x25x80xi32, #tpu.memory_space<hbm>> -> memref<25x80xi32, #tpu.memory_space<hbm>>
        %dma_wait3A_116 = arith.constant 0 : i32
        %dma_wait3A_117 = arith.constant 0 : i32
        %dma_wait3A_118 = arith.constant 0 : i32
        %dma_wait3A_119 = tpu.memref_slice %arg4[%add3A, %dma_wait3A_116, %dma_wait3A_117, %dma_wait3A_118] : memref<32x5x25x80xi32, #tpu.memory_space<hbm>> -> memref<1x5x25x80xi32, #tpu.memory_space<hbm>>
        %dma_wait3A_120 = tpu.memref_squeeze %dma_wait3A_119 : memref<1x5x25x80xi32, #tpu.memory_space<hbm>> -> memref<5x25x80xi32, #tpu.memory_space<hbm>>
        %dma_wait3A_121 = arith.constant 0 : i32
        %dma_wait3A_122 = arith.constant 0 : i32
        %dma_wait3A_123 = tpu.memref_slice %dma_wait3A_120[%add3A_20, %dma_wait3A_121, %dma_wait3A_122] : memref<5x25x80xi32, #tpu.memory_space<hbm>> -> memref<1x25x80xi32, #tpu.memory_space<hbm>>
        %dma_wait3A_124 = tpu.memref_squeeze %dma_wait3A_123 : memref<1x25x80xi32, #tpu.memory_space<hbm>> -> memref<25x80xi32, #tpu.memory_space<hbm>>
        tpu.wait_dma2 semaphore(%run_scoped3A_88 : memref<!tpu.dma_semaphore, #tpu.memory_space<semaphore_mem>>) src(%dma_wait3A_124 : memref<25x80xi32, #tpu.memory_space<hbm>>) dst(%arg8 : memref<25x80xi32, #tpu.memory_space<vmem>>)
        tpu.yield
      }) : () -> ()
      "tpu.region"() ({
        %run_scoped3A_88 = tpu.sem_alloc : memref<!tpu.dma_semaphore, #tpu.memory_space<semaphore_mem>>
        %dma_start3A_89 = arith.constant 0 : i32
        %dma_start3A_90 = arith.constant 0 : i32
        %dma_start3A_91 = arith.constant 0 : i32
        %dma_start3A_92 = tpu.memref_slice %arg5[%add3A, %dma_start3A_89, %dma_start3A_90, %dma_start3A_91] : memref<32x5x25x80xf32, #tpu.memory_space<hbm>> -> memref<1x5x25x80xf32, #tpu.memory_space<hbm>>
        %dma_start3A_93 = tpu.memref_squeeze %dma_start3A_92 : memref<1x5x25x80xf32, #tpu.memory_space<hbm>> -> memref<5x25x80xf32, #tpu.memory_space<hbm>>
        %dma_start3A_94 = arith.constant 0 : i32
        %dma_start3A_95 = arith.constant 0 : i32
        %dma_start3A_96 = tpu.memref_slice %dma_start3A_93[%add3A_20, %dma_start3A_94, %dma_start3A_95] : memref<5x25x80xf32, #tpu.memory_space<hbm>> -> memref<1x25x80xf32, #tpu.memory_space<hbm>>
        %dma_start3A_97 = tpu.memref_squeeze %dma_start3A_96 : memref<1x25x80xf32, #tpu.memory_space<hbm>> -> memref<25x80xf32, #tpu.memory_space<hbm>>
        %dma_start3A_98 = arith.constant 0 : i32
        %dma_start3A_99 = arith.constant 0 : i32
        %dma_start3A_100 = arith.constant 0 : i32
        %dma_start3A_101 = tpu.memref_slice %arg5[%add3A, %dma_start3A_98, %dma_start3A_99, %dma_start3A_100] : memref<32x5x25x80xf32, #tpu.memory_space<hbm>> -> memref<1x5x25x80xf32, #tpu.memory_space<hbm>>
        %dma_start3A_102 = tpu.memref_squeeze %dma_start3A_101 : memref<1x5x25x80xf32, #tpu.memory_space<hbm>> -> memref<5x25x80xf32, #tpu.memory_space<hbm>>
        %dma_start3A_103 = arith.constant 0 : i32
        %dma_start3A_104 = arith.constant 0 : i32
        %dma_start3A_105 = tpu.memref_slice %dma_start3A_102[%add3A_20, %dma_start3A_103, %dma_start3A_104] : memref<5x25x80xf32, #tpu.memory_space<hbm>> -> memref<1x25x80xf32, #tpu.memory_space<hbm>>
        %dma_start3A_106 = tpu.memref_squeeze %dma_start3A_105 : memref<1x25x80xf32, #tpu.memory_space<hbm>> -> memref<25x80xf32, #tpu.memory_space<hbm>>
        tpu.enqueue_dma source(%dma_start3A_106 : memref<25x80xf32, #tpu.memory_space<hbm>>) target(%arg9 : memref<25x80xf32, #tpu.memory_space<vmem>>) target_semaphore(%run_scoped3A_88 : memref<!tpu.dma_semaphore, #tpu.memory_space<semaphore_mem>>)
        %dma_wait3A_107 = arith.constant 0 : i32
        %dma_wait3A_108 = arith.constant 0 : i32
        %dma_wait3A_109 = arith.constant 0 : i32
        %dma_wait3A_110 = tpu.memref_slice %arg5[%add3A, %dma_wait3A_107, %dma_wait3A_108, %dma_wait3A_109] : memref<32x5x25x80xf32, #tpu.memory_space<hbm>> -> memref<1x5x25x80xf32, #tpu.memory_space<hbm>>
        %dma_wait3A_111 = tpu.memref_squeeze %dma_wait3A_110 : memref<1x5x25x80xf32, #tpu.memory_space<hbm>> -> memref<5x25x80xf32, #tpu.memory_space<hbm>>
        %dma_wait3A_112 = arith.constant 0 : i32
        %dma_wait3A_113 = arith.constant 0 : i32
        %dma_wait3A_114 = tpu.memref_slice %dma_wait3A_111[%add3A_20, %dma_wait3A_112, %dma_wait3A_113] : memref<5x25x80xf32, #tpu.memory_space<hbm>> -> memref<1x25x80xf32, #tpu.memory_space<hbm>>
        %dma_wait3A_115 = tpu.memref_squeeze %dma_wait3A_114 : memref<1x25x80xf32, #tpu.memory_space<hbm>> -> memref<25x80xf32, #tpu.memory_space<hbm>>
        %dma_wait3A_116 = arith.constant 0 : i32
        %dma_wait3A_117 = arith.constant 0 : i32
        %dma_wait3A_118 = arith.constant 0 : i32
        %dma_wait3A_119 = tpu.memref_slice %arg5[%add3A, %dma_wait3A_116, %dma_wait3A_117, %dma_wait3A_118] : memref<32x5x25x80xf32, #tpu.memory_space<hbm>> -> memref<1x5x25x80xf32, #tpu.memory_space<hbm>>
        %dma_wait3A_120 = tpu.memref_squeeze %dma_wait3A_119 : memref<1x5x25x80xf32, #tpu.memory_space<hbm>> -> memref<5x25x80xf32, #tpu.memory_space<hbm>>
        %dma_wait3A_121 = arith.constant 0 : i32
        %dma_wait3A_122 = arith.constant 0 : i32
        %dma_wait3A_123 = tpu.memref_slice %dma_wait3A_120[%add3A_20, %dma_wait3A_121, %dma_wait3A_122] : memref<5x25x80xf32, #tpu.memory_space<hbm>> -> memref<1x25x80xf32, #tpu.memory_space<hbm>>
        %dma_wait3A_124 = tpu.memref_squeeze %dma_wait3A_123 : memref<1x25x80xf32, #tpu.memory_space<hbm>> -> memref<25x80xf32, #tpu.memory_space<hbm>>
        tpu.wait_dma2 semaphore(%run_scoped3A_88 : memref<!tpu.dma_semaphore, #tpu.memory_space<semaphore_mem>>) src(%dma_wait3A_124 : memref<25x80xf32, #tpu.memory_space<hbm>>) dst(%arg9 : memref<25x80xf32, #tpu.memory_space<vmem>>)
        tpu.yield
      }) : () -> ()
      %dma_start3A = arith.constant 0 : i32
      %dma_start3A_21 = arith.constant 0 : i32
      %dma_start3A_22 = tpu.memref_slice %arg7[%dma_start3A, %dma_start3A_21] : memref<25x80xi32, #tpu.memory_space<vmem>> -> memref<1x80xi32, #tpu.memory_space<vmem>>
      %dma_start3A_23 = tpu.memref_squeeze %dma_start3A_22 : memref<1x80xi32, #tpu.memory_space<vmem>> -> memref<80xi32, #tpu.memory_space<vmem>>
      %dma_start3A_24 = arith.constant 0 : i32
      %dma_start3A_25 = arith.constant 0 : i32
      %dma_start3A_26 = tpu.memref_slice %arg2[%dma_start3A_24, %dma_start3A_25] : memref<10240x128xf32, #tpu.memory_space<hbm>> -> memref<10240x128xf32, #tpu.memory_space<hbm>>
      tpu.enqueue_indirect_dma source(%dma_start3A_26 : memref<10240x128xf32, #tpu.memory_space<hbm>>) target(%arg10 : memref<80x128xf32, #tpu.memory_space<vmem>>) offsets(%dma_start3A_23 : memref<80xi32, #tpu.memory_space<vmem>>) semaphore(%arg13 : memref<!tpu.dma_semaphore, #tpu.memory_space<semaphore_mem>>)
      %dma_start3A_27 = arith.constant 1 : i32
      %dma_start3A_28 = arith.constant 0 : i32
      %dma_start3A_29 = tpu.memref_slice %arg7[%dma_start3A_27, %dma_start3A_28] : memref<25x80xi32, #tpu.memory_space<vmem>> -> memref<1x80xi32, #tpu.memory_space<vmem>>
      %dma_start3A_30 = tpu.memref_squeeze %dma_start3A_29 : memref<1x80xi32, #tpu.memory_space<vmem>> -> memref<80xi32, #tpu.memory_space<vmem>>
      %dma_start3A_31 = arith.constant 0 : i32
      %dma_start3A_32 = arith.constant 0 : i32
      %dma_start3A_33 = tpu.memref_slice %arg2[%dma_start3A_31, %dma_start3A_32] : memref<10240x128xf32, #tpu.memory_space<hbm>> -> memref<10240x128xf32, #tpu.memory_space<hbm>>
      tpu.enqueue_indirect_dma source(%dma_start3A_33 : memref<10240x128xf32, #tpu.memory_space<hbm>>) target(%arg11 : memref<80x128xf32, #tpu.memory_space<vmem>>) offsets(%dma_start3A_30 : memref<80xi32, #tpu.memory_space<vmem>>) semaphore(%arg14 : memref<!tpu.dma_semaphore, #tpu.memory_space<semaphore_mem>>)
      %scan3A_34 = arith.constant 0 : i32
      %scan3A_35 = arith.constant 11 : i32
      %scan3A_36 = arith.addi %scan3A_34, %scan3A_35 : i32
      %scan3A_37 = arith.constant 1 : i32
      scf.for %scan3A_88 = %scan3A_34 to %scan3A_36 step %scan3A_37  : i32 {
        %mul3A_89 = arith.constant 2 : i32
        %mul3A_90 = arith.muli %scan3A_88, %mul3A_89 : i32
        %add3A_91 = arith.constant 0 : i32
        %add3A_92 = arith.addi %add3A_91, %mul3A_90 : i32
        %add3A_93 = arith.constant 0 : i32
        %add3A_94 = arith.addi %add3A_92, %add3A_93 : i32
        %dma_wait3A_95 = arith.constant 0 : i32
        %dma_wait3A_96 = tpu.memref_slice %arg7[%add3A_94, %dma_wait3A_95] : memref<25x80xi32, #tpu.memory_space<vmem>> -> memref<1x80xi32, #tpu.memory_space<vmem>>
        %dma_wait3A_97 = tpu.memref_squeeze %dma_wait3A_96 : memref<1x80xi32, #tpu.memory_space<vmem>> -> memref<80xi32, #tpu.memory_space<vmem>>
        %dma_wait3A_98 = arith.constant 0 : i32
        %dma_wait3A_99 = arith.constant 0 : i32
        %dma_wait3A_100 = tpu.memref_slice %arg2[%dma_wait3A_98, %dma_wait3A_99] : memref<10240x128xf32, #tpu.memory_space<hbm>> -> memref<10240x128xf32, #tpu.memory_space<hbm>>
        tpu.wait_indirect_dma semaphore(%arg13 : memref<!tpu.dma_semaphore, #tpu.memory_space<semaphore_mem>>) src(%dma_wait3A_100 : memref<10240x128xf32, #tpu.memory_space<hbm>>) dst(%arg10 : memref<80x128xf32, #tpu.memory_space<vmem>>)
        %broadcast_in_dim3A_101 = vector.broadcast %add3A_94 : i32 to vector<16xi32>
        %scan3A_102 = arith.constant 0 : i32
        %scan3A_103 = arith.constant 40 : i32
        %scan3A_104 = arith.addi %scan3A_102, %scan3A_103 : i32
        %scan3A_105 = arith.constant 1 : i32
        scf.for %scan3A_137 = %scan3A_102 to %scan3A_104 step %scan3A_105  : i32 {
          %mul3A_138 = arith.constant 2 : i32
          %mul3A_139 = arith.muli %scan3A_137, %mul3A_138 : i32
          %add3A_140 = arith.constant 0 : i32
          %add3A_141 = arith.addi %add3A_140, %mul3A_139 : i32
          %add3A_142 = arith.constant 0 : i32
          %add3A_143 = arith.addi %add3A_141, %add3A_142 : i32
          %broadcast_in_dim3A_144 = vector.broadcast %add3A_143 : i32 to vector<16xi32>
          %gather3A = tpu.vector_load_idx %arg9[%broadcast_in_dim3A_101, %broadcast_in_dim3A_144] : memref<25x80xf32, #tpu.memory_space<vmem>>[vector<16xi32>, vector<16xi32>], vector<16xf32>,
          %get3A = arith.index_cast %add3A_143 : i32 to index
          %get3A_145 = arith.constant 0 : index
          %get3A_146 = tpu.vector_load %arg10[%get3A, %get3A_145] {strides = array<i32>} : memref<80x128xf32, #tpu.memory_space<vmem>>, vector<16xf32>,
          %mul3A_147 = arith.mulf %get3A_146, %gather3A : vector<16xf32>
          %swap3A = arith.index_cast %add3A_143 : i32 to index
          %swap3A_148 = arith.constant 0 : index
          %swap3A_149 = tpu.vector_load %arg10[%swap3A, %swap3A_148] {strides = array<i32>} : memref<80x128xf32, #tpu.memory_space<vmem>>, vector<16xf32>,
          tpu.vector_store %arg10[%swap3A, %swap3A_148], %mul3A_147 {strides = array<i32>} : memref<80x128xf32, #tpu.memory_space<vmem>>, vector<16xf32>,
          %get3A_150 = arith.index_cast %add3A_143 : i32 to index
          %get3A_151 = arith.constant 16 : index
          %get3A_152 = tpu.vector_load %arg10[%get3A_150, %get3A_151] {strides = array<i32>} : memref<80x128xf32, #tpu.memory_space<vmem>>, vector<16xf32>,
          %mul3A_153 = arith.mulf %get3A_152, %gather3A : vector<16xf32>
          %swap3A_154 = arith.index_cast %add3A_143 : i32 to index
          %swap3A_155 = arith.constant 16 : index
          %swap3A_156 = tpu.vector_load %arg10[%swap3A_154, %swap3A_155] {strides = array<i32>} : memref<80x128xf32, #tpu.memory_space<vmem>>, vector<16xf32>,
          tpu.vector_store %arg10[%swap3A_154, %swap3A_155], %mul3A_153 {strides = array<i32>} : memref<80x128xf32, #tpu.memory_space<vmem>>, vector<16xf32>,
          %get3A_157 = arith.index_cast %add3A_143 : i32 to index
          %get3A_158 = arith.constant 32 : index
          %get3A_159 = tpu.vector_load %arg10[%get3A_157, %get3A_158] {strides = array<i32>} : memref<80x128xf32, #tpu.memory_space<vmem>>, vector<16xf32>,
          %mul3A_160 = arith.mulf %get3A_159, %gather3A : vector<16xf32>
          %swap3A_161 = arith.index_cast %add3A_143 : i32 to index
          %swap3A_162 = arith.constant 32 : index
          %swap3A_163 = tpu.vector_load %arg10[%swap3A_161, %swap3A_162] {strides = array<i32>} : memref<80x128xf32, #tpu.memory_space<vmem>>, vector<16xf32>,
          tpu.vector_store %arg10[%swap3A_161, %swap3A_162], %mul3A_160 {strides = array<i32>} : memref<80x128xf32, #tpu.memory_space<vmem>>, vector<16xf32>,
          %get3A_164 = arith.index_cast %add3A_143 : i32 to index
          %get3A_165 = arith.constant 48 : index
          %get3A_166 = tpu.vector_load %arg10[%get3A_164, %get3A_165] {strides = array<i32>} : memref<80x128xf32, #tpu.memory_space<vmem>>, vector<16xf32>,
          %mul3A_167 = arith.mulf %get3A_166, %gather3A : vector<16xf32>
          %swap3A_168 = arith.index_cast %add3A_143 : i32 to index
          %swap3A_169 = arith.constant 48 : index
          %swap3A_170 = tpu.vector_load %arg10[%swap3A_168, %swap3A_169] {strides = array<i32>} : memref<80x128xf32, #tpu.memory_space<vmem>>, vector<16xf32>,
          tpu.vector_store %arg10[%swap3A_168, %swap3A_169], %mul3A_167 {strides = array<i32>} : memref<80x128xf32, #tpu.memory_space<vmem>>, vector<16xf32>,
          %get3A_171 = arith.index_cast %add3A_143 : i32 to index
          %get3A_172 = arith.constant 64 : index
          %get3A_173 = tpu.vector_load %arg10[%get3A_171, %get3A_172] {strides = array<i32>} : memref<80x128xf32, #tpu.memory_space<vmem>>, vector<16xf32>,
          %mul3A_174 = arith.mulf %get3A_173, %gather3A : vector<16xf32>
          %swap3A_175 = arith.index_cast %add3A_143 : i32 to index
          %swap3A_176 = arith.constant 64 : index
          %swap3A_177 = tpu.vector_load %arg10[%swap3A_175, %swap3A_176] {strides = array<i32>} : memref<80x128xf32, #tpu.memory_space<vmem>>, vector<16xf32>,
          tpu.vector_store %arg10[%swap3A_175, %swap3A_176], %mul3A_174 {strides = array<i32>} : memref<80x128xf32, #tpu.memory_space<vmem>>, vector<16xf32>,
          %get3A_178 = arith.index_cast %add3A_143 : i32 to index
          %get3A_179 = arith.constant 80 : index
          %get3A_180 = tpu.vector_load %arg10[%get3A_178, %get3A_179] {strides = array<i32>} : memref<80x128xf32, #tpu.memory_space<vmem>>, vector<16xf32>,
          %mul3A_181 = arith.mulf %get3A_180, %gather3A : vector<16xf32>
          %swap3A_182 = arith.index_cast %add3A_143 : i32 to index
          %swap3A_183 = arith.constant 80 : index
          %swap3A_184 = tpu.vector_load %arg10[%swap3A_182, %swap3A_183] {strides = array<i32>} : memref<80x128xf32, #tpu.memory_space<vmem>>, vector<16xf32>,
          tpu.vector_store %arg10[%swap3A_182, %swap3A_183], %mul3A_181 {strides = array<i32>} : memref<80x128xf32, #tpu.memory_space<vmem>>, vector<16xf32>,
          %get3A_185 = arith.index_cast %add3A_143 : i32 to index
          %get3A_186 = arith.constant 96 : index
          %get3A_187 = tpu.vector_load %arg10[%get3A_185, %get3A_186] {strides = array<i32>} : memref<80x128xf32, #tpu.memory_space<vmem>>, vector<16xf32>,
          %mul3A_188 = arith.mulf %get3A_187, %gather3A : vector<16xf32>
          %swap3A_189 = arith.index_cast %add3A_143 : i32 to index
          %swap3A_190 = arith.constant 96 : index
          %swap3A_191 = tpu.vector_load %arg10[%swap3A_189, %swap3A_190] {strides = array<i32>} : memref<80x128xf32, #tpu.memory_space<vmem>>, vector<16xf32>,
          tpu.vector_store %arg10[%swap3A_189, %swap3A_190], %mul3A_188 {strides = array<i32>} : memref<80x128xf32, #tpu.memory_space<vmem>>, vector<16xf32>,
          %get3A_192 = arith.index_cast %add3A_143 : i32 to index
          %get3A_193 = arith.constant 112 : index
          %get3A_194 = tpu.vector_load %arg10[%get3A_192, %get3A_193] {strides = array<i32>} : memref<80x128xf32, #tpu.memory_space<vmem>>, vector<16xf32>,
          %mul3A_195 = arith.mulf %get3A_194, %gather3A : vector<16xf32>
          %swap3A_196 = arith.index_cast %add3A_143 : i32 to index
          %swap3A_197 = arith.constant 112 : index
          %swap3A_198 = tpu.vector_load %arg10[%swap3A_196, %swap3A_197] {strides = array<i32>} : memref<80x128xf32, #tpu.memory_space<vmem>>, vector<16xf32>,
          tpu.vector_store %arg10[%swap3A_196, %swap3A_197], %mul3A_195 {strides = array<i32>} : memref<80x128xf32, #tpu.memory_space<vmem>>, vector<16xf32>,
          %add3A_199 = arith.constant 1 : i32
          %add3A_200 = arith.addi %add3A_141, %add3A_199 : i32
          %broadcast_in_dim3A_201 = vector.broadcast %add3A_200 : i32 to vector<16xi32>
          %gather3A_202 = tpu.vector_load_idx %arg9[%broadcast_in_dim3A_101, %broadcast_in_dim3A_201] : memref<25x80xf32, #tpu.memory_space<vmem>>[vector<16xi32>, vector<16xi32>], vector<16xf32>,
          %get3A_203 = arith.index_cast %add3A_200 : i32 to index
          %get3A_204 = arith.constant 0 : index
          %get3A_205 = tpu.vector_load %arg10[%get3A_203, %get3A_204] {strides = array<i32>} : memref<80x128xf32, #tpu.memory_space<vmem>>, vector<16xf32>,
          %mul3A_206 = arith.mulf %get3A_205, %gather3A_202 : vector<16xf32>
          %swap3A_207 = arith.index_cast %add3A_200 : i32 to index
          %swap3A_208 = arith.constant 0 : index
          %swap3A_209 = tpu.vector_load %arg10[%swap3A_207, %swap3A_208] {strides = array<i32>} : memref<80x128xf32, #tpu.memory_space<vmem>>, vector<16xf32>,
          tpu.vector_store %arg10[%swap3A_207, %swap3A_208], %mul3A_206 {strides = array<i32>} : memref<80x128xf32, #tpu.memory_space<vmem>>, vector<16xf32>,
          %get3A_210 = arith.index_cast %add3A_200 : i32 to index
          %get3A_211 = arith.constant 16 : index
          %get3A_212 = tpu.vector_load %arg10[%get3A_210, %get3A_211] {strides = array<i32>} : memref<80x128xf32, #tpu.memory_space<vmem>>, vector<16xf32>,
          %mul3A_213 = arith.mulf %get3A_212, %gather3A_202 : vector<16xf32>
          %swap3A_214 = arith.index_cast %add3A_200 : i32 to index
          %swap3A_215 = arith.constant 16 : index
          %swap3A_216 = tpu.vector_load %arg10[%swap3A_214, %swap3A_215] {strides = array<i32>} : memref<80x128xf32, #tpu.memory_space<vmem>>, vector<16xf32>,
          tpu.vector_store %arg10[%swap3A_214, %swap3A_215], %mul3A_213 {strides = array<i32>} : memref<80x128xf32, #tpu.memory_space<vmem>>, vector<16xf32>,
          %get3A_217 = arith.index_cast %add3A_200 : i32 to index
          %get3A_218 = arith.constant 32 : index
          %get3A_219 = tpu.vector_load %arg10[%get3A_217, %get3A_218] {strides = array<i32>} : memref<80x128xf32, #tpu.memory_space<vmem>>, vector<16xf32>,
          %mul3A_220 = arith.mulf %get3A_219, %gather3A_202 : vector<16xf32>
          %swap3A_221 = arith.index_cast %add3A_200 : i32 to index
          %swap3A_222 = arith.constant 32 : index
          %swap3A_223 = tpu.vector_load %arg10[%swap3A_221, %swap3A_222] {strides = array<i32>} : memref<80x128xf32, #tpu.memory_space<vmem>>, vector<16xf32>,
          tpu.vector_store %arg10[%swap3A_221, %swap3A_222], %mul3A_220 {strides = array<i32>} : memref<80x128xf32, #tpu.memory_space<vmem>>, vector<16xf32>,
          %get3A_224 = arith.index_cast %add3A_200 : i32 to index
          %get3A_225 = arith.constant 48 : index
          %get3A_226 = tpu.vector_load %arg10[%get3A_224, %get3A_225] {strides = array<i32>} : memref<80x128xf32, #tpu.memory_space<vmem>>, vector<16xf32>,
          %mul3A_227 = arith.mulf %get3A_226, %gather3A_202 : vector<16xf32>
          %swap3A_228 = arith.index_cast %add3A_200 : i32 to index
          %swap3A_229 = arith.constant 48 : index
          %swap3A_230 = tpu.vector_load %arg10[%swap3A_228, %swap3A_229] {strides = array<i32>} : memref<80x128xf32, #tpu.memory_space<vmem>>, vector<16xf32>,
          tpu.vector_store %arg10[%swap3A_228, %swap3A_229], %mul3A_227 {strides = array<i32>} : memref<80x128xf32, #tpu.memory_space<vmem>>, vector<16xf32>,
          %get3A_231 = arith.index_cast %add3A_200 : i32 to index
          %get3A_232 = arith.constant 64 : index
          %get3A_233 = tpu.vector_load %arg10[%get3A_231, %get3A_232] {strides = array<i32>} : memref<80x128xf32, #tpu.memory_space<vmem>>, vector<16xf32>,
          %mul3A_234 = arith.mulf %get3A_233, %gather3A_202 : vector<16xf32>
          %swap3A_235 = arith.index_cast %add3A_200 : i32 to index
          %swap3A_236 = arith.constant 64 : index
          %swap3A_237 = tpu.vector_load %arg10[%swap3A_235, %swap3A_236] {strides = array<i32>} : memref<80x128xf32, #tpu.memory_space<vmem>>, vector<16xf32>,
          tpu.vector_store %arg10[%swap3A_235, %swap3A_236], %mul3A_234 {strides = array<i32>} : memref<80x128xf32, #tpu.memory_space<vmem>>, vector<16xf32>,
          %get3A_238 = arith.index_cast %add3A_200 : i32 to index
          %get3A_239 = arith.constant 80 : index
          %get3A_240 = tpu.vector_load %arg10[%get3A_238, %get3A_239] {strides = array<i32>} : memref<80x128xf32, #tpu.memory_space<vmem>>, vector<16xf32>,
          %mul3A_241 = arith.mulf %get3A_240, %gather3A_202 : vector<16xf32>
          %swap3A_242 = arith.index_cast %add3A_200 : i32 to index
          %swap3A_243 = arith.constant 80 : index
          %swap3A_244 = tpu.vector_load %arg10[%swap3A_242, %swap3A_243] {strides = array<i32>} : memref<80x128xf32, #tpu.memory_space<vmem>>, vector<16xf32>,
          tpu.vector_store %arg10[%swap3A_242, %swap3A_243], %mul3A_241 {strides = array<i32>} : memref<80x128xf32, #tpu.memory_space<vmem>>, vector<16xf32>,
          %get3A_245 = arith.index_cast %add3A_200 : i32 to index
          %get3A_246 = arith.constant 96 : index
          %get3A_247 = tpu.vector_load %arg10[%get3A_245, %get3A_246] {strides = array<i32>} : memref<80x128xf32, #tpu.memory_space<vmem>>, vector<16xf32>,
          %mul3A_248 = arith.mulf %get3A_247, %gather3A_202 : vector<16xf32>
          %swap3A_249 = arith.index_cast %add3A_200 : i32 to index
          %swap3A_250 = arith.constant 96 : index
          %swap3A_251 = tpu.vector_load %arg10[%swap3A_249, %swap3A_250] {strides = array<i32>} : memref<80x128xf32, #tpu.memory_space<vmem>>, vector<16xf32>,
          tpu.vector_store %arg10[%swap3A_249, %swap3A_250], %mul3A_248 {strides = array<i32>} : memref<80x128xf32, #tpu.memory_space<vmem>>, vector<16xf32>,
          %get3A_252 = arith.index_cast %add3A_200 : i32 to index
          %get3A_253 = arith.constant 112 : index
          %get3A_254 = tpu.vector_load %arg10[%get3A_252, %get3A_253] {strides = array<i32>} : memref<80x128xf32, #tpu.memory_space<vmem>>, vector<16xf32>,
          %mul3A_255 = arith.mulf %get3A_254, %gather3A_202 : vector<16xf32>
          %swap3A_256 = arith.index_cast %add3A_200 : i32 to index
          %swap3A_257 = arith.constant 112 : index
          %swap3A_258 = tpu.vector_load %arg10[%swap3A_256, %swap3A_257] {strides = array<i32>} : memref<80x128xf32, #tpu.memory_space<vmem>>, vector<16xf32>,
          tpu.vector_store %arg10[%swap3A_256, %swap3A_257], %mul3A_255 {strides = array<i32>} : memref<80x128xf32, #tpu.memory_space<vmem>>, vector<16xf32>,
        }
        %scan3A_106 = arith.constant 40 : i32
        "tpu.region"() ({
          %run_scoped3A_137 = tpu.sem_alloc : memref<!tpu.dma_semaphore, #tpu.memory_space<semaphore_mem>>
          %dma_start3A_138 = arith.constant 0 : i32
          %dma_start3A_139 = tpu.memref_slice %arg8[%add3A_94, %dma_start3A_138] : memref<25x80xi32, #tpu.memory_space<vmem>> -> memref<1x80xi32, #tpu.memory_space<vmem>>
          %dma_start3A_140 = tpu.memref_squeeze %dma_start3A_139 : memref<1x80xi32, #tpu.memory_space<vmem>> -> memref<80xi32, #tpu.memory_space<vmem>>
          %dma_start3A_141 = arith.constant 0 : i32
          %dma_start3A_142 = arith.constant 0 : i32
          %dma_start3A_143 = tpu.memref_slice %arg12[%dma_start3A_141, %dma_start3A_142] : memref<10240x128xf32, #tpu.memory_space<vmem_shared>> -> memref<10240x128xf32, #tpu.memory_space<vmem_shared>>
          tpu.enqueue_indirect_dma source(%arg10 : memref<80x128xf32, #tpu.memory_space<vmem>>) target(%dma_start3A_143 : memref<10240x128xf32, #tpu.memory_space<vmem_shared>>) offsets(%dma_start3A_140 : memref<80xi32, #tpu.memory_space<vmem>>) semaphore(%run_scoped3A_137 : memref<!tpu.dma_semaphore, #tpu.memory_space<semaphore_mem>>) {add = true}
          %dma_wait3A_144 = arith.constant 0 : i32
          %dma_wait3A_145 = tpu.memref_slice %arg8[%add3A_94, %dma_wait3A_144] : memref<25x80xi32, #tpu.memory_space<vmem>> -> memref<1x80xi32, #tpu.memory_space<vmem>>
          %dma_wait3A_146 = tpu.memref_squeeze %dma_wait3A_145 : memref<1x80xi32, #tpu.memory_space<vmem>> -> memref<80xi32, #tpu.memory_space<vmem>>
          %dma_wait3A_147 = arith.constant 0 : i32
          %dma_wait3A_148 = arith.constant 0 : i32
          %dma_wait3A_149 = tpu.memref_slice %arg12[%dma_wait3A_147, %dma_wait3A_148] : memref<10240x128xf32, #tpu.memory_space<vmem_shared>> -> memref<10240x128xf32, #tpu.memory_space<vmem_shared>>
          tpu.wait_indirect_dma semaphore(%run_scoped3A_137 : memref<!tpu.dma_semaphore, #tpu.memory_space<semaphore_mem>>) src(%arg10 : memref<80x128xf32, #tpu.memory_space<vmem>>) dst(%dma_wait3A_149 : memref<10240x128xf32, #tpu.memory_space<vmem_shared>>)
          tpu.yield
        }) : () -> ()
        %add3A_107 = arith.constant 2 : i32
        %add3A_108 = arith.addi %add3A_94, %add3A_107 : i32
        %dma_start3A_109 = arith.constant 0 : i32
        %dma_start3A_110 = tpu.memref_slice %arg7[%add3A_108, %dma_start3A_109] : memref<25x80xi32, #tpu.memory_space<vmem>> -> memref<1x80xi32, #tpu.memory_space<vmem>>
        %dma_start3A_111 = tpu.memref_squeeze %dma_start3A_110 : memref<1x80xi32, #tpu.memory_space<vmem>> -> memref<80xi32, #tpu.memory_space<vmem>>
        %dma_start3A_112 = arith.constant 0 : i32
        %dma_start3A_113 = arith.constant 0 : i32
        %dma_start3A_114 = tpu.memref_slice %arg2[%dma_start3A_112, %dma_start3A_113] : memref<10240x128xf32, #tpu.memory_space<hbm>> -> memref<10240x128xf32, #tpu.memory_space<hbm>>
        tpu.enqueue_indirect_dma source(%dma_start3A_114 : memref<10240x128xf32, #tpu.memory_space<hbm>>) target(%arg10 : memref<80x128xf32, #tpu.memory_space<vmem>>) offsets(%dma_start3A_111 : memref<80xi32, #tpu.memory_space<vmem>>) semaphore(%arg13 : memref<!tpu.dma_semaphore, #tpu.memory_space<semaphore_mem>>)
        %add3A_115 = arith.constant 1 : i32
        %add3A_116 = arith.addi %add3A_92, %add3A_115 : i32
        %dma_wait3A_117 = arith.constant 0 : i32
        %dma_wait3A_118 = tpu.memref_slice %arg7[%add3A_116, %dma_wait3A_117] : memref<25x80xi32, #tpu.memory_space<vmem>> -> memref<1x80xi32, #tpu.memory_space<vmem>>
        %dma_wait3A_119 = tpu.memref_squeeze %dma_wait3A_118 : memref<1x80xi32, #tpu.memory_space<vmem>> -> memref<80xi32, #tpu.memory_space<vmem>>
        %dma_wait3A_120 = arith.constant 0 : i32
        %dma_wait3A_121 = arith.constant 0 : i32
        %dma_wait3A_122 = tpu.memref_slice %arg2[%dma_wait3A_120, %dma_wait3A_121] : memref<10240x128xf32, #tpu.memory_space<hbm>> -> memref<10240x128xf32, #tpu.memory_space<hbm>>
        tpu.wait_indirect_dma semaphore(%arg14 : memref<!tpu.dma_semaphore, #tpu.memory_space<semaphore_mem>>) src(%dma_wait3A_122 : memref<10240x128xf32, #tpu.memory_space<hbm>>) dst(%arg11 : memref<80x128xf32, #tpu.memory_space<vmem>>)
        %broadcast_in_dim3A_123 = vector.broadcast %add3A_116 : i32 to vector<16xi32>
        %scan3A_124 = arith.constant 0 : i32
        %scan3A_125 = arith.constant 40 : i32
        %scan3A_126 = arith.addi %scan3A_124, %scan3A_125 : i32
        %scan3A_127 = arith.constant 1 : i32
        scf.for %scan3A_137 = %scan3A_124 to %scan3A_126 step %scan3A_127  : i32 {
          %mul3A_138 = arith.constant 2 : i32
          %mul3A_139 = arith.muli %scan3A_137, %mul3A_138 : i32
          %add3A_140 = arith.constant 0 : i32
          %add3A_141 = arith.addi %add3A_140, %mul3A_139 : i32
          %add3A_142 = arith.constant 0 : i32
          %add3A_143 = arith.addi %add3A_141, %add3A_142 : i32
          %broadcast_in_dim3A_144 = vector.broadcast %add3A_143 : i32 to vector<16xi32>
          %gather3A = tpu.vector_load_idx %arg9[%broadcast_in_dim3A_123, %broadcast_in_dim3A_144] : memref<25x80xf32, #tpu.memory_space<vmem>>[vector<16xi32>, vector<16xi32>], vector<16xf32>,
          %get3A = arith.index_cast %add3A_143 : i32 to index
          %get3A_145 = arith.constant 0 : index
          %get3A_146 = tpu.vector_load %arg11[%get3A, %get3A_145] {strides = array<i32>} : memref<80x128xf32, #tpu.memory_space<vmem>>, vector<16xf32>,
          %mul3A_147 = arith.mulf %get3A_146, %gather3A : vector<16xf32>
          %swap3A = arith.index_cast %add3A_143 : i32 to index
          %swap3A_148 = arith.constant 0 : index
          %swap3A_149 = tpu.vector_load %arg11[%swap3A, %swap3A_148] {strides = array<i32>} : memref<80x128xf32, #tpu.memory_space<vmem>>, vector<16xf32>,
          tpu.vector_store %arg11[%swap3A, %swap3A_148], %mul3A_147 {strides = array<i32>} : memref<80x128xf32, #tpu.memory_space<vmem>>, vector<16xf32>,
          %get3A_150 = arith.index_cast %add3A_143 : i32 to index
          %get3A_151 = arith.constant 16 : index
          %get3A_152 = tpu.vector_load %arg11[%get3A_150, %get3A_151] {strides = array<i32>} : memref<80x128xf32, #tpu.memory_space<vmem>>, vector<16xf32>,
          %mul3A_153 = arith.mulf %get3A_152, %gather3A : vector<16xf32>
          %swap3A_154 = arith.index_cast %add3A_143 : i32 to index
          %swap3A_155 = arith.constant 16 : index
          %swap3A_156 = tpu.vector_load %arg11[%swap3A_154, %swap3A_155] {strides = array<i32>} : memref<80x128xf32, #tpu.memory_space<vmem>>, vector<16xf32>,
          tpu.vector_store %arg11[%swap3A_154, %swap3A_155], %mul3A_153 {strides = array<i32>} : memref<80x128xf32, #tpu.memory_space<vmem>>, vector<16xf32>,
          %get3A_157 = arith.index_cast %add3A_143 : i32 to index
          %get3A_158 = arith.constant 32 : index
          %get3A_159 = tpu.vector_load %arg11[%get3A_157, %get3A_158] {strides = array<i32>} : memref<80x128xf32, #tpu.memory_space<vmem>>, vector<16xf32>,
          %mul3A_160 = arith.mulf %get3A_159, %gather3A : vector<16xf32>
          %swap3A_161 = arith.index_cast %add3A_143 : i32 to index
          %swap3A_162 = arith.constant 32 : index
          %swap3A_163 = tpu.vector_load %arg11[%swap3A_161, %swap3A_162] {strides = array<i32>} : memref<80x128xf32, #tpu.memory_space<vmem>>, vector<16xf32>,
          tpu.vector_store %arg11[%swap3A_161, %swap3A_162], %mul3A_160 {strides = array<i32>} : memref<80x128xf32, #tpu.memory_space<vmem>>, vector<16xf32>,
          %get3A_164 = arith.index_cast %add3A_143 : i32 to index
          %get3A_165 = arith.constant 48 : index
          %get3A_166 = tpu.vector_load %arg11[%get3A_164, %get3A_165] {strides = array<i32>} : memref<80x128xf32, #tpu.memory_space<vmem>>, vector<16xf32>,
          %mul3A_167 = arith.mulf %get3A_166, %gather3A : vector<16xf32>
          %swap3A_168 = arith.index_cast %add3A_143 : i32 to index
          %swap3A_169 = arith.constant 48 : index
          %swap3A_170 = tpu.vector_load %arg11[%swap3A_168, %swap3A_169] {strides = array<i32>} : memref<80x128xf32, #tpu.memory_space<vmem>>, vector<16xf32>,
          tpu.vector_store %arg11[%swap3A_168, %swap3A_169], %mul3A_167 {strides = array<i32>} : memref<80x128xf32, #tpu.memory_space<vmem>>, vector<16xf32>,
          %get3A_171 = arith.index_cast %add3A_143 : i32 to index
          %get3A_172 = arith.constant 64 : index
          %get3A_173 = tpu.vector_load %arg11[%get3A_171, %get3A_172] {strides = array<i32>} : memref<80x128xf32, #tpu.memory_space<vmem>>, vector<16xf32>,
          %mul3A_174 = arith.mulf %get3A_173, %gather3A : vector<16xf32>
          %swap3A_175 = arith.index_cast %add3A_143 : i32 to index
          %swap3A_176 = arith.constant 64 : index
          %swap3A_177 = tpu.vector_load %arg11[%swap3A_175, %swap3A_176] {strides = array<i32>} : memref<80x128xf32, #tpu.memory_space<vmem>>, vector<16xf32>,
          tpu.vector_store %arg11[%swap3A_175, %swap3A_176], %mul3A_174 {strides = array<i32>} : memref<80x128xf32, #tpu.memory_space<vmem>>, vector<16xf32>,
          %get3A_178 = arith.index_cast %add3A_143 : i32 to index
          %get3A_179 = arith.constant 80 : index
          %get3A_180 = tpu.vector_load %arg11[%get3A_178, %get3A_179] {strides = array<i32>} : memref<80x128xf32, #tpu.memory_space<vmem>>, vector<16xf32>,
          %mul3A_181 = arith.mulf %get3A_180, %gather3A : vector<16xf32>
          %swap3A_182 = arith.index_cast %add3A_143 : i32 to index
          %swap3A_183 = arith.constant 80 : index
          %swap3A_184 = tpu.vector_load %arg11[%swap3A_182, %swap3A_183] {strides = array<i32>} : memref<80x128xf32, #tpu.memory_space<vmem>>, vector<16xf32>,
          tpu.vector_store %arg11[%swap3A_182, %swap3A_183], %mul3A_181 {strides = array<i32>} : memref<80x128xf32, #tpu.memory_space<vmem>>, vector<16xf32>,
          %get3A_185 = arith.index_cast %add3A_143 : i32 to index
          %get3A_186 = arith.constant 96 : index
          %get3A_187 = tpu.vector_load %arg11[%get3A_185, %get3A_186] {strides = array<i32>} : memref<80x128xf32, #tpu.memory_space<vmem>>, vector<16xf32>,
          %mul3A_188 = arith.mulf %get3A_187, %gather3A : vector<16xf32>
          %swap3A_189 = arith.index_cast %add3A_143 : i32 to index
          %swap3A_190 = arith.constant 96 : index
          %swap3A_191 = tpu.vector_load %arg11[%swap3A_189, %swap3A_190] {strides = array<i32>} : memref<80x128xf32, #tpu.memory_space<vmem>>, vector<16xf32>,
          tpu.vector_store %arg11[%swap3A_189, %swap3A_190], %mul3A_188 {strides = array<i32>} : memref<80x128xf32, #tpu.memory_space<vmem>>, vector<16xf32>,
          %get3A_192 = arith.index_cast %add3A_143 : i32 to index
          %get3A_193 = arith.constant 112 : index
          %get3A_194 = tpu.vector_load %arg11[%get3A_192, %get3A_193] {strides = array<i32>} : memref<80x128xf32, #tpu.memory_space<vmem>>, vector<16xf32>,
          %mul3A_195 = arith.mulf %get3A_194, %gather3A : vector<16xf32>
          %swap3A_196 = arith.index_cast %add3A_143 : i32 to index
          %swap3A_197 = arith.constant 112 : index
          %swap3A_198 = tpu.vector_load %arg11[%swap3A_196, %swap3A_197] {strides = array<i32>} : memref<80x128xf32, #tpu.memory_space<vmem>>, vector<16xf32>,
          tpu.vector_store %arg11[%swap3A_196, %swap3A_197], %mul3A_195 {strides = array<i32>} : memref<80x128xf32, #tpu.memory_space<vmem>>, vector<16xf32>,
          %add3A_199 = arith.constant 1 : i32
          %add3A_200 = arith.addi %add3A_141, %add3A_199 : i32
          %broadcast_in_dim3A_201 = vector.broadcast %add3A_200 : i32 to vector<16xi32>
          %gather3A_202 = tpu.vector_load_idx %arg9[%broadcast_in_dim3A_123, %broadcast_in_dim3A_201] : memref<25x80xf32, #tpu.memory_space<vmem>>[vector<16xi32>, vector<16xi32>], vector<16xf32>,
          %get3A_203 = arith.index_cast %add3A_200 : i32 to index
          %get3A_204 = arith.constant 0 : index
          %get3A_205 = tpu.vector_load %arg11[%get3A_203, %get3A_204] {strides = array<i32>} : memref<80x128xf32, #tpu.memory_space<vmem>>, vector<16xf32>,
          %mul3A_206 = arith.mulf %get3A_205, %gather3A_202 : vector<16xf32>
          %swap3A_207 = arith.index_cast %add3A_200 : i32 to index
          %swap3A_208 = arith.constant 0 : index
          %swap3A_209 = tpu.vector_load %arg11[%swap3A_207, %swap3A_208] {strides = array<i32>} : memref<80x128xf32, #tpu.memory_space<vmem>>, vector<16xf32>,
          tpu.vector_store %arg11[%swap3A_207, %swap3A_208], %mul3A_206 {strides = array<i32>} : memref<80x128xf32, #tpu.memory_space<vmem>>, vector<16xf32>,
          %get3A_210 = arith.index_cast %add3A_200 : i32 to index
          %get3A_211 = arith.constant 16 : index
          %get3A_212 = tpu.vector_load %arg11[%get3A_210, %get3A_211] {strides = array<i32>} : memref<80x128xf32, #tpu.memory_space<vmem>>, vector<16xf32>,
          %mul3A_213 = arith.mulf %get3A_212, %gather3A_202 : vector<16xf32>
          %swap3A_214 = arith.index_cast %add3A_200 : i32 to index
          %swap3A_215 = arith.constant 16 : index
          %swap3A_216 = tpu.vector_load %arg11[%swap3A_214, %swap3A_215] {strides = array<i32>} : memref<80x128xf32, #tpu.memory_space<vmem>>, vector<16xf32>,
          tpu.vector_store %arg11[%swap3A_214, %swap3A_215], %mul3A_213 {strides = array<i32>} : memref<80x128xf32, #tpu.memory_space<vmem>>, vector<16xf32>,
          %get3A_217 = arith.index_cast %add3A_200 : i32 to index
          %get3A_218 = arith.constant 32 : index
          %get3A_219 = tpu.vector_load %arg11[%get3A_217, %get3A_218] {strides = array<i32>} : memref<80x128xf32, #tpu.memory_space<vmem>>, vector<16xf32>,
          %mul3A_220 = arith.mulf %get3A_219, %gather3A_202 : vector<16xf32>
          %swap3A_221 = arith.index_cast %add3A_200 : i32 to index
          %swap3A_222 = arith.constant 32 : index
          %swap3A_223 = tpu.vector_load %arg11[%swap3A_221, %swap3A_222] {strides = array<i32>} : memref<80x128xf32, #tpu.memory_space<vmem>>, vector<16xf32>,
          tpu.vector_store %arg11[%swap3A_221, %swap3A_222], %mul3A_220 {strides = array<i32>} : memref<80x128xf32, #tpu.memory_space<vmem>>, vector<16xf32>,
          %get3A_224 = arith.index_cast %add3A_200 : i32 to index
          %get3A_225 = arith.constant 48 : index
          %get3A_226 = tpu.vector_load %arg11[%get3A_224, %get3A_225] {strides = array<i32>} : memref<80x128xf32, #tpu.memory_space<vmem>>, vector<16xf32>,
          %mul3A_227 = arith.mulf %get3A_226, %gather3A_202 : vector<16xf32>
          %swap3A_228 = arith.index_cast %add3A_200 : i32 to index
          %swap3A_229 = arith.constant 48 : index
          %swap3A_230 = tpu.vector_load %arg11[%swap3A_228, %swap3A_229] {strides = array<i32>} : memref<80x128xf32, #tpu.memory_space<vmem>>, vector<16xf32>,
          tpu.vector_store %arg11[%swap3A_228, %swap3A_229], %mul3A_227 {strides = array<i32>} : memref<80x128xf32, #tpu.memory_space<vmem>>, vector<16xf32>,
          %get3A_231 = arith.index_cast %add3A_200 : i32 to index
          %get3A_232 = arith.constant 64 : index
          %get3A_233 = tpu.vector_load %arg11[%get3A_231, %get3A_232] {strides = array<i32>} : memref<80x128xf32, #tpu.memory_space<vmem>>, vector<16xf32>,
          %mul3A_234 = arith.mulf %get3A_233, %gather3A_202 : vector<16xf32>
          %swap3A_235 = arith.index_cast %add3A_200 : i32 to index
          %swap3A_236 = arith.constant 64 : index
          %swap3A_237 = tpu.vector_load %arg11[%swap3A_235, %swap3A_236] {strides = array<i32>} : memref<80x128xf32, #tpu.memory_space<vmem>>, vector<16xf32>,
          tpu.vector_store %arg11[%swap3A_235, %swap3A_236], %mul3A_234 {strides = array<i32>} : memref<80x128xf32, #tpu.memory_space<vmem>>, vector<16xf32>,
          %get3A_238 = arith.index_cast %add3A_200 : i32 to index
          %get3A_239 = arith.constant 80 : index
          %get3A_240 = tpu.vector_load %arg11[%get3A_238, %get3A_239] {strides = array<i32>} : memref<80x128xf32, #tpu.memory_space<vmem>>, vector<16xf32>,
          %mul3A_241 = arith.mulf %get3A_240, %gather3A_202 : vector<16xf32>
          %swap3A_242 = arith.index_cast %add3A_200 : i32 to index
          %swap3A_243 = arith.constant 80 : index
          %swap3A_244 = tpu.vector_load %arg11[%swap3A_242, %swap3A_243] {strides = array<i32>} : memref<80x128xf32, #tpu.memory_space<vmem>>, vector<16xf32>,
          tpu.vector_store %arg11[%swap3A_242, %swap3A_243], %mul3A_241 {strides = array<i32>} : memref<80x128xf32, #tpu.memory_space<vmem>>, vector<16xf32>,
          %get3A_245 = arith.index_cast %add3A_200 : i32 to index
          %get3A_246 = arith.constant 96 : index
          %get3A_247 = tpu.vector_load %arg11[%get3A_245, %get3A_246] {strides = array<i32>} : memref<80x128xf32, #tpu.memory_space<vmem>>, vector<16xf32>,
          %mul3A_248 = arith.mulf %get3A_247, %gather3A_202 : vector<16xf32>
          %swap3A_249 = arith.index_cast %add3A_200 : i32 to index
          %swap3A_250 = arith.constant 96 : index
          %swap3A_251 = tpu.vector_load %arg11[%swap3A_249, %swap3A_250] {strides = array<i32>} : memref<80x128xf32, #tpu.memory_space<vmem>>, vector<16xf32>,
          tpu.vector_store %arg11[%swap3A_249, %swap3A_250], %mul3A_248 {strides = array<i32>} : memref<80x128xf32, #tpu.memory_space<vmem>>, vector<16xf32>,
          %get3A_252 = arith.index_cast %add3A_200 : i32 to index
          %get3A_253 = arith.constant 112 : index
          %get3A_254 = tpu.vector_load %arg11[%get3A_252, %get3A_253] {strides = array<i32>} : memref<80x128xf32, #tpu.memory_space<vmem>>, vector<16xf32>,
          %mul3A_255 = arith.mulf %get3A_254, %gather3A_202 : vector<16xf32>
          %swap3A_256 = arith.index_cast %add3A_200 : i32 to index
          %swap3A_257 = arith.constant 112 : index
          %swap3A_258 = tpu.vector_load %arg11[%swap3A_256, %swap3A_257] {strides = array<i32>} : memref<80x128xf32, #tpu.memory_space<vmem>>, vector<16xf32>,
          tpu.vector_store %arg11[%swap3A_256, %swap3A_257], %mul3A_255 {strides = array<i32>} : memref<80x128xf32, #tpu.memory_space<vmem>>, vector<16xf32>,
        }
        %scan3A_128 = arith.constant 40 : i32
        "tpu.region"() ({
          %run_scoped3A_137 = tpu.sem_alloc : memref<!tpu.dma_semaphore, #tpu.memory_space<semaphore_mem>>
          %dma_start3A_138 = arith.constant 0 : i32
          %dma_start3A_139 = tpu.memref_slice %arg8[%add3A_116, %dma_start3A_138] : memref<25x80xi32, #tpu.memory_space<vmem>> -> memref<1x80xi32, #tpu.memory_space<vmem>>
          %dma_start3A_140 = tpu.memref_squeeze %dma_start3A_139 : memref<1x80xi32, #tpu.memory_space<vmem>> -> memref<80xi32, #tpu.memory_space<vmem>>
          %dma_start3A_141 = arith.constant 0 : i32
          %dma_start3A_142 = arith.constant 0 : i32
          %dma_start3A_143 = tpu.memref_slice %arg12[%dma_start3A_141, %dma_start3A_142] : memref<10240x128xf32, #tpu.memory_space<vmem_shared>> -> memref<10240x128xf32, #tpu.memory_space<vmem_shared>>
          tpu.enqueue_indirect_dma source(%arg11 : memref<80x128xf32, #tpu.memory_space<vmem>>) target(%dma_start3A_143 : memref<10240x128xf32, #tpu.memory_space<vmem_shared>>) offsets(%dma_start3A_140 : memref<80xi32, #tpu.memory_space<vmem>>) semaphore(%run_scoped3A_137 : memref<!tpu.dma_semaphore, #tpu.memory_space<semaphore_mem>>) {add = true}
          %dma_wait3A_144 = arith.constant 0 : i32
          %dma_wait3A_145 = tpu.memref_slice %arg8[%add3A_116, %dma_wait3A_144] : memref<25x80xi32, #tpu.memory_space<vmem>> -> memref<1x80xi32, #tpu.memory_space<vmem>>
          %dma_wait3A_146 = tpu.memref_squeeze %dma_wait3A_145 : memref<1x80xi32, #tpu.memory_space<vmem>> -> memref<80xi32, #tpu.memory_space<vmem>>
          %dma_wait3A_147 = arith.constant 0 : i32
          %dma_wait3A_148 = arith.constant 0 : i32
          %dma_wait3A_149 = tpu.memref_slice %arg12[%dma_wait3A_147, %dma_wait3A_148] : memref<10240x128xf32, #tpu.memory_space<vmem_shared>> -> memref<10240x128xf32, #tpu.memory_space<vmem_shared>>
          tpu.wait_indirect_dma semaphore(%run_scoped3A_137 : memref<!tpu.dma_semaphore, #tpu.memory_space<semaphore_mem>>) src(%arg11 : memref<80x128xf32, #tpu.memory_space<vmem>>) dst(%dma_wait3A_149 : memref<10240x128xf32, #tpu.memory_space<vmem_shared>>)
          tpu.yield
        }) : () -> ()
        %add3A_129 = arith.constant 2 : i32
        %add3A_130 = arith.addi %add3A_116, %add3A_129 : i32
        %dma_start3A_131 = arith.constant 0 : i32
        %dma_start3A_132 = tpu.memref_slice %arg7[%add3A_130, %dma_start3A_131] : memref<25x80xi32, #tpu.memory_space<vmem>> -> memref<1x80xi32, #tpu.memory_space<vmem>>
        %dma_start3A_133 = tpu.memref_squeeze %dma_start3A_132 : memref<1x80xi32, #tpu.memory_space<vmem>> -> memref<80xi32, #tpu.memory_space<vmem>>
        %dma_start3A_134 = arith.constant 0 : i32
        %dma_start3A_135 = arith.constant 0 : i32
        %dma_start3A_136 = tpu.memref_slice %arg2[%dma_start3A_134, %dma_start3A_135] : memref<10240x128xf32, #tpu.memory_space<hbm>> -> memref<10240x128xf32, #tpu.memory_space<hbm>>
        tpu.enqueue_indirect_dma source(%dma_start3A_136 : memref<10240x128xf32, #tpu.memory_space<hbm>>) target(%arg11 : memref<80x128xf32, #tpu.memory_space<vmem>>) offsets(%dma_start3A_133 : memref<80xi32, #tpu.memory_space<vmem>>) semaphore(%arg14 : memref<!tpu.dma_semaphore, #tpu.memory_space<semaphore_mem>>)
      }
      %scan3A_38 = arith.constant 11 : i32
      %dma_wait3A = arith.constant 22 : i32
      %dma_wait3A_39 = arith.constant 0 : i32
      %dma_wait3A_40 = tpu.memref_slice %arg7[%dma_wait3A, %dma_wait3A_39] : memref<25x80xi32, #tpu.memory_space<vmem>> -> memref<1x80xi32, #tpu.memory_space<vmem>>
      %dma_wait3A_41 = tpu.memref_squeeze %dma_wait3A_40 : memref<1x80xi32, #tpu.memory_space<vmem>> -> memref<80xi32, #tpu.memory_space<vmem>>
      %dma_wait3A_42 = arith.constant 0 : i32
      %dma_wait3A_43 = arith.constant 0 : i32
      %dma_wait3A_44 = tpu.memref_slice %arg2[%dma_wait3A_42, %dma_wait3A_43] : memref<10240x128xf32, #tpu.memory_space<hbm>> -> memref<10240x128xf32, #tpu.memory_space<hbm>>
      tpu.wait_indirect_dma semaphore(%arg13 : memref<!tpu.dma_semaphore, #tpu.memory_space<semaphore_mem>>) src(%dma_wait3A_44 : memref<10240x128xf32, #tpu.memory_space<hbm>>) dst(%arg10 : memref<80x128xf32, #tpu.memory_space<vmem>>)
      %broadcast_in_dim3A = arith.constant 22 : i32
      %broadcast_in_dim3A_45 = vector.broadcast %broadcast_in_dim3A : i32 to vector<16xi32>
      %scan3A_46 = arith.constant 0 : i32
      %scan3A_47 = arith.constant 40 : i32
      %scan3A_48 = arith.addi %scan3A_46, %scan3A_47 : i32
      %scan3A_49 = arith.constant 1 : i32
      scf.for %scan3A_88 = %scan3A_46 to %scan3A_48 step %scan3A_49  : i32 {
        %mul3A_89 = arith.constant 2 : i32
        %mul3A_90 = arith.muli %scan3A_88, %mul3A_89 : i32
        %add3A_91 = arith.constant 0 : i32
        %add3A_92 = arith.addi %add3A_91, %mul3A_90 : i32
        %add3A_93 = arith.constant 0 : i32
        %add3A_94 = arith.addi %add3A_92, %add3A_93 : i32
        %broadcast_in_dim3A_95 = vector.broadcast %add3A_94 : i32 to vector<16xi32>
        %gather3A = tpu.vector_load_idx %arg9[%broadcast_in_dim3A_45, %broadcast_in_dim3A_95] : memref<25x80xf32, #tpu.memory_space<vmem>>[vector<16xi32>, vector<16xi32>], vector<16xf32>,
        %get3A = arith.index_cast %add3A_94 : i32 to index
        %get3A_96 = arith.constant 0 : index
        %get3A_97 = tpu.vector_load %arg10[%get3A, %get3A_96] {strides = array<i32>} : memref<80x128xf32, #tpu.memory_space<vmem>>, vector<16xf32>,
        %mul3A_98 = arith.mulf %get3A_97, %gather3A : vector<16xf32>
        %swap3A = arith.index_cast %add3A_94 : i32 to index
        %swap3A_99 = arith.constant 0 : index
        %swap3A_100 = tpu.vector_load %arg10[%swap3A, %swap3A_99] {strides = array<i32>} : memref<80x128xf32, #tpu.memory_space<vmem>>, vector<16xf32>,
        tpu.vector_store %arg10[%swap3A, %swap3A_99], %mul3A_98 {strides = array<i32>} : memref<80x128xf32, #tpu.memory_space<vmem>>, vector<16xf32>,
        %get3A_101 = arith.index_cast %add3A_94 : i32 to index
        %get3A_102 = arith.constant 16 : index
        %get3A_103 = tpu.vector_load %arg10[%get3A_101, %get3A_102] {strides = array<i32>} : memref<80x128xf32, #tpu.memory_space<vmem>>, vector<16xf32>,
        %mul3A_104 = arith.mulf %get3A_103, %gather3A : vector<16xf32>
        %swap3A_105 = arith.index_cast %add3A_94 : i32 to index
        %swap3A_106 = arith.constant 16 : index
        %swap3A_107 = tpu.vector_load %arg10[%swap3A_105, %swap3A_106] {strides = array<i32>} : memref<80x128xf32, #tpu.memory_space<vmem>>, vector<16xf32>,
        tpu.vector_store %arg10[%swap3A_105, %swap3A_106], %mul3A_104 {strides = array<i32>} : memref<80x128xf32, #tpu.memory_space<vmem>>, vector<16xf32>,
        %get3A_108 = arith.index_cast %add3A_94 : i32 to index
        %get3A_109 = arith.constant 32 : index
        %get3A_110 = tpu.vector_load %arg10[%get3A_108, %get3A_109] {strides = array<i32>} : memref<80x128xf32, #tpu.memory_space<vmem>>, vector<16xf32>,
        %mul3A_111 = arith.mulf %get3A_110, %gather3A : vector<16xf32>
        %swap3A_112 = arith.index_cast %add3A_94 : i32 to index
        %swap3A_113 = arith.constant 32 : index
        %swap3A_114 = tpu.vector_load %arg10[%swap3A_112, %swap3A_113] {strides = array<i32>} : memref<80x128xf32, #tpu.memory_space<vmem>>, vector<16xf32>,
        tpu.vector_store %arg10[%swap3A_112, %swap3A_113], %mul3A_111 {strides = array<i32>} : memref<80x128xf32, #tpu.memory_space<vmem>>, vector<16xf32>,
        %get3A_115 = arith.index_cast %add3A_94 : i32 to index
        %get3A_116 = arith.constant 48 : index
        %get3A_117 = tpu.vector_load %arg10[%get3A_115, %get3A_116] {strides = array<i32>} : memref<80x128xf32, #tpu.memory_space<vmem>>, vector<16xf32>,
        %mul3A_118 = arith.mulf %get3A_117, %gather3A : vector<16xf32>
        %swap3A_119 = arith.index_cast %add3A_94 : i32 to index
        %swap3A_120 = arith.constant 48 : index
        %swap3A_121 = tpu.vector_load %arg10[%swap3A_119, %swap3A_120] {strides = array<i32>} : memref<80x128xf32, #tpu.memory_space<vmem>>, vector<16xf32>,
        tpu.vector_store %arg10[%swap3A_119, %swap3A_120], %mul3A_118 {strides = array<i32>} : memref<80x128xf32, #tpu.memory_space<vmem>>, vector<16xf32>,
        %get3A_122 = arith.index_cast %add3A_94 : i32 to index
        %get3A_123 = arith.constant 64 : index
        %get3A_124 = tpu.vector_load %arg10[%get3A_122, %get3A_123] {strides = array<i32>} : memref<80x128xf32, #tpu.memory_space<vmem>>, vector<16xf32>,
        %mul3A_125 = arith.mulf %get3A_124, %gather3A : vector<16xf32>
        %swap3A_126 = arith.index_cast %add3A_94 : i32 to index
        %swap3A_127 = arith.constant 64 : index
        %swap3A_128 = tpu.vector_load %arg10[%swap3A_126, %swap3A_127] {strides = array<i32>} : memref<80x128xf32, #tpu.memory_space<vmem>>, vector<16xf32>,
        tpu.vector_store %arg10[%swap3A_126, %swap3A_127], %mul3A_125 {strides = array<i32>} : memref<80x128xf32, #tpu.memory_space<vmem>>, vector<16xf32>,
        %get3A_129 = arith.index_cast %add3A_94 : i32 to index
        %get3A_130 = arith.constant 80 : index
        %get3A_131 = tpu.vector_load %arg10[%get3A_129, %get3A_130] {strides = array<i32>} : memref<80x128xf32, #tpu.memory_space<vmem>>, vector<16xf32>,
        %mul3A_132 = arith.mulf %get3A_131, %gather3A : vector<16xf32>
        %swap3A_133 = arith.index_cast %add3A_94 : i32 to index
        %swap3A_134 = arith.constant 80 : index
        %swap3A_135 = tpu.vector_load %arg10[%swap3A_133, %swap3A_134] {strides = array<i32>} : memref<80x128xf32, #tpu.memory_space<vmem>>, vector<16xf32>,
        tpu.vector_store %arg10[%swap3A_133, %swap3A_134], %mul3A_132 {strides = array<i32>} : memref<80x128xf32, #tpu.memory_space<vmem>>, vector<16xf32>,
        %get3A_136 = arith.index_cast %add3A_94 : i32 to index
        %get3A_137 = arith.constant 96 : index
        %get3A_138 = tpu.vector_load %arg10[%get3A_136, %get3A_137] {strides = array<i32>} : memref<80x128xf32, #tpu.memory_space<vmem>>, vector<16xf32>,
        %mul3A_139 = arith.mulf %get3A_138, %gather3A : vector<16xf32>
        %swap3A_140 = arith.index_cast %add3A_94 : i32 to index
        %swap3A_141 = arith.constant 96 : index
        %swap3A_142 = tpu.vector_load %arg10[%swap3A_140, %swap3A_141] {strides = array<i32>} : memref<80x128xf32, #tpu.memory_space<vmem>>, vector<16xf32>,
        tpu.vector_store %arg10[%swap3A_140, %swap3A_141], %mul3A_139 {strides = array<i32>} : memref<80x128xf32, #tpu.memory_space<vmem>>, vector<16xf32>,
        %get3A_143 = arith.index_cast %add3A_94 : i32 to index
        %get3A_144 = arith.constant 112 : index
        %get3A_145 = tpu.vector_load %arg10[%get3A_143, %get3A_144] {strides = array<i32>} : memref<80x128xf32, #tpu.memory_space<vmem>>, vector<16xf32>,
        %mul3A_146 = arith.mulf %get3A_145, %gather3A : vector<16xf32>
        %swap3A_147 = arith.index_cast %add3A_94 : i32 to index
        %swap3A_148 = arith.constant 112 : index
        %swap3A_149 = tpu.vector_load %arg10[%swap3A_147, %swap3A_148] {strides = array<i32>} : memref<80x128xf32, #tpu.memory_space<vmem>>, vector<16xf32>,
        tpu.vector_store %arg10[%swap3A_147, %swap3A_148], %mul3A_146 {strides = array<i32>} : memref<80x128xf32, #tpu.memory_space<vmem>>, vector<16xf32>,
        %add3A_150 = arith.constant 1 : i32
        %add3A_151 = arith.addi %add3A_92, %add3A_150 : i32
        %broadcast_in_dim3A_152 = vector.broadcast %add3A_151 : i32 to vector<16xi32>
        %gather3A_153 = tpu.vector_load_idx %arg9[%broadcast_in_dim3A_45, %broadcast_in_dim3A_152] : memref<25x80xf32, #tpu.memory_space<vmem>>[vector<16xi32>, vector<16xi32>], vector<16xf32>,
        %get3A_154 = arith.index_cast %add3A_151 : i32 to index
        %get3A_155 = arith.constant 0 : index
        %get3A_156 = tpu.vector_load %arg10[%get3A_154, %get3A_155] {strides = array<i32>} : memref<80x128xf32, #tpu.memory_space<vmem>>, vector<16xf32>,
        %mul3A_157 = arith.mulf %get3A_156, %gather3A_153 : vector<16xf32>
        %swap3A_158 = arith.index_cast %add3A_151 : i32 to index
        %swap3A_159 = arith.constant 0 : index
        %swap3A_160 = tpu.vector_load %arg10[%swap3A_158, %swap3A_159] {strides = array<i32>} : memref<80x128xf32, #tpu.memory_space<vmem>>, vector<16xf32>,
        tpu.vector_store %arg10[%swap3A_158, %swap3A_159], %mul3A_157 {strides = array<i32>} : memref<80x128xf32, #tpu.memory_space<vmem>>, vector<16xf32>,
        %get3A_161 = arith.index_cast %add3A_151 : i32 to index
        %get3A_162 = arith.constant 16 : index
        %get3A_163 = tpu.vector_load %arg10[%get3A_161, %get3A_162] {strides = array<i32>} : memref<80x128xf32, #tpu.memory_space<vmem>>, vector<16xf32>,
        %mul3A_164 = arith.mulf %get3A_163, %gather3A_153 : vector<16xf32>
        %swap3A_165 = arith.index_cast %add3A_151 : i32 to index
        %swap3A_166 = arith.constant 16 : index
        %swap3A_167 = tpu.vector_load %arg10[%swap3A_165, %swap3A_166] {strides = array<i32>} : memref<80x128xf32, #tpu.memory_space<vmem>>, vector<16xf32>,
        tpu.vector_store %arg10[%swap3A_165, %swap3A_166], %mul3A_164 {strides = array<i32>} : memref<80x128xf32, #tpu.memory_space<vmem>>, vector<16xf32>,
        %get3A_168 = arith.index_cast %add3A_151 : i32 to index
        %get3A_169 = arith.constant 32 : index
        %get3A_170 = tpu.vector_load %arg10[%get3A_168, %get3A_169] {strides = array<i32>} : memref<80x128xf32, #tpu.memory_space<vmem>>, vector<16xf32>,
        %mul3A_171 = arith.mulf %get3A_170, %gather3A_153 : vector<16xf32>
        %swap3A_172 = arith.index_cast %add3A_151 : i32 to index
        %swap3A_173 = arith.constant 32 : index
        %swap3A_174 = tpu.vector_load %arg10[%swap3A_172, %swap3A_173] {strides = array<i32>} : memref<80x128xf32, #tpu.memory_space<vmem>>, vector<16xf32>,
        tpu.vector_store %arg10[%swap3A_172, %swap3A_173], %mul3A_171 {strides = array<i32>} : memref<80x128xf32, #tpu.memory_space<vmem>>, vector<16xf32>,
        %get3A_175 = arith.index_cast %add3A_151 : i32 to index
        %get3A_176 = arith.constant 48 : index
        %get3A_177 = tpu.vector_load %arg10[%get3A_175, %get3A_176] {strides = array<i32>} : memref<80x128xf32, #tpu.memory_space<vmem>>, vector<16xf32>,
        %mul3A_178 = arith.mulf %get3A_177, %gather3A_153 : vector<16xf32>
        %swap3A_179 = arith.index_cast %add3A_151 : i32 to index
        %swap3A_180 = arith.constant 48 : index
        %swap3A_181 = tpu.vector_load %arg10[%swap3A_179, %swap3A_180] {strides = array<i32>} : memref<80x128xf32, #tpu.memory_space<vmem>>, vector<16xf32>,
        tpu.vector_store %arg10[%swap3A_179, %swap3A_180], %mul3A_178 {strides = array<i32>} : memref<80x128xf32, #tpu.memory_space<vmem>>, vector<16xf32>,
        %get3A_182 = arith.index_cast %add3A_151 : i32 to index
        %get3A_183 = arith.constant 64 : index
        %get3A_184 = tpu.vector_load %arg10[%get3A_182, %get3A_183] {strides = array<i32>} : memref<80x128xf32, #tpu.memory_space<vmem>>, vector<16xf32>,
        %mul3A_185 = arith.mulf %get3A_184, %gather3A_153 : vector<16xf32>
        %swap3A_186 = arith.index_cast %add3A_151 : i32 to index
        %swap3A_187 = arith.constant 64 : index
        %swap3A_188 = tpu.vector_load %arg10[%swap3A_186, %swap3A_187] {strides = array<i32>} : memref<80x128xf32, #tpu.memory_space<vmem>>, vector<16xf32>,
        tpu.vector_store %arg10[%swap3A_186, %swap3A_187], %mul3A_185 {strides = array<i32>} : memref<80x128xf32, #tpu.memory_space<vmem>>, vector<16xf32>,
        %get3A_189 = arith.index_cast %add3A_151 : i32 to index
        %get3A_190 = arith.constant 80 : index
        %get3A_191 = tpu.vector_load %arg10[%get3A_189, %get3A_190] {strides = array<i32>} : memref<80x128xf32, #tpu.memory_space<vmem>>, vector<16xf32>,
        %mul3A_192 = arith.mulf %get3A_191, %gather3A_153 : vector<16xf32>
        %swap3A_193 = arith.index_cast %add3A_151 : i32 to index
        %swap3A_194 = arith.constant 80 : index
        %swap3A_195 = tpu.vector_load %arg10[%swap3A_193, %swap3A_194] {strides = array<i32>} : memref<80x128xf32, #tpu.memory_space<vmem>>, vector<16xf32>,
        tpu.vector_store %arg10[%swap3A_193, %swap3A_194], %mul3A_192 {strides = array<i32>} : memref<80x128xf32, #tpu.memory_space<vmem>>, vector<16xf32>,
        %get3A_196 = arith.index_cast %add3A_151 : i32 to index
        %get3A_197 = arith.constant 96 : index
        %get3A_198 = tpu.vector_load %arg10[%get3A_196, %get3A_197] {strides = array<i32>} : memref<80x128xf32, #tpu.memory_space<vmem>>, vector<16xf32>,
        %mul3A_199 = arith.mulf %get3A_198, %gather3A_153 : vector<16xf32>
        %swap3A_200 = arith.index_cast %add3A_151 : i32 to index
        %swap3A_201 = arith.constant 96 : index
        %swap3A_202 = tpu.vector_load %arg10[%swap3A_200, %swap3A_201] {strides = array<i32>} : memref<80x128xf32, #tpu.memory_space<vmem>>, vector<16xf32>,
        tpu.vector_store %arg10[%swap3A_200, %swap3A_201], %mul3A_199 {strides = array<i32>} : memref<80x128xf32, #tpu.memory_space<vmem>>, vector<16xf32>,
        %get3A_203 = arith.index_cast %add3A_151 : i32 to index
        %get3A_204 = arith.constant 112 : index
        %get3A_205 = tpu.vector_load %arg10[%get3A_203, %get3A_204] {strides = array<i32>} : memref<80x128xf32, #tpu.memory_space<vmem>>, vector<16xf32>,
        %mul3A_206 = arith.mulf %get3A_205, %gather3A_153 : vector<16xf32>
        %swap3A_207 = arith.index_cast %add3A_151 : i32 to index
        %swap3A_208 = arith.constant 112 : index
        %swap3A_209 = tpu.vector_load %arg10[%swap3A_207, %swap3A_208] {strides = array<i32>} : memref<80x128xf32, #tpu.memory_space<vmem>>, vector<16xf32>,
        tpu.vector_store %arg10[%swap3A_207, %swap3A_208], %mul3A_206 {strides = array<i32>} : memref<80x128xf32, #tpu.memory_space<vmem>>, vector<16xf32>,
      }
      %scan3A_50 = arith.constant 40 : i32
      %run_scoped3A = arith.constant 22 : i32
      "tpu.region"() ({
        %run_scoped3A_88 = tpu.sem_alloc : memref<!tpu.dma_semaphore, #tpu.memory_space<semaphore_mem>>
        %dma_start3A_89 = arith.constant 0 : i32
        %dma_start3A_90 = tpu.memref_slice %arg8[%run_scoped3A, %dma_start3A_89] : memref<25x80xi32, #tpu.memory_space<vmem>> -> memref<1x80xi32, #tpu.memory_space<vmem>>
        %dma_start3A_91 = tpu.memref_squeeze %dma_start3A_90 : memref<1x80xi32, #tpu.memory_space<vmem>> -> memref<80xi32, #tpu.memory_space<vmem>>
        %dma_start3A_92 = arith.constant 0 : i32
        %dma_start3A_93 = arith.constant 0 : i32
        %dma_start3A_94 = tpu.memref_slice %arg12[%dma_start3A_92, %dma_start3A_93] : memref<10240x128xf32, #tpu.memory_space<vmem_shared>> -> memref<10240x128xf32, #tpu.memory_space<vmem_shared>>
        tpu.enqueue_indirect_dma source(%arg10 : memref<80x128xf32, #tpu.memory_space<vmem>>) target(%dma_start3A_94 : memref<10240x128xf32, #tpu.memory_space<vmem_shared>>) offsets(%dma_start3A_91 : memref<80xi32, #tpu.memory_space<vmem>>) semaphore(%run_scoped3A_88 : memref<!tpu.dma_semaphore, #tpu.memory_space<semaphore_mem>>) {add = true}
        %dma_wait3A_95 = arith.constant 0 : i32
        %dma_wait3A_96 = tpu.memref_slice %arg8[%run_scoped3A, %dma_wait3A_95] : memref<25x80xi32, #tpu.memory_space<vmem>> -> memref<1x80xi32, #tpu.memory_space<vmem>>
        %dma_wait3A_97 = tpu.memref_squeeze %dma_wait3A_96 : memref<1x80xi32, #tpu.memory_space<vmem>> -> memref<80xi32, #tpu.memory_space<vmem>>
        %dma_wait3A_98 = arith.constant 0 : i32
        %dma_wait3A_99 = arith.constant 0 : i32
        %dma_wait3A_100 = tpu.memref_slice %arg12[%dma_wait3A_98, %dma_wait3A_99] : memref<10240x128xf32, #tpu.memory_space<vmem_shared>> -> memref<10240x128xf32, #tpu.memory_space<vmem_shared>>
        tpu.wait_indirect_dma semaphore(%run_scoped3A_88 : memref<!tpu.dma_semaphore, #tpu.memory_space<semaphore_mem>>) src(%arg10 : memref<80x128xf32, #tpu.memory_space<vmem>>) dst(%dma_wait3A_100 : memref<10240x128xf32, #tpu.memory_space<vmem_shared>>)
        tpu.yield
      }) : () -> ()
      %dma_start3A_51 = arith.constant 24 : i32
      %dma_start3A_52 = arith.constant 0 : i32
      %dma_start3A_53 = tpu.memref_slice %arg7[%dma_start3A_51, %dma_start3A_52] : memref<25x80xi32, #tpu.memory_space<vmem>> -> memref<1x80xi32, #tpu.memory_space<vmem>>
      %dma_start3A_54 = tpu.memref_squeeze %dma_start3A_53 : memref<1x80xi32, #tpu.memory_space<vmem>> -> memref<80xi32, #tpu.memory_space<vmem>>
      %dma_start3A_55 = arith.constant 0 : i32
      %dma_start3A_56 = arith.constant 0 : i32
      %dma_start3A_57 = tpu.memref_slice %arg2[%dma_start3A_55, %dma_start3A_56] : memref<10240x128xf32, #tpu.memory_space<hbm>> -> memref<10240x128xf32, #tpu.memory_space<hbm>>
      tpu.enqueue_indirect_dma source(%dma_start3A_57 : memref<10240x128xf32, #tpu.memory_space<hbm>>) target(%arg10 : memref<80x128xf32, #tpu.memory_space<vmem>>) offsets(%dma_start3A_54 : memref<80xi32, #tpu.memory_space<vmem>>) semaphore(%arg13 : memref<!tpu.dma_semaphore, #tpu.memory_space<semaphore_mem>>)
      %dma_wait3A_58 = arith.constant 23 : i32
      %dma_wait3A_59 = arith.constant 0 : i32
      %dma_wait3A_60 = tpu.memref_slice %arg7[%dma_wait3A_58, %dma_wait3A_59] : memref<25x80xi32, #tpu.memory_space<vmem>> -> memref<1x80xi32, #tpu.memory_space<vmem>>
      %dma_wait3A_61 = tpu.memref_squeeze %dma_wait3A_60 : memref<1x80xi32, #tpu.memory_space<vmem>> -> memref<80xi32, #tpu.memory_space<vmem>>
      %dma_wait3A_62 = arith.constant 0 : i32
      %dma_wait3A_63 = arith.constant 0 : i32
      %dma_wait3A_64 = tpu.memref_slice %arg2[%dma_wait3A_62, %dma_wait3A_63] : memref<10240x128xf32, #tpu.memory_space<hbm>> -> memref<10240x128xf32, #tpu.memory_space<hbm>>
      tpu.wait_indirect_dma semaphore(%arg14 : memref<!tpu.dma_semaphore, #tpu.memory_space<semaphore_mem>>) src(%dma_wait3A_64 : memref<10240x128xf32, #tpu.memory_space<hbm>>) dst(%arg11 : memref<80x128xf32, #tpu.memory_space<vmem>>)
      %broadcast_in_dim3A_65 = arith.constant 23 : i32
      %broadcast_in_dim3A_66 = vector.broadcast %broadcast_in_dim3A_65 : i32 to vector<16xi32>
      %scan3A_67 = arith.constant 0 : i32
      %scan3A_68 = arith.constant 40 : i32
      %scan3A_69 = arith.addi %scan3A_67, %scan3A_68 : i32
      %scan3A_70 = arith.constant 1 : i32
      scf.for %scan3A_88 = %scan3A_67 to %scan3A_69 step %scan3A_70  : i32 {
        %mul3A_89 = arith.constant 2 : i32
        %mul3A_90 = arith.muli %scan3A_88, %mul3A_89 : i32
        %add3A_91 = arith.constant 0 : i32
        %add3A_92 = arith.addi %add3A_91, %mul3A_90 : i32
        %add3A_93 = arith.constant 0 : i32
        %add3A_94 = arith.addi %add3A_92, %add3A_93 : i32
        %broadcast_in_dim3A_95 = vector.broadcast %add3A_94 : i32 to vector<16xi32>
        %gather3A = tpu.vector_load_idx %arg9[%broadcast_in_dim3A_66, %broadcast_in_dim3A_95] : memref<25x80xf32, #tpu.memory_space<vmem>>[vector<16xi32>, vector<16xi32>], vector<16xf32>,
        %get3A = arith.index_cast %add3A_94 : i32 to index
        %get3A_96 = arith.constant 0 : index
        %get3A_97 = tpu.vector_load %arg11[%get3A, %get3A_96] {strides = array<i32>} : memref<80x128xf32, #tpu.memory_space<vmem>>, vector<16xf32>,
        %mul3A_98 = arith.mulf %get3A_97, %gather3A : vector<16xf32>
        %swap3A = arith.index_cast %add3A_94 : i32 to index
        %swap3A_99 = arith.constant 0 : index
        %swap3A_100 = tpu.vector_load %arg11[%swap3A, %swap3A_99] {strides = array<i32>} : memref<80x128xf32, #tpu.memory_space<vmem>>, vector<16xf32>,
        tpu.vector_store %arg11[%swap3A, %swap3A_99], %mul3A_98 {strides = array<i32>} : memref<80x128xf32, #tpu.memory_space<vmem>>, vector<16xf32>,
        %get3A_101 = arith.index_cast %add3A_94 : i32 to index
        %get3A_102 = arith.constant 16 : index
        %get3A_103 = tpu.vector_load %arg11[%get3A_101, %get3A_102] {strides = array<i32>} : memref<80x128xf32, #tpu.memory_space<vmem>>, vector<16xf32>,
        %mul3A_104 = arith.mulf %get3A_103, %gather3A : vector<16xf32>
        %swap3A_105 = arith.index_cast %add3A_94 : i32 to index
        %swap3A_106 = arith.constant 16 : index
        %swap3A_107 = tpu.vector_load %arg11[%swap3A_105, %swap3A_106] {strides = array<i32>} : memref<80x128xf32, #tpu.memory_space<vmem>>, vector<16xf32>,
        tpu.vector_store %arg11[%swap3A_105, %swap3A_106], %mul3A_104 {strides = array<i32>} : memref<80x128xf32, #tpu.memory_space<vmem>>, vector<16xf32>,
        %get3A_108 = arith.index_cast %add3A_94 : i32 to index
        %get3A_109 = arith.constant 32 : index
        %get3A_110 = tpu.vector_load %arg11[%get3A_108, %get3A_109] {strides = array<i32>} : memref<80x128xf32, #tpu.memory_space<vmem>>, vector<16xf32>,
        %mul3A_111 = arith.mulf %get3A_110, %gather3A : vector<16xf32>
        %swap3A_112 = arith.index_cast %add3A_94 : i32 to index
        %swap3A_113 = arith.constant 32 : index
        %swap3A_114 = tpu.vector_load %arg11[%swap3A_112, %swap3A_113] {strides = array<i32>} : memref<80x128xf32, #tpu.memory_space<vmem>>, vector<16xf32>,
        tpu.vector_store %arg11[%swap3A_112, %swap3A_113], %mul3A_111 {strides = array<i32>} : memref<80x128xf32, #tpu.memory_space<vmem>>, vector<16xf32>,
        %get3A_115 = arith.index_cast %add3A_94 : i32 to index
        %get3A_116 = arith.constant 48 : index
        %get3A_117 = tpu.vector_load %arg11[%get3A_115, %get3A_116] {strides = array<i32>} : memref<80x128xf32, #tpu.memory_space<vmem>>, vector<16xf32>,
        %mul3A_118 = arith.mulf %get3A_117, %gather3A : vector<16xf32>
        %swap3A_119 = arith.index_cast %add3A_94 : i32 to index
        %swap3A_120 = arith.constant 48 : index
        %swap3A_121 = tpu.vector_load %arg11[%swap3A_119, %swap3A_120] {strides = array<i32>} : memref<80x128xf32, #tpu.memory_space<vmem>>, vector<16xf32>,
        tpu.vector_store %arg11[%swap3A_119, %swap3A_120], %mul3A_118 {strides = array<i32>} : memref<80x128xf32, #tpu.memory_space<vmem>>, vector<16xf32>,
        %get3A_122 = arith.index_cast %add3A_94 : i32 to index
        %get3A_123 = arith.constant 64 : index
        %get3A_124 = tpu.vector_load %arg11[%get3A_122, %get3A_123] {strides = array<i32>} : memref<80x128xf32, #tpu.memory_space<vmem>>, vector<16xf32>,
        %mul3A_125 = arith.mulf %get3A_124, %gather3A : vector<16xf32>
        %swap3A_126 = arith.index_cast %add3A_94 : i32 to index
        %swap3A_127 = arith.constant 64 : index
        %swap3A_128 = tpu.vector_load %arg11[%swap3A_126, %swap3A_127] {strides = array<i32>} : memref<80x128xf32, #tpu.memory_space<vmem>>, vector<16xf32>,
        tpu.vector_store %arg11[%swap3A_126, %swap3A_127], %mul3A_125 {strides = array<i32>} : memref<80x128xf32, #tpu.memory_space<vmem>>, vector<16xf32>,
        %get3A_129 = arith.index_cast %add3A_94 : i32 to index
        %get3A_130 = arith.constant 80 : index
        %get3A_131 = tpu.vector_load %arg11[%get3A_129, %get3A_130] {strides = array<i32>} : memref<80x128xf32, #tpu.memory_space<vmem>>, vector<16xf32>,
        %mul3A_132 = arith.mulf %get3A_131, %gather3A : vector<16xf32>
        %swap3A_133 = arith.index_cast %add3A_94 : i32 to index
        %swap3A_134 = arith.constant 80 : index
        %swap3A_135 = tpu.vector_load %arg11[%swap3A_133, %swap3A_134] {strides = array<i32>} : memref<80x128xf32, #tpu.memory_space<vmem>>, vector<16xf32>,
        tpu.vector_store %arg11[%swap3A_133, %swap3A_134], %mul3A_132 {strides = array<i32>} : memref<80x128xf32, #tpu.memory_space<vmem>>, vector<16xf32>,
        %get3A_136 = arith.index_cast %add3A_94 : i32 to index
        %get3A_137 = arith.constant 96 : index
        %get3A_138 = tpu.vector_load %arg11[%get3A_136, %get3A_137] {strides = array<i32>} : memref<80x128xf32, #tpu.memory_space<vmem>>, vector<16xf32>,
        %mul3A_139 = arith.mulf %get3A_138, %gather3A : vector<16xf32>
        %swap3A_140 = arith.index_cast %add3A_94 : i32 to index
        %swap3A_141 = arith.constant 96 : index
        %swap3A_142 = tpu.vector_load %arg11[%swap3A_140, %swap3A_141] {strides = array<i32>} : memref<80x128xf32, #tpu.memory_space<vmem>>, vector<16xf32>,
        tpu.vector_store %arg11[%swap3A_140, %swap3A_141], %mul3A_139 {strides = array<i32>} : memref<80x128xf32, #tpu.memory_space<vmem>>, vector<16xf32>,
        %get3A_143 = arith.index_cast %add3A_94 : i32 to index
        %get3A_144 = arith.constant 112 : index
        %get3A_145 = tpu.vector_load %arg11[%get3A_143, %get3A_144] {strides = array<i32>} : memref<80x128xf32, #tpu.memory_space<vmem>>, vector<16xf32>,
        %mul3A_146 = arith.mulf %get3A_145, %gather3A : vector<16xf32>
        %swap3A_147 = arith.index_cast %add3A_94 : i32 to index
        %swap3A_148 = arith.constant 112 : index
        %swap3A_149 = tpu.vector_load %arg11[%swap3A_147, %swap3A_148] {strides = array<i32>} : memref<80x128xf32, #tpu.memory_space<vmem>>, vector<16xf32>,
        tpu.vector_store %arg11[%swap3A_147, %swap3A_148], %mul3A_146 {strides = array<i32>} : memref<80x128xf32, #tpu.memory_space<vmem>>, vector<16xf32>,
        %add3A_150 = arith.constant 1 : i32
        %add3A_151 = arith.addi %add3A_92, %add3A_150 : i32
        %broadcast_in_dim3A_152 = vector.broadcast %add3A_151 : i32 to vector<16xi32>
        %gather3A_153 = tpu.vector_load_idx %arg9[%broadcast_in_dim3A_66, %broadcast_in_dim3A_152] : memref<25x80xf32, #tpu.memory_space<vmem>>[vector<16xi32>, vector<16xi32>], vector<16xf32>,
        %get3A_154 = arith.index_cast %add3A_151 : i32 to index
        %get3A_155 = arith.constant 0 : index
        %get3A_156 = tpu.vector_load %arg11[%get3A_154, %get3A_155] {strides = array<i32>} : memref<80x128xf32, #tpu.memory_space<vmem>>, vector<16xf32>,
        %mul3A_157 = arith.mulf %get3A_156, %gather3A_153 : vector<16xf32>
        %swap3A_158 = arith.index_cast %add3A_151 : i32 to index
        %swap3A_159 = arith.constant 0 : index
        %swap3A_160 = tpu.vector_load %arg11[%swap3A_158, %swap3A_159] {strides = array<i32>} : memref<80x128xf32, #tpu.memory_space<vmem>>, vector<16xf32>,
        tpu.vector_store %arg11[%swap3A_158, %swap3A_159], %mul3A_157 {strides = array<i32>} : memref<80x128xf32, #tpu.memory_space<vmem>>, vector<16xf32>,
        %get3A_161 = arith.index_cast %add3A_151 : i32 to index
        %get3A_162 = arith.constant 16 : index
        %get3A_163 = tpu.vector_load %arg11[%get3A_161, %get3A_162] {strides = array<i32>} : memref<80x128xf32, #tpu.memory_space<vmem>>, vector<16xf32>,
        %mul3A_164 = arith.mulf %get3A_163, %gather3A_153 : vector<16xf32>
        %swap3A_165 = arith.index_cast %add3A_151 : i32 to index
        %swap3A_166 = arith.constant 16 : index
        %swap3A_167 = tpu.vector_load %arg11[%swap3A_165, %swap3A_166] {strides = array<i32>} : memref<80x128xf32, #tpu.memory_space<vmem>>, vector<16xf32>,
        tpu.vector_store %arg11[%swap3A_165, %swap3A_166], %mul3A_164 {strides = array<i32>} : memref<80x128xf32, #tpu.memory_space<vmem>>, vector<16xf32>,
        %get3A_168 = arith.index_cast %add3A_151 : i32 to index
        %get3A_169 = arith.constant 32 : index
        %get3A_170 = tpu.vector_load %arg11[%get3A_168, %get3A_169] {strides = array<i32>} : memref<80x128xf32, #tpu.memory_space<vmem>>, vector<16xf32>,
        %mul3A_171 = arith.mulf %get3A_170, %gather3A_153 : vector<16xf32>
        %swap3A_172 = arith.index_cast %add3A_151 : i32 to index
        %swap3A_173 = arith.constant 32 : index
        %swap3A_174 = tpu.vector_load %arg11[%swap3A_172, %swap3A_173] {strides = array<i32>} : memref<80x128xf32, #tpu.memory_space<vmem>>, vector<16xf32>,
        tpu.vector_store %arg11[%swap3A_172, %swap3A_173], %mul3A_171 {strides = array<i32>} : memref<80x128xf32, #tpu.memory_space<vmem>>, vector<16xf32>,
        %get3A_175 = arith.index_cast %add3A_151 : i32 to index
        %get3A_176 = arith.constant 48 : index
        %get3A_177 = tpu.vector_load %arg11[%get3A_175, %get3A_176] {strides = array<i32>} : memref<80x128xf32, #tpu.memory_space<vmem>>, vector<16xf32>,
        %mul3A_178 = arith.mulf %get3A_177, %gather3A_153 : vector<16xf32>
        %swap3A_179 = arith.index_cast %add3A_151 : i32 to index
        %swap3A_180 = arith.constant 48 : index
        %swap3A_181 = tpu.vector_load %arg11[%swap3A_179, %swap3A_180] {strides = array<i32>} : memref<80x128xf32, #tpu.memory_space<vmem>>, vector<16xf32>,
        tpu.vector_store %arg11[%swap3A_179, %swap3A_180], %mul3A_178 {strides = array<i32>} : memref<80x128xf32, #tpu.memory_space<vmem>>, vector<16xf32>,
        %get3A_182 = arith.index_cast %add3A_151 : i32 to index
        %get3A_183 = arith.constant 64 : index
        %get3A_184 = tpu.vector_load %arg11[%get3A_182, %get3A_183] {strides = array<i32>} : memref<80x128xf32, #tpu.memory_space<vmem>>, vector<16xf32>,
        %mul3A_185 = arith.mulf %get3A_184, %gather3A_153 : vector<16xf32>
        %swap3A_186 = arith.index_cast %add3A_151 : i32 to index
        %swap3A_187 = arith.constant 64 : index
        %swap3A_188 = tpu.vector_load %arg11[%swap3A_186, %swap3A_187] {strides = array<i32>} : memref<80x128xf32, #tpu.memory_space<vmem>>, vector<16xf32>,
        tpu.vector_store %arg11[%swap3A_186, %swap3A_187], %mul3A_185 {strides = array<i32>} : memref<80x128xf32, #tpu.memory_space<vmem>>, vector<16xf32>,
        %get3A_189 = arith.index_cast %add3A_151 : i32 to index
        %get3A_190 = arith.constant 80 : index
        %get3A_191 = tpu.vector_load %arg11[%get3A_189, %get3A_190] {strides = array<i32>} : memref<80x128xf32, #tpu.memory_space<vmem>>, vector<16xf32>,
        %mul3A_192 = arith.mulf %get3A_191, %gather3A_153 : vector<16xf32>
        %swap3A_193 = arith.index_cast %add3A_151 : i32 to index
        %swap3A_194 = arith.constant 80 : index
        %swap3A_195 = tpu.vector_load %arg11[%swap3A_193, %swap3A_194] {strides = array<i32>} : memref<80x128xf32, #tpu.memory_space<vmem>>, vector<16xf32>,
        tpu.vector_store %arg11[%swap3A_193, %swap3A_194], %mul3A_192 {strides = array<i32>} : memref<80x128xf32, #tpu.memory_space<vmem>>, vector<16xf32>,
        %get3A_196 = arith.index_cast %add3A_151 : i32 to index
        %get3A_197 = arith.constant 96 : index
        %get3A_198 = tpu.vector_load %arg11[%get3A_196, %get3A_197] {strides = array<i32>} : memref<80x128xf32, #tpu.memory_space<vmem>>, vector<16xf32>,
        %mul3A_199 = arith.mulf %get3A_198, %gather3A_153 : vector<16xf32>
        %swap3A_200 = arith.index_cast %add3A_151 : i32 to index
        %swap3A_201 = arith.constant 96 : index
        %swap3A_202 = tpu.vector_load %arg11[%swap3A_200, %swap3A_201] {strides = array<i32>} : memref<80x128xf32, #tpu.memory_space<vmem>>, vector<16xf32>,
        tpu.vector_store %arg11[%swap3A_200, %swap3A_201], %mul3A_199 {strides = array<i32>} : memref<80x128xf32, #tpu.memory_space<vmem>>, vector<16xf32>,
        %get3A_203 = arith.index_cast %add3A_151 : i32 to index
        %get3A_204 = arith.constant 112 : index
        %get3A_205 = tpu.vector_load %arg11[%get3A_203, %get3A_204] {strides = array<i32>} : memref<80x128xf32, #tpu.memory_space<vmem>>, vector<16xf32>,
        %mul3A_206 = arith.mulf %get3A_205, %gather3A_153 : vector<16xf32>
        %swap3A_207 = arith.index_cast %add3A_151 : i32 to index
        %swap3A_208 = arith.constant 112 : index
        %swap3A_209 = tpu.vector_load %arg11[%swap3A_207, %swap3A_208] {strides = array<i32>} : memref<80x128xf32, #tpu.memory_space<vmem>>, vector<16xf32>,
        tpu.vector_store %arg11[%swap3A_207, %swap3A_208], %mul3A_206 {strides = array<i32>} : memref<80x128xf32, #tpu.memory_space<vmem>>, vector<16xf32>,
      }
      %scan3A_71 = arith.constant 40 : i32
      %run_scoped3A_72 = arith.constant 23 : i32
      "tpu.region"() ({
        %run_scoped3A_88 = tpu.sem_alloc : memref<!tpu.dma_semaphore, #tpu.memory_space<semaphore_mem>>
        %dma_start3A_89 = arith.constant 0 : i32
        %dma_start3A_90 = tpu.memref_slice %arg8[%run_scoped3A_72, %dma_start3A_89] : memref<25x80xi32, #tpu.memory_space<vmem>> -> memref<1x80xi32, #tpu.memory_space<vmem>>
        %dma_start3A_91 = tpu.memref_squeeze %dma_start3A_90 : memref<1x80xi32, #tpu.memory_space<vmem>> -> memref<80xi32, #tpu.memory_space<vmem>>
        %dma_start3A_92 = arith.constant 0 : i32
        %dma_start3A_93 = arith.constant 0 : i32
        %dma_start3A_94 = tpu.memref_slice %arg12[%dma_start3A_92, %dma_start3A_93] : memref<10240x128xf32, #tpu.memory_space<vmem_shared>> -> memref<10240x128xf32, #tpu.memory_space<vmem_shared>>
        tpu.enqueue_indirect_dma source(%arg11 : memref<80x128xf32, #tpu.memory_space<vmem>>) target(%dma_start3A_94 : memref<10240x128xf32, #tpu.memory_space<vmem_shared>>) offsets(%dma_start3A_91 : memref<80xi32, #tpu.memory_space<vmem>>) semaphore(%run_scoped3A_88 : memref<!tpu.dma_semaphore, #tpu.memory_space<semaphore_mem>>) {add = true}
        %dma_wait3A_95 = arith.constant 0 : i32
        %dma_wait3A_96 = tpu.memref_slice %arg8[%run_scoped3A_72, %dma_wait3A_95] : memref<25x80xi32, #tpu.memory_space<vmem>> -> memref<1x80xi32, #tpu.memory_space<vmem>>
        %dma_wait3A_97 = tpu.memref_squeeze %dma_wait3A_96 : memref<1x80xi32, #tpu.memory_space<vmem>> -> memref<80xi32, #tpu.memory_space<vmem>>
        %dma_wait3A_98 = arith.constant 0 : i32
        %dma_wait3A_99 = arith.constant 0 : i32
        %dma_wait3A_100 = tpu.memref_slice %arg12[%dma_wait3A_98, %dma_wait3A_99] : memref<10240x128xf32, #tpu.memory_space<vmem_shared>> -> memref<10240x128xf32, #tpu.memory_space<vmem_shared>>
        tpu.wait_indirect_dma semaphore(%run_scoped3A_88 : memref<!tpu.dma_semaphore, #tpu.memory_space<semaphore_mem>>) src(%arg11 : memref<80x128xf32, #tpu.memory_space<vmem>>) dst(%dma_wait3A_100 : memref<10240x128xf32, #tpu.memory_space<vmem_shared>>)
        tpu.yield
      }) : () -> ()
      %dma_wait3A_73 = arith.constant 24 : i32
      %dma_wait3A_74 = arith.constant 0 : i32
      %dma_wait3A_75 = tpu.memref_slice %arg7[%dma_wait3A_73, %dma_wait3A_74] : memref<25x80xi32, #tpu.memory_space<vmem>> -> memref<1x80xi32, #tpu.memory_space<vmem>>
      %dma_wait3A_76 = tpu.memref_squeeze %dma_wait3A_75 : memref<1x80xi32, #tpu.memory_space<vmem>> -> memref<80xi32, #tpu.memory_space<vmem>>
      %dma_wait3A_77 = arith.constant 0 : i32
      %dma_wait3A_78 = arith.constant 0 : i32
      %dma_wait3A_79 = tpu.memref_slice %arg2[%dma_wait3A_77, %dma_wait3A_78] : memref<10240x128xf32, #tpu.memory_space<hbm>> -> memref<10240x128xf32, #tpu.memory_space<hbm>>
      tpu.wait_indirect_dma semaphore(%arg13 : memref<!tpu.dma_semaphore, #tpu.memory_space<semaphore_mem>>) src(%dma_wait3A_79 : memref<10240x128xf32, #tpu.memory_space<hbm>>) dst(%arg10 : memref<80x128xf32, #tpu.memory_space<vmem>>)
      %broadcast_in_dim3A_80 = arith.constant 24 : i32
      %broadcast_in_dim3A_81 = vector.broadcast %broadcast_in_dim3A_80 : i32 to vector<16xi32>
      %scan3A_82 = arith.constant 0 : i32
      %scan3A_83 = arith.constant 40 : i32
      %scan3A_84 = arith.addi %scan3A_82, %scan3A_83 : i32
      %scan3A_85 = arith.constant 1 : i32
      scf.for %scan3A_88 = %scan3A_82 to %scan3A_84 step %scan3A_85  : i32 {
        %mul3A_89 = arith.constant 2 : i32
        %mul3A_90 = arith.muli %scan3A_88, %mul3A_89 : i32
        %add3A_91 = arith.constant 0 : i32
        %add3A_92 = arith.addi %add3A_91, %mul3A_90 : i32
        %add3A_93 = arith.constant 0 : i32
        %add3A_94 = arith.addi %add3A_92, %add3A_93 : i32
        %broadcast_in_dim3A_95 = vector.broadcast %add3A_94 : i32 to vector<16xi32>
        %gather3A = tpu.vector_load_idx %arg9[%broadcast_in_dim3A_81, %broadcast_in_dim3A_95] : memref<25x80xf32, #tpu.memory_space<vmem>>[vector<16xi32>, vector<16xi32>], vector<16xf32>,
        %get3A = arith.index_cast %add3A_94 : i32 to index
        %get3A_96 = arith.constant 0 : index
        %get3A_97 = tpu.vector_load %arg10[%get3A, %get3A_96] {strides = array<i32>} : memref<80x128xf32, #tpu.memory_space<vmem>>, vector<16xf32>,
        %mul3A_98 = arith.mulf %get3A_97, %gather3A : vector<16xf32>
        %swap3A = arith.index_cast %add3A_94 : i32 to index
        %swap3A_99 = arith.constant 0 : index
        %swap3A_100 = tpu.vector_load %arg10[%swap3A, %swap3A_99] {strides = array<i32>} : memref<80x128xf32, #tpu.memory_space<vmem>>, vector<16xf32>,
        tpu.vector_store %arg10[%swap3A, %swap3A_99], %mul3A_98 {strides = array<i32>} : memref<80x128xf32, #tpu.memory_space<vmem>>, vector<16xf32>,
        %get3A_101 = arith.index_cast %add3A_94 : i32 to index
        %get3A_102 = arith.constant 16 : index
        %get3A_103 = tpu.vector_load %arg10[%get3A_101, %get3A_102] {strides = array<i32>} : memref<80x128xf32, #tpu.memory_space<vmem>>, vector<16xf32>,
        %mul3A_104 = arith.mulf %get3A_103, %gather3A : vector<16xf32>
        %swap3A_105 = arith.index_cast %add3A_94 : i32 to index
        %swap3A_106 = arith.constant 16 : index
        %swap3A_107 = tpu.vector_load %arg10[%swap3A_105, %swap3A_106] {strides = array<i32>} : memref<80x128xf32, #tpu.memory_space<vmem>>, vector<16xf32>,
        tpu.vector_store %arg10[%swap3A_105, %swap3A_106], %mul3A_104 {strides = array<i32>} : memref<80x128xf32, #tpu.memory_space<vmem>>, vector<16xf32>,
        %get3A_108 = arith.index_cast %add3A_94 : i32 to index
        %get3A_109 = arith.constant 32 : index
        %get3A_110 = tpu.vector_load %arg10[%get3A_108, %get3A_109] {strides = array<i32>} : memref<80x128xf32, #tpu.memory_space<vmem>>, vector<16xf32>,
        %mul3A_111 = arith.mulf %get3A_110, %gather3A : vector<16xf32>
        %swap3A_112 = arith.index_cast %add3A_94 : i32 to index
        %swap3A_113 = arith.constant 32 : index
        %swap3A_114 = tpu.vector_load %arg10[%swap3A_112, %swap3A_113] {strides = array<i32>} : memref<80x128xf32, #tpu.memory_space<vmem>>, vector<16xf32>,
        tpu.vector_store %arg10[%swap3A_112, %swap3A_113], %mul3A_111 {strides = array<i32>} : memref<80x128xf32, #tpu.memory_space<vmem>>, vector<16xf32>,
        %get3A_115 = arith.index_cast %add3A_94 : i32 to index
        %get3A_116 = arith.constant 48 : index
        %get3A_117 = tpu.vector_load %arg10[%get3A_115, %get3A_116] {strides = array<i32>} : memref<80x128xf32, #tpu.memory_space<vmem>>, vector<16xf32>,
        %mul3A_118 = arith.mulf %get3A_117, %gather3A : vector<16xf32>
        %swap3A_119 = arith.index_cast %add3A_94 : i32 to index
        %swap3A_120 = arith.constant 48 : index
        %swap3A_121 = tpu.vector_load %arg10[%swap3A_119, %swap3A_120] {strides = array<i32>} : memref<80x128xf32, #tpu.memory_space<vmem>>, vector<16xf32>,
        tpu.vector_store %arg10[%swap3A_119, %swap3A_120], %mul3A_118 {strides = array<i32>} : memref<80x128xf32, #tpu.memory_space<vmem>>, vector<16xf32>,
        %get3A_122 = arith.index_cast %add3A_94 : i32 to index
        %get3A_123 = arith.constant 64 : index
        %get3A_124 = tpu.vector_load %arg10[%get3A_122, %get3A_123] {strides = array<i32>} : memref<80x128xf32, #tpu.memory_space<vmem>>, vector<16xf32>,
        %mul3A_125 = arith.mulf %get3A_124, %gather3A : vector<16xf32>
        %swap3A_126 = arith.index_cast %add3A_94 : i32 to index
        %swap3A_127 = arith.constant 64 : index
        %swap3A_128 = tpu.vector_load %arg10[%swap3A_126, %swap3A_127] {strides = array<i32>} : memref<80x128xf32, #tpu.memory_space<vmem>>, vector<16xf32>,
        tpu.vector_store %arg10[%swap3A_126, %swap3A_127], %mul3A_125 {strides = array<i32>} : memref<80x128xf32, #tpu.memory_space<vmem>>, vector<16xf32>,
        %get3A_129 = arith.index_cast %add3A_94 : i32 to index
        %get3A_130 = arith.constant 80 : index
        %get3A_131 = tpu.vector_load %arg10[%get3A_129, %get3A_130] {strides = array<i32>} : memref<80x128xf32, #tpu.memory_space<vmem>>, vector<16xf32>,
        %mul3A_132 = arith.mulf %get3A_131, %gather3A : vector<16xf32>
        %swap3A_133 = arith.index_cast %add3A_94 : i32 to index
        %swap3A_134 = arith.constant 80 : index
        %swap3A_135 = tpu.vector_load %arg10[%swap3A_133, %swap3A_134] {strides = array<i32>} : memref<80x128xf32, #tpu.memory_space<vmem>>, vector<16xf32>,
        tpu.vector_store %arg10[%swap3A_133, %swap3A_134], %mul3A_132 {strides = array<i32>} : memref<80x128xf32, #tpu.memory_space<vmem>>, vector<16xf32>,
        %get3A_136 = arith.index_cast %add3A_94 : i32 to index
        %get3A_137 = arith.constant 96 : index
        %get3A_138 = tpu.vector_load %arg10[%get3A_136, %get3A_137] {strides = array<i32>} : memref<80x128xf32, #tpu.memory_space<vmem>>, vector<16xf32>,
        %mul3A_139 = arith.mulf %get3A_138, %gather3A : vector<16xf32>
        %swap3A_140 = arith.index_cast %add3A_94 : i32 to index
        %swap3A_141 = arith.constant 96 : index
        %swap3A_142 = tpu.vector_load %arg10[%swap3A_140, %swap3A_141] {strides = array<i32>} : memref<80x128xf32, #tpu.memory_space<vmem>>, vector<16xf32>,
        tpu.vector_store %arg10[%swap3A_140, %swap3A_141], %mul3A_139 {strides = array<i32>} : memref<80x128xf32, #tpu.memory_space<vmem>>, vector<16xf32>,
        %get3A_143 = arith.index_cast %add3A_94 : i32 to index
        %get3A_144 = arith.constant 112 : index
        %get3A_145 = tpu.vector_load %arg10[%get3A_143, %get3A_144] {strides = array<i32>} : memref<80x128xf32, #tpu.memory_space<vmem>>, vector<16xf32>,
        %mul3A_146 = arith.mulf %get3A_145, %gather3A : vector<16xf32>
        %swap3A_147 = arith.index_cast %add3A_94 : i32 to index
        %swap3A_148 = arith.constant 112 : index
        %swap3A_149 = tpu.vector_load %arg10[%swap3A_147, %swap3A_148] {strides = array<i32>} : memref<80x128xf32, #tpu.memory_space<vmem>>, vector<16xf32>,
        tpu.vector_store %arg10[%swap3A_147, %swap3A_148], %mul3A_146 {strides = array<i32>} : memref<80x128xf32, #tpu.memory_space<vmem>>, vector<16xf32>,
        %add3A_150 = arith.constant 1 : i32
        %add3A_151 = arith.addi %add3A_92, %add3A_150 : i32
        %broadcast_in_dim3A_152 = vector.broadcast %add3A_151 : i32 to vector<16xi32>
        %gather3A_153 = tpu.vector_load_idx %arg9[%broadcast_in_dim3A_81, %broadcast_in_dim3A_152] : memref<25x80xf32, #tpu.memory_space<vmem>>[vector<16xi32>, vector<16xi32>], vector<16xf32>,
        %get3A_154 = arith.index_cast %add3A_151 : i32 to index
        %get3A_155 = arith.constant 0 : index
        %get3A_156 = tpu.vector_load %arg10[%get3A_154, %get3A_155] {strides = array<i32>} : memref<80x128xf32, #tpu.memory_space<vmem>>, vector<16xf32>,
        %mul3A_157 = arith.mulf %get3A_156, %gather3A_153 : vector<16xf32>
        %swap3A_158 = arith.index_cast %add3A_151 : i32 to index
        %swap3A_159 = arith.constant 0 : index
        %swap3A_160 = tpu.vector_load %arg10[%swap3A_158, %swap3A_159] {strides = array<i32>} : memref<80x128xf32, #tpu.memory_space<vmem>>, vector<16xf32>,
        tpu.vector_store %arg10[%swap3A_158, %swap3A_159], %mul3A_157 {strides = array<i32>} : memref<80x128xf32, #tpu.memory_space<vmem>>, vector<16xf32>,
        %get3A_161 = arith.index_cast %add3A_151 : i32 to index
        %get3A_162 = arith.constant 16 : index
        %get3A_163 = tpu.vector_load %arg10[%get3A_161, %get3A_162] {strides = array<i32>} : memref<80x128xf32, #tpu.memory_space<vmem>>, vector<16xf32>,
        %mul3A_164 = arith.mulf %get3A_163, %gather3A_153 : vector<16xf32>
        %swap3A_165 = arith.index_cast %add3A_151 : i32 to index
        %swap3A_166 = arith.constant 16 : index
        %swap3A_167 = tpu.vector_load %arg10[%swap3A_165, %swap3A_166] {strides = array<i32>} : memref<80x128xf32, #tpu.memory_space<vmem>>, vector<16xf32>,
        tpu.vector_store %arg10[%swap3A_165, %swap3A_166], %mul3A_164 {strides = array<i32>} : memref<80x128xf32, #tpu.memory_space<vmem>>, vector<16xf32>,
        %get3A_168 = arith.index_cast %add3A_151 : i32 to index
        %get3A_169 = arith.constant 32 : index
        %get3A_170 = tpu.vector_load %arg10[%get3A_168, %get3A_169] {strides = array<i32>} : memref<80x128xf32, #tpu.memory_space<vmem>>, vector<16xf32>,
        %mul3A_171 = arith.mulf %get3A_170, %gather3A_153 : vector<16xf32>
        %swap3A_172 = arith.index_cast %add3A_151 : i32 to index
        %swap3A_173 = arith.constant 32 : index
        %swap3A_174 = tpu.vector_load %arg10[%swap3A_172, %swap3A_173] {strides = array<i32>} : memref<80x128xf32, #tpu.memory_space<vmem>>, vector<16xf32>,
        tpu.vector_store %arg10[%swap3A_172, %swap3A_173], %mul3A_171 {strides = array<i32>} : memref<80x128xf32, #tpu.memory_space<vmem>>, vector<16xf32>,
        %get3A_175 = arith.index_cast %add3A_151 : i32 to index
        %get3A_176 = arith.constant 48 : index
        %get3A_177 = tpu.vector_load %arg10[%get3A_175, %get3A_176] {strides = array<i32>} : memref<80x128xf32, #tpu.memory_space<vmem>>, vector<16xf32>,
        %mul3A_178 = arith.mulf %get3A_177, %gather3A_153 : vector<16xf32>
        %swap3A_179 = arith.index_cast %add3A_151 : i32 to index
        %swap3A_180 = arith.constant 48 : index
        %swap3A_181 = tpu.vector_load %arg10[%swap3A_179, %swap3A_180] {strides = array<i32>} : memref<80x128xf32, #tpu.memory_space<vmem>>, vector<16xf32>,
        tpu.vector_store %arg10[%swap3A_179, %swap3A_180], %mul3A_178 {strides = array<i32>} : memref<80x128xf32, #tpu.memory_space<vmem>>, vector<16xf32>,
        %get3A_182 = arith.index_cast %add3A_151 : i32 to index
        %get3A_183 = arith.constant 64 : index
        %get3A_184 = tpu.vector_load %arg10[%get3A_182, %get3A_183] {strides = array<i32>} : memref<80x128xf32, #tpu.memory_space<vmem>>, vector<16xf32>,
        %mul3A_185 = arith.mulf %get3A_184, %gather3A_153 : vector<16xf32>
        %swap3A_186 = arith.index_cast %add3A_151 : i32 to index
        %swap3A_187 = arith.constant 64 : index
        %swap3A_188 = tpu.vector_load %arg10[%swap3A_186, %swap3A_187] {strides = array<i32>} : memref<80x128xf32, #tpu.memory_space<vmem>>, vector<16xf32>,
        tpu.vector_store %arg10[%swap3A_186, %swap3A_187], %mul3A_185 {strides = array<i32>} : memref<80x128xf32, #tpu.memory_space<vmem>>, vector<16xf32>,
        %get3A_189 = arith.index_cast %add3A_151 : i32 to index
        %get3A_190 = arith.constant 80 : index
        %get3A_191 = tpu.vector_load %arg10[%get3A_189, %get3A_190] {strides = array<i32>} : memref<80x128xf32, #tpu.memory_space<vmem>>, vector<16xf32>,
        %mul3A_192 = arith.mulf %get3A_191, %gather3A_153 : vector<16xf32>
        %swap3A_193 = arith.index_cast %add3A_151 : i32 to index
        %swap3A_194 = arith.constant 80 : index
        %swap3A_195 = tpu.vector_load %arg10[%swap3A_193, %swap3A_194] {strides = array<i32>} : memref<80x128xf32, #tpu.memory_space<vmem>>, vector<16xf32>,
        tpu.vector_store %arg10[%swap3A_193, %swap3A_194], %mul3A_192 {strides = array<i32>} : memref<80x128xf32, #tpu.memory_space<vmem>>, vector<16xf32>,
        %get3A_196 = arith.index_cast %add3A_151 : i32 to index
        %get3A_197 = arith.constant 96 : index
        %get3A_198 = tpu.vector_load %arg10[%get3A_196, %get3A_197] {strides = array<i32>} : memref<80x128xf32, #tpu.memory_space<vmem>>, vector<16xf32>,
        %mul3A_199 = arith.mulf %get3A_198, %gather3A_153 : vector<16xf32>
        %swap3A_200 = arith.index_cast %add3A_151 : i32 to index
        %swap3A_201 = arith.constant 96 : index
        %swap3A_202 = tpu.vector_load %arg10[%swap3A_200, %swap3A_201] {strides = array<i32>} : memref<80x128xf32, #tpu.memory_space<vmem>>, vector<16xf32>,
        tpu.vector_store %arg10[%swap3A_200, %swap3A_201], %mul3A_199 {strides = array<i32>} : memref<80x128xf32, #tpu.memory_space<vmem>>, vector<16xf32>,
        %get3A_203 = arith.index_cast %add3A_151 : i32 to index
        %get3A_204 = arith.constant 112 : index
        %get3A_205 = tpu.vector_load %arg10[%get3A_203, %get3A_204] {strides = array<i32>} : memref<80x128xf32, #tpu.memory_space<vmem>>, vector<16xf32>,
        %mul3A_206 = arith.mulf %get3A_205, %gather3A_153 : vector<16xf32>
        %swap3A_207 = arith.index_cast %add3A_151 : i32 to index
        %swap3A_208 = arith.constant 112 : index
        %swap3A_209 = tpu.vector_load %arg10[%swap3A_207, %swap3A_208] {strides = array<i32>} : memref<80x128xf32, #tpu.memory_space<vmem>>, vector<16xf32>,
        tpu.vector_store %arg10[%swap3A_207, %swap3A_208], %mul3A_206 {strides = array<i32>} : memref<80x128xf32, #tpu.memory_space<vmem>>, vector<16xf32>,
      }
      %scan3A_86 = arith.constant 40 : i32
      %run_scoped3A_87 = arith.constant 24 : i32
      "tpu.region"() ({
        %run_scoped3A_88 = tpu.sem_alloc : memref<!tpu.dma_semaphore, #tpu.memory_space<semaphore_mem>>
        %dma_start3A_89 = arith.constant 0 : i32
        %dma_start3A_90 = tpu.memref_slice %arg8[%run_scoped3A_87, %dma_start3A_89] : memref<25x80xi32, #tpu.memory_space<vmem>> -> memref<1x80xi32, #tpu.memory_space<vmem>>
        %dma_start3A_91 = tpu.memref_squeeze %dma_start3A_90 : memref<1x80xi32, #tpu.memory_space<vmem>> -> memref<80xi32, #tpu.memory_space<vmem>>
        %dma_start3A_92 = arith.constant 0 : i32
        %dma_start3A_93 = arith.constant 0 : i32
        %dma_start3A_94 = tpu.memref_slice %arg12[%dma_start3A_92, %dma_start3A_93] : memref<10240x128xf32, #tpu.memory_space<vmem_shared>> -> memref<10240x128xf32, #tpu.memory_space<vmem_shared>>
        tpu.enqueue_indirect_dma source(%arg10 : memref<80x128xf32, #tpu.memory_space<vmem>>) target(%dma_start3A_94 : memref<10240x128xf32, #tpu.memory_space<vmem_shared>>) offsets(%dma_start3A_91 : memref<80xi32, #tpu.memory_space<vmem>>) semaphore(%run_scoped3A_88 : memref<!tpu.dma_semaphore, #tpu.memory_space<semaphore_mem>>) {add = true}
        %dma_wait3A_95 = arith.constant 0 : i32
        %dma_wait3A_96 = tpu.memref_slice %arg8[%run_scoped3A_87, %dma_wait3A_95] : memref<25x80xi32, #tpu.memory_space<vmem>> -> memref<1x80xi32, #tpu.memory_space<vmem>>
        %dma_wait3A_97 = tpu.memref_squeeze %dma_wait3A_96 : memref<1x80xi32, #tpu.memory_space<vmem>> -> memref<80xi32, #tpu.memory_space<vmem>>
        %dma_wait3A_98 = arith.constant 0 : i32
        %dma_wait3A_99 = arith.constant 0 : i32
        %dma_wait3A_100 = tpu.memref_slice %arg12[%dma_wait3A_98, %dma_wait3A_99] : memref<10240x128xf32, #tpu.memory_space<vmem_shared>> -> memref<10240x128xf32, #tpu.memory_space<vmem_shared>>
        tpu.wait_indirect_dma semaphore(%run_scoped3A_88 : memref<!tpu.dma_semaphore, #tpu.memory_space<semaphore_mem>>) src(%arg10 : memref<80x128xf32, #tpu.memory_space<vmem>>) dst(%dma_wait3A_100 : memref<10240x128xf32, #tpu.memory_space<vmem_shared>>)
        tpu.yield
      }) : () -> ()
    }
    %scan3A_9 = arith.constant 5 : i32
    %barrier3A_10 = arith.constant 0 : index
    tpu.barrier barrier_id(%barrier3A_10)
    %scan3A_11 = arith.constant 0 : i32
    %scan3A_12 = arith.constant 5 : i32
    %scan3A_13 = arith.addi %scan3A_11, %scan3A_12 : i32
    %scan3A_14 = arith.constant 1 : i32
    scf.for %scan3A_16 = %scan3A_11 to %scan3A_13 step %scan3A_14  : i32 {
      %mul3A_17 = arith.constant 1 : i32
      %mul3A_18 = arith.muli %scan3A_16, %mul3A_17 : i32
      %add3A_19 = arith.constant 0 : i32
      %add3A_20 = arith.addi %add3A_19, %mul3A_18 : i32
      %mul3A_21 = arith.constant 640 : i32
      %mul3A_22 = arith.muli %arg1, %mul3A_21 : i32
      %mul3A_23 = arith.constant 128 : i32
      %mul3A_24 = arith.muli %add3A_20, %mul3A_23 : i32
      %add3A_25 = arith.addi %mul3A_22, %mul3A_24 : i32
      "tpu.region"() ({
        %run_scoped3A = tpu.sem_alloc : memref<!tpu.dma_semaphore, #tpu.memory_space<semaphore_mem>>
        %dma_start3A = arith.constant 0 : i32
        %dma_start3A_26 = arith.constant 0 : i32
        %dma_start3A_27 = tpu.memref_slice %arg6[%arg0, %dma_start3A, %dma_start3A_26] : memref<2x10240x128xf32, #tpu.memory_space<hbm>> -> memref<1x10240x128xf32, #tpu.memory_space<hbm>>
        %dma_start3A_28 = tpu.memref_squeeze %dma_start3A_27 : memref<1x10240x128xf32, #tpu.memory_space<hbm>> -> memref<10240x128xf32, #tpu.memory_space<hbm>>
        %dma_start3A_29 = arith.constant 0 : i32
        %dma_start3A_30 = tpu.memref_slice %dma_start3A_28[%add3A_25, %dma_start3A_29] : memref<10240x128xf32, #tpu.memory_space<hbm>> -> memref<128x128xf32, #tpu.memory_space<hbm>>
        %dma_start3A_31 = arith.constant 0 : i32
        %dma_start3A_32 = tpu.memref_slice %arg12[%add3A_25, %dma_start3A_31] : memref<10240x128xf32, #tpu.memory_space<vmem_shared>> -> memref<128x128xf32, #tpu.memory_space<vmem_shared>>
        tpu.enqueue_dma source(%dma_start3A_32 : memref<128x128xf32, #tpu.memory_space<vmem_shared>>) target(%dma_start3A_30 : memref<128x128xf32, #tpu.memory_space<hbm>>) target_semaphore(%run_scoped3A : memref<!tpu.dma_semaphore, #tpu.memory_space<semaphore_mem>>)
        %dma_wait3A = arith.constant 0 : i32
        %dma_wait3A_33 = arith.constant 0 : i32
        %dma_wait3A_34 = tpu.memref_slice %arg6[%arg0, %dma_wait3A, %dma_wait3A_33] : memref<2x10240x128xf32, #tpu.memory_space<hbm>> -> memref<1x10240x128xf32, #tpu.memory_space<hbm>>
        %dma_wait3A_35 = tpu.memref_squeeze %dma_wait3A_34 : memref<1x10240x128xf32, #tpu.memory_space<hbm>> -> memref<10240x128xf32, #tpu.memory_space<hbm>>
        %dma_wait3A_36 = arith.constant 0 : i32
        %dma_wait3A_37 = tpu.memref_slice %dma_wait3A_35[%add3A_25, %dma_wait3A_36] : memref<10240x128xf32, #tpu.memory_space<hbm>> -> memref<128x128xf32, #tpu.memory_space<hbm>>
        %dma_wait3A_38 = arith.constant 0 : i32
        %dma_wait3A_39 = tpu.memref_slice %arg12[%add3A_25, %dma_wait3A_38] : memref<10240x128xf32, #tpu.memory_space<vmem_shared>> -> memref<128x128xf32, #tpu.memory_space<vmem_shared>>
        tpu.wait_dma2 semaphore(%run_scoped3A : memref<!tpu.dma_semaphore, #tpu.memory_space<semaphore_mem>>) src(%dma_wait3A_39 : memref<128x128xf32, #tpu.memory_space<vmem_shared>>) dst(%dma_wait3A_37 : memref<128x128xf32, #tpu.memory_space<hbm>>)
        tpu.yield
      }) : () -> ()
    }
    %scan3A_15 = arith.constant 5 : i32
    return
  }
}

#map = affine_map<(d0, d1) -> (0, 0)>
#map1 = affine_map<(d0, d1) -> (0, 0, 0, 0)>
#map2 = affine_map<(d0, d1) -> (0, 0, 0)>
module attributes {stable_mosaic.version = 14 : i64} {
  func.func @hop(%arg0: i32, %arg1: i32, %arg2: memref<10240x128xf32, #tpu.memory_space<hbm>>, %arg3: memref<32x5x25x80xi32, #tpu.memory_space<hbm>>, %arg4: memref<32x5x25x80xi32, #tpu.memory_space<hbm>>, %arg5: memref<32x5x25x80xf32, #tpu.memory_space<hbm>>, %arg6: memref<2x10240x128xf32, #tpu.memory_space<hbm>>, %arg7: memref<25x80xi32, #tpu.memory_space<vmem>>, %arg8: memref<25x80xi32, #tpu.memory_space<vmem>>, %arg9: memref<25x80xf32, #tpu.memory_space<vmem>>, %arg10: memref<80x128xf32, #tpu.memory_space<vmem>>, %arg11: memref<80x128xf32, #tpu.memory_space<vmem>>, %arg12: memref<10240x128xf32, #tpu.memory_space<vmem_shared>>, %arg13: memref<!tpu.dma_semaphore, #tpu.memory_space<semaphore_mem>>, %arg14: memref<!tpu.dma_semaphore, #tpu.memory_space<semaphore_mem>>) attributes {dimension_semantics = [#tpu.dimension_semantics<core_parallel>, #tpu.dimension_semantics<subcore_parallel>], iteration_bounds = array<i64: 2, 16>, scalar_prefetch = 0 : i64, scratch_operands = 8 : i64, tpu.core_type = #tpu.core_type<sc_vector_subcore>, window_params = [{transform_indices = #map}, {transform_indices = #map1}, {transform_indices = #map1}, {transform_indices = #map1}, {transform_indices = #map2}]} {
    %mul3A = arith.constant 16 : i32
    %mul3A_0 = arith.muli %arg0, %mul3A : i32
    %add3A = arith.addi %mul3A_0, %arg1 : i32
    %scan3A = arith.constant 0 : i32
    %scan3A_1 = arith.constant 5 : i32
    %scan3A_2 = arith.addi %scan3A, %scan3A_1 : i32
    %scan3A_3 = arith.constant 1 : i32
    scf.for %scan3A_16 = %scan3A to %scan3A_2 step %scan3A_3  : i32 {
      %mul3A_17 = arith.constant 1 : i32
      %mul3A_18 = arith.muli %scan3A_16, %mul3A_17 : i32
      %add3A_19 = arith.constant 0 : i32
      %add3A_20 = arith.addi %add3A_19, %mul3A_18 : i32
      %mul3A_21 = arith.constant 640 : i32
      %mul3A_22 = arith.muli %arg1, %mul3A_21 : i32
      %mul3A_23 = arith.constant 128 : i32
      %mul3A_24 = arith.muli %add3A_20, %mul3A_23 : i32
      %add3A_25 = arith.addi %mul3A_22, %mul3A_24 : i32
      "tpu.region"() ({
        %run_scoped3A = tpu.sem_alloc : memref<!tpu.dma_semaphore, #tpu.memory_space<semaphore_mem>>
        %dma_start3A = arith.constant 0 : i32
        %dma_start3A_26 = tpu.memref_slice %arg12[%add3A_25, %dma_start3A] : memref<10240x128xf32, #tpu.memory_space<vmem_shared>> -> memref<128x128xf32, #tpu.memory_space<vmem_shared>>
        %dma_start3A_27 = arith.constant 10000 : i32
        %dma_start3A_28 = arith.constant 0 : i32
        %dma_start3A_29 = tpu.memref_slice %arg2[%dma_start3A_27, %dma_start3A_28] : memref<10240x128xf32, #tpu.memory_space<hbm>> -> memref<128x128xf32, #tpu.memory_space<hbm>>
        tpu.enqueue_dma source(%dma_start3A_29 : memref<128x128xf32, #tpu.memory_space<hbm>>) target(%dma_start3A_26 : memref<128x128xf32, #tpu.memory_space<vmem_shared>>) target_semaphore(%run_scoped3A : memref<!tpu.dma_semaphore, #tpu.memory_space<semaphore_mem>>)
        %dma_wait3A = arith.constant 0 : i32
        %dma_wait3A_30 = tpu.memref_slice %arg12[%add3A_25, %dma_wait3A] : memref<10240x128xf32, #tpu.memory_space<vmem_shared>> -> memref<128x128xf32, #tpu.memory_space<vmem_shared>>
        %dma_wait3A_31 = arith.constant 10000 : i32
        %dma_wait3A_32 = arith.constant 0 : i32
        %dma_wait3A_33 = tpu.memref_slice %arg2[%dma_wait3A_31, %dma_wait3A_32] : memref<10240x128xf32, #tpu.memory_space<hbm>> -> memref<128x128xf32, #tpu.memory_space<hbm>>
        tpu.wait_dma2 semaphore(%run_scoped3A : memref<!tpu.dma_semaphore, #tpu.memory_space<semaphore_mem>>) src(%dma_wait3A_33 : memref<128x128xf32, #tpu.memory_space<hbm>>) dst(%dma_wait3A_30 : memref<128x128xf32, #tpu.memory_space<vmem_shared>>)
        tpu.yield
      }) : () -> ()
    }
    %scan3A_4 = arith.constant 5 : i32
    %barrier3A = arith.constant 0 : index
    tpu.barrier barrier_id(%barrier3A)
    %scan3A_5 = arith.constant 0 : i32
    %scan3A_6 = arith.constant 5 : i32
    %scan3A_7 = arith.addi %scan3A_5, %scan3A_6 : i32
    %scan3A_8 = arith.constant 1 : i32
    scf.for %scan3A_16 = %scan3A_5 to %scan3A_7 step %scan3A_8  : i32 {
      %mul3A_17 = arith.constant 1 : i32
      %mul3A_18 = arith.muli %scan3A_16, %mul3A_17 : i32
      %add3A_19 = arith.constant 0 : i32
      %add3A_20 = arith.addi %add3A_19, %mul3A_18 : i32
      "tpu.region"() ({
        %run_scoped3A_88 = tpu.sem_alloc : memref<!tpu.dma_semaphore, #tpu.memory_space<semaphore_mem>>
        %dma_start3A_89 = arith.constant 0 : i32
        %dma_start3A_90 = arith.constant 0 : i32
        %dma_start3A_91 = arith.constant 0 : i32
        %dma_start3A_92 = tpu.memref_slice %arg3[%add3A, %dma_start3A_89, %dma_start3A_90, %dma_start3A_91] : memref<32x5x25x80xi32, #tpu.memory_space<hbm>> -> memref<1x5x25x80xi32, #tpu.memory_space<hbm>>
        %dma_start3A_93 = tpu.memref_squeeze %dma_start3A_92 : memref<1x5x25x80xi32, #tpu.memory_space<hbm>> -> memref<5x25x80xi32, #tpu.memory_space<hbm>>
        %dma_start3A_94 = arith.constant 0 : i32
        %dma_start3A_95 = arith.constant 0 : i32
        %dma_start3A_96 = tpu.memref_slice %dma_start3A_93[%add3A_20, %dma_start3A_94, %dma_start3A_95] : memref<5x25x80xi32, #tpu.memory_space<hbm>> -> memref<1x25x80xi32, #tpu.memory_space<hbm>>
        %dma_start3A_97 = tpu.memref_squeeze %dma_start3A_96 : memref<1x25x80xi32, #tpu.memory_space<hbm>> -> memref<25x80xi32, #tpu.memory_space<hbm>>
        %dma_start3A_98 = arith.constant 0 : i32
        %dma_start3A_99 = arith.constant 0 : i32
        %dma_start3A_100 = arith.constant 0 : i32
        %dma_start3A_101 = tpu.memref_slice %arg3[%add3A, %dma_start3A_98, %dma_start3A_99, %dma_start3A_100] : memref<32x5x25x80xi32, #tpu.memory_space<hbm>> -> memref<1x5x25x80xi32, #tpu.memory_space<hbm>>
        %dma_start3A_102 = tpu.memref_squeeze %dma_start3A_101 : memref<1x5x25x80xi32, #tpu.memory_space<hbm>> -> memref<5x25x80xi32, #tpu.memory_space<hbm>>
        %dma_start3A_103 = arith.constant 0 : i32
        %dma_start3A_104 = arith.constant 0 : i32
        %dma_start3A_105 = tpu.memref_slice %dma_start3A_102[%add3A_20, %dma_start3A_103, %dma_start3A_104] : memref<5x25x80xi32, #tpu.memory_space<hbm>> -> memref<1x25x80xi32, #tpu.memory_space<hbm>>
        %dma_start3A_106 = tpu.memref_squeeze %dma_start3A_105 : memref<1x25x80xi32, #tpu.memory_space<hbm>> -> memref<25x80xi32, #tpu.memory_space<hbm>>
        tpu.enqueue_dma source(%dma_start3A_106 : memref<25x80xi32, #tpu.memory_space<hbm>>) target(%arg7 : memref<25x80xi32, #tpu.memory_space<vmem>>) target_semaphore(%run_scoped3A_88 : memref<!tpu.dma_semaphore, #tpu.memory_space<semaphore_mem>>)
        %dma_wait3A_107 = arith.constant 0 : i32
        %dma_wait3A_108 = arith.constant 0 : i32
        %dma_wait3A_109 = arith.constant 0 : i32
        %dma_wait3A_110 = tpu.memref_slice %arg3[%add3A, %dma_wait3A_107, %dma_wait3A_108, %dma_wait3A_109] : memref<32x5x25x80xi32, #tpu.memory_space<hbm>> -> memref<1x5x25x80xi32, #tpu.memory_space<hbm>>
        %dma_wait3A_111 = tpu.memref_squeeze %dma_wait3A_110 : memref<1x5x25x80xi32, #tpu.memory_space<hbm>> -> memref<5x25x80xi32, #tpu.memory_space<hbm>>
        %dma_wait3A_112 = arith.constant 0 : i32
        %dma_wait3A_113 = arith.constant 0 : i32
        %dma_wait3A_114 = tpu.memref_slice %dma_wait3A_111[%add3A_20, %dma_wait3A_112, %dma_wait3A_113] : memref<5x25x80xi32, #tpu.memory_space<hbm>> -> memref<1x25x80xi32, #tpu.memory_space<hbm>>
        %dma_wait3A_115 = tpu.memref_squeeze %dma_wait3A_114 : memref<1x25x80xi32, #tpu.memory_space<hbm>> -> memref<25x80xi32, #tpu.memory_space<hbm>>
        %dma_wait3A_116 = arith.constant 0 : i32
        %dma_wait3A_117 = arith.constant 0 : i32
        %dma_wait3A_118 = arith.constant 0 : i32
        %dma_wait3A_119 = tpu.memref_slice %arg3[%add3A, %dma_wait3A_116, %dma_wait3A_117, %dma_wait3A_118] : memref<32x5x25x80xi32, #tpu.memory_space<hbm>> -> memref<1x5x25x80xi32, #tpu.memory_space<hbm>>
        %dma_wait3A_120 = tpu.memref_squeeze %dma_wait3A_119 : memref<1x5x25x80xi32, #tpu.memory_space<hbm>> -> memref<5x25x80xi32, #tpu.memory_space<hbm>>
        %dma_wait3A_121 = arith.constant 0 : i32
        %dma_wait3A_122 = arith.constant 0 : i32
        %dma_wait3A_123 = tpu.memref_slice %dma_wait3A_120[%add3A_20, %dma_wait3A_121, %dma_wait3A_122] : memref<5x25x80xi32, #tpu.memory_space<hbm>> -> memref<1x25x80xi32, #tpu.memory_space<hbm>>
        %dma_wait3A_124 = tpu.memref_squeeze %dma_wait3A_123 : memref<1x25x80xi32, #tpu.memory_space<hbm>> -> memref<25x80xi32, #tpu.memory_space<hbm>>
        tpu.wait_dma2 semaphore(%run_scoped3A_88 : memref<!tpu.dma_semaphore, #tpu.memory_space<semaphore_mem>>) src(%dma_wait3A_124 : memref<25x80xi32, #tpu.memory_space<hbm>>) dst(%arg7 : memref<25x80xi32, #tpu.memory_space<vmem>>)
        tpu.yield
      }) : () -> ()
      "tpu.region"() ({
        %run_scoped3A_88 = tpu.sem_alloc : memref<!tpu.dma_semaphore, #tpu.memory_space<semaphore_mem>>
        %dma_start3A_89 = arith.constant 0 : i32
        %dma_start3A_90 = arith.constant 0 : i32
        %dma_start3A_91 = arith.constant 0 : i32
        %dma_start3A_92 = tpu.memref_slice %arg4[%add3A, %dma_start3A_89, %dma_start3A_90, %dma_start3A_91] : memref<32x5x25x80xi32, #tpu.memory_space<hbm>> -> memref<1x5x25x80xi32, #tpu.memory_space<hbm>>
        %dma_start3A_93 = tpu.memref_squeeze %dma_start3A_92 : memref<1x5x25x80xi32, #tpu.memory_space<hbm>> -> memref<5x25x80xi32, #tpu.memory_space<hbm>>
        %dma_start3A_94 = arith.constant 0 : i32
        %dma_start3A_95 = arith.constant 0 : i32
        %dma_start3A_96 = tpu.memref_slice %dma_start3A_93[%add3A_20, %dma_start3A_94, %dma_start3A_95] : memref<5x25x80xi32, #tpu.memory_space<hbm>> -> memref<1x25x80xi32, #tpu.memory_space<hbm>>
        %dma_start3A_97 = tpu.memref_squeeze %dma_start3A_96 : memref<1x25x80xi32, #tpu.memory_space<hbm>> -> memref<25x80xi32, #tpu.memory_space<hbm>>
        %dma_start3A_98 = arith.constant 0 : i32
        %dma_start3A_99 = arith.constant 0 : i32
        %dma_start3A_100 = arith.constant 0 : i32
        %dma_start3A_101 = tpu.memref_slice %arg4[%add3A, %dma_start3A_98, %dma_start3A_99, %dma_start3A_100] : memref<32x5x25x80xi32, #tpu.memory_space<hbm>> -> memref<1x5x25x80xi32, #tpu.memory_space<hbm>>
        %dma_start3A_102 = tpu.memref_squeeze %dma_start3A_101 : memref<1x5x25x80xi32, #tpu.memory_space<hbm>> -> memref<5x25x80xi32, #tpu.memory_space<hbm>>
        %dma_start3A_103 = arith.constant 0 : i32
        %dma_start3A_104 = arith.constant 0 : i32
        %dma_start3A_105 = tpu.memref_slice %dma_start3A_102[%add3A_20, %dma_start3A_103, %dma_start3A_104] : memref<5x25x80xi32, #tpu.memory_space<hbm>> -> memref<1x25x80xi32, #tpu.memory_space<hbm>>
        %dma_start3A_106 = tpu.memref_squeeze %dma_start3A_105 : memref<1x25x80xi32, #tpu.memory_space<hbm>> -> memref<25x80xi32, #tpu.memory_space<hbm>>
        tpu.enqueue_dma source(%dma_start3A_106 : memref<25x80xi32, #tpu.memory_space<hbm>>) target(%arg8 : memref<25x80xi32, #tpu.memory_space<vmem>>) target_semaphore(%run_scoped3A_88 : memref<!tpu.dma_semaphore, #tpu.memory_space<semaphore_mem>>)
        %dma_wait3A_107 = arith.constant 0 : i32
        %dma_wait3A_108 = arith.constant 0 : i32
        %dma_wait3A_109 = arith.constant 0 : i32
        %dma_wait3A_110 = tpu.memref_slice %arg4[%add3A, %dma_wait3A_107, %dma_wait3A_108, %dma_wait3A_109] : memref<32x5x25x80xi32, #tpu.memory_space<hbm>> -> memref<1x5x25x80xi32, #tpu.memory_space<hbm>>
        %dma_wait3A_111 = tpu.memref_squeeze %dma_wait3A_110 : memref<1x5x25x80xi32, #tpu.memory_space<hbm>> -> memref<5x25x80xi32, #tpu.memory_space<hbm>>
        %dma_wait3A_112 = arith.constant 0 : i32
        %dma_wait3A_113 = arith.constant 0 : i32
        %dma_wait3A_114 = tpu.memref_slice %dma_wait3A_111[%add3A_20, %dma_wait3A_112, %dma_wait3A_113] : memref<5x25x80xi32, #tpu.memory_space<hbm>> -> memref<1x25x80xi32, #tpu.memory_space<hbm>>
        %dma_wait3A_115 = tpu.memref_squeeze %dma_wait3A_114 : memref<1x25x80xi32, #tpu.memory_space<hbm>> -> memref<25x80xi32, #tpu.memory_space<hbm>>
        %dma_wait3A_116 = arith.constant 0 : i32
        %dma_wait3A_117 = arith.constant 0 : i32
        %dma_wait3A_118 = arith.constant 0 : i32
        %dma_wait3A_119 = tpu.memref_slice %arg4[%add3A, %dma_wait3A_116, %dma_wait3A_117, %dma_wait3A_118] : memref<32x5x25x80xi32, #tpu.memory_space<hbm>> -> memref<1x5x25x80xi32, #tpu.memory_space<hbm>>
        %dma_wait3A_120 = tpu.memref_squeeze %dma_wait3A_119 : memref<1x5x25x80xi32, #tpu.memory_space<hbm>> -> memref<5x25x80xi32, #tpu.memory_space<hbm>>
        %dma_wait3A_121 = arith.constant 0 : i32
        %dma_wait3A_122 = arith.constant 0 : i32
        %dma_wait3A_123 = tpu.memref_slice %dma_wait3A_120[%add3A_20, %dma_wait3A_121, %dma_wait3A_122] : memref<5x25x80xi32, #tpu.memory_space<hbm>> -> memref<1x25x80xi32, #tpu.memory_space<hbm>>
        %dma_wait3A_124 = tpu.memref_squeeze %dma_wait3A_123 : memref<1x25x80xi32, #tpu.memory_space<hbm>> -> memref<25x80xi32, #tpu.memory_space<hbm>>
        tpu.wait_dma2 semaphore(%run_scoped3A_88 : memref<!tpu.dma_semaphore, #tpu.memory_space<semaphore_mem>>) src(%dma_wait3A_124 : memref<25x80xi32, #tpu.memory_space<hbm>>) dst(%arg8 : memref<25x80xi32, #tpu.memory_space<vmem>>)
        tpu.yield
      }) : () -> ()
      "tpu.region"() ({
        %run_scoped3A_88 = tpu.sem_alloc : memref<!tpu.dma_semaphore, #tpu.memory_space<semaphore_mem>>
        %dma_start3A_89 = arith.constant 0 : i32
        %dma_start3A_90 = arith.constant 0 : i32
        %dma_start3A_91 = arith.constant 0 : i32
        %dma_start3A_92 = tpu.memref_slice %arg5[%add3A, %dma_start3A_89, %dma_start3A_90, %dma_start3A_91] : memref<32x5x25x80xf32, #tpu.memory_space<hbm>> -> memref<1x5x25x80xf32, #tpu.memory_space<hbm>>
        %dma_start3A_93 = tpu.memref_squeeze %dma_start3A_92 : memref<1x5x25x80xf32, #tpu.memory_space<hbm>> -> memref<5x25x80xf32, #tpu.memory_space<hbm>>
        %dma_start3A_94 = arith.constant 0 : i32
        %dma_start3A_95 = arith.constant 0 : i32
        %dma_start3A_96 = tpu.memref_slice %dma_start3A_93[%add3A_20, %dma_start3A_94, %dma_start3A_95] : memref<5x25x80xf32, #tpu.memory_space<hbm>> -> memref<1x25x80xf32, #tpu.memory_space<hbm>>
        %dma_start3A_97 = tpu.memref_squeeze %dma_start3A_96 : memref<1x25x80xf32, #tpu.memory_space<hbm>> -> memref<25x80xf32, #tpu.memory_space<hbm>>
        %dma_start3A_98 = arith.constant 0 : i32
        %dma_start3A_99 = arith.constant 0 : i32
        %dma_start3A_100 = arith.constant 0 : i32
        %dma_start3A_101 = tpu.memref_slice %arg5[%add3A, %dma_start3A_98, %dma_start3A_99, %dma_start3A_100] : memref<32x5x25x80xf32, #tpu.memory_space<hbm>> -> memref<1x5x25x80xf32, #tpu.memory_space<hbm>>
        %dma_start3A_102 = tpu.memref_squeeze %dma_start3A_101 : memref<1x5x25x80xf32, #tpu.memory_space<hbm>> -> memref<5x25x80xf32, #tpu.memory_space<hbm>>
        %dma_start3A_103 = arith.constant 0 : i32
        %dma_start3A_104 = arith.constant 0 : i32
        %dma_start3A_105 = tpu.memref_slice %dma_start3A_102[%add3A_20, %dma_start3A_103, %dma_start3A_104] : memref<5x25x80xf32, #tpu.memory_space<hbm>> -> memref<1x25x80xf32, #tpu.memory_space<hbm>>
        %dma_start3A_106 = tpu.memref_squeeze %dma_start3A_105 : memref<1x25x80xf32, #tpu.memory_space<hbm>> -> memref<25x80xf32, #tpu.memory_space<hbm>>
        tpu.enqueue_dma source(%dma_start3A_106 : memref<25x80xf32, #tpu.memory_space<hbm>>) target(%arg9 : memref<25x80xf32, #tpu.memory_space<vmem>>) target_semaphore(%run_scoped3A_88 : memref<!tpu.dma_semaphore, #tpu.memory_space<semaphore_mem>>)
        %dma_wait3A_107 = arith.constant 0 : i32
        %dma_wait3A_108 = arith.constant 0 : i32
        %dma_wait3A_109 = arith.constant 0 : i32
        %dma_wait3A_110 = tpu.memref_slice %arg5[%add3A, %dma_wait3A_107, %dma_wait3A_108, %dma_wait3A_109] : memref<32x5x25x80xf32, #tpu.memory_space<hbm>> -> memref<1x5x25x80xf32, #tpu.memory_space<hbm>>
        %dma_wait3A_111 = tpu.memref_squeeze %dma_wait3A_110 : memref<1x5x25x80xf32, #tpu.memory_space<hbm>> -> memref<5x25x80xf32, #tpu.memory_space<hbm>>
        %dma_wait3A_112 = arith.constant 0 : i32
        %dma_wait3A_113 = arith.constant 0 : i32
        %dma_wait3A_114 = tpu.memref_slice %dma_wait3A_111[%add3A_20, %dma_wait3A_112, %dma_wait3A_113] : memref<5x25x80xf32, #tpu.memory_space<hbm>> -> memref<1x25x80xf32, #tpu.memory_space<hbm>>
        %dma_wait3A_115 = tpu.memref_squeeze %dma_wait3A_114 : memref<1x25x80xf32, #tpu.memory_space<hbm>> -> memref<25x80xf32, #tpu.memory_space<hbm>>
        %dma_wait3A_116 = arith.constant 0 : i32
        %dma_wait3A_117 = arith.constant 0 : i32
        %dma_wait3A_118 = arith.constant 0 : i32
        %dma_wait3A_119 = tpu.memref_slice %arg5[%add3A, %dma_wait3A_116, %dma_wait3A_117, %dma_wait3A_118] : memref<32x5x25x80xf32, #tpu.memory_space<hbm>> -> memref<1x5x25x80xf32, #tpu.memory_space<hbm>>
        %dma_wait3A_120 = tpu.memref_squeeze %dma_wait3A_119 : memref<1x5x25x80xf32, #tpu.memory_space<hbm>> -> memref<5x25x80xf32, #tpu.memory_space<hbm>>
        %dma_wait3A_121 = arith.constant 0 : i32
        %dma_wait3A_122 = arith.constant 0 : i32
        %dma_wait3A_123 = tpu.memref_slice %dma_wait3A_120[%add3A_20, %dma_wait3A_121, %dma_wait3A_122] : memref<5x25x80xf32, #tpu.memory_space<hbm>> -> memref<1x25x80xf32, #tpu.memory_space<hbm>>
        %dma_wait3A_124 = tpu.memref_squeeze %dma_wait3A_123 : memref<1x25x80xf32, #tpu.memory_space<hbm>> -> memref<25x80xf32, #tpu.memory_space<hbm>>
        tpu.wait_dma2 semaphore(%run_scoped3A_88 : memref<!tpu.dma_semaphore, #tpu.memory_space<semaphore_mem>>) src(%dma_wait3A_124 : memref<25x80xf32, #tpu.memory_space<hbm>>) dst(%arg9 : memref<25x80xf32, #tpu.memory_space<vmem>>)
        tpu.yield
      }) : () -> ()
      %dma_start3A = arith.constant 0 : i32
      %dma_start3A_21 = arith.constant 0 : i32
      %dma_start3A_22 = tpu.memref_slice %arg7[%dma_start3A, %dma_start3A_21] : memref<25x80xi32, #tpu.memory_space<vmem>> -> memref<1x80xi32, #tpu.memory_space<vmem>>
      %dma_start3A_23 = tpu.memref_squeeze %dma_start3A_22 : memref<1x80xi32, #tpu.memory_space<vmem>> -> memref<80xi32, #tpu.memory_space<vmem>>
      %dma_start3A_24 = arith.constant 0 : i32
      %dma_start3A_25 = arith.constant 0 : i32
      %dma_start3A_26 = tpu.memref_slice %arg2[%dma_start3A_24, %dma_start3A_25] : memref<10240x128xf32, #tpu.memory_space<hbm>> -> memref<10240x128xf32, #tpu.memory_space<hbm>>
      tpu.enqueue_indirect_dma source(%dma_start3A_26 : memref<10240x128xf32, #tpu.memory_space<hbm>>) target(%arg10 : memref<80x128xf32, #tpu.memory_space<vmem>>) offsets(%dma_start3A_23 : memref<80xi32, #tpu.memory_space<vmem>>) semaphore(%arg13 : memref<!tpu.dma_semaphore, #tpu.memory_space<semaphore_mem>>)
      %dma_start3A_27 = arith.constant 1 : i32
      %dma_start3A_28 = arith.constant 0 : i32
      %dma_start3A_29 = tpu.memref_slice %arg7[%dma_start3A_27, %dma_start3A_28] : memref<25x80xi32, #tpu.memory_space<vmem>> -> memref<1x80xi32, #tpu.memory_space<vmem>>
      %dma_start3A_30 = tpu.memref_squeeze %dma_start3A_29 : memref<1x80xi32, #tpu.memory_space<vmem>> -> memref<80xi32, #tpu.memory_space<vmem>>
      %dma_start3A_31 = arith.constant 0 : i32
      %dma_start3A_32 = arith.constant 0 : i32
      %dma_start3A_33 = tpu.memref_slice %arg2[%dma_start3A_31, %dma_start3A_32] : memref<10240x128xf32, #tpu.memory_space<hbm>> -> memref<10240x128xf32, #tpu.memory_space<hbm>>
      tpu.enqueue_indirect_dma source(%dma_start3A_33 : memref<10240x128xf32, #tpu.memory_space<hbm>>) target(%arg11 : memref<80x128xf32, #tpu.memory_space<vmem>>) offsets(%dma_start3A_30 : memref<80xi32, #tpu.memory_space<vmem>>) semaphore(%arg14 : memref<!tpu.dma_semaphore, #tpu.memory_space<semaphore_mem>>)
      %scan3A_34 = arith.constant 0 : i32
      %scan3A_35 = arith.constant 11 : i32
      %scan3A_36 = arith.addi %scan3A_34, %scan3A_35 : i32
      %scan3A_37 = arith.constant 1 : i32
      scf.for %scan3A_88 = %scan3A_34 to %scan3A_36 step %scan3A_37  : i32 {
        %mul3A_89 = arith.constant 2 : i32
        %mul3A_90 = arith.muli %scan3A_88, %mul3A_89 : i32
        %add3A_91 = arith.constant 0 : i32
        %add3A_92 = arith.addi %add3A_91, %mul3A_90 : i32
        %add3A_93 = arith.constant 0 : i32
        %add3A_94 = arith.addi %add3A_92, %add3A_93 : i32
        %dma_wait3A_95 = arith.constant 0 : i32
        %dma_wait3A_96 = tpu.memref_slice %arg7[%add3A_94, %dma_wait3A_95] : memref<25x80xi32, #tpu.memory_space<vmem>> -> memref<1x80xi32, #tpu.memory_space<vmem>>
        %dma_wait3A_97 = tpu.memref_squeeze %dma_wait3A_96 : memref<1x80xi32, #tpu.memory_space<vmem>> -> memref<80xi32, #tpu.memory_space<vmem>>
        %dma_wait3A_98 = arith.constant 0 : i32
        %dma_wait3A_99 = arith.constant 0 : i32
        %dma_wait3A_100 = tpu.memref_slice %arg2[%dma_wait3A_98, %dma_wait3A_99] : memref<10240x128xf32, #tpu.memory_space<hbm>> -> memref<10240x128xf32, #tpu.memory_space<hbm>>
        tpu.wait_indirect_dma semaphore(%arg13 : memref<!tpu.dma_semaphore, #tpu.memory_space<semaphore_mem>>) src(%dma_wait3A_100 : memref<10240x128xf32, #tpu.memory_space<hbm>>) dst(%arg10 : memref<80x128xf32, #tpu.memory_space<vmem>>)
        %broadcast_in_dim3A_101 = vector.broadcast %add3A_94 : i32 to vector<16xi32>
        %scan3A_102 = arith.constant 0 : i32
        %scan3A_103 = arith.constant 40 : i32
        %scan3A_104 = arith.addi %scan3A_102, %scan3A_103 : i32
        %scan3A_105 = arith.constant 1 : i32
        scf.for %scan3A_137 = %scan3A_102 to %scan3A_104 step %scan3A_105  : i32 {
          %mul3A_138 = arith.constant 2 : i32
          %mul3A_139 = arith.muli %scan3A_137, %mul3A_138 : i32
          %add3A_140 = arith.constant 0 : i32
          %add3A_141 = arith.addi %add3A_140, %mul3A_139 : i32
          %add3A_142 = arith.constant 0 : i32
          %add3A_143 = arith.addi %add3A_141, %add3A_142 : i32
          %broadcast_in_dim3A_144 = vector.broadcast %add3A_143 : i32 to vector<16xi32>
          %gather3A = tpu.vector_load_idx %arg9[%broadcast_in_dim3A_101, %broadcast_in_dim3A_144] : memref<25x80xf32, #tpu.memory_space<vmem>>[vector<16xi32>, vector<16xi32>], vector<16xf32>,
          %get3A = arith.index_cast %add3A_143 : i32 to index
          %get3A_145 = arith.constant 0 : index
          %get3A_146 = tpu.vector_load %arg10[%get3A, %get3A_145] {strides = array<i32>} : memref<80x128xf32, #tpu.memory_space<vmem>>, vector<16xf32>,
          %mul3A_147 = arith.mulf %get3A_146, %gather3A : vector<16xf32>
          %swap3A = arith.index_cast %add3A_143 : i32 to index
          %swap3A_148 = arith.constant 0 : index
          %swap3A_149 = tpu.vector_load %arg10[%swap3A, %swap3A_148] {strides = array<i32>} : memref<80x128xf32, #tpu.memory_space<vmem>>, vector<16xf32>,
          tpu.vector_store %arg10[%swap3A, %swap3A_148], %mul3A_147 {strides = array<i32>} : memref<80x128xf32, #tpu.memory_space<vmem>>, vector<16xf32>,
          %get3A_150 = arith.index_cast %add3A_143 : i32 to index
          %get3A_151 = arith.constant 16 : index
          %get3A_152 = tpu.vector_load %arg10[%get3A_150, %get3A_151] {strides = array<i32>} : memref<80x128xf32, #tpu.memory_space<vmem>>, vector<16xf32>,
          %mul3A_153 = arith.mulf %get3A_152, %gather3A : vector<16xf32>
          %swap3A_154 = arith.index_cast %add3A_143 : i32 to index
          %swap3A_155 = arith.constant 16 : index
          %swap3A_156 = tpu.vector_load %arg10[%swap3A_154, %swap3A_155] {strides = array<i32>} : memref<80x128xf32, #tpu.memory_space<vmem>>, vector<16xf32>,
          tpu.vector_store %arg10[%swap3A_154, %swap3A_155], %mul3A_153 {strides = array<i32>} : memref<80x128xf32, #tpu.memory_space<vmem>>, vector<16xf32>,
          %get3A_157 = arith.index_cast %add3A_143 : i32 to index
          %get3A_158 = arith.constant 32 : index
          %get3A_159 = tpu.vector_load %arg10[%get3A_157, %get3A_158] {strides = array<i32>} : memref<80x128xf32, #tpu.memory_space<vmem>>, vector<16xf32>,
          %mul3A_160 = arith.mulf %get3A_159, %gather3A : vector<16xf32>
          %swap3A_161 = arith.index_cast %add3A_143 : i32 to index
          %swap3A_162 = arith.constant 32 : index
          %swap3A_163 = tpu.vector_load %arg10[%swap3A_161, %swap3A_162] {strides = array<i32>} : memref<80x128xf32, #tpu.memory_space<vmem>>, vector<16xf32>,
          tpu.vector_store %arg10[%swap3A_161, %swap3A_162], %mul3A_160 {strides = array<i32>} : memref<80x128xf32, #tpu.memory_space<vmem>>, vector<16xf32>,
          %get3A_164 = arith.index_cast %add3A_143 : i32 to index
          %get3A_165 = arith.constant 48 : index
          %get3A_166 = tpu.vector_load %arg10[%get3A_164, %get3A_165] {strides = array<i32>} : memref<80x128xf32, #tpu.memory_space<vmem>>, vector<16xf32>,
          %mul3A_167 = arith.mulf %get3A_166, %gather3A : vector<16xf32>
          %swap3A_168 = arith.index_cast %add3A_143 : i32 to index
          %swap3A_169 = arith.constant 48 : index
          %swap3A_170 = tpu.vector_load %arg10[%swap3A_168, %swap3A_169] {strides = array<i32>} : memref<80x128xf32, #tpu.memory_space<vmem>>, vector<16xf32>,
          tpu.vector_store %arg10[%swap3A_168, %swap3A_169], %mul3A_167 {strides = array<i32>} : memref<80x128xf32, #tpu.memory_space<vmem>>, vector<16xf32>,
          %get3A_171 = arith.index_cast %add3A_143 : i32 to index
          %get3A_172 = arith.constant 64 : index
          %get3A_173 = tpu.vector_load %arg10[%get3A_171, %get3A_172] {strides = array<i32>} : memref<80x128xf32, #tpu.memory_space<vmem>>, vector<16xf32>,
          %mul3A_174 = arith.mulf %get3A_173, %gather3A : vector<16xf32>
          %swap3A_175 = arith.index_cast %add3A_143 : i32 to index
          %swap3A_176 = arith.constant 64 : index
          %swap3A_177 = tpu.vector_load %arg10[%swap3A_175, %swap3A_176] {strides = array<i32>} : memref<80x128xf32, #tpu.memory_space<vmem>>, vector<16xf32>,
          tpu.vector_store %arg10[%swap3A_175, %swap3A_176], %mul3A_174 {strides = array<i32>} : memref<80x128xf32, #tpu.memory_space<vmem>>, vector<16xf32>,
          %get3A_178 = arith.index_cast %add3A_143 : i32 to index
          %get3A_179 = arith.constant 80 : index
          %get3A_180 = tpu.vector_load %arg10[%get3A_178, %get3A_179] {strides = array<i32>} : memref<80x128xf32, #tpu.memory_space<vmem>>, vector<16xf32>,
          %mul3A_181 = arith.mulf %get3A_180, %gather3A : vector<16xf32>
          %swap3A_182 = arith.index_cast %add3A_143 : i32 to index
          %swap3A_183 = arith.constant 80 : index
          %swap3A_184 = tpu.vector_load %arg10[%swap3A_182, %swap3A_183] {strides = array<i32>} : memref<80x128xf32, #tpu.memory_space<vmem>>, vector<16xf32>,
          tpu.vector_store %arg10[%swap3A_182, %swap3A_183], %mul3A_181 {strides = array<i32>} : memref<80x128xf32, #tpu.memory_space<vmem>>, vector<16xf32>,
          %get3A_185 = arith.index_cast %add3A_143 : i32 to index
          %get3A_186 = arith.constant 96 : index
          %get3A_187 = tpu.vector_load %arg10[%get3A_185, %get3A_186] {strides = array<i32>} : memref<80x128xf32, #tpu.memory_space<vmem>>, vector<16xf32>,
          %mul3A_188 = arith.mulf %get3A_187, %gather3A : vector<16xf32>
          %swap3A_189 = arith.index_cast %add3A_143 : i32 to index
          %swap3A_190 = arith.constant 96 : index
          %swap3A_191 = tpu.vector_load %arg10[%swap3A_189, %swap3A_190] {strides = array<i32>} : memref<80x128xf32, #tpu.memory_space<vmem>>, vector<16xf32>,
          tpu.vector_store %arg10[%swap3A_189, %swap3A_190], %mul3A_188 {strides = array<i32>} : memref<80x128xf32, #tpu.memory_space<vmem>>, vector<16xf32>,
          %get3A_192 = arith.index_cast %add3A_143 : i32 to index
          %get3A_193 = arith.constant 112 : index
          %get3A_194 = tpu.vector_load %arg10[%get3A_192, %get3A_193] {strides = array<i32>} : memref<80x128xf32, #tpu.memory_space<vmem>>, vector<16xf32>,
          %mul3A_195 = arith.mulf %get3A_194, %gather3A : vector<16xf32>
          %swap3A_196 = arith.index_cast %add3A_143 : i32 to index
          %swap3A_197 = arith.constant 112 : index
          %swap3A_198 = tpu.vector_load %arg10[%swap3A_196, %swap3A_197] {strides = array<i32>} : memref<80x128xf32, #tpu.memory_space<vmem>>, vector<16xf32>,
          tpu.vector_store %arg10[%swap3A_196, %swap3A_197], %mul3A_195 {strides = array<i32>} : memref<80x128xf32, #tpu.memory_space<vmem>>, vector<16xf32>,
          %add3A_199 = arith.constant 1 : i32
          %add3A_200 = arith.addi %add3A_141, %add3A_199 : i32
          %broadcast_in_dim3A_201 = vector.broadcast %add3A_200 : i32 to vector<16xi32>
          %gather3A_202 = tpu.vector_load_idx %arg9[%broadcast_in_dim3A_101, %broadcast_in_dim3A_201] : memref<25x80xf32, #tpu.memory_space<vmem>>[vector<16xi32>, vector<16xi32>], vector<16xf32>,
          %get3A_203 = arith.index_cast %add3A_200 : i32 to index
          %get3A_204 = arith.constant 0 : index
          %get3A_205 = tpu.vector_load %arg10[%get3A_203, %get3A_204] {strides = array<i32>} : memref<80x128xf32, #tpu.memory_space<vmem>>, vector<16xf32>,
          %mul3A_206 = arith.mulf %get3A_205, %gather3A_202 : vector<16xf32>
          %swap3A_207 = arith.index_cast %add3A_200 : i32 to index
          %swap3A_208 = arith.constant 0 : index
          %swap3A_209 = tpu.vector_load %arg10[%swap3A_207, %swap3A_208] {strides = array<i32>} : memref<80x128xf32, #tpu.memory_space<vmem>>, vector<16xf32>,
          tpu.vector_store %arg10[%swap3A_207, %swap3A_208], %mul3A_206 {strides = array<i32>} : memref<80x128xf32, #tpu.memory_space<vmem>>, vector<16xf32>,
          %get3A_210 = arith.index_cast %add3A_200 : i32 to index
          %get3A_211 = arith.constant 16 : index
          %get3A_212 = tpu.vector_load %arg10[%get3A_210, %get3A_211] {strides = array<i32>} : memref<80x128xf32, #tpu.memory_space<vmem>>, vector<16xf32>,
          %mul3A_213 = arith.mulf %get3A_212, %gather3A_202 : vector<16xf32>
          %swap3A_214 = arith.index_cast %add3A_200 : i32 to index
          %swap3A_215 = arith.constant 16 : index
          %swap3A_216 = tpu.vector_load %arg10[%swap3A_214, %swap3A_215] {strides = array<i32>} : memref<80x128xf32, #tpu.memory_space<vmem>>, vector<16xf32>,
          tpu.vector_store %arg10[%swap3A_214, %swap3A_215], %mul3A_213 {strides = array<i32>} : memref<80x128xf32, #tpu.memory_space<vmem>>, vector<16xf32>,
          %get3A_217 = arith.index_cast %add3A_200 : i32 to index
          %get3A_218 = arith.constant 32 : index
          %get3A_219 = tpu.vector_load %arg10[%get3A_217, %get3A_218] {strides = array<i32>} : memref<80x128xf32, #tpu.memory_space<vmem>>, vector<16xf32>,
          %mul3A_220 = arith.mulf %get3A_219, %gather3A_202 : vector<16xf32>
          %swap3A_221 = arith.index_cast %add3A_200 : i32 to index
          %swap3A_222 = arith.constant 32 : index
          %swap3A_223 = tpu.vector_load %arg10[%swap3A_221, %swap3A_222] {strides = array<i32>} : memref<80x128xf32, #tpu.memory_space<vmem>>, vector<16xf32>,
          tpu.vector_store %arg10[%swap3A_221, %swap3A_222], %mul3A_220 {strides = array<i32>} : memref<80x128xf32, #tpu.memory_space<vmem>>, vector<16xf32>,
          %get3A_224 = arith.index_cast %add3A_200 : i32 to index
          %get3A_225 = arith.constant 48 : index
          %get3A_226 = tpu.vector_load %arg10[%get3A_224, %get3A_225] {strides = array<i32>} : memref<80x128xf32, #tpu.memory_space<vmem>>, vector<16xf32>,
          %mul3A_227 = arith.mulf %get3A_226, %gather3A_202 : vector<16xf32>
          %swap3A_228 = arith.index_cast %add3A_200 : i32 to index
          %swap3A_229 = arith.constant 48 : index
          %swap3A_230 = tpu.vector_load %arg10[%swap3A_228, %swap3A_229] {strides = array<i32>} : memref<80x128xf32, #tpu.memory_space<vmem>>, vector<16xf32>,
          tpu.vector_store %arg10[%swap3A_228, %swap3A_229], %mul3A_227 {strides = array<i32>} : memref<80x128xf32, #tpu.memory_space<vmem>>, vector<16xf32>,
          %get3A_231 = arith.index_cast %add3A_200 : i32 to index
          %get3A_232 = arith.constant 64 : index
          %get3A_233 = tpu.vector_load %arg10[%get3A_231, %get3A_232] {strides = array<i32>} : memref<80x128xf32, #tpu.memory_space<vmem>>, vector<16xf32>,
          %mul3A_234 = arith.mulf %get3A_233, %gather3A_202 : vector<16xf32>
          %swap3A_235 = arith.index_cast %add3A_200 : i32 to index
          %swap3A_236 = arith.constant 64 : index
          %swap3A_237 = tpu.vector_load %arg10[%swap3A_235, %swap3A_236] {strides = array<i32>} : memref<80x128xf32, #tpu.memory_space<vmem>>, vector<16xf32>,
          tpu.vector_store %arg10[%swap3A_235, %swap3A_236], %mul3A_234 {strides = array<i32>} : memref<80x128xf32, #tpu.memory_space<vmem>>, vector<16xf32>,
          %get3A_238 = arith.index_cast %add3A_200 : i32 to index
          %get3A_239 = arith.constant 80 : index
          %get3A_240 = tpu.vector_load %arg10[%get3A_238, %get3A_239] {strides = array<i32>} : memref<80x128xf32, #tpu.memory_space<vmem>>, vector<16xf32>,
          %mul3A_241 = arith.mulf %get3A_240, %gather3A_202 : vector<16xf32>
          %swap3A_242 = arith.index_cast %add3A_200 : i32 to index
          %swap3A_243 = arith.constant 80 : index
          %swap3A_244 = tpu.vector_load %arg10[%swap3A_242, %swap3A_243] {strides = array<i32>} : memref<80x128xf32, #tpu.memory_space<vmem>>, vector<16xf32>,
          tpu.vector_store %arg10[%swap3A_242, %swap3A_243], %mul3A_241 {strides = array<i32>} : memref<80x128xf32, #tpu.memory_space<vmem>>, vector<16xf32>,
          %get3A_245 = arith.index_cast %add3A_200 : i32 to index
          %get3A_246 = arith.constant 96 : index
          %get3A_247 = tpu.vector_load %arg10[%get3A_245, %get3A_246] {strides = array<i32>} : memref<80x128xf32, #tpu.memory_space<vmem>>, vector<16xf32>,
          %mul3A_248 = arith.mulf %get3A_247, %gather3A_202 : vector<16xf32>
          %swap3A_249 = arith.index_cast %add3A_200 : i32 to index
          %swap3A_250 = arith.constant 96 : index
          %swap3A_251 = tpu.vector_load %arg10[%swap3A_249, %swap3A_250] {strides = array<i32>} : memref<80x128xf32, #tpu.memory_space<vmem>>, vector<16xf32>,
          tpu.vector_store %arg10[%swap3A_249, %swap3A_250], %mul3A_248 {strides = array<i32>} : memref<80x128xf32, #tpu.memory_space<vmem>>, vector<16xf32>,
          %get3A_252 = arith.index_cast %add3A_200 : i32 to index
          %get3A_253 = arith.constant 112 : index
          %get3A_254 = tpu.vector_load %arg10[%get3A_252, %get3A_253] {strides = array<i32>} : memref<80x128xf32, #tpu.memory_space<vmem>>, vector<16xf32>,
          %mul3A_255 = arith.mulf %get3A_254, %gather3A_202 : vector<16xf32>
          %swap3A_256 = arith.index_cast %add3A_200 : i32 to index
          %swap3A_257 = arith.constant 112 : index
          %swap3A_258 = tpu.vector_load %arg10[%swap3A_256, %swap3A_257] {strides = array<i32>} : memref<80x128xf32, #tpu.memory_space<vmem>>, vector<16xf32>,
          tpu.vector_store %arg10[%swap3A_256, %swap3A_257], %mul3A_255 {strides = array<i32>} : memref<80x128xf32, #tpu.memory_space<vmem>>, vector<16xf32>,
        }
        %scan3A_106 = arith.constant 40 : i32
        "tpu.region"() ({
          %run_scoped3A_137 = tpu.sem_alloc : memref<!tpu.dma_semaphore, #tpu.memory_space<semaphore_mem>>
          %dma_start3A_138 = arith.constant 0 : i32
          %dma_start3A_139 = tpu.memref_slice %arg8[%add3A_94, %dma_start3A_138] : memref<25x80xi32, #tpu.memory_space<vmem>> -> memref<1x80xi32, #tpu.memory_space<vmem>>
          %dma_start3A_140 = tpu.memref_squeeze %dma_start3A_139 : memref<1x80xi32, #tpu.memory_space<vmem>> -> memref<80xi32, #tpu.memory_space<vmem>>
          %dma_start3A_141 = arith.constant 0 : i32
          %dma_start3A_142 = arith.constant 0 : i32
          %dma_start3A_143 = tpu.memref_slice %arg12[%dma_start3A_141, %dma_start3A_142] : memref<10240x128xf32, #tpu.memory_space<vmem_shared>> -> memref<10240x128xf32, #tpu.memory_space<vmem_shared>>
          tpu.enqueue_indirect_dma source(%arg10 : memref<80x128xf32, #tpu.memory_space<vmem>>) target(%dma_start3A_143 : memref<10240x128xf32, #tpu.memory_space<vmem_shared>>) offsets(%dma_start3A_140 : memref<80xi32, #tpu.memory_space<vmem>>) semaphore(%run_scoped3A_137 : memref<!tpu.dma_semaphore, #tpu.memory_space<semaphore_mem>>) {add = true}
          %dma_wait3A_144 = arith.constant 0 : i32
          %dma_wait3A_145 = tpu.memref_slice %arg8[%add3A_94, %dma_wait3A_144] : memref<25x80xi32, #tpu.memory_space<vmem>> -> memref<1x80xi32, #tpu.memory_space<vmem>>
          %dma_wait3A_146 = tpu.memref_squeeze %dma_wait3A_145 : memref<1x80xi32, #tpu.memory_space<vmem>> -> memref<80xi32, #tpu.memory_space<vmem>>
          %dma_wait3A_147 = arith.constant 0 : i32
          %dma_wait3A_148 = arith.constant 0 : i32
          %dma_wait3A_149 = tpu.memref_slice %arg12[%dma_wait3A_147, %dma_wait3A_148] : memref<10240x128xf32, #tpu.memory_space<vmem_shared>> -> memref<10240x128xf32, #tpu.memory_space<vmem_shared>>
          tpu.wait_indirect_dma semaphore(%run_scoped3A_137 : memref<!tpu.dma_semaphore, #tpu.memory_space<semaphore_mem>>) src(%arg10 : memref<80x128xf32, #tpu.memory_space<vmem>>) dst(%dma_wait3A_149 : memref<10240x128xf32, #tpu.memory_space<vmem_shared>>)
          tpu.yield
        }) : () -> ()
        %add3A_107 = arith.constant 2 : i32
        %add3A_108 = arith.addi %add3A_94, %add3A_107 : i32
        %dma_start3A_109 = arith.constant 0 : i32
        %dma_start3A_110 = tpu.memref_slice %arg7[%add3A_108, %dma_start3A_109] : memref<25x80xi32, #tpu.memory_space<vmem>> -> memref<1x80xi32, #tpu.memory_space<vmem>>
        %dma_start3A_111 = tpu.memref_squeeze %dma_start3A_110 : memref<1x80xi32, #tpu.memory_space<vmem>> -> memref<80xi32, #tpu.memory_space<vmem>>
        %dma_start3A_112 = arith.constant 0 : i32
        %dma_start3A_113 = arith.constant 0 : i32
        %dma_start3A_114 = tpu.memref_slice %arg2[%dma_start3A_112, %dma_start3A_113] : memref<10240x128xf32, #tpu.memory_space<hbm>> -> memref<10240x128xf32, #tpu.memory_space<hbm>>
        tpu.enqueue_indirect_dma source(%dma_start3A_114 : memref<10240x128xf32, #tpu.memory_space<hbm>>) target(%arg10 : memref<80x128xf32, #tpu.memory_space<vmem>>) offsets(%dma_start3A_111 : memref<80xi32, #tpu.memory_space<vmem>>) semaphore(%arg13 : memref<!tpu.dma_semaphore, #tpu.memory_space<semaphore_mem>>)
        %add3A_115 = arith.constant 1 : i32
        %add3A_116 = arith.addi %add3A_92, %add3A_115 : i32
        %dma_wait3A_117 = arith.constant 0 : i32
        %dma_wait3A_118 = tpu.memref_slice %arg7[%add3A_116, %dma_wait3A_117] : memref<25x80xi32, #tpu.memory_space<vmem>> -> memref<1x80xi32, #tpu.memory_space<vmem>>
        %dma_wait3A_119 = tpu.memref_squeeze %dma_wait3A_118 : memref<1x80xi32, #tpu.memory_space<vmem>> -> memref<80xi32, #tpu.memory_space<vmem>>
        %dma_wait3A_120 = arith.constant 0 : i32
        %dma_wait3A_121 = arith.constant 0 : i32
        %dma_wait3A_122 = tpu.memref_slice %arg2[%dma_wait3A_120, %dma_wait3A_121] : memref<10240x128xf32, #tpu.memory_space<hbm>> -> memref<10240x128xf32, #tpu.memory_space<hbm>>
        tpu.wait_indirect_dma semaphore(%arg14 : memref<!tpu.dma_semaphore, #tpu.memory_space<semaphore_mem>>) src(%dma_wait3A_122 : memref<10240x128xf32, #tpu.memory_space<hbm>>) dst(%arg11 : memref<80x128xf32, #tpu.memory_space<vmem>>)
        %broadcast_in_dim3A_123 = vector.broadcast %add3A_116 : i32 to vector<16xi32>
        %scan3A_124 = arith.constant 0 : i32
        %scan3A_125 = arith.constant 40 : i32
        %scan3A_126 = arith.addi %scan3A_124, %scan3A_125 : i32
        %scan3A_127 = arith.constant 1 : i32
        scf.for %scan3A_137 = %scan3A_124 to %scan3A_126 step %scan3A_127  : i32 {
          %mul3A_138 = arith.constant 2 : i32
          %mul3A_139 = arith.muli %scan3A_137, %mul3A_138 : i32
          %add3A_140 = arith.constant 0 : i32
          %add3A_141 = arith.addi %add3A_140, %mul3A_139 : i32
          %add3A_142 = arith.constant 0 : i32
          %add3A_143 = arith.addi %add3A_141, %add3A_142 : i32
          %broadcast_in_dim3A_144 = vector.broadcast %add3A_143 : i32 to vector<16xi32>
          %gather3A = tpu.vector_load_idx %arg9[%broadcast_in_dim3A_123, %broadcast_in_dim3A_144] : memref<25x80xf32, #tpu.memory_space<vmem>>[vector<16xi32>, vector<16xi32>], vector<16xf32>,
          %get3A = arith.index_cast %add3A_143 : i32 to index
          %get3A_145 = arith.constant 0 : index
          %get3A_146 = tpu.vector_load %arg11[%get3A, %get3A_145] {strides = array<i32>} : memref<80x128xf32, #tpu.memory_space<vmem>>, vector<16xf32>,
          %mul3A_147 = arith.mulf %get3A_146, %gather3A : vector<16xf32>
          %swap3A = arith.index_cast %add3A_143 : i32 to index
          %swap3A_148 = arith.constant 0 : index
          %swap3A_149 = tpu.vector_load %arg11[%swap3A, %swap3A_148] {strides = array<i32>} : memref<80x128xf32, #tpu.memory_space<vmem>>, vector<16xf32>,
          tpu.vector_store %arg11[%swap3A, %swap3A_148], %mul3A_147 {strides = array<i32>} : memref<80x128xf32, #tpu.memory_space<vmem>>, vector<16xf32>,
          %get3A_150 = arith.index_cast %add3A_143 : i32 to index
          %get3A_151 = arith.constant 16 : index
          %get3A_152 = tpu.vector_load %arg11[%get3A_150, %get3A_151] {strides = array<i32>} : memref<80x128xf32, #tpu.memory_space<vmem>>, vector<16xf32>,
          %mul3A_153 = arith.mulf %get3A_152, %gather3A : vector<16xf32>
          %swap3A_154 = arith.index_cast %add3A_143 : i32 to index
          %swap3A_155 = arith.constant 16 : index
          %swap3A_156 = tpu.vector_load %arg11[%swap3A_154, %swap3A_155] {strides = array<i32>} : memref<80x128xf32, #tpu.memory_space<vmem>>, vector<16xf32>,
          tpu.vector_store %arg11[%swap3A_154, %swap3A_155], %mul3A_153 {strides = array<i32>} : memref<80x128xf32, #tpu.memory_space<vmem>>, vector<16xf32>,
          %get3A_157 = arith.index_cast %add3A_143 : i32 to index
          %get3A_158 = arith.constant 32 : index
          %get3A_159 = tpu.vector_load %arg11[%get3A_157, %get3A_158] {strides = array<i32>} : memref<80x128xf32, #tpu.memory_space<vmem>>, vector<16xf32>,
          %mul3A_160 = arith.mulf %get3A_159, %gather3A : vector<16xf32>
          %swap3A_161 = arith.index_cast %add3A_143 : i32 to index
          %swap3A_162 = arith.constant 32 : index
          %swap3A_163 = tpu.vector_load %arg11[%swap3A_161, %swap3A_162] {strides = array<i32>} : memref<80x128xf32, #tpu.memory_space<vmem>>, vector<16xf32>,
          tpu.vector_store %arg11[%swap3A_161, %swap3A_162], %mul3A_160 {strides = array<i32>} : memref<80x128xf32, #tpu.memory_space<vmem>>, vector<16xf32>,
          %get3A_164 = arith.index_cast %add3A_143 : i32 to index
          %get3A_165 = arith.constant 48 : index
          %get3A_166 = tpu.vector_load %arg11[%get3A_164, %get3A_165] {strides = array<i32>} : memref<80x128xf32, #tpu.memory_space<vmem>>, vector<16xf32>,
          %mul3A_167 = arith.mulf %get3A_166, %gather3A : vector<16xf32>
          %swap3A_168 = arith.index_cast %add3A_143 : i32 to index
          %swap3A_169 = arith.constant 48 : index
          %swap3A_170 = tpu.vector_load %arg11[%swap3A_168, %swap3A_169] {strides = array<i32>} : memref<80x128xf32, #tpu.memory_space<vmem>>, vector<16xf32>,
          tpu.vector_store %arg11[%swap3A_168, %swap3A_169], %mul3A_167 {strides = array<i32>} : memref<80x128xf32, #tpu.memory_space<vmem>>, vector<16xf32>,
          %get3A_171 = arith.index_cast %add3A_143 : i32 to index
          %get3A_172 = arith.constant 64 : index
          %get3A_173 = tpu.vector_load %arg11[%get3A_171, %get3A_172] {strides = array<i32>} : memref<80x128xf32, #tpu.memory_space<vmem>>, vector<16xf32>,
          %mul3A_174 = arith.mulf %get3A_173, %gather3A : vector<16xf32>
          %swap3A_175 = arith.index_cast %add3A_143 : i32 to index
          %swap3A_176 = arith.constant 64 : index
          %swap3A_177 = tpu.vector_load %arg11[%swap3A_175, %swap3A_176] {strides = array<i32>} : memref<80x128xf32, #tpu.memory_space<vmem>>, vector<16xf32>,
          tpu.vector_store %arg11[%swap3A_175, %swap3A_176], %mul3A_174 {strides = array<i32>} : memref<80x128xf32, #tpu.memory_space<vmem>>, vector<16xf32>,
          %get3A_178 = arith.index_cast %add3A_143 : i32 to index
          %get3A_179 = arith.constant 80 : index
          %get3A_180 = tpu.vector_load %arg11[%get3A_178, %get3A_179] {strides = array<i32>} : memref<80x128xf32, #tpu.memory_space<vmem>>, vector<16xf32>,
          %mul3A_181 = arith.mulf %get3A_180, %gather3A : vector<16xf32>
          %swap3A_182 = arith.index_cast %add3A_143 : i32 to index
          %swap3A_183 = arith.constant 80 : index
          %swap3A_184 = tpu.vector_load %arg11[%swap3A_182, %swap3A_183] {strides = array<i32>} : memref<80x128xf32, #tpu.memory_space<vmem>>, vector<16xf32>,
          tpu.vector_store %arg11[%swap3A_182, %swap3A_183], %mul3A_181 {strides = array<i32>} : memref<80x128xf32, #tpu.memory_space<vmem>>, vector<16xf32>,
          %get3A_185 = arith.index_cast %add3A_143 : i32 to index
          %get3A_186 = arith.constant 96 : index
          %get3A_187 = tpu.vector_load %arg11[%get3A_185, %get3A_186] {strides = array<i32>} : memref<80x128xf32, #tpu.memory_space<vmem>>, vector<16xf32>,
          %mul3A_188 = arith.mulf %get3A_187, %gather3A : vector<16xf32>
          %swap3A_189 = arith.index_cast %add3A_143 : i32 to index
          %swap3A_190 = arith.constant 96 : index
          %swap3A_191 = tpu.vector_load %arg11[%swap3A_189, %swap3A_190] {strides = array<i32>} : memref<80x128xf32, #tpu.memory_space<vmem>>, vector<16xf32>,
          tpu.vector_store %arg11[%swap3A_189, %swap3A_190], %mul3A_188 {strides = array<i32>} : memref<80x128xf32, #tpu.memory_space<vmem>>, vector<16xf32>,
          %get3A_192 = arith.index_cast %add3A_143 : i32 to index
          %get3A_193 = arith.constant 112 : index
          %get3A_194 = tpu.vector_load %arg11[%get3A_192, %get3A_193] {strides = array<i32>} : memref<80x128xf32, #tpu.memory_space<vmem>>, vector<16xf32>,
          %mul3A_195 = arith.mulf %get3A_194, %gather3A : vector<16xf32>
          %swap3A_196 = arith.index_cast %add3A_143 : i32 to index
          %swap3A_197 = arith.constant 112 : index
          %swap3A_198 = tpu.vector_load %arg11[%swap3A_196, %swap3A_197] {strides = array<i32>} : memref<80x128xf32, #tpu.memory_space<vmem>>, vector<16xf32>,
          tpu.vector_store %arg11[%swap3A_196, %swap3A_197], %mul3A_195 {strides = array<i32>} : memref<80x128xf32, #tpu.memory_space<vmem>>, vector<16xf32>,
          %add3A_199 = arith.constant 1 : i32
          %add3A_200 = arith.addi %add3A_141, %add3A_199 : i32
          %broadcast_in_dim3A_201 = vector.broadcast %add3A_200 : i32 to vector<16xi32>
          %gather3A_202 = tpu.vector_load_idx %arg9[%broadcast_in_dim3A_123, %broadcast_in_dim3A_201] : memref<25x80xf32, #tpu.memory_space<vmem>>[vector<16xi32>, vector<16xi32>], vector<16xf32>,
          %get3A_203 = arith.index_cast %add3A_200 : i32 to index
          %get3A_204 = arith.constant 0 : index
          %get3A_205 = tpu.vector_load %arg11[%get3A_203, %get3A_204] {strides = array<i32>} : memref<80x128xf32, #tpu.memory_space<vmem>>, vector<16xf32>,
          %mul3A_206 = arith.mulf %get3A_205, %gather3A_202 : vector<16xf32>
          %swap3A_207 = arith.index_cast %add3A_200 : i32 to index
          %swap3A_208 = arith.constant 0 : index
          %swap3A_209 = tpu.vector_load %arg11[%swap3A_207, %swap3A_208] {strides = array<i32>} : memref<80x128xf32, #tpu.memory_space<vmem>>, vector<16xf32>,
          tpu.vector_store %arg11[%swap3A_207, %swap3A_208], %mul3A_206 {strides = array<i32>} : memref<80x128xf32, #tpu.memory_space<vmem>>, vector<16xf32>,
          %get3A_210 = arith.index_cast %add3A_200 : i32 to index
          %get3A_211 = arith.constant 16 : index
          %get3A_212 = tpu.vector_load %arg11[%get3A_210, %get3A_211] {strides = array<i32>} : memref<80x128xf32, #tpu.memory_space<vmem>>, vector<16xf32>,
          %mul3A_213 = arith.mulf %get3A_212, %gather3A_202 : vector<16xf32>
          %swap3A_214 = arith.index_cast %add3A_200 : i32 to index
          %swap3A_215 = arith.constant 16 : index
          %swap3A_216 = tpu.vector_load %arg11[%swap3A_214, %swap3A_215] {strides = array<i32>} : memref<80x128xf32, #tpu.memory_space<vmem>>, vector<16xf32>,
          tpu.vector_store %arg11[%swap3A_214, %swap3A_215], %mul3A_213 {strides = array<i32>} : memref<80x128xf32, #tpu.memory_space<vmem>>, vector<16xf32>,
          %get3A_217 = arith.index_cast %add3A_200 : i32 to index
          %get3A_218 = arith.constant 32 : index
          %get3A_219 = tpu.vector_load %arg11[%get3A_217, %get3A_218] {strides = array<i32>} : memref<80x128xf32, #tpu.memory_space<vmem>>, vector<16xf32>,
          %mul3A_220 = arith.mulf %get3A_219, %gather3A_202 : vector<16xf32>
          %swap3A_221 = arith.index_cast %add3A_200 : i32 to index
          %swap3A_222 = arith.constant 32 : index
          %swap3A_223 = tpu.vector_load %arg11[%swap3A_221, %swap3A_222] {strides = array<i32>} : memref<80x128xf32, #tpu.memory_space<vmem>>, vector<16xf32>,
          tpu.vector_store %arg11[%swap3A_221, %swap3A_222], %mul3A_220 {strides = array<i32>} : memref<80x128xf32, #tpu.memory_space<vmem>>, vector<16xf32>,
          %get3A_224 = arith.index_cast %add3A_200 : i32 to index
          %get3A_225 = arith.constant 48 : index
          %get3A_226 = tpu.vector_load %arg11[%get3A_224, %get3A_225] {strides = array<i32>} : memref<80x128xf32, #tpu.memory_space<vmem>>, vector<16xf32>,
          %mul3A_227 = arith.mulf %get3A_226, %gather3A_202 : vector<16xf32>
          %swap3A_228 = arith.index_cast %add3A_200 : i32 to index
          %swap3A_229 = arith.constant 48 : index
          %swap3A_230 = tpu.vector_load %arg11[%swap3A_228, %swap3A_229] {strides = array<i32>} : memref<80x128xf32, #tpu.memory_space<vmem>>, vector<16xf32>,
          tpu.vector_store %arg11[%swap3A_228, %swap3A_229], %mul3A_227 {strides = array<i32>} : memref<80x128xf32, #tpu.memory_space<vmem>>, vector<16xf32>,
          %get3A_231 = arith.index_cast %add3A_200 : i32 to index
          %get3A_232 = arith.constant 64 : index
          %get3A_233 = tpu.vector_load %arg11[%get3A_231, %get3A_232] {strides = array<i32>} : memref<80x128xf32, #tpu.memory_space<vmem>>, vector<16xf32>,
          %mul3A_234 = arith.mulf %get3A_233, %gather3A_202 : vector<16xf32>
          %swap3A_235 = arith.index_cast %add3A_200 : i32 to index
          %swap3A_236 = arith.constant 64 : index
          %swap3A_237 = tpu.vector_load %arg11[%swap3A_235, %swap3A_236] {strides = array<i32>} : memref<80x128xf32, #tpu.memory_space<vmem>>, vector<16xf32>,
          tpu.vector_store %arg11[%swap3A_235, %swap3A_236], %mul3A_234 {strides = array<i32>} : memref<80x128xf32, #tpu.memory_space<vmem>>, vector<16xf32>,
          %get3A_238 = arith.index_cast %add3A_200 : i32 to index
          %get3A_239 = arith.constant 80 : index
          %get3A_240 = tpu.vector_load %arg11[%get3A_238, %get3A_239] {strides = array<i32>} : memref<80x128xf32, #tpu.memory_space<vmem>>, vector<16xf32>,
          %mul3A_241 = arith.mulf %get3A_240, %gather3A_202 : vector<16xf32>
          %swap3A_242 = arith.index_cast %add3A_200 : i32 to index
          %swap3A_243 = arith.constant 80 : index
          %swap3A_244 = tpu.vector_load %arg11[%swap3A_242, %swap3A_243] {strides = array<i32>} : memref<80x128xf32, #tpu.memory_space<vmem>>, vector<16xf32>,
          tpu.vector_store %arg11[%swap3A_242, %swap3A_243], %mul3A_241 {strides = array<i32>} : memref<80x128xf32, #tpu.memory_space<vmem>>, vector<16xf32>,
          %get3A_245 = arith.index_cast %add3A_200 : i32 to index
          %get3A_246 = arith.constant 96 : index
          %get3A_247 = tpu.vector_load %arg11[%get3A_245, %get3A_246] {strides = array<i32>} : memref<80x128xf32, #tpu.memory_space<vmem>>, vector<16xf32>,
          %mul3A_248 = arith.mulf %get3A_247, %gather3A_202 : vector<16xf32>
          %swap3A_249 = arith.index_cast %add3A_200 : i32 to index
          %swap3A_250 = arith.constant 96 : index
          %swap3A_251 = tpu.vector_load %arg11[%swap3A_249, %swap3A_250] {strides = array<i32>} : memref<80x128xf32, #tpu.memory_space<vmem>>, vector<16xf32>,
          tpu.vector_store %arg11[%swap3A_249, %swap3A_250], %mul3A_248 {strides = array<i32>} : memref<80x128xf32, #tpu.memory_space<vmem>>, vector<16xf32>,
          %get3A_252 = arith.index_cast %add3A_200 : i32 to index
          %get3A_253 = arith.constant 112 : index
          %get3A_254 = tpu.vector_load %arg11[%get3A_252, %get3A_253] {strides = array<i32>} : memref<80x128xf32, #tpu.memory_space<vmem>>, vector<16xf32>,
          %mul3A_255 = arith.mulf %get3A_254, %gather3A_202 : vector<16xf32>
          %swap3A_256 = arith.index_cast %add3A_200 : i32 to index
          %swap3A_257 = arith.constant 112 : index
          %swap3A_258 = tpu.vector_load %arg11[%swap3A_256, %swap3A_257] {strides = array<i32>} : memref<80x128xf32, #tpu.memory_space<vmem>>, vector<16xf32>,
          tpu.vector_store %arg11[%swap3A_256, %swap3A_257], %mul3A_255 {strides = array<i32>} : memref<80x128xf32, #tpu.memory_space<vmem>>, vector<16xf32>,
        }
        %scan3A_128 = arith.constant 40 : i32
        "tpu.region"() ({
          %run_scoped3A_137 = tpu.sem_alloc : memref<!tpu.dma_semaphore, #tpu.memory_space<semaphore_mem>>
          %dma_start3A_138 = arith.constant 0 : i32
          %dma_start3A_139 = tpu.memref_slice %arg8[%add3A_116, %dma_start3A_138] : memref<25x80xi32, #tpu.memory_space<vmem>> -> memref<1x80xi32, #tpu.memory_space<vmem>>
          %dma_start3A_140 = tpu.memref_squeeze %dma_start3A_139 : memref<1x80xi32, #tpu.memory_space<vmem>> -> memref<80xi32, #tpu.memory_space<vmem>>
          %dma_start3A_141 = arith.constant 0 : i32
          %dma_start3A_142 = arith.constant 0 : i32
          %dma_start3A_143 = tpu.memref_slice %arg12[%dma_start3A_141, %dma_start3A_142] : memref<10240x128xf32, #tpu.memory_space<vmem_shared>> -> memref<10240x128xf32, #tpu.memory_space<vmem_shared>>
          tpu.enqueue_indirect_dma source(%arg11 : memref<80x128xf32, #tpu.memory_space<vmem>>) target(%dma_start3A_143 : memref<10240x128xf32, #tpu.memory_space<vmem_shared>>) offsets(%dma_start3A_140 : memref<80xi32, #tpu.memory_space<vmem>>) semaphore(%run_scoped3A_137 : memref<!tpu.dma_semaphore, #tpu.memory_space<semaphore_mem>>) {add = true}
          %dma_wait3A_144 = arith.constant 0 : i32
          %dma_wait3A_145 = tpu.memref_slice %arg8[%add3A_116, %dma_wait3A_144] : memref<25x80xi32, #tpu.memory_space<vmem>> -> memref<1x80xi32, #tpu.memory_space<vmem>>
          %dma_wait3A_146 = tpu.memref_squeeze %dma_wait3A_145 : memref<1x80xi32, #tpu.memory_space<vmem>> -> memref<80xi32, #tpu.memory_space<vmem>>
          %dma_wait3A_147 = arith.constant 0 : i32
          %dma_wait3A_148 = arith.constant 0 : i32
          %dma_wait3A_149 = tpu.memref_slice %arg12[%dma_wait3A_147, %dma_wait3A_148] : memref<10240x128xf32, #tpu.memory_space<vmem_shared>> -> memref<10240x128xf32, #tpu.memory_space<vmem_shared>>
          tpu.wait_indirect_dma semaphore(%run_scoped3A_137 : memref<!tpu.dma_semaphore, #tpu.memory_space<semaphore_mem>>) src(%arg11 : memref<80x128xf32, #tpu.memory_space<vmem>>) dst(%dma_wait3A_149 : memref<10240x128xf32, #tpu.memory_space<vmem_shared>>)
          tpu.yield
        }) : () -> ()
        %add3A_129 = arith.constant 2 : i32
        %add3A_130 = arith.addi %add3A_116, %add3A_129 : i32
        %dma_start3A_131 = arith.constant 0 : i32
        %dma_start3A_132 = tpu.memref_slice %arg7[%add3A_130, %dma_start3A_131] : memref<25x80xi32, #tpu.memory_space<vmem>> -> memref<1x80xi32, #tpu.memory_space<vmem>>
        %dma_start3A_133 = tpu.memref_squeeze %dma_start3A_132 : memref<1x80xi32, #tpu.memory_space<vmem>> -> memref<80xi32, #tpu.memory_space<vmem>>
        %dma_start3A_134 = arith.constant 0 : i32
        %dma_start3A_135 = arith.constant 0 : i32
        %dma_start3A_136 = tpu.memref_slice %arg2[%dma_start3A_134, %dma_start3A_135] : memref<10240x128xf32, #tpu.memory_space<hbm>> -> memref<10240x128xf32, #tpu.memory_space<hbm>>
        tpu.enqueue_indirect_dma source(%dma_start3A_136 : memref<10240x128xf32, #tpu.memory_space<hbm>>) target(%arg11 : memref<80x128xf32, #tpu.memory_space<vmem>>) offsets(%dma_start3A_133 : memref<80xi32, #tpu.memory_space<vmem>>) semaphore(%arg14 : memref<!tpu.dma_semaphore, #tpu.memory_space<semaphore_mem>>)
      }
      %scan3A_38 = arith.constant 11 : i32
      %dma_wait3A = arith.constant 22 : i32
      %dma_wait3A_39 = arith.constant 0 : i32
      %dma_wait3A_40 = tpu.memref_slice %arg7[%dma_wait3A, %dma_wait3A_39] : memref<25x80xi32, #tpu.memory_space<vmem>> -> memref<1x80xi32, #tpu.memory_space<vmem>>
      %dma_wait3A_41 = tpu.memref_squeeze %dma_wait3A_40 : memref<1x80xi32, #tpu.memory_space<vmem>> -> memref<80xi32, #tpu.memory_space<vmem>>
      %dma_wait3A_42 = arith.constant 0 : i32
      %dma_wait3A_43 = arith.constant 0 : i32
      %dma_wait3A_44 = tpu.memref_slice %arg2[%dma_wait3A_42, %dma_wait3A_43] : memref<10240x128xf32, #tpu.memory_space<hbm>> -> memref<10240x128xf32, #tpu.memory_space<hbm>>
      tpu.wait_indirect_dma semaphore(%arg13 : memref<!tpu.dma_semaphore, #tpu.memory_space<semaphore_mem>>) src(%dma_wait3A_44 : memref<10240x128xf32, #tpu.memory_space<hbm>>) dst(%arg10 : memref<80x128xf32, #tpu.memory_space<vmem>>)
      %broadcast_in_dim3A = arith.constant 22 : i32
      %broadcast_in_dim3A_45 = vector.broadcast %broadcast_in_dim3A : i32 to vector<16xi32>
      %scan3A_46 = arith.constant 0 : i32
      %scan3A_47 = arith.constant 40 : i32
      %scan3A_48 = arith.addi %scan3A_46, %scan3A_47 : i32
      %scan3A_49 = arith.constant 1 : i32
      scf.for %scan3A_88 = %scan3A_46 to %scan3A_48 step %scan3A_49  : i32 {
        %mul3A_89 = arith.constant 2 : i32
        %mul3A_90 = arith.muli %scan3A_88, %mul3A_89 : i32
        %add3A_91 = arith.constant 0 : i32
        %add3A_92 = arith.addi %add3A_91, %mul3A_90 : i32
        %add3A_93 = arith.constant 0 : i32
        %add3A_94 = arith.addi %add3A_92, %add3A_93 : i32
        %broadcast_in_dim3A_95 = vector.broadcast %add3A_94 : i32 to vector<16xi32>
        %gather3A = tpu.vector_load_idx %arg9[%broadcast_in_dim3A_45, %broadcast_in_dim3A_95] : memref<25x80xf32, #tpu.memory_space<vmem>>[vector<16xi32>, vector<16xi32>], vector<16xf32>,
        %get3A = arith.index_cast %add3A_94 : i32 to index
        %get3A_96 = arith.constant 0 : index
        %get3A_97 = tpu.vector_load %arg10[%get3A, %get3A_96] {strides = array<i32>} : memref<80x128xf32, #tpu.memory_space<vmem>>, vector<16xf32>,
        %mul3A_98 = arith.mulf %get3A_97, %gather3A : vector<16xf32>
        %swap3A = arith.index_cast %add3A_94 : i32 to index
        %swap3A_99 = arith.constant 0 : index
        %swap3A_100 = tpu.vector_load %arg10[%swap3A, %swap3A_99] {strides = array<i32>} : memref<80x128xf32, #tpu.memory_space<vmem>>, vector<16xf32>,
        tpu.vector_store %arg10[%swap3A, %swap3A_99], %mul3A_98 {strides = array<i32>} : memref<80x128xf32, #tpu.memory_space<vmem>>, vector<16xf32>,
        %get3A_101 = arith.index_cast %add3A_94 : i32 to index
        %get3A_102 = arith.constant 16 : index
        %get3A_103 = tpu.vector_load %arg10[%get3A_101, %get3A_102] {strides = array<i32>} : memref<80x128xf32, #tpu.memory_space<vmem>>, vector<16xf32>,
        %mul3A_104 = arith.mulf %get3A_103, %gather3A : vector<16xf32>
        %swap3A_105 = arith.index_cast %add3A_94 : i32 to index
        %swap3A_106 = arith.constant 16 : index
        %swap3A_107 = tpu.vector_load %arg10[%swap3A_105, %swap3A_106] {strides = array<i32>} : memref<80x128xf32, #tpu.memory_space<vmem>>, vector<16xf32>,
        tpu.vector_store %arg10[%swap3A_105, %swap3A_106], %mul3A_104 {strides = array<i32>} : memref<80x128xf32, #tpu.memory_space<vmem>>, vector<16xf32>,
        %get3A_108 = arith.index_cast %add3A_94 : i32 to index
        %get3A_109 = arith.constant 32 : index
        %get3A_110 = tpu.vector_load %arg10[%get3A_108, %get3A_109] {strides = array<i32>} : memref<80x128xf32, #tpu.memory_space<vmem>>, vector<16xf32>,
        %mul3A_111 = arith.mulf %get3A_110, %gather3A : vector<16xf32>
        %swap3A_112 = arith.index_cast %add3A_94 : i32 to index
        %swap3A_113 = arith.constant 32 : index
        %swap3A_114 = tpu.vector_load %arg10[%swap3A_112, %swap3A_113] {strides = array<i32>} : memref<80x128xf32, #tpu.memory_space<vmem>>, vector<16xf32>,
        tpu.vector_store %arg10[%swap3A_112, %swap3A_113], %mul3A_111 {strides = array<i32>} : memref<80x128xf32, #tpu.memory_space<vmem>>, vector<16xf32>,
        %get3A_115 = arith.index_cast %add3A_94 : i32 to index
        %get3A_116 = arith.constant 48 : index
        %get3A_117 = tpu.vector_load %arg10[%get3A_115, %get3A_116] {strides = array<i32>} : memref<80x128xf32, #tpu.memory_space<vmem>>, vector<16xf32>,
        %mul3A_118 = arith.mulf %get3A_117, %gather3A : vector<16xf32>
        %swap3A_119 = arith.index_cast %add3A_94 : i32 to index
        %swap3A_120 = arith.constant 48 : index
        %swap3A_121 = tpu.vector_load %arg10[%swap3A_119, %swap3A_120] {strides = array<i32>} : memref<80x128xf32, #tpu.memory_space<vmem>>, vector<16xf32>,
        tpu.vector_store %arg10[%swap3A_119, %swap3A_120], %mul3A_118 {strides = array<i32>} : memref<80x128xf32, #tpu.memory_space<vmem>>, vector<16xf32>,
        %get3A_122 = arith.index_cast %add3A_94 : i32 to index
        %get3A_123 = arith.constant 64 : index
        %get3A_124 = tpu.vector_load %arg10[%get3A_122, %get3A_123] {strides = array<i32>} : memref<80x128xf32, #tpu.memory_space<vmem>>, vector<16xf32>,
        %mul3A_125 = arith.mulf %get3A_124, %gather3A : vector<16xf32>
        %swap3A_126 = arith.index_cast %add3A_94 : i32 to index
        %swap3A_127 = arith.constant 64 : index
        %swap3A_128 = tpu.vector_load %arg10[%swap3A_126, %swap3A_127] {strides = array<i32>} : memref<80x128xf32, #tpu.memory_space<vmem>>, vector<16xf32>,
        tpu.vector_store %arg10[%swap3A_126, %swap3A_127], %mul3A_125 {strides = array<i32>} : memref<80x128xf32, #tpu.memory_space<vmem>>, vector<16xf32>,
        %get3A_129 = arith.index_cast %add3A_94 : i32 to index
        %get3A_130 = arith.constant 80 : index
        %get3A_131 = tpu.vector_load %arg10[%get3A_129, %get3A_130] {strides = array<i32>} : memref<80x128xf32, #tpu.memory_space<vmem>>, vector<16xf32>,
        %mul3A_132 = arith.mulf %get3A_131, %gather3A : vector<16xf32>
        %swap3A_133 = arith.index_cast %add3A_94 : i32 to index
        %swap3A_134 = arith.constant 80 : index
        %swap3A_135 = tpu.vector_load %arg10[%swap3A_133, %swap3A_134] {strides = array<i32>} : memref<80x128xf32, #tpu.memory_space<vmem>>, vector<16xf32>,
        tpu.vector_store %arg10[%swap3A_133, %swap3A_134], %mul3A_132 {strides = array<i32>} : memref<80x128xf32, #tpu.memory_space<vmem>>, vector<16xf32>,
        %get3A_136 = arith.index_cast %add3A_94 : i32 to index
        %get3A_137 = arith.constant 96 : index
        %get3A_138 = tpu.vector_load %arg10[%get3A_136, %get3A_137] {strides = array<i32>} : memref<80x128xf32, #tpu.memory_space<vmem>>, vector<16xf32>,
        %mul3A_139 = arith.mulf %get3A_138, %gather3A : vector<16xf32>
        %swap3A_140 = arith.index_cast %add3A_94 : i32 to index
        %swap3A_141 = arith.constant 96 : index
        %swap3A_142 = tpu.vector_load %arg10[%swap3A_140, %swap3A_141] {strides = array<i32>} : memref<80x128xf32, #tpu.memory_space<vmem>>, vector<16xf32>,
        tpu.vector_store %arg10[%swap3A_140, %swap3A_141], %mul3A_139 {strides = array<i32>} : memref<80x128xf32, #tpu.memory_space<vmem>>, vector<16xf32>,
        %get3A_143 = arith.index_cast %add3A_94 : i32 to index
        %get3A_144 = arith.constant 112 : index
        %get3A_145 = tpu.vector_load %arg10[%get3A_143, %get3A_144] {strides = array<i32>} : memref<80x128xf32, #tpu.memory_space<vmem>>, vector<16xf32>,
        %mul3A_146 = arith.mulf %get3A_145, %gather3A : vector<16xf32>
        %swap3A_147 = arith.index_cast %add3A_94 : i32 to index
        %swap3A_148 = arith.constant 112 : index
        %swap3A_149 = tpu.vector_load %arg10[%swap3A_147, %swap3A_148] {strides = array<i32>} : memref<80x128xf32, #tpu.memory_space<vmem>>, vector<16xf32>,
        tpu.vector_store %arg10[%swap3A_147, %swap3A_148], %mul3A_146 {strides = array<i32>} : memref<80x128xf32, #tpu.memory_space<vmem>>, vector<16xf32>,
        %add3A_150 = arith.constant 1 : i32
        %add3A_151 = arith.addi %add3A_92, %add3A_150 : i32
        %broadcast_in_dim3A_152 = vector.broadcast %add3A_151 : i32 to vector<16xi32>
        %gather3A_153 = tpu.vector_load_idx %arg9[%broadcast_in_dim3A_45, %broadcast_in_dim3A_152] : memref<25x80xf32, #tpu.memory_space<vmem>>[vector<16xi32>, vector<16xi32>], vector<16xf32>,
        %get3A_154 = arith.index_cast %add3A_151 : i32 to index
        %get3A_155 = arith.constant 0 : index
        %get3A_156 = tpu.vector_load %arg10[%get3A_154, %get3A_155] {strides = array<i32>} : memref<80x128xf32, #tpu.memory_space<vmem>>, vector<16xf32>,
        %mul3A_157 = arith.mulf %get3A_156, %gather3A_153 : vector<16xf32>
        %swap3A_158 = arith.index_cast %add3A_151 : i32 to index
        %swap3A_159 = arith.constant 0 : index
        %swap3A_160 = tpu.vector_load %arg10[%swap3A_158, %swap3A_159] {strides = array<i32>} : memref<80x128xf32, #tpu.memory_space<vmem>>, vector<16xf32>,
        tpu.vector_store %arg10[%swap3A_158, %swap3A_159], %mul3A_157 {strides = array<i32>} : memref<80x128xf32, #tpu.memory_space<vmem>>, vector<16xf32>,
        %get3A_161 = arith.index_cast %add3A_151 : i32 to index
        %get3A_162 = arith.constant 16 : index
        %get3A_163 = tpu.vector_load %arg10[%get3A_161, %get3A_162] {strides = array<i32>} : memref<80x128xf32, #tpu.memory_space<vmem>>, vector<16xf32>,
        %mul3A_164 = arith.mulf %get3A_163, %gather3A_153 : vector<16xf32>
        %swap3A_165 = arith.index_cast %add3A_151 : i32 to index
        %swap3A_166 = arith.constant 16 : index
        %swap3A_167 = tpu.vector_load %arg10[%swap3A_165, %swap3A_166] {strides = array<i32>} : memref<80x128xf32, #tpu.memory_space<vmem>>, vector<16xf32>,
        tpu.vector_store %arg10[%swap3A_165, %swap3A_166], %mul3A_164 {strides = array<i32>} : memref<80x128xf32, #tpu.memory_space<vmem>>, vector<16xf32>,
        %get3A_168 = arith.index_cast %add3A_151 : i32 to index
        %get3A_169 = arith.constant 32 : index
        %get3A_170 = tpu.vector_load %arg10[%get3A_168, %get3A_169] {strides = array<i32>} : memref<80x128xf32, #tpu.memory_space<vmem>>, vector<16xf32>,
        %mul3A_171 = arith.mulf %get3A_170, %gather3A_153 : vector<16xf32>
        %swap3A_172 = arith.index_cast %add3A_151 : i32 to index
        %swap3A_173 = arith.constant 32 : index
        %swap3A_174 = tpu.vector_load %arg10[%swap3A_172, %swap3A_173] {strides = array<i32>} : memref<80x128xf32, #tpu.memory_space<vmem>>, vector<16xf32>,
        tpu.vector_store %arg10[%swap3A_172, %swap3A_173], %mul3A_171 {strides = array<i32>} : memref<80x128xf32, #tpu.memory_space<vmem>>, vector<16xf32>,
        %get3A_175 = arith.index_cast %add3A_151 : i32 to index
        %get3A_176 = arith.constant 48 : index
        %get3A_177 = tpu.vector_load %arg10[%get3A_175, %get3A_176] {strides = array<i32>} : memref<80x128xf32, #tpu.memory_space<vmem>>, vector<16xf32>,
        %mul3A_178 = arith.mulf %get3A_177, %gather3A_153 : vector<16xf32>
        %swap3A_179 = arith.index_cast %add3A_151 : i32 to index
        %swap3A_180 = arith.constant 48 : index
        %swap3A_181 = tpu.vector_load %arg10[%swap3A_179, %swap3A_180] {strides = array<i32>} : memref<80x128xf32, #tpu.memory_space<vmem>>, vector<16xf32>,
        tpu.vector_store %arg10[%swap3A_179, %swap3A_180], %mul3A_178 {strides = array<i32>} : memref<80x128xf32, #tpu.memory_space<vmem>>, vector<16xf32>,
        %get3A_182 = arith.index_cast %add3A_151 : i32 to index
        %get3A_183 = arith.constant 64 : index
        %get3A_184 = tpu.vector_load %arg10[%get3A_182, %get3A_183] {strides = array<i32>} : memref<80x128xf32, #tpu.memory_space<vmem>>, vector<16xf32>,
        %mul3A_185 = arith.mulf %get3A_184, %gather3A_153 : vector<16xf32>
        %swap3A_186 = arith.index_cast %add3A_151 : i32 to index
        %swap3A_187 = arith.constant 64 : index
        %swap3A_188 = tpu.vector_load %arg10[%swap3A_186, %swap3A_187] {strides = array<i32>} : memref<80x128xf32, #tpu.memory_space<vmem>>, vector<16xf32>,
        tpu.vector_store %arg10[%swap3A_186, %swap3A_187], %mul3A_185 {strides = array<i32>} : memref<80x128xf32, #tpu.memory_space<vmem>>, vector<16xf32>,
        %get3A_189 = arith.index_cast %add3A_151 : i32 to index
        %get3A_190 = arith.constant 80 : index
        %get3A_191 = tpu.vector_load %arg10[%get3A_189, %get3A_190] {strides = array<i32>} : memref<80x128xf32, #tpu.memory_space<vmem>>, vector<16xf32>,
        %mul3A_192 = arith.mulf %get3A_191, %gather3A_153 : vector<16xf32>
        %swap3A_193 = arith.index_cast %add3A_151 : i32 to index
        %swap3A_194 = arith.constant 80 : index
        %swap3A_195 = tpu.vector_load %arg10[%swap3A_193, %swap3A_194] {strides = array<i32>} : memref<80x128xf32, #tpu.memory_space<vmem>>, vector<16xf32>,
        tpu.vector_store %arg10[%swap3A_193, %swap3A_194], %mul3A_192 {strides = array<i32>} : memref<80x128xf32, #tpu.memory_space<vmem>>, vector<16xf32>,
        %get3A_196 = arith.index_cast %add3A_151 : i32 to index
        %get3A_197 = arith.constant 96 : index
        %get3A_198 = tpu.vector_load %arg10[%get3A_196, %get3A_197] {strides = array<i32>} : memref<80x128xf32, #tpu.memory_space<vmem>>, vector<16xf32>,
        %mul3A_199 = arith.mulf %get3A_198, %gather3A_153 : vector<16xf32>
        %swap3A_200 = arith.index_cast %add3A_151 : i32 to index
        %swap3A_201 = arith.constant 96 : index
        %swap3A_202 = tpu.vector_load %arg10[%swap3A_200, %swap3A_201] {strides = array<i32>} : memref<80x128xf32, #tpu.memory_space<vmem>>, vector<16xf32>,
        tpu.vector_store %arg10[%swap3A_200, %swap3A_201], %mul3A_199 {strides = array<i32>} : memref<80x128xf32, #tpu.memory_space<vmem>>, vector<16xf32>,
        %get3A_203 = arith.index_cast %add3A_151 : i32 to index
        %get3A_204 = arith.constant 112 : index
        %get3A_205 = tpu.vector_load %arg10[%get3A_203, %get3A_204] {strides = array<i32>} : memref<80x128xf32, #tpu.memory_space<vmem>>, vector<16xf32>,
        %mul3A_206 = arith.mulf %get3A_205, %gather3A_153 : vector<16xf32>
        %swap3A_207 = arith.index_cast %add3A_151 : i32 to index
        %swap3A_208 = arith.constant 112 : index
        %swap3A_209 = tpu.vector_load %arg10[%swap3A_207, %swap3A_208] {strides = array<i32>} : memref<80x128xf32, #tpu.memory_space<vmem>>, vector<16xf32>,
        tpu.vector_store %arg10[%swap3A_207, %swap3A_208], %mul3A_206 {strides = array<i32>} : memref<80x128xf32, #tpu.memory_space<vmem>>, vector<16xf32>,
      }
      %scan3A_50 = arith.constant 40 : i32
      %run_scoped3A = arith.constant 22 : i32
      "tpu.region"() ({
        %run_scoped3A_88 = tpu.sem_alloc : memref<!tpu.dma_semaphore, #tpu.memory_space<semaphore_mem>>
        %dma_start3A_89 = arith.constant 0 : i32
        %dma_start3A_90 = tpu.memref_slice %arg8[%run_scoped3A, %dma_start3A_89] : memref<25x80xi32, #tpu.memory_space<vmem>> -> memref<1x80xi32, #tpu.memory_space<vmem>>
        %dma_start3A_91 = tpu.memref_squeeze %dma_start3A_90 : memref<1x80xi32, #tpu.memory_space<vmem>> -> memref<80xi32, #tpu.memory_space<vmem>>
        %dma_start3A_92 = arith.constant 0 : i32
        %dma_start3A_93 = arith.constant 0 : i32
        %dma_start3A_94 = tpu.memref_slice %arg12[%dma_start3A_92, %dma_start3A_93] : memref<10240x128xf32, #tpu.memory_space<vmem_shared>> -> memref<10240x128xf32, #tpu.memory_space<vmem_shared>>
        tpu.enqueue_indirect_dma source(%arg10 : memref<80x128xf32, #tpu.memory_space<vmem>>) target(%dma_start3A_94 : memref<10240x128xf32, #tpu.memory_space<vmem_shared>>) offsets(%dma_start3A_91 : memref<80xi32, #tpu.memory_space<vmem>>) semaphore(%run_scoped3A_88 : memref<!tpu.dma_semaphore, #tpu.memory_space<semaphore_mem>>) {add = true}
        %dma_wait3A_95 = arith.constant 0 : i32
        %dma_wait3A_96 = tpu.memref_slice %arg8[%run_scoped3A, %dma_wait3A_95] : memref<25x80xi32, #tpu.memory_space<vmem>> -> memref<1x80xi32, #tpu.memory_space<vmem>>
        %dma_wait3A_97 = tpu.memref_squeeze %dma_wait3A_96 : memref<1x80xi32, #tpu.memory_space<vmem>> -> memref<80xi32, #tpu.memory_space<vmem>>
        %dma_wait3A_98 = arith.constant 0 : i32
        %dma_wait3A_99 = arith.constant 0 : i32
        %dma_wait3A_100 = tpu.memref_slice %arg12[%dma_wait3A_98, %dma_wait3A_99] : memref<10240x128xf32, #tpu.memory_space<vmem_shared>> -> memref<10240x128xf32, #tpu.memory_space<vmem_shared>>
        tpu.wait_indirect_dma semaphore(%run_scoped3A_88 : memref<!tpu.dma_semaphore, #tpu.memory_space<semaphore_mem>>) src(%arg10 : memref<80x128xf32, #tpu.memory_space<vmem>>) dst(%dma_wait3A_100 : memref<10240x128xf32, #tpu.memory_space<vmem_shared>>)
        tpu.yield
      }) : () -> ()
      %dma_start3A_51 = arith.constant 24 : i32
      %dma_start3A_52 = arith.constant 0 : i32
      %dma_start3A_53 = tpu.memref_slice %arg7[%dma_start3A_51, %dma_start3A_52] : memref<25x80xi32, #tpu.memory_space<vmem>> -> memref<1x80xi32, #tpu.memory_space<vmem>>
      %dma_start3A_54 = tpu.memref_squeeze %dma_start3A_53 : memref<1x80xi32, #tpu.memory_space<vmem>> -> memref<80xi32, #tpu.memory_space<vmem>>
      %dma_start3A_55 = arith.constant 0 : i32
      %dma_start3A_56 = arith.constant 0 : i32
      %dma_start3A_57 = tpu.memref_slice %arg2[%dma_start3A_55, %dma_start3A_56] : memref<10240x128xf32, #tpu.memory_space<hbm>> -> memref<10240x128xf32, #tpu.memory_space<hbm>>
      tpu.enqueue_indirect_dma source(%dma_start3A_57 : memref<10240x128xf32, #tpu.memory_space<hbm>>) target(%arg10 : memref<80x128xf32, #tpu.memory_space<vmem>>) offsets(%dma_start3A_54 : memref<80xi32, #tpu.memory_space<vmem>>) semaphore(%arg13 : memref<!tpu.dma_semaphore, #tpu.memory_space<semaphore_mem>>)
      %dma_wait3A_58 = arith.constant 23 : i32
      %dma_wait3A_59 = arith.constant 0 : i32
      %dma_wait3A_60 = tpu.memref_slice %arg7[%dma_wait3A_58, %dma_wait3A_59] : memref<25x80xi32, #tpu.memory_space<vmem>> -> memref<1x80xi32, #tpu.memory_space<vmem>>
      %dma_wait3A_61 = tpu.memref_squeeze %dma_wait3A_60 : memref<1x80xi32, #tpu.memory_space<vmem>> -> memref<80xi32, #tpu.memory_space<vmem>>
      %dma_wait3A_62 = arith.constant 0 : i32
      %dma_wait3A_63 = arith.constant 0 : i32
      %dma_wait3A_64 = tpu.memref_slice %arg2[%dma_wait3A_62, %dma_wait3A_63] : memref<10240x128xf32, #tpu.memory_space<hbm>> -> memref<10240x128xf32, #tpu.memory_space<hbm>>
      tpu.wait_indirect_dma semaphore(%arg14 : memref<!tpu.dma_semaphore, #tpu.memory_space<semaphore_mem>>) src(%dma_wait3A_64 : memref<10240x128xf32, #tpu.memory_space<hbm>>) dst(%arg11 : memref<80x128xf32, #tpu.memory_space<vmem>>)
      %broadcast_in_dim3A_65 = arith.constant 23 : i32
      %broadcast_in_dim3A_66 = vector.broadcast %broadcast_in_dim3A_65 : i32 to vector<16xi32>
      %scan3A_67 = arith.constant 0 : i32
      %scan3A_68 = arith.constant 40 : i32
      %scan3A_69 = arith.addi %scan3A_67, %scan3A_68 : i32
      %scan3A_70 = arith.constant 1 : i32
      scf.for %scan3A_88 = %scan3A_67 to %scan3A_69 step %scan3A_70  : i32 {
        %mul3A_89 = arith.constant 2 : i32
        %mul3A_90 = arith.muli %scan3A_88, %mul3A_89 : i32
        %add3A_91 = arith.constant 0 : i32
        %add3A_92 = arith.addi %add3A_91, %mul3A_90 : i32
        %add3A_93 = arith.constant 0 : i32
        %add3A_94 = arith.addi %add3A_92, %add3A_93 : i32
        %broadcast_in_dim3A_95 = vector.broadcast %add3A_94 : i32 to vector<16xi32>
        %gather3A = tpu.vector_load_idx %arg9[%broadcast_in_dim3A_66, %broadcast_in_dim3A_95] : memref<25x80xf32, #tpu.memory_space<vmem>>[vector<16xi32>, vector<16xi32>], vector<16xf32>,
        %get3A = arith.index_cast %add3A_94 : i32 to index
        %get3A_96 = arith.constant 0 : index
        %get3A_97 = tpu.vector_load %arg11[%get3A, %get3A_96] {strides = array<i32>} : memref<80x128xf32, #tpu.memory_space<vmem>>, vector<16xf32>,
        %mul3A_98 = arith.mulf %get3A_97, %gather3A : vector<16xf32>
        %swap3A = arith.index_cast %add3A_94 : i32 to index
        %swap3A_99 = arith.constant 0 : index
        %swap3A_100 = tpu.vector_load %arg11[%swap3A, %swap3A_99] {strides = array<i32>} : memref<80x128xf32, #tpu.memory_space<vmem>>, vector<16xf32>,
        tpu.vector_store %arg11[%swap3A, %swap3A_99], %mul3A_98 {strides = array<i32>} : memref<80x128xf32, #tpu.memory_space<vmem>>, vector<16xf32>,
        %get3A_101 = arith.index_cast %add3A_94 : i32 to index
        %get3A_102 = arith.constant 16 : index
        %get3A_103 = tpu.vector_load %arg11[%get3A_101, %get3A_102] {strides = array<i32>} : memref<80x128xf32, #tpu.memory_space<vmem>>, vector<16xf32>,
        %mul3A_104 = arith.mulf %get3A_103, %gather3A : vector<16xf32>
        %swap3A_105 = arith.index_cast %add3A_94 : i32 to index
        %swap3A_106 = arith.constant 16 : index
        %swap3A_107 = tpu.vector_load %arg11[%swap3A_105, %swap3A_106] {strides = array<i32>} : memref<80x128xf32, #tpu.memory_space<vmem>>, vector<16xf32>,
        tpu.vector_store %arg11[%swap3A_105, %swap3A_106], %mul3A_104 {strides = array<i32>} : memref<80x128xf32, #tpu.memory_space<vmem>>, vector<16xf32>,
        %get3A_108 = arith.index_cast %add3A_94 : i32 to index
        %get3A_109 = arith.constant 32 : index
        %get3A_110 = tpu.vector_load %arg11[%get3A_108, %get3A_109] {strides = array<i32>} : memref<80x128xf32, #tpu.memory_space<vmem>>, vector<16xf32>,
        %mul3A_111 = arith.mulf %get3A_110, %gather3A : vector<16xf32>
        %swap3A_112 = arith.index_cast %add3A_94 : i32 to index
        %swap3A_113 = arith.constant 32 : index
        %swap3A_114 = tpu.vector_load %arg11[%swap3A_112, %swap3A_113] {strides = array<i32>} : memref<80x128xf32, #tpu.memory_space<vmem>>, vector<16xf32>,
        tpu.vector_store %arg11[%swap3A_112, %swap3A_113], %mul3A_111 {strides = array<i32>} : memref<80x128xf32, #tpu.memory_space<vmem>>, vector<16xf32>,
        %get3A_115 = arith.index_cast %add3A_94 : i32 to index
        %get3A_116 = arith.constant 48 : index
        %get3A_117 = tpu.vector_load %arg11[%get3A_115, %get3A_116] {strides = array<i32>} : memref<80x128xf32, #tpu.memory_space<vmem>>, vector<16xf32>,
        %mul3A_118 = arith.mulf %get3A_117, %gather3A : vector<16xf32>
        %swap3A_119 = arith.index_cast %add3A_94 : i32 to index
        %swap3A_120 = arith.constant 48 : index
        %swap3A_121 = tpu.vector_load %arg11[%swap3A_119, %swap3A_120] {strides = array<i32>} : memref<80x128xf32, #tpu.memory_space<vmem>>, vector<16xf32>,
        tpu.vector_store %arg11[%swap3A_119, %swap3A_120], %mul3A_118 {strides = array<i32>} : memref<80x128xf32, #tpu.memory_space<vmem>>, vector<16xf32>,
        %get3A_122 = arith.index_cast %add3A_94 : i32 to index
        %get3A_123 = arith.constant 64 : index
        %get3A_124 = tpu.vector_load %arg11[%get3A_122, %get3A_123] {strides = array<i32>} : memref<80x128xf32, #tpu.memory_space<vmem>>, vector<16xf32>,
        %mul3A_125 = arith.mulf %get3A_124, %gather3A : vector<16xf32>
        %swap3A_126 = arith.index_cast %add3A_94 : i32 to index
        %swap3A_127 = arith.constant 64 : index
        %swap3A_128 = tpu.vector_load %arg11[%swap3A_126, %swap3A_127] {strides = array<i32>} : memref<80x128xf32, #tpu.memory_space<vmem>>, vector<16xf32>,
        tpu.vector_store %arg11[%swap3A_126, %swap3A_127], %mul3A_125 {strides = array<i32>} : memref<80x128xf32, #tpu.memory_space<vmem>>, vector<16xf32>,
        %get3A_129 = arith.index_cast %add3A_94 : i32 to index
        %get3A_130 = arith.constant 80 : index
        %get3A_131 = tpu.vector_load %arg11[%get3A_129, %get3A_130] {strides = array<i32>} : memref<80x128xf32, #tpu.memory_space<vmem>>, vector<16xf32>,
        %mul3A_132 = arith.mulf %get3A_131, %gather3A : vector<16xf32>
        %swap3A_133 = arith.index_cast %add3A_94 : i32 to index
        %swap3A_134 = arith.constant 80 : index
        %swap3A_135 = tpu.vector_load %arg11[%swap3A_133, %swap3A_134] {strides = array<i32>} : memref<80x128xf32, #tpu.memory_space<vmem>>, vector<16xf32>,
        tpu.vector_store %arg11[%swap3A_133, %swap3A_134], %mul3A_132 {strides = array<i32>} : memref<80x128xf32, #tpu.memory_space<vmem>>, vector<16xf32>,
        %get3A_136 = arith.index_cast %add3A_94 : i32 to index
        %get3A_137 = arith.constant 96 : index
        %get3A_138 = tpu.vector_load %arg11[%get3A_136, %get3A_137] {strides = array<i32>} : memref<80x128xf32, #tpu.memory_space<vmem>>, vector<16xf32>,
        %mul3A_139 = arith.mulf %get3A_138, %gather3A : vector<16xf32>
        %swap3A_140 = arith.index_cast %add3A_94 : i32 to index
        %swap3A_141 = arith.constant 96 : index
        %swap3A_142 = tpu.vector_load %arg11[%swap3A_140, %swap3A_141] {strides = array<i32>} : memref<80x128xf32, #tpu.memory_space<vmem>>, vector<16xf32>,
        tpu.vector_store %arg11[%swap3A_140, %swap3A_141], %mul3A_139 {strides = array<i32>} : memref<80x128xf32, #tpu.memory_space<vmem>>, vector<16xf32>,
        %get3A_143 = arith.index_cast %add3A_94 : i32 to index
        %get3A_144 = arith.constant 112 : index
        %get3A_145 = tpu.vector_load %arg11[%get3A_143, %get3A_144] {strides = array<i32>} : memref<80x128xf32, #tpu.memory_space<vmem>>, vector<16xf32>,
        %mul3A_146 = arith.mulf %get3A_145, %gather3A : vector<16xf32>
        %swap3A_147 = arith.index_cast %add3A_94 : i32 to index
        %swap3A_148 = arith.constant 112 : index
        %swap3A_149 = tpu.vector_load %arg11[%swap3A_147, %swap3A_148] {strides = array<i32>} : memref<80x128xf32, #tpu.memory_space<vmem>>, vector<16xf32>,
        tpu.vector_store %arg11[%swap3A_147, %swap3A_148], %mul3A_146 {strides = array<i32>} : memref<80x128xf32, #tpu.memory_space<vmem>>, vector<16xf32>,
        %add3A_150 = arith.constant 1 : i32
        %add3A_151 = arith.addi %add3A_92, %add3A_150 : i32
        %broadcast_in_dim3A_152 = vector.broadcast %add3A_151 : i32 to vector<16xi32>
        %gather3A_153 = tpu.vector_load_idx %arg9[%broadcast_in_dim3A_66, %broadcast_in_dim3A_152] : memref<25x80xf32, #tpu.memory_space<vmem>>[vector<16xi32>, vector<16xi32>], vector<16xf32>,
        %get3A_154 = arith.index_cast %add3A_151 : i32 to index
        %get3A_155 = arith.constant 0 : index
        %get3A_156 = tpu.vector_load %arg11[%get3A_154, %get3A_155] {strides = array<i32>} : memref<80x128xf32, #tpu.memory_space<vmem>>, vector<16xf32>,
        %mul3A_157 = arith.mulf %get3A_156, %gather3A_153 : vector<16xf32>
        %swap3A_158 = arith.index_cast %add3A_151 : i32 to index
        %swap3A_159 = arith.constant 0 : index
        %swap3A_160 = tpu.vector_load %arg11[%swap3A_158, %swap3A_159] {strides = array<i32>} : memref<80x128xf32, #tpu.memory_space<vmem>>, vector<16xf32>,
        tpu.vector_store %arg11[%swap3A_158, %swap3A_159], %mul3A_157 {strides = array<i32>} : memref<80x128xf32, #tpu.memory_space<vmem>>, vector<16xf32>,
        %get3A_161 = arith.index_cast %add3A_151 : i32 to index
        %get3A_162 = arith.constant 16 : index
        %get3A_163 = tpu.vector_load %arg11[%get3A_161, %get3A_162] {strides = array<i32>} : memref<80x128xf32, #tpu.memory_space<vmem>>, vector<16xf32>,
        %mul3A_164 = arith.mulf %get3A_163, %gather3A_153 : vector<16xf32>
        %swap3A_165 = arith.index_cast %add3A_151 : i32 to index
        %swap3A_166 = arith.constant 16 : index
        %swap3A_167 = tpu.vector_load %arg11[%swap3A_165, %swap3A_166] {strides = array<i32>} : memref<80x128xf32, #tpu.memory_space<vmem>>, vector<16xf32>,
        tpu.vector_store %arg11[%swap3A_165, %swap3A_166], %mul3A_164 {strides = array<i32>} : memref<80x128xf32, #tpu.memory_space<vmem>>, vector<16xf32>,
        %get3A_168 = arith.index_cast %add3A_151 : i32 to index
        %get3A_169 = arith.constant 32 : index
        %get3A_170 = tpu.vector_load %arg11[%get3A_168, %get3A_169] {strides = array<i32>} : memref<80x128xf32, #tpu.memory_space<vmem>>, vector<16xf32>,
        %mul3A_171 = arith.mulf %get3A_170, %gather3A_153 : vector<16xf32>
        %swap3A_172 = arith.index_cast %add3A_151 : i32 to index
        %swap3A_173 = arith.constant 32 : index
        %swap3A_174 = tpu.vector_load %arg11[%swap3A_172, %swap3A_173] {strides = array<i32>} : memref<80x128xf32, #tpu.memory_space<vmem>>, vector<16xf32>,
        tpu.vector_store %arg11[%swap3A_172, %swap3A_173], %mul3A_171 {strides = array<i32>} : memref<80x128xf32, #tpu.memory_space<vmem>>, vector<16xf32>,
        %get3A_175 = arith.index_cast %add3A_151 : i32 to index
        %get3A_176 = arith.constant 48 : index
        %get3A_177 = tpu.vector_load %arg11[%get3A_175, %get3A_176] {strides = array<i32>} : memref<80x128xf32, #tpu.memory_space<vmem>>, vector<16xf32>,
        %mul3A_178 = arith.mulf %get3A_177, %gather3A_153 : vector<16xf32>
        %swap3A_179 = arith.index_cast %add3A_151 : i32 to index
        %swap3A_180 = arith.constant 48 : index
        %swap3A_181 = tpu.vector_load %arg11[%swap3A_179, %swap3A_180] {strides = array<i32>} : memref<80x128xf32, #tpu.memory_space<vmem>>, vector<16xf32>,
        tpu.vector_store %arg11[%swap3A_179, %swap3A_180], %mul3A_178 {strides = array<i32>} : memref<80x128xf32, #tpu.memory_space<vmem>>, vector<16xf32>,
        %get3A_182 = arith.index_cast %add3A_151 : i32 to index
        %get3A_183 = arith.constant 64 : index
        %get3A_184 = tpu.vector_load %arg11[%get3A_182, %get3A_183] {strides = array<i32>} : memref<80x128xf32, #tpu.memory_space<vmem>>, vector<16xf32>,
        %mul3A_185 = arith.mulf %get3A_184, %gather3A_153 : vector<16xf32>
        %swap3A_186 = arith.index_cast %add3A_151 : i32 to index
        %swap3A_187 = arith.constant 64 : index
        %swap3A_188 = tpu.vector_load %arg11[%swap3A_186, %swap3A_187] {strides = array<i32>} : memref<80x128xf32, #tpu.memory_space<vmem>>, vector<16xf32>,
        tpu.vector_store %arg11[%swap3A_186, %swap3A_187], %mul3A_185 {strides = array<i32>} : memref<80x128xf32, #tpu.memory_space<vmem>>, vector<16xf32>,
        %get3A_189 = arith.index_cast %add3A_151 : i32 to index
        %get3A_190 = arith.constant 80 : index
        %get3A_191 = tpu.vector_load %arg11[%get3A_189, %get3A_190] {strides = array<i32>} : memref<80x128xf32, #tpu.memory_space<vmem>>, vector<16xf32>,
        %mul3A_192 = arith.mulf %get3A_191, %gather3A_153 : vector<16xf32>
        %swap3A_193 = arith.index_cast %add3A_151 : i32 to index
        %swap3A_194 = arith.constant 80 : index
        %swap3A_195 = tpu.vector_load %arg11[%swap3A_193, %swap3A_194] {strides = array<i32>} : memref<80x128xf32, #tpu.memory_space<vmem>>, vector<16xf32>,
        tpu.vector_store %arg11[%swap3A_193, %swap3A_194], %mul3A_192 {strides = array<i32>} : memref<80x128xf32, #tpu.memory_space<vmem>>, vector<16xf32>,
        %get3A_196 = arith.index_cast %add3A_151 : i32 to index
        %get3A_197 = arith.constant 96 : index
        %get3A_198 = tpu.vector_load %arg11[%get3A_196, %get3A_197] {strides = array<i32>} : memref<80x128xf32, #tpu.memory_space<vmem>>, vector<16xf32>,
        %mul3A_199 = arith.mulf %get3A_198, %gather3A_153 : vector<16xf32>
        %swap3A_200 = arith.index_cast %add3A_151 : i32 to index
        %swap3A_201 = arith.constant 96 : index
        %swap3A_202 = tpu.vector_load %arg11[%swap3A_200, %swap3A_201] {strides = array<i32>} : memref<80x128xf32, #tpu.memory_space<vmem>>, vector<16xf32>,
        tpu.vector_store %arg11[%swap3A_200, %swap3A_201], %mul3A_199 {strides = array<i32>} : memref<80x128xf32, #tpu.memory_space<vmem>>, vector<16xf32>,
        %get3A_203 = arith.index_cast %add3A_151 : i32 to index
        %get3A_204 = arith.constant 112 : index
        %get3A_205 = tpu.vector_load %arg11[%get3A_203, %get3A_204] {strides = array<i32>} : memref<80x128xf32, #tpu.memory_space<vmem>>, vector<16xf32>,
        %mul3A_206 = arith.mulf %get3A_205, %gather3A_153 : vector<16xf32>
        %swap3A_207 = arith.index_cast %add3A_151 : i32 to index
        %swap3A_208 = arith.constant 112 : index
        %swap3A_209 = tpu.vector_load %arg11[%swap3A_207, %swap3A_208] {strides = array<i32>} : memref<80x128xf32, #tpu.memory_space<vmem>>, vector<16xf32>,
        tpu.vector_store %arg11[%swap3A_207, %swap3A_208], %mul3A_206 {strides = array<i32>} : memref<80x128xf32, #tpu.memory_space<vmem>>, vector<16xf32>,
      }
      %scan3A_71 = arith.constant 40 : i32
      %run_scoped3A_72 = arith.constant 23 : i32
      "tpu.region"() ({
        %run_scoped3A_88 = tpu.sem_alloc : memref<!tpu.dma_semaphore, #tpu.memory_space<semaphore_mem>>
        %dma_start3A_89 = arith.constant 0 : i32
        %dma_start3A_90 = tpu.memref_slice %arg8[%run_scoped3A_72, %dma_start3A_89] : memref<25x80xi32, #tpu.memory_space<vmem>> -> memref<1x80xi32, #tpu.memory_space<vmem>>
        %dma_start3A_91 = tpu.memref_squeeze %dma_start3A_90 : memref<1x80xi32, #tpu.memory_space<vmem>> -> memref<80xi32, #tpu.memory_space<vmem>>
        %dma_start3A_92 = arith.constant 0 : i32
        %dma_start3A_93 = arith.constant 0 : i32
        %dma_start3A_94 = tpu.memref_slice %arg12[%dma_start3A_92, %dma_start3A_93] : memref<10240x128xf32, #tpu.memory_space<vmem_shared>> -> memref<10240x128xf32, #tpu.memory_space<vmem_shared>>
        tpu.enqueue_indirect_dma source(%arg11 : memref<80x128xf32, #tpu.memory_space<vmem>>) target(%dma_start3A_94 : memref<10240x128xf32, #tpu.memory_space<vmem_shared>>) offsets(%dma_start3A_91 : memref<80xi32, #tpu.memory_space<vmem>>) semaphore(%run_scoped3A_88 : memref<!tpu.dma_semaphore, #tpu.memory_space<semaphore_mem>>) {add = true}
        %dma_wait3A_95 = arith.constant 0 : i32
        %dma_wait3A_96 = tpu.memref_slice %arg8[%run_scoped3A_72, %dma_wait3A_95] : memref<25x80xi32, #tpu.memory_space<vmem>> -> memref<1x80xi32, #tpu.memory_space<vmem>>
        %dma_wait3A_97 = tpu.memref_squeeze %dma_wait3A_96 : memref<1x80xi32, #tpu.memory_space<vmem>> -> memref<80xi32, #tpu.memory_space<vmem>>
        %dma_wait3A_98 = arith.constant 0 : i32
        %dma_wait3A_99 = arith.constant 0 : i32
        %dma_wait3A_100 = tpu.memref_slice %arg12[%dma_wait3A_98, %dma_wait3A_99] : memref<10240x128xf32, #tpu.memory_space<vmem_shared>> -> memref<10240x128xf32, #tpu.memory_space<vmem_shared>>
        tpu.wait_indirect_dma semaphore(%run_scoped3A_88 : memref<!tpu.dma_semaphore, #tpu.memory_space<semaphore_mem>>) src(%arg11 : memref<80x128xf32, #tpu.memory_space<vmem>>) dst(%dma_wait3A_100 : memref<10240x128xf32, #tpu.memory_space<vmem_shared>>)
        tpu.yield
      }) : () -> ()
      %dma_wait3A_73 = arith.constant 24 : i32
      %dma_wait3A_74 = arith.constant 0 : i32
      %dma_wait3A_75 = tpu.memref_slice %arg7[%dma_wait3A_73, %dma_wait3A_74] : memref<25x80xi32, #tpu.memory_space<vmem>> -> memref<1x80xi32, #tpu.memory_space<vmem>>
      %dma_wait3A_76 = tpu.memref_squeeze %dma_wait3A_75 : memref<1x80xi32, #tpu.memory_space<vmem>> -> memref<80xi32, #tpu.memory_space<vmem>>
      %dma_wait3A_77 = arith.constant 0 : i32
      %dma_wait3A_78 = arith.constant 0 : i32
      %dma_wait3A_79 = tpu.memref_slice %arg2[%dma_wait3A_77, %dma_wait3A_78] : memref<10240x128xf32, #tpu.memory_space<hbm>> -> memref<10240x128xf32, #tpu.memory_space<hbm>>
      tpu.wait_indirect_dma semaphore(%arg13 : memref<!tpu.dma_semaphore, #tpu.memory_space<semaphore_mem>>) src(%dma_wait3A_79 : memref<10240x128xf32, #tpu.memory_space<hbm>>) dst(%arg10 : memref<80x128xf32, #tpu.memory_space<vmem>>)
      %broadcast_in_dim3A_80 = arith.constant 24 : i32
      %broadcast_in_dim3A_81 = vector.broadcast %broadcast_in_dim3A_80 : i32 to vector<16xi32>
      %scan3A_82 = arith.constant 0 : i32
      %scan3A_83 = arith.constant 40 : i32
      %scan3A_84 = arith.addi %scan3A_82, %scan3A_83 : i32
      %scan3A_85 = arith.constant 1 : i32
      scf.for %scan3A_88 = %scan3A_82 to %scan3A_84 step %scan3A_85  : i32 {
        %mul3A_89 = arith.constant 2 : i32
        %mul3A_90 = arith.muli %scan3A_88, %mul3A_89 : i32
        %add3A_91 = arith.constant 0 : i32
        %add3A_92 = arith.addi %add3A_91, %mul3A_90 : i32
        %add3A_93 = arith.constant 0 : i32
        %add3A_94 = arith.addi %add3A_92, %add3A_93 : i32
        %broadcast_in_dim3A_95 = vector.broadcast %add3A_94 : i32 to vector<16xi32>
        %gather3A = tpu.vector_load_idx %arg9[%broadcast_in_dim3A_81, %broadcast_in_dim3A_95] : memref<25x80xf32, #tpu.memory_space<vmem>>[vector<16xi32>, vector<16xi32>], vector<16xf32>,
        %get3A = arith.index_cast %add3A_94 : i32 to index
        %get3A_96 = arith.constant 0 : index
        %get3A_97 = tpu.vector_load %arg10[%get3A, %get3A_96] {strides = array<i32>} : memref<80x128xf32, #tpu.memory_space<vmem>>, vector<16xf32>,
        %mul3A_98 = arith.mulf %get3A_97, %gather3A : vector<16xf32>
        %swap3A = arith.index_cast %add3A_94 : i32 to index
        %swap3A_99 = arith.constant 0 : index
        %swap3A_100 = tpu.vector_load %arg10[%swap3A, %swap3A_99] {strides = array<i32>} : memref<80x128xf32, #tpu.memory_space<vmem>>, vector<16xf32>,
        tpu.vector_store %arg10[%swap3A, %swap3A_99], %mul3A_98 {strides = array<i32>} : memref<80x128xf32, #tpu.memory_space<vmem>>, vector<16xf32>,
        %get3A_101 = arith.index_cast %add3A_94 : i32 to index
        %get3A_102 = arith.constant 16 : index
        %get3A_103 = tpu.vector_load %arg10[%get3A_101, %get3A_102] {strides = array<i32>} : memref<80x128xf32, #tpu.memory_space<vmem>>, vector<16xf32>,
        %mul3A_104 = arith.mulf %get3A_103, %gather3A : vector<16xf32>
        %swap3A_105 = arith.index_cast %add3A_94 : i32 to index
        %swap3A_106 = arith.constant 16 : index
        %swap3A_107 = tpu.vector_load %arg10[%swap3A_105, %swap3A_106] {strides = array<i32>} : memref<80x128xf32, #tpu.memory_space<vmem>>, vector<16xf32>,
        tpu.vector_store %arg10[%swap3A_105, %swap3A_106], %mul3A_104 {strides = array<i32>} : memref<80x128xf32, #tpu.memory_space<vmem>>, vector<16xf32>,
        %get3A_108 = arith.index_cast %add3A_94 : i32 to index
        %get3A_109 = arith.constant 32 : index
        %get3A_110 = tpu.vector_load %arg10[%get3A_108, %get3A_109] {strides = array<i32>} : memref<80x128xf32, #tpu.memory_space<vmem>>, vector<16xf32>,
        %mul3A_111 = arith.mulf %get3A_110, %gather3A : vector<16xf32>
        %swap3A_112 = arith.index_cast %add3A_94 : i32 to index
        %swap3A_113 = arith.constant 32 : index
        %swap3A_114 = tpu.vector_load %arg10[%swap3A_112, %swap3A_113] {strides = array<i32>} : memref<80x128xf32, #tpu.memory_space<vmem>>, vector<16xf32>,
        tpu.vector_store %arg10[%swap3A_112, %swap3A_113], %mul3A_111 {strides = array<i32>} : memref<80x128xf32, #tpu.memory_space<vmem>>, vector<16xf32>,
        %get3A_115 = arith.index_cast %add3A_94 : i32 to index
        %get3A_116 = arith.constant 48 : index
        %get3A_117 = tpu.vector_load %arg10[%get3A_115, %get3A_116] {strides = array<i32>} : memref<80x128xf32, #tpu.memory_space<vmem>>, vector<16xf32>,
        %mul3A_118 = arith.mulf %get3A_117, %gather3A : vector<16xf32>
        %swap3A_119 = arith.index_cast %add3A_94 : i32 to index
        %swap3A_120 = arith.constant 48 : index
        %swap3A_121 = tpu.vector_load %arg10[%swap3A_119, %swap3A_120] {strides = array<i32>} : memref<80x128xf32, #tpu.memory_space<vmem>>, vector<16xf32>,
        tpu.vector_store %arg10[%swap3A_119, %swap3A_120], %mul3A_118 {strides = array<i32>} : memref<80x128xf32, #tpu.memory_space<vmem>>, vector<16xf32>,
        %get3A_122 = arith.index_cast %add3A_94 : i32 to index
        %get3A_123 = arith.constant 64 : index
        %get3A_124 = tpu.vector_load %arg10[%get3A_122, %get3A_123] {strides = array<i32>} : memref<80x128xf32, #tpu.memory_space<vmem>>, vector<16xf32>,
        %mul3A_125 = arith.mulf %get3A_124, %gather3A : vector<16xf32>
        %swap3A_126 = arith.index_cast %add3A_94 : i32 to index
        %swap3A_127 = arith.constant 64 : index
        %swap3A_128 = tpu.vector_load %arg10[%swap3A_126, %swap3A_127] {strides = array<i32>} : memref<80x128xf32, #tpu.memory_space<vmem>>, vector<16xf32>,
        tpu.vector_store %arg10[%swap3A_126, %swap3A_127], %mul3A_125 {strides = array<i32>} : memref<80x128xf32, #tpu.memory_space<vmem>>, vector<16xf32>,
        %get3A_129 = arith.index_cast %add3A_94 : i32 to index
        %get3A_130 = arith.constant 80 : index
        %get3A_131 = tpu.vector_load %arg10[%get3A_129, %get3A_130] {strides = array<i32>} : memref<80x128xf32, #tpu.memory_space<vmem>>, vector<16xf32>,
        %mul3A_132 = arith.mulf %get3A_131, %gather3A : vector<16xf32>
        %swap3A_133 = arith.index_cast %add3A_94 : i32 to index
        %swap3A_134 = arith.constant 80 : index
        %swap3A_135 = tpu.vector_load %arg10[%swap3A_133, %swap3A_134] {strides = array<i32>} : memref<80x128xf32, #tpu.memory_space<vmem>>, vector<16xf32>,
        tpu.vector_store %arg10[%swap3A_133, %swap3A_134], %mul3A_132 {strides = array<i32>} : memref<80x128xf32, #tpu.memory_space<vmem>>, vector<16xf32>,
        %get3A_136 = arith.index_cast %add3A_94 : i32 to index
        %get3A_137 = arith.constant 96 : index
        %get3A_138 = tpu.vector_load %arg10[%get3A_136, %get3A_137] {strides = array<i32>} : memref<80x128xf32, #tpu.memory_space<vmem>>, vector<16xf32>,
        %mul3A_139 = arith.mulf %get3A_138, %gather3A : vector<16xf32>
        %swap3A_140 = arith.index_cast %add3A_94 : i32 to index
        %swap3A_141 = arith.constant 96 : index
        %swap3A_142 = tpu.vector_load %arg10[%swap3A_140, %swap3A_141] {strides = array<i32>} : memref<80x128xf32, #tpu.memory_space<vmem>>, vector<16xf32>,
        tpu.vector_store %arg10[%swap3A_140, %swap3A_141], %mul3A_139 {strides = array<i32>} : memref<80x128xf32, #tpu.memory_space<vmem>>, vector<16xf32>,
        %get3A_143 = arith.index_cast %add3A_94 : i32 to index
        %get3A_144 = arith.constant 112 : index
        %get3A_145 = tpu.vector_load %arg10[%get3A_143, %get3A_144] {strides = array<i32>} : memref<80x128xf32, #tpu.memory_space<vmem>>, vector<16xf32>,
        %mul3A_146 = arith.mulf %get3A_145, %gather3A : vector<16xf32>
        %swap3A_147 = arith.index_cast %add3A_94 : i32 to index
        %swap3A_148 = arith.constant 112 : index
        %swap3A_149 = tpu.vector_load %arg10[%swap3A_147, %swap3A_148] {strides = array<i32>} : memref<80x128xf32, #tpu.memory_space<vmem>>, vector<16xf32>,
        tpu.vector_store %arg10[%swap3A_147, %swap3A_148], %mul3A_146 {strides = array<i32>} : memref<80x128xf32, #tpu.memory_space<vmem>>, vector<16xf32>,
        %add3A_150 = arith.constant 1 : i32
        %add3A_151 = arith.addi %add3A_92, %add3A_150 : i32
        %broadcast_in_dim3A_152 = vector.broadcast %add3A_151 : i32 to vector<16xi32>
        %gather3A_153 = tpu.vector_load_idx %arg9[%broadcast_in_dim3A_81, %broadcast_in_dim3A_152] : memref<25x80xf32, #tpu.memory_space<vmem>>[vector<16xi32>, vector<16xi32>], vector<16xf32>,
        %get3A_154 = arith.index_cast %add3A_151 : i32 to index
        %get3A_155 = arith.constant 0 : index
        %get3A_156 = tpu.vector_load %arg10[%get3A_154, %get3A_155] {strides = array<i32>} : memref<80x128xf32, #tpu.memory_space<vmem>>, vector<16xf32>,
        %mul3A_157 = arith.mulf %get3A_156, %gather3A_153 : vector<16xf32>
        %swap3A_158 = arith.index_cast %add3A_151 : i32 to index
        %swap3A_159 = arith.constant 0 : index
        %swap3A_160 = tpu.vector_load %arg10[%swap3A_158, %swap3A_159] {strides = array<i32>} : memref<80x128xf32, #tpu.memory_space<vmem>>, vector<16xf32>,
        tpu.vector_store %arg10[%swap3A_158, %swap3A_159], %mul3A_157 {strides = array<i32>} : memref<80x128xf32, #tpu.memory_space<vmem>>, vector<16xf32>,
        %get3A_161 = arith.index_cast %add3A_151 : i32 to index
        %get3A_162 = arith.constant 16 : index
        %get3A_163 = tpu.vector_load %arg10[%get3A_161, %get3A_162] {strides = array<i32>} : memref<80x128xf32, #tpu.memory_space<vmem>>, vector<16xf32>,
        %mul3A_164 = arith.mulf %get3A_163, %gather3A_153 : vector<16xf32>
        %swap3A_165 = arith.index_cast %add3A_151 : i32 to index
        %swap3A_166 = arith.constant 16 : index
        %swap3A_167 = tpu.vector_load %arg10[%swap3A_165, %swap3A_166] {strides = array<i32>} : memref<80x128xf32, #tpu.memory_space<vmem>>, vector<16xf32>,
        tpu.vector_store %arg10[%swap3A_165, %swap3A_166], %mul3A_164 {strides = array<i32>} : memref<80x128xf32, #tpu.memory_space<vmem>>, vector<16xf32>,
        %get3A_168 = arith.index_cast %add3A_151 : i32 to index
        %get3A_169 = arith.constant 32 : index
        %get3A_170 = tpu.vector_load %arg10[%get3A_168, %get3A_169] {strides = array<i32>} : memref<80x128xf32, #tpu.memory_space<vmem>>, vector<16xf32>,
        %mul3A_171 = arith.mulf %get3A_170, %gather3A_153 : vector<16xf32>
        %swap3A_172 = arith.index_cast %add3A_151 : i32 to index
        %swap3A_173 = arith.constant 32 : index
        %swap3A_174 = tpu.vector_load %arg10[%swap3A_172, %swap3A_173] {strides = array<i32>} : memref<80x128xf32, #tpu.memory_space<vmem>>, vector<16xf32>,
        tpu.vector_store %arg10[%swap3A_172, %swap3A_173], %mul3A_171 {strides = array<i32>} : memref<80x128xf32, #tpu.memory_space<vmem>>, vector<16xf32>,
        %get3A_175 = arith.index_cast %add3A_151 : i32 to index
        %get3A_176 = arith.constant 48 : index
        %get3A_177 = tpu.vector_load %arg10[%get3A_175, %get3A_176] {strides = array<i32>} : memref<80x128xf32, #tpu.memory_space<vmem>>, vector<16xf32>,
        %mul3A_178 = arith.mulf %get3A_177, %gather3A_153 : vector<16xf32>
        %swap3A_179 = arith.index_cast %add3A_151 : i32 to index
        %swap3A_180 = arith.constant 48 : index
        %swap3A_181 = tpu.vector_load %arg10[%swap3A_179, %swap3A_180] {strides = array<i32>} : memref<80x128xf32, #tpu.memory_space<vmem>>, vector<16xf32>,
        tpu.vector_store %arg10[%swap3A_179, %swap3A_180], %mul3A_178 {strides = array<i32>} : memref<80x128xf32, #tpu.memory_space<vmem>>, vector<16xf32>,
        %get3A_182 = arith.index_cast %add3A_151 : i32 to index
        %get3A_183 = arith.constant 64 : index
        %get3A_184 = tpu.vector_load %arg10[%get3A_182, %get3A_183] {strides = array<i32>} : memref<80x128xf32, #tpu.memory_space<vmem>>, vector<16xf32>,
        %mul3A_185 = arith.mulf %get3A_184, %gather3A_153 : vector<16xf32>
        %swap3A_186 = arith.index_cast %add3A_151 : i32 to index
        %swap3A_187 = arith.constant 64 : index
        %swap3A_188 = tpu.vector_load %arg10[%swap3A_186, %swap3A_187] {strides = array<i32>} : memref<80x128xf32, #tpu.memory_space<vmem>>, vector<16xf32>,
        tpu.vector_store %arg10[%swap3A_186, %swap3A_187], %mul3A_185 {strides = array<i32>} : memref<80x128xf32, #tpu.memory_space<vmem>>, vector<16xf32>,
        %get3A_189 = arith.index_cast %add3A_151 : i32 to index
        %get3A_190 = arith.constant 80 : index
        %get3A_191 = tpu.vector_load %arg10[%get3A_189, %get3A_190] {strides = array<i32>} : memref<80x128xf32, #tpu.memory_space<vmem>>, vector<16xf32>,
        %mul3A_192 = arith.mulf %get3A_191, %gather3A_153 : vector<16xf32>
        %swap3A_193 = arith.index_cast %add3A_151 : i32 to index
        %swap3A_194 = arith.constant 80 : index
        %swap3A_195 = tpu.vector_load %arg10[%swap3A_193, %swap3A_194] {strides = array<i32>} : memref<80x128xf32, #tpu.memory_space<vmem>>, vector<16xf32>,
        tpu.vector_store %arg10[%swap3A_193, %swap3A_194], %mul3A_192 {strides = array<i32>} : memref<80x128xf32, #tpu.memory_space<vmem>>, vector<16xf32>,
        %get3A_196 = arith.index_cast %add3A_151 : i32 to index
        %get3A_197 = arith.constant 96 : index
        %get3A_198 = tpu.vector_load %arg10[%get3A_196, %get3A_197] {strides = array<i32>} : memref<80x128xf32, #tpu.memory_space<vmem>>, vector<16xf32>,
        %mul3A_199 = arith.mulf %get3A_198, %gather3A_153 : vector<16xf32>
        %swap3A_200 = arith.index_cast %add3A_151 : i32 to index
        %swap3A_201 = arith.constant 96 : index
        %swap3A_202 = tpu.vector_load %arg10[%swap3A_200, %swap3A_201] {strides = array<i32>} : memref<80x128xf32, #tpu.memory_space<vmem>>, vector<16xf32>,
        tpu.vector_store %arg10[%swap3A_200, %swap3A_201], %mul3A_199 {strides = array<i32>} : memref<80x128xf32, #tpu.memory_space<vmem>>, vector<16xf32>,
        %get3A_203 = arith.index_cast %add3A_151 : i32 to index
        %get3A_204 = arith.constant 112 : index
        %get3A_205 = tpu.vector_load %arg10[%get3A_203, %get3A_204] {strides = array<i32>} : memref<80x128xf32, #tpu.memory_space<vmem>>, vector<16xf32>,
        %mul3A_206 = arith.mulf %get3A_205, %gather3A_153 : vector<16xf32>
        %swap3A_207 = arith.index_cast %add3A_151 : i32 to index
        %swap3A_208 = arith.constant 112 : index
        %swap3A_209 = tpu.vector_load %arg10[%swap3A_207, %swap3A_208] {strides = array<i32>} : memref<80x128xf32, #tpu.memory_space<vmem>>, vector<16xf32>,
        tpu.vector_store %arg10[%swap3A_207, %swap3A_208], %mul3A_206 {strides = array<i32>} : memref<80x128xf32, #tpu.memory_space<vmem>>, vector<16xf32>,
      }
      %scan3A_86 = arith.constant 40 : i32
      %run_scoped3A_87 = arith.constant 24 : i32
      "tpu.region"() ({
        %run_scoped3A_88 = tpu.sem_alloc : memref<!tpu.dma_semaphore, #tpu.memory_space<semaphore_mem>>
        %dma_start3A_89 = arith.constant 0 : i32
        %dma_start3A_90 = tpu.memref_slice %arg8[%run_scoped3A_87, %dma_start3A_89] : memref<25x80xi32, #tpu.memory_space<vmem>> -> memref<1x80xi32, #tpu.memory_space<vmem>>
        %dma_start3A_91 = tpu.memref_squeeze %dma_start3A_90 : memref<1x80xi32, #tpu.memory_space<vmem>> -> memref<80xi32, #tpu.memory_space<vmem>>
        %dma_start3A_92 = arith.constant 0 : i32
        %dma_start3A_93 = arith.constant 0 : i32
        %dma_start3A_94 = tpu.memref_slice %arg12[%dma_start3A_92, %dma_start3A_93] : memref<10240x128xf32, #tpu.memory_space<vmem_shared>> -> memref<10240x128xf32, #tpu.memory_space<vmem_shared>>
        tpu.enqueue_indirect_dma source(%arg10 : memref<80x128xf32, #tpu.memory_space<vmem>>) target(%dma_start3A_94 : memref<10240x128xf32, #tpu.memory_space<vmem_shared>>) offsets(%dma_start3A_91 : memref<80xi32, #tpu.memory_space<vmem>>) semaphore(%run_scoped3A_88 : memref<!tpu.dma_semaphore, #tpu.memory_space<semaphore_mem>>) {add = true}
        %dma_wait3A_95 = arith.constant 0 : i32
        %dma_wait3A_96 = tpu.memref_slice %arg8[%run_scoped3A_87, %dma_wait3A_95] : memref<25x80xi32, #tpu.memory_space<vmem>> -> memref<1x80xi32, #tpu.memory_space<vmem>>
        %dma_wait3A_97 = tpu.memref_squeeze %dma_wait3A_96 : memref<1x80xi32, #tpu.memory_space<vmem>> -> memref<80xi32, #tpu.memory_space<vmem>>
        %dma_wait3A_98 = arith.constant 0 : i32
        %dma_wait3A_99 = arith.constant 0 : i32
        %dma_wait3A_100 = tpu.memref_slice %arg12[%dma_wait3A_98, %dma_wait3A_99] : memref<10240x128xf32, #tpu.memory_space<vmem_shared>> -> memref<10240x128xf32, #tpu.memory_space<vmem_shared>>
        tpu.wait_indirect_dma semaphore(%run_scoped3A_88 : memref<!tpu.dma_semaphore, #tpu.memory_space<semaphore_mem>>) src(%arg10 : memref<80x128xf32, #tpu.memory_space<vmem>>) dst(%dma_wait3A_100 : memref<10240x128xf32, #tpu.memory_space<vmem_shared>>)
        tpu.yield
      }) : () -> ()
    }
    %scan3A_9 = arith.constant 5 : i32
    %barrier3A_10 = arith.constant 0 : index
    tpu.barrier barrier_id(%barrier3A_10)
    %scan3A_11 = arith.constant 0 : i32
    %scan3A_12 = arith.constant 5 : i32
    %scan3A_13 = arith.addi %scan3A_11, %scan3A_12 : i32
    %scan3A_14 = arith.constant 1 : i32
    scf.for %scan3A_16 = %scan3A_11 to %scan3A_13 step %scan3A_14  : i32 {
      %mul3A_17 = arith.constant 1 : i32
      %mul3A_18 = arith.muli %scan3A_16, %mul3A_17 : i32
      %add3A_19 = arith.constant 0 : i32
      %add3A_20 = arith.addi %add3A_19, %mul3A_18 : i32
      %mul3A_21 = arith.constant 640 : i32
      %mul3A_22 = arith.muli %arg1, %mul3A_21 : i32
      %mul3A_23 = arith.constant 128 : i32
      %mul3A_24 = arith.muli %add3A_20, %mul3A_23 : i32
      %add3A_25 = arith.addi %mul3A_22, %mul3A_24 : i32
      "tpu.region"() ({
        %run_scoped3A = tpu.sem_alloc : memref<!tpu.dma_semaphore, #tpu.memory_space<semaphore_mem>>
        %dma_start3A = arith.constant 0 : i32
        %dma_start3A_26 = arith.constant 0 : i32
        %dma_start3A_27 = tpu.memref_slice %arg6[%arg0, %dma_start3A, %dma_start3A_26] : memref<2x10240x128xf32, #tpu.memory_space<hbm>> -> memref<1x10240x128xf32, #tpu.memory_space<hbm>>
        %dma_start3A_28 = tpu.memref_squeeze %dma_start3A_27 : memref<1x10240x128xf32, #tpu.memory_space<hbm>> -> memref<10240x128xf32, #tpu.memory_space<hbm>>
        %dma_start3A_29 = arith.constant 0 : i32
        %dma_start3A_30 = tpu.memref_slice %dma_start3A_28[%add3A_25, %dma_start3A_29] : memref<10240x128xf32, #tpu.memory_space<hbm>> -> memref<128x128xf32, #tpu.memory_space<hbm>>
        %dma_start3A_31 = arith.constant 0 : i32
        %dma_start3A_32 = tpu.memref_slice %arg12[%add3A_25, %dma_start3A_31] : memref<10240x128xf32, #tpu.memory_space<vmem_shared>> -> memref<128x128xf32, #tpu.memory_space<vmem_shared>>
        tpu.enqueue_dma source(%dma_start3A_32 : memref<128x128xf32, #tpu.memory_space<vmem_shared>>) target(%dma_start3A_30 : memref<128x128xf32, #tpu.memory_space<hbm>>) target_semaphore(%run_scoped3A : memref<!tpu.dma_semaphore, #tpu.memory_space<semaphore_mem>>)
        %dma_wait3A = arith.constant 0 : i32
        %dma_wait3A_33 = arith.constant 0 : i32
        %dma_wait3A_34 = tpu.memref_slice %arg6[%arg0, %dma_wait3A, %dma_wait3A_33] : memref<2x10240x128xf32, #tpu.memory_space<hbm>> -> memref<1x10240x128xf32, #tpu.memory_space<hbm>>
        %dma_wait3A_35 = tpu.memref_squeeze %dma_wait3A_34 : memref<1x10240x128xf32, #tpu.memory_space<hbm>> -> memref<10240x128xf32, #tpu.memory_space<hbm>>
        %dma_wait3A_36 = arith.constant 0 : i32
        %dma_wait3A_37 = tpu.memref_slice %dma_wait3A_35[%add3A_25, %dma_wait3A_36] : memref<10240x128xf32, #tpu.memory_space<hbm>> -> memref<128x128xf32, #tpu.memory_space<hbm>>
        %dma_wait3A_38 = arith.constant 0 : i32
        %dma_wait3A_39 = tpu.memref_slice %arg12[%add3A_25, %dma_wait3A_38] : memref<10240x128xf32, #tpu.memory_space<vmem_shared>> -> memref<128x128xf32, #tpu.memory_space<vmem_shared>>
        tpu.wait_dma2 semaphore(%run_scoped3A : memref<!tpu.dma_semaphore, #tpu.memory_space<semaphore_mem>>) src(%dma_wait3A_39 : memref<128x128xf32, #tpu.memory_space<vmem_shared>>) dst(%dma_wait3A_37 : memref<128x128xf32, #tpu.memory_space<hbm>>)
        tpu.yield
      }) : () -> ()
    }
    %scan3A_15 = arith.constant 5 : i32
    return
  }
}

module attributes {stable_mosaic.version = 14 : i64} {
  func.func @body(%arg0: i32, %arg1: memref<2x1280x128xf32, #tpu.memory_space<vmem>>, %arg2: memref<1280x128xf32, #tpu.memory_space<vmem>>) attributes {dimension_semantics = [#tpu.dimension_semantics<arbitrary>], iteration_bounds = array<i64: 8>, scalar_prefetch = 0 : i64, scratch_operands = 0 : i64, tpu.core_type = #tpu.core_type<tc>, window_params = [{transform_indices = @transform_0, window_bounds = array<i64: 2, 1280, 128>}, {transform_indices = @transform_1, window_bounds = array<i64: 1280, 128>}]} {
    %get3A = arith.constant 0 : index
    %get3A_0 = arith.constant 0 : index
    %get3A_1 = arith.constant 0 : index
    %get3A_2 = vector.load %arg1[%get3A, %get3A_0, %get3A_1] : memref<2x1280x128xf32, #tpu.memory_space<vmem>>, vector<1x1280x128xf32>
    %get3A_3 = vector.shape_cast %get3A_2 : vector<1x1280x128xf32> to vector<1280x128xf32>
    %get3A_4 = arith.constant 1 : index
    %get3A_5 = arith.constant 0 : index
    %get3A_6 = arith.constant 0 : index
    %get3A_7 = vector.load %arg1[%get3A_4, %get3A_5, %get3A_6] : memref<2x1280x128xf32, #tpu.memory_space<vmem>>, vector<1x1280x128xf32>
    %get3A_8 = vector.shape_cast %get3A_7 : vector<1x1280x128xf32> to vector<1280x128xf32>
    %add3A = arith.addf %get3A_3, %get3A_8 : vector<1280x128xf32>
    %swap3A = arith.constant 0 : index
    %swap3A_9 = arith.constant 0 : index
    %swap3A_10 = vector.load %arg2[%swap3A, %swap3A_9] : memref<1280x128xf32, #tpu.memory_space<vmem>>, vector<1280x128xf32>
    tpu.vector_store %arg2[%swap3A, %swap3A_9], %add3A {strides = array<i32>} : memref<1280x128xf32, #tpu.memory_space<vmem>>, vector<1280x128xf32>,
    return
  }
  func.func @transform_0(%arg0: i32) -> (i32, i32, i32) {
    %c0_i32 = arith.constant 0 : i32
    %c0_i32_0 = arith.constant 0 : i32
    %c0_i32_1 = arith.constant 0 : i32
    return %c0_i32, %arg0, %c0_i32_0 : i32, i32, i32
  }
  func.func @transform_1(%arg0: i32) -> (i32, i32) {
    %c0_i32 = arith.constant 0 : i32
    %c0_i32_0 = arith.constant 0 : i32
    return %arg0, %c0_i32 : i32, i32
  }
}

module attributes {stable_mosaic.version = 14 : i64} {
  func.func @body(%arg0: i32, %arg1: memref<2x1000x128xf32, #tpu.memory_space<vmem>>, %arg2: memref<128x128xf32, #tpu.memory_space<vmem>>, %arg3: memref<1x128xf32, #tpu.memory_space<vmem>>, %arg4: memref<1000x128xf32, #tpu.memory_space<vmem>>) attributes {dimension_semantics = [#tpu.dimension_semantics<arbitrary>], iteration_bounds = array<i64: 10>, scalar_prefetch = 0 : i64, scratch_operands = 0 : i64, tpu.core_type = #tpu.core_type<tc>, window_params = [{transform_indices = @transform_0, window_bounds = array<i64: 2, 1000, 128>}, {pipeline_mode = #tpu.pipeline_mode<synchronous>, transform_indices = @transform_1, window_bounds = array<i64: 128, 128>}, {pipeline_mode = #tpu.pipeline_mode<synchronous>, transform_indices = @transform_2, window_bounds = array<i64: 1, 128>}, {transform_indices = @transform_3, window_bounds = array<i64: 1000, 128>}]} {
    %get3A = arith.constant 0 : index
    %get3A_0 = arith.constant 0 : index
    %get3A_1 = arith.constant 0 : index
    %get3A_2 = vector.load %arg1[%get3A, %get3A_0, %get3A_1] : memref<2x1000x128xf32, #tpu.memory_space<vmem>>, vector<1x1000x128xf32>
    %get3A_3 = vector.shape_cast %get3A_2 : vector<1x1000x128xf32> to vector<1000x128xf32>
    %get3A_4 = arith.constant 1 : index
    %get3A_5 = arith.constant 0 : index
    %get3A_6 = arith.constant 0 : index
    %get3A_7 = vector.load %arg1[%get3A_4, %get3A_5, %get3A_6] : memref<2x1000x128xf32, #tpu.memory_space<vmem>>, vector<1x1000x128xf32>
    %get3A_8 = vector.shape_cast %get3A_7 : vector<1x1000x128xf32> to vector<1000x128xf32>
    %add3A = arith.addf %get3A_3, %get3A_8 : vector<1000x128xf32>
    %get3A_9 = arith.constant 0 : index
    %get3A_10 = arith.constant 0 : index
    %get3A_11 = vector.load %arg2[%get3A_9, %get3A_10] : memref<128x128xf32, #tpu.memory_space<vmem>>, vector<128x128xf32>
    %dot_general3A = arith.constant dense<0.000000e+00> : vector<1000x128xf32>
    %dot_general3A_12 = tpu.matmul %add3A, %get3A_11, %dot_general3A {dimension_numbers = #tpu.dot_dimension_numbers<[1], [1], [0], [0], [0, 0, 1, 0], [], []>, precision = #tpu.contract_precision<fp32>, transpose_lhs_hint = false} : vector<1000x128xf32>, vector<128x128xf32>, vector<1000x128xf32> -> vector<1000x128xf32>
    %get3A_13 = arith.constant 0 : index
    %get3A_14 = arith.constant 0 : index
    %get3A_15 = vector.load %arg3[%get3A_13, %get3A_14] : memref<1x128xf32, #tpu.memory_space<vmem>>, vector<1x128xf32>
    %add3A_16 = vector.broadcast %get3A_15 : vector<1x128xf32> to vector<1000x128xf32>
    %add3A_17 = arith.addf %dot_general3A_12, %add3A_16 : vector<1000x128xf32>
    %swap3A = arith.constant 0 : index
    %swap3A_18 = arith.constant 0 : index
    %swap3A_19 = vector.load %arg4[%swap3A, %swap3A_18] : memref<1000x128xf32, #tpu.memory_space<vmem>>, vector<1000x128xf32>
    tpu.vector_store %arg4[%swap3A, %swap3A_18], %add3A_17 {strides = array<i32>} : memref<1000x128xf32, #tpu.memory_space<vmem>>, vector<1000x128xf32>,
    return
  }
  func.func @transform_0(%arg0: i32) -> (i32, i32, i32) {
    %c0_i32 = arith.constant 0 : i32
    %c0_i32_0 = arith.constant 0 : i32
    %c0_i32_1 = arith.constant 0 : i32
    return %c0_i32, %arg0, %c0_i32_0 : i32, i32, i32
  }
  func.func @transform_1(%arg0: i32) -> (i32, i32) {
    %c0_i32 = arith.constant 0 : i32
    %c0_i32_0 = arith.constant 0 : i32
    %c0_i32_1 = arith.constant 0 : i32
    return %c0_i32, %c0_i32_0 : i32, i32
  }
  func.func @transform_2(%arg0: i32) -> (i32, i32) {
    %c0_i32 = arith.constant 0 : i32
    %c0_i32_0 = arith.constant 0 : i32
    %c0_i32_1 = arith.constant 0 : i32
    return %c0_i32, %c0_i32_0 : i32, i32
  }
  func.func @transform_3(%arg0: i32) -> (i32, i32) {
    %c0_i32 = arith.constant 0 : i32
    %c0_i32_0 = arith.constant 0 : i32
    return %arg0, %c0_i32 : i32, i32
  }
}

</mosaic_0001>

<sc_bundles>
// kernel: _run.6.cloned.1.call-start
scs
__scs_entry_jumppad:
0x0: {  	(pc) =	sbr.rel $0x88, $3  }
0x1: {  	(tag) =	ssettag $0x0;
	lr =	simm.s32 $0x1  }
0x2: {  	[smem:$0x3F9C] =	sst lr;
	_ =	strace $0xD0000000  }
0x3: {  	_ = 	snop  }
0x4: {  	_ = 	snop  }
0x5: {  	_ = 	snop  }
0x6: {  	_ = 	snop  }
0x7: {  	_ = 	snop  }
__scs_overlays_trampoline_lowered:
0x8: {  	[smem:$0x3FAB] =	sst s0  }
0x9: {  	[smem:$0x3FAC] =	sst s1  }
0xa: {  	[smem:$0x3FAD] =	sst s2  }
0xb: {  	[smem:$0x3FAE] =	sst s3  }
0xc: {  	[smem:$0x3FAF] =	sst s4  }
0xd: {  	[smem:$0x3FB0] =	sst s5  }
0xe: {  	[smem:$0x3FB1] =	sst s6  }
0xf: {  	[smem:$0x3FB2] =	sst s7  }
0x10: {  	[smem:$0x3FB3] =	sst s8  }
0x11: {  	[smem:$0x3FB4] =	sst s9;
	s0 =	simm.s32 @!p0 $0x0  }
0x12: {  	s1 =	sld [smem:$0x3F9A];
	s0 =	simm.s32 @p0 $0x1  }
0x13: {  	[smem:$0x3FB5] =	sst s0;
	s0 =	simm.s32 @!p1 $0x0  }
0x14: {  	s2 =	sld [smem:$0x3F99];
	s0 =	simm.s32 @p1 $0x1  }
0x15: {  	[smem:$0x3FB6] =	sst s0;
	s0 =	simm.s32 @!p2 $0x0  }
0x16: {  	s3 =	sld [smem:$0x3FDB];
	s0 =	simm.s32 @p2 $0x1  }
0x17: {  	s4 =	simm.s32 $0x1BF5;
	[smem:$0x3FB8] =	sst s0  }
0x18: {  	s0 =	sld [smem:$0x3F9B];
	_ =	swait.ge [sflag:s4], $0x0  }
0x19: {  	s7 =	sld [smem:$0x3F9C]  }
0x1a: {  	s8 =	sadd.s32 $0xFFFFE003, lr  }
0x1b: {  	s9 =	sadd.s32 $0xFFFFFEF7, lr;
	s5 =	simm.s32 $0xFFFFFFFF;
	p2 =	slt.u32 s8, $0xFFFFF086  }
0x1c: {  	p1 =	slt.u32 s9, $0xF7A;
	s5 =	simm.s32 @!p2 $0x0  }
0x1d: {  	s5 =	simm.s32 @p1 $0x1;
	p0 =	seq.s32 s7, s2  }
0x1e: {  	s7 =	smul.u32 @!p0 $0xF7A, s2;
	p2 =	seq.s32 @!p0 s5, $0x0  }
0x1f: {  	s9 =	smul.u32 $0xF7A, s1;
	s8 =	simm.s32 @!p0 $0x1BF5;
	p2 =	por !p2, p0  }
0x20: {  	[sflag:s8] =	ssyncset.s32 @!p0 $0xFFFFF086;
	s6 =	sadd.s32 @!p0 s3, s7;
	s7 =	simm.s32 @!p0 $0x108  }
0x21: {  	s3 =	sadd.s32 s3, s9;
	s6 =	sadd.s32 @!p0 $0x88, s6;
	s7 =	simm.s32 @p2 $0x1082  }
0x22: {  	[simem:s7], [sflag:s8] =	dma.local @!p0 [hbm:s6], $0xF7A  }
0x23: {  	s9 =	sor.u32 $0xD0000000, s2;
	s6 =	simm.s32 $0x108;
	_ =	swait.ge @!p0 [sflag:s8], $0x0  }
0x24: {  	s3 =	sadd.s32 $0x88, s3;
	s6 =	simm.s32 @!p1 $0x1082;
	[sflag:s4] =	ssyncset.s32 $0xFFFFF086  }
0x25: {  	[simem:s6], [sflag:s4] =	dma.local [hbm:s3], $0xF7A  }
0x26: {  	[smem:$0x3F9C] =	sst s1;
	(tag) =	ssettag s2;
	_ =	strace s9  }
0x27: {  	s1 =	sld [smem:$0x3FAC]  }
0x28: {  	s2 =	sld [smem:$0x3FAD]  }
0x29: {  	s4 =	sld [smem:$0x3FAF]  }
0x2a: {  	p0 =	seq.s32 s5, $0x0;
	s5 =	sld [smem:$0x3FB0]  }
0x2b: {  	s6 =	sld [smem:$0x3FB1]  }
0x2c: {  	s7 =	sld [smem:$0x3FB2]  }
0x2d: {  	s3 =	simm.s32 $0x108;
	s8 =	sld [smem:$0x3FB3]  }
0x2e: {  	s3 =	simm.s32 @!p0 $0x1082;
	s9 =	sld [smem:$0x3FB4]  }
0x2f: {  	lr =	sadd.s32 s0, s3;
	s0 =	sld [smem:$0x3FAB]  }
0x30: {  	s3 =	sld [smem:$0x3FAE]  }
0x31: {  	[smem:$0x3FB7] =	sst s10  }
0x32: {  	s10 =	sld [smem:$0x3FB5];
	_ =	sdelay $0x3  }
0x33: {  	p0 =	seq.s32 s10, $0x1;
	s10 =	sld [smem:$0x3FB7];
	_ =	sdelay $0x3  }
0x34: {  	[smem:$0x3FB7] =	sst s10  }
0x35: {  	s10 =	sld [smem:$0x3FB6];
	_ =	sdelay $0x3  }
0x36: {  	p1 =	seq.s32 s10, $0x1;
	s10 =	sld [smem:$0x3FB7];
	_ =	sdelay $0x3  }
0x37: {  	[smem:$0x3FB7] =	sst s10  }
0x38: {  	s10 =	sld [smem:$0x3FB8]  }
0x39: {  	_ = 	snop;
	(pc) =	sbr.ind lr, $3  }
0x3a: {  	_ = 	snop  }
0x3b: {  	_ = 	snop  }
0x3c: {  	p2 =	seq.s32 s10, $0x1;
	s10 =	sld [smem:$0x3FB7]  }
0x3d: {  	_ =	shalt  }
0x3e: {  	_ =	shalt  }
0x3f: {  	_ =	shalt  }
0x40: {  	_ =	shalt  }
0x41: {  	_ =	shalt  }
0x42: {  	_ =	shalt  }
0x43: {  	_ =	shalt  }
0x44: {  	_ =	shalt  }
0x45: {  	_ =	shalt  }
0x46: {  	_ =	shalt  }
0x47: {  	_ =	shalt  }
0x48: {  	_ =	shalt  }
0x49: {  	_ =	shalt  }
0x4a: {  	_ =	shalt  }
0x4b: {  	_ =	shalt  }
0x4c: {  	_ =	shalt  }
0x4d: {  	_ =	shalt  }
0x4e: {  	_ =	shalt  }
0x4f: {  	_ =	shalt  }
0x50: {  	_ =	shalt  }
0x51: {  	_ =	shalt  }
0x52: {  	_ =	shalt  }
0x53: {  	_ =	shalt  }
0x54: {  	_ =	shalt  }
0x55: {  	_ =	shalt  }
0x56: {  	_ =	shalt  }
0x57: {  	_ =	shalt  }
0x58: {  	_ =	shalt  }
0x59: {  	_ =	shalt  }
0x5a: {  	_ =	shalt  }
0x5b: {  	_ =	shalt  }
0x5c: {  	_ =	shalt  }
0x5d: {  	_ =	shalt  }
0x5e: {  	_ =	shalt  }
0x5f: {  	_ =	shalt  }
0x60: {  	_ =	shalt  }
0x61: {  	_ =	shalt  }
0x62: {  	_ =	shalt  }
0x63: {  	_ =	shalt  }
0x64: {  	_ =	shalt  }
0x65: {  	_ =	shalt  }
0x66: {  	_ =	shalt  }
0x67: {  	_ =	shalt  }
0x68: {  	_ =	shalt  }
0x69: {  	_ =	shalt  }
0x6a: {  	_ =	shalt  }
0x6b: {  	_ =	shalt  }
0x6c: {  	_ =	shalt  }
0x6d: {  	_ =	shalt  }
0x6e: {  	_ =	shalt  }
0x6f: {  	_ =	shalt  }
0x70: {  	_ =	shalt  }
0x71: {  	_ =	shalt  }
0x72: {  	_ =	shalt  }
0x73: {  	_ =	shalt  }
0x74: {  	_ =	shalt  }
0x75: {  	_ =	shalt  }
0x76: {  	_ =	shalt  }
0x77: {  	_ =	shalt  }
0x78: {  	_ =	shalt  }
0x79: {  	_ =	shalt  }
0x7a: {  	_ =	shalt  }
0x7b: {  	_ =	shalt  }
0x7c: {  	_ =	shalt  }
0x7d: {  	_ =	shalt  }
0x7e: {  	_ =	shalt  }
0x7f: {  	_ =	shalt  }
0x80: {  	_ =	shalt  }
0x81: {  	_ =	shalt  }
0x82: {  	_ =	shalt  }
0x83: {  	_ =	shalt  }
0x84: {  	_ =	shalt  }
0x85: {  	_ =	shalt  }
0x86: {  	_ =	shalt  }
0x87: {  	_ =	shalt  }
.Lfunc_end0:
.L_simem_size_0:
called_computation_lowered:
.L_overlay_start_0:
0x88: {  	s2 =	sld [smem:$0x3FD9]  }
0x89: {  	s3 =	sld [smem:$0x3FFE];
	_ =	sdelay $0x1  }
0x8a: {  	s1 =	srdreg.scid  }
0x8b: {  	s0 =	sand.u32 $0x1, s1  }
0x8c: {  	s17 =	sshll.u32 s0, $0xA;
	s2 =	sadd.s32 s3, s2  }
0x8d: {  	s2 =	sadd.s32 s2, s17  }
0x8e: {  	[smem:$0x3FC3] =	sst s2  }
0x8f: {  	_ = 	snop  }
0x90: {  	s2 =	sld [smem:$0x3FD0];
	(tm) =	ssettm $0x1  }
0x91: {  	s18 =	sld [smem:$0x3FFB];
	_ =	sdelay $0x3  }
0x92: {  	_ =	strace s18  }
0x93: {  	s3 =	sld [smem:$0x3FFC];
	_ =	sdelay $0x3  }
0x94: {  	_ =	strace s3  }
0x95: {  	s3 =	sld [smem:$0x3FFD];
	_ =	sdelay $0x3  }
0x96: {  	_ =	strace s3  }
0x97: {  	_ =	strace $0x8FFFFFFF  }
0x98: {  	s19 =	sld [smem:$0x3FDB];
	_ =	sdelay $0x1  }
0x99: {  	s4 =	simm.s32 $_scs_section_size  }
0x9a: {  	s5 =	simm.s32 $_size__tile_overlayer_lowered;
	s6 =	simm.s32 $_tile_overlayer_lowered  }
0x9b: {  	s22 =	simm.s32 $0x1BFF;
	s21 =	sshll.u32 s6, $0x1;
	s3 =	sadd.s32 s4, s19  }
0x9c: {  	s7 =	simm.s32 $0x0;
	s20 =	sshll.u32 s5, $0x1;
	s5 =	sadd.s32 s21, s3  }
0x9d: {  	[timem:s7], [sflag:s22] =	dma.local [hbm:s5], s20  }
0x9e: {  	_ =	swait.ge [sflag:s22], s20  }
0x9f: {  	s4 =	ssub.s32 $0x0, s20;
	[sflag:s22] =	ssyncset.done $0x0  }
0xa0: {  	[sflag:s22] =	ssyncadd.s32 s4;
	_ =	sdelay $0x1  }
0xa1: {  	s23 =	simm.s32 $0x1B8B  }
0xa2: {  	_ =	swait.ge [sflag:s23], $0x1  }
0xa3: {  	[sflag:s23] =	ssyncset.done $0x0  }
0xa4: {  	s25 =	simm.s32 $0x1B8E;
	s24 =	sld [smem:$0x3FFE];
	[sflag:s23] =	ssyncadd.s32 $0xFFFFFFFF  }
0xa5: {  	s26 =	simm.s32 $execute0_lowered;
	[smem:$0x3FD2] =	sst s25  }
0xa6: {  	s5 =	sshll.u32 s26, $0x1;
	_ =	strace $0x80000046;
	[dreg:$0x1] =	wrdreg $0xFFFFFFFF  }
0xa7: {  	s28 =	simm.s32 $_size_execute0_lowered;
	s3 =	sadd.s32 s3, s5;
	[dreg:$0x0] =	wrdreg $0x0  }
0xa8: {  	s5 =	sshll.u32 s28, $0x1;
	[dreg:$0x2] =	wrdreg s3  }
0xa9: {  	[dreg:$0x3] =	wrdreg s5  }
0xaa: {  	[dreg:$0x4] =	wrdreg $0xC0  }
0xab: {  	_ =	task [dreg:s7], $0x5FFFF  }
0xac: {  	[dreg:$0x1] =	wrdreg $0xFFFFFFFF  }
0xad: {  	[dreg:$0x0] =	wrdreg $0x60  }
0xae: {  	[dreg:$0x2] =	wrdreg s24  }
0xaf: {  	[dreg:$0x3] =	wrdreg s2  }
0xb0: {  	[dreg:$0x4] =	wrdreg $0x80000  }
0xb1: {  	[dreg:$0x5] =	wrdreg $0x9  }
0xb2: {  	_ =	task.clear_ibuf [dreg:s7], $0x6FFFF;
	_ =	strace $0x90000046  }
0xb3: {  	s29 =	simm.s32 $0x9;
	_ =	strace $0x80000048  }
0xb4: {  	_ =	swait.ge [sflag:s29], $0x1  }
0xb5: {  	[sflag:s29] =	ssyncadd.s32 $0xFFFFFFFF  }
0xb6: {  	_ =	strace $0x90000048  }
0xb7: {  	_ =	sfence  }
0xb8: {  	s30 =	sld [smem:$0x0];
	_ =	sdelay $0x2  }
0xb9: {  	s31 =	sshll.u32 s1, $0xD;
	s1 =	sshrl.u32 s1, $0x2  }
0xba: {  	s3 =	sand.u32 $0x4000, s31;
	s1 =	sadd.s32 s1, s30  }
0xbb: {  	s0 =	sor.u32 s3, s0;
	s1 =	sshll.u32 s1, $0x11  }
0xbc: {  	s0 =	sor.u32 s1, s0  }
0xbd: {  	s0 =	sadd.s32 $0x8F2B, s0  }
0xbe: {  	[sflag:s0] =	ssyncadd.remote.s32 $0x1  }
0xbf: {  	_ =	sfence.sel $0xFFFF  }
0xc0: {  	[dreg:$0x0] =	wrdreg $0xFFFFFFFF;
	(pc) =	sbr.abs _section_cstart, $3  }
0xc1: {  	[dreg:$0x1] =	wrdreg $0xFFFFFFFF  }
0xc2: {  	_ =	task.clear_ibuf [dreg:s7], $0x2FFFF;
	_ =	strace $0x9FFFFFFF  }
0xc3: {  	(tm) =	ssettm $0x7FFFFFFF  }
tec
execute0_lowered:
.L_overlay_start_1:
0x0: {  	(tag) =	ssettag $0x1  }
0x1: {  	s0 =	srdreg.scid;
	s1 =	rddreg [dreg:$0x0]  }
0x2: {  	s8 =	rddreg [dreg:$0x1];
	s12 =	stileid.u32  }
0x3: {  	s2 =	rddreg [dreg:$0x2];
	s28 =	simm.s32 $0x2000;
	s29 =	simm.s32 $0x50  }
0x4: {  	s30 =	simm.s32 $0x3000;
	s31 =	simm.s32 $0x80;
	s6 =	smul.u32 $0x50000, s12  }
0x5: {  	s0 =	sand.u32 $0x1, s0;
	s7 =	sshll.u32 s12, $0x6;
	s22 =	smul.u32 $0x280, s12  }
0x6: {  	s3 =	sshll.u32 s0, $0x4;
	s5 =	smul.u32 $0x28000, s0;
	s0 =	ssub.s32 $0x2, s0  }
0x7: {  	s7 =	sor.u32 $0x1C03, s7;
	s4 =	sor.u32 s12, s3;
	s3 =	simm.s32 $0x0  }
0x8: {  	s21 =	sshrl.u32 s0, $0x1;
	s6 =	sshrl.u32 s6, $0x2;
	s12 =	smul.u32 $0x2800, s12  }
0x9: {  	s14 =	sadd.s32 $0x80, s22;
	s17 =	sadd.s32 $0x100, s22;
	s20 =	sadd.s32 $0x180, s22  }
0xa: {  	s9 =	smul.u32 $0xA00, s4;
	[smem:$0x7FF] =	sst s3;
	s4 =	sadd.s32 $0x29400, s1  }
0xb: {  	s11 =	sadd.s32 s5, s1;
	s0 =	ssub.s32 s0, s21;
	s5 =	sadd.s32 s6, s2  }
0xc: {  	s6 =	sadd.s32 $0x50500, s1;
	s16 =	sshll.u32 s14, $0x7;
	s19 =	sshll.u32 s17, $0x7  }
0xd: {  	s14 =	sshll.u32 s14, $0x4;
	s17 =	sshll.u32 s17, $0x4;
	s21 =	sshll.u32 s20, $0x7  }
0xe: {  	s20 =	sshll.u32 s20, $0x4;
	_ =	strace $0x80000047;
	s11 =	sadd.s32 $0x51400, s11  }
0xf: {  	s0 =	smax.u32 s0, $0x1;
	s23 =	sadd.s32 $0x4000, s5;
	s13 =	sadd.s32 $0x8000, s5  }
0x10: {  	s15 =	sadd.s32 $0xC000, s5;
	s18 =	sadd.s32 $0x10000, s5;
	s16 =	sadd.s32 s16, s2  }
0x11: {  	s19 =	sadd.s32 s19, s2;
	[dreg:$0x4] =	wrdreg s0;
	s12 =	sadd.s32 s12, s11  }
0x12: {  	s21 =	sadd.s32 s21, s2;
	s24 =	sadd.s32 s14, s11;
	[dreg:$0x5] =	wrdreg s12  }
0x13: {  	s10 =	sadd.s32 s9, s1;
	s25 =	sadd.s32 s17, s11;
	[dreg:$0x6] =	wrdreg s24  }
0x14: {  	s8 =	sadd.s32 s8, s9;
	s26 =	sadd.s32 s20, s11;
	[dreg:$0x7] =	wrdreg s25  }
0x15: {  	s1 =	sadd.s32 $0x200, s22;
	s0 =	sshrl.u32 s23, $0x3;
	[dreg:$0x8] =	wrdreg s26  }
0x16: {  	s17 =	simm.s32 $0x3;
	s14 =	sshrl.u32 s13, $0x3;
	[dreg:$0xa] =	wrdreg s0  }
0x17: {  	s15 =	sshrl.u32 s15, $0x3;
	s20 =	sshrl.u32 s18, $0x3;
	[dreg:$0xb] =	wrdreg s14  }
0x18: {  	s23 =	sshrl.u32 s16, $0x3;
	s13 =	simm.s32 $0x1B80;
	[dreg:$0xc] =	wrdreg s15  }
0x19: {  	s9 =	sadd.s32 $0x1400, s10;
	s10 =	sadd.s32 $0x15400, s10;
	[dreg:$0xd] =	wrdreg s20  }
0x1a: {  	s22 =	sshll.u32 s1, $0x7;
	s1 =	sshll.u32 s1, $0x4;
	[dreg:$0xe] =	wrdreg s23  }
0x1b: {  	s24 =	sshrl.u32 s19, $0x3;
	s25 =	sshrl.u32 s21, $0x3;
	s0 =	simm.s32 $0x2  }
0x1c: {  	s12 =	simm.s32 $0xC00;
	s14 =	simm.s32 $0x1C00;
	[dreg:$0xf] =	wrdreg s24  }
0x1d: {  	s22 =	sadd.s32 s22, s2;
	s1 =	sadd.s32 s1, s11;
	[dreg:$0x10] =	wrdreg s25  }
0x1e: {  	s11 =	simm.s32 $0x1B00;
	[dreg:$0x9] =	wrdreg s1;
	s26 =	sshrl.u32 s22, $0x3  }
0x1f: {  	s1 =	simm.s32 $0x5800;
	[dreg:$0x11] =	wrdreg s26;
	s26 =	simm.s32 $0x1000  }
.LBB2_1:
0x20: {  	s15 =	sshrl.u32 s5, $0x3  }
0x21: {  	[spmem:s15], [sflag:s7] =	dma.local [hbm:s6], $0x800  }
0x22: {  	_ =	swait.ge [sflag:s17], $0x800  }
0x23: {  	[sflag:s17] =	ssyncset.done $0x0  }
0x24: {  	s16 =	rddreg [dreg:$0xa];
	[sflag:s17] =	ssyncadd.s32 $0xFFFFF800  }
0x25: {  	[spmem:s16], [sflag:s7] =	dma.local [hbm:s6], $0x800  }
0x26: {  	_ =	swait.ge [sflag:s17], $0x800  }
0x27: {  	[sflag:s17] =	ssyncset.done $0x0  }
0x28: {  	s23 =	rddreg [dreg:$0xb];
	[sflag:s17] =	ssyncadd.s32 $0xFFFFF800  }
0x29: {  	[spmem:s23], [sflag:s7] =	dma.local [hbm:s6], $0x800  }
0x2a: {  	_ =	swait.ge [sflag:s17], $0x800  }
0x2b: {  	[sflag:s17] =	ssyncset.done $0x0  }
0x2c: {  	s24 =	rddreg [dreg:$0xc];
	[sflag:s17] =	ssyncadd.s32 $0xFFFFF800  }
0x2d: {  	[spmem:s24], [sflag:s7] =	dma.local [hbm:s6], $0x800  }
0x2e: {  	_ =	swait.ge [sflag:s17], $0x800  }
0x2f: {  	[sflag:s17] =	ssyncset.done $0x0  }
0x30: {  	s25 =	rddreg [dreg:$0xd];
	[sflag:s17] =	ssyncadd.s32 $0xFFFFF800  }
0x31: {  	[spmem:s25], [sflag:s7] =	dma.local [hbm:s6], $0x800  }
0x32: {  	_ =	swait.ge [sflag:s17], $0x800  }
0x33: {  	[sflag:s17] =	ssyncset.done $0x0  }
0x34: {  	[sflag:s17] =	ssyncadd.s32 $0xFFFFF800  }
0x35: {  	s16 =	simm.s32 $0x0;
	[bflag:$0x0] =	sbarrier.arrive $0xFFFF  }
.LBB2_2:
0x36: {  	s19 =	sshll.u32 s16, $0x9  }
0x37: {  	s18 =	simm.s32 $0x0;
	s20 =	sadd.s32 s19, s8  }
0x38: {  	[tilespmem:s18], [sflag:$0x3] =	stream.linear.gather [hbm4b:s20+s18], $0xC80, $0x38;
	[tilespmem:$0x1C000] =	vst v63  }
0x39: {  	_ =	swait.ge [sflag:s17], $0xC80  }
0x3a: {  	[sflag:s17] =	ssyncset.done $0x0  }
0x3b: {  	s25 =	sadd.s32 s19, s9;
	[sflag:s17] =	ssyncadd.s32 $0xFFFFF380  }
0x3c: {  	[tilespmem:s26], [sflag:$0x3] =	stream.linear.gather [hbm4b:s25+s18], $0xC80, $0x38;
	[tilespmem:$0x1C000] =	vst v63  }
0x3d: {  	_ =	swait.ge [sflag:s17], $0xC80  }
0x3e: {  	[sflag:s17] =	ssyncset.done $0x0  }
0x3f: {  	s19 =	sadd.s32 s19, s10;
	[sflag:s17] =	ssyncadd.s32 $0xFFFFF380  }
0x40: {  	[tilespmem:s28], [sflag:$0x3] =	stream.linear.gather [hbm4b:s19+s18], $0xC80, $0x38;
	[tilespmem:$0x1C000] =	vst v63  }
0x41: {  	_ =	swait.ge [sflag:s17], $0xC80  }
0x42: {  	[sflag:s17] =	ssyncset.done $0x0  }
0x43: {  	[sflag:s17] =	ssyncadd.s32 $0xFFFFF380  }
0x44: {  	[tilespmem:s30], [sflag:$0x1] =	stream.indirect.gather [hbm4b:s4+s29], $0x80, s18, s29, $0xb8;
	[tilespmem:$0x1C000] =	vst v63  }
0x45: {  	_ = 	snop  }
0x46: {  	[tilespmem:s1], [sflag:$0x2] =	stream.indirect.gather [hbm4b:s4+s29], $0x80, s31, s29, $0xb8;
	[tilespmem:$0x1C000] =	vst v63  }
.LBB2_3:
0x47: {  	s20 =	simm.s32 $0x0  }
0x48: {  	s19 =	sshll.u32 s18, $0x8;
	v1 =	vmov s20  }
0x49: {  	v0 =	vmov s19;
	v1 =	vand.u32 $0x7E, v1  }
0x4a: {  	v1 =	vor.u32 v0, v1  }
0x4b: {  	v2 =	vbroadcast v1, $0x0  }
0x4c: {  	s21 =	simm.s32 $0x1  }
0x4d: {  	_ =	swait.ge [sflag:s21], $0x2800  }
0x4e: {  	[sflag:s21] =	ssyncset.done $0x0  }
0x4f: {  	s20 =	simm.s32 $0x3080;
	[sflag:s21] =	ssyncadd.s32 $0xFFFFD800  }
0x50: {  	v5 =	vld [tilespmem:s20+$0xFFFFFFF0]  }
0x51: {  	v6 =	vld.idx.msk [tilespmem:v2+s28+$0x0], $0xffff  }
0x52: {  	v7 =	vld [tilespmem:s20+$0xFFFFFF80]  }
0x53: {  	v8 =	vld [tilespmem:s20+$0xFFFFFFA0]  }
0x54: {  	v9 =	vld [tilespmem:s20+$0xFFFFFFB0]  }
0x55: {  	v3 =	vld [tilespmem:s20+$0xFFFFFFD0]  }
0x56: {  	v10 =	vld [tilespmem:s20+$0xFFFFFFE0];
	v5 =	vmul.f32 v5, v6  }
0x57: {  	v12 =	vmov s21;
	v4 =	vld [tilespmem:s20+$0xFFFFFFC0];
	v7 =	vmul.f32 v7, v6  }
0x58: {  	v11 =	vld [tilespmem:s20+$0xFFFFFF90];
	v8 =	vmul.f32 v8, v6;
	[tilespmem:s20+$0xFFFFFFF0] =	vst v5;
	v5 =	vand.u32 $0x7F, v12  }
0x59: {  	v9 =	vmul.f32 v9, v6;
	[tilespmem:s20+$0xFFFFFF80] =	vst v7;
	v5 =	vor.u32 v0, v5  }
0x5a: {  	v3 =	vmul.f32 v3, v6;
	[tilespmem:s20+$0xFFFFFFA0] =	vst v8;
	v7 =	vbroadcast v5, $0x0  }
0x5b: {  	v63 =	vmul.f32 v10, v6;
	[tilespmem:s20+$0xFFFFFFB0] =	vst v9  }
0x5c: {  	v1 =	vld [tilespmem:s20+$0x0];
	[tilespmem:s20+$0xFFFFFFD0] =	vst v3;
	v3 =	vmul.f32 v4, v6  }
0x5d: {  	v2 =	vld [tilespmem:s20+$0x10];
	[tilespmem:s20+$0xFFFFFFE0] =	vst v63;
	v5 =	vmul.f32 v11, v6  }
0x5e: {  	[tilespmem:s20+$0xFFFFFFC0] =	vst v3;
	v3 =	vld [tilespmem:s20+$0x70]  }
0x5f: {  	[tilespmem:s20+$0xFFFFFF90] =	vst v5;
	v5 =	vld [tilespmem:s20+$0x50]  }
0x60: {  	s22 =	simm.s32 $0x3;
	s23 =	simm.s32 $0x3080;
	s21 =	sshll.u32 s18, $0x1;
	v4 =	vld.idx.msk [tilespmem:v7+s28+$0x0], $0xffff  }
.LBB2_4:
0x61: {  	p0 =	sne.s32 s22, $0x4F  }
0x62: {  	v6 =	vld [tilespmem:s20+$0x30];
	s23 =	sadd.s32 $0x100, s23;
	s24 =	smov.u32 s22;
	s22 =	sadd.s32 $0x2, s22  }
0x63: {  	v7 =	vld [tilespmem:s20+$0x20]  }
0x64: {  	v8 =	vld [tilespmem:s20+$0x40]  }
0x65: {  	v9 =	vld [tilespmem:s20+$0x60];
	_ =	sdelay $0x1  }
0x66: {  	s25 =	sadd.s32 $0xFFFFFFFF, s24;
	v1 =	vmul.f32 v1, v4;
	v2 =	vmul.f32 v2, v4  }
0x67: {  	v10 =	vmov s25;
	v6 =	vmul.f32 v6, v4;
	v7 =	vmul.f32 v7, v4  }
0x68: {  	v10 =	vand.u32 $0x7E, v10;
	v5 =	vmul.f32 v5, v4;
	[tilespmem:s20+$0x0] =	vst v1;
	v8 =	vmul.f32 v8, v4  }
0x69: {  	v10 =	vor.u32 v0, v10;
	v3 =	vmul.f32 v3, v4;
	v1 =	vld [tilespmem:s23+$0x0];
	[tilespmem:s20+$0x30] =	vst v6;
	v6 =	vmul.f32 v9, v4  }
0x6a: {  	v4 =	vbroadcast v10, $0x0;
	[tilespmem:s20+$0x40] =	vst v8  }
0x6b: {  	v8 =	vld [tilespmem:s23+$0xFFFFFFD0];
	[tilespmem:s20+$0x50] =	vst v5  }
0x6c: {  	v5 =	vld [tilespmem:s23+$0xFFFFFFC0];
	[tilespmem:s20+$0x20] =	vst v7  }
0x6d: {  	v7 =	vld [tilespmem:s23+$0xFFFFFFB0];
	[tilespmem:s20+$0x70] =	vst v3  }
0x6e: {  	v3 =	vld [tilespmem:s23+$0xFFFFFFE0];
	[tilespmem:s20+$0x10] =	vst v2  }
0x6f: {  	v9 =	vld [tilespmem:s23+$0xFFFFFFF0];
	[tilespmem:s20+$0x60] =	vst v6;
	s20 =	smov.u32 s23  }
0x70: {  	v4 =	vld.idx.msk [tilespmem:v4+s28+$0x0], $0xffff  }
0x71: {  	v6 =	vld [tilespmem:s23+$0xFFFFFF80]  }
0x72: {  	v10 =	vld [tilespmem:s23+$0xFFFFFFA0]  }
0x73: {  	v11 =	vld [tilespmem:s23+$0xFFFFFF90]  }
0x74: {  	v2 =	vld [tilespmem:s23+$0x10];
	_ =	sdelay $0x1  }
0x75: {  	v9 =	vmul.f32 v9, v4;
	v6 =	vmul.f32 v6, v4  }
0x76: {  	v12 =	vmov s24;
	v3 =	vmul.f32 v3, v4;
	v10 =	vmul.f32 v10, v4  }
0x77: {  	v7 =	vmul.f32 v7, v4;
	v11 =	vmul.f32 v11, v4;
	[tilespmem:s23+$0xFFFFFFF0] =	vst v9;
	v9 =	vand.u32 $0x7F, v12  }
0x78: {  	[tilespmem:s23+$0xFFFFFF80] =	vst v6;
	v6 =	vmul.f32 v5, v4;
	v4 =	vmul.f32 v8, v4;
	v5 =	vor.u32 v0, v9  }
0x79: {  	[tilespmem:s23+$0xFFFFFFA0] =	vst v10;
	v8 =	vbroadcast v5, $0x0  }
0x7a: {  	[tilespmem:s23+$0xFFFFFFB0] =	vst v7  }
.Ltmp0:
0x7b: {  	[tilespmem:s23+$0xFFFFFFD0] =	vst v4;
	(pc) =	sbr.rel @p0 .LBB2_4-.Ltmp0, $4  }
0x7c: {  	[tilespmem:s23+$0xFFFFFF90] =	vst v11  }
0x7d: {  	[tilespmem:s23+$0xFFFFFFE0] =	vst v3;
	v5 =	vld [tilespmem:s23+$0x50]  }
0x7e: {  	[tilespmem:s23+$0xFFFFFFC0] =	vst v6;
	v3 =	vld [tilespmem:s23+$0x70]  }
0x7f: {  	v4 =	vld.idx.msk [tilespmem:v8+s28+$0x0], $0xffff  }
0x80: {  	_ =	sdelay $0x1  }
0x81: {  	v0 =	vld [tilespmem:s20+$0x30]  }
0x82: {  	v6 =	vld [tilespmem:s20+$0x40]  }
0x83: {  	v7 =	vld [tilespmem:s20+$0x20];
	v1 =	vmul.f32 v1, v4  }
0x84: {  	v5 =	vmul.f32 v5, v4  }
0x85: {  	v8 =	vld [tilespmem:s20+$0x60];
	v2 =	vmul.f32 v2, v4;
	[tilespmem:s20+$0x0] =	vst v1  }
0x86: {  	v0 =	vmul.f32 v0, v4;
	[tilespmem:s20+$0x50] =	vst v5  }
0x87: {  	v1 =	vmul.f32 v6, v4;
	[tilespmem:s20+$0x10] =	vst v2  }
0x88: {  	[tilespmem:s20+$0x30] =	vst v0;
	v0 =	vmul.f32 v7, v4  }
0x89: {  	[tilespmem:s20+$0x40] =	vst v1;
	v1 =	vmul.f32 v3, v4  }
0x8a: {  	[tilespmem:s20+$0x20] =	vst v0;
	v0 =	vmul.f32 v8, v4  }
0x8b: {  	s19 =	sand.u32 $0x3FFFFF00, s19;
	s23 =	sor.u32 $0x1, s21;
	[tilespmem:s20+$0x70] =	vst v1  }
0x8c: {  	s24 =	simm.s32 $0x0;
	s22 =	sadd.s32 $0x1000, s19;
	[tilespmem:s20+$0x60] =	vst v0;
	s20 =	sshll.u32 s23, $0x7  }
0x8d: {  	v1 =	vmov s24;
	[spmem:s2] =	stream.indirect.scatter.add.f32 [tilespmem:s30], [sflag:$0x3], $0x80, s22, s29, $0xb8;
	[tilespmem:$0x1C000] =	vst v63  }
0x8e: {  	v1 =	vand.u32 $0x7E, v1;
	v0 =	vmov s20;
	_ =	swait.ge [sflag:s17], $0x2800  }
0x8f: {  	v1 =	vor.u32 v0, v1;
	[sflag:s17] =	ssyncset.done $0x0  }
0x90: {  	s22 =	sadd.s32 $0x100, s19;
	v2 =	vbroadcast v1, $0x0;
	[sflag:s17] =	ssyncadd.s32 $0xFFFFD800  }
0x91: {  	[tilespmem:s30], [sflag:$0x1] =	stream.indirect.gather [hbm4b:s4+s29], $0x80, s22, s29, $0xb8;
	[tilespmem:$0x1C000] =	vst v63  }
0x92: {  	_ =	swait.ge [sflag:s0], $0x2800  }
0x93: {  	[sflag:s0] =	ssyncset.done $0x0  }
0x94: {  	s21 =	simm.s32 $0x5880;
	[sflag:s0] =	ssyncadd.s32 $0xFFFFD800  }
0x95: {  	v5 =	vld [tilespmem:s21+$0xFFFFFFF0]  }
0x96: {  	v6 =	vld.idx.msk [tilespmem:v2+s28+$0x0], $0xffff  }
0x97: {  	v7 =	vld [tilespmem:s21+$0xFFFFFF80]  }
0x98: {  	v62 =	vld [tilespmem:s21+$0xFFFFFFA0]  }
0x99: {  	v9 =	vld [tilespmem:s21+$0xFFFFFFB0]  }
0x9a: {  	v3 =	vld [tilespmem:s21+$0xFFFFFFD0]  }
0x9b: {  	s25 =	simm.s32 $0x1;
	v10 =	vld [tilespmem:s21+$0xFFFFFFE0];
	v5 =	vmul.f32 v5, v6  }
0x9c: {  	v12 =	vmov s25;
	v4 =	vld [tilespmem:s21+$0xFFFFFFC0];
	v7 =	vmul.f32 v7, v6  }
0x9d: {  	v11 =	vld [tilespmem:s21+$0xFFFFFF90];
	v8 =	vmul.f32 v62, v6;
	[tilespmem:s21+$0xFFFFFFF0] =	vst v5;
	v5 =	vand.u32 $0x7F, v12  }
0x9e: {  	v9 =	vmul.f32 v9, v6;
	[tilespmem:s21+$0xFFFFFF80] =	vst v7;
	v5 =	vor.u32 v0, v5  }
0x9f: {  	v3 =	vmul.f32 v3, v6;
	[tilespmem:s21+$0xFFFFFFA0] =	vst v8;
	v7 =	vbroadcast v5, $0x0  }
0xa0: {  	v63 =	vmul.f32 v10, v6;
	[tilespmem:s21+$0xFFFFFFB0] =	vst v9  }
0xa1: {  	v1 =	vld [tilespmem:s21+$0x0];
	[tilespmem:s21+$0xFFFFFFD0] =	vst v3;
	v3 =	vmul.f32 v4, v6  }
0xa2: {  	v2 =	vld [tilespmem:s21+$0x10];
	[tilespmem:s21+$0xFFFFFFE0] =	vst v63;
	v5 =	vmul.f32 v11, v6  }
0xa3: {  	v4 =	vld [tilespmem:s21+$0x70];
	[tilespmem:s21+$0xFFFFFFC0] =	vst v3  }
0xa4: {  	[tilespmem:s21+$0xFFFFFF90] =	vst v5;
	v5 =	vld [tilespmem:s21+$0x50]  }
0xa5: {  	s23 =	simm.s32 $0x5880;
	s22 =	simm.s32 $0x3;
	v3 =	vld.idx.msk [tilespmem:v7+s28+$0x0], $0xffff  }
.LBB2_6:
0xa6: {  	p0 =	sne.s32 s22, $0x4F  }
0xa7: {  	v6 =	vld [tilespmem:s21+$0x30];
	s23 =	sadd.s32 $0x100, s23;
	s24 =	smov.u32 s22;
	s22 =	sadd.s32 $0x2, s22  }
0xa8: {  	v7 =	vld [tilespmem:s21+$0x20]  }
0xa9: {  	v8 =	vld [tilespmem:s21+$0x40]  }
0xaa: {  	v9 =	vld [tilespmem:s21+$0x60];
	_ =	sdelay $0x1  }
0xab: {  	s25 =	sadd.s32 $0xFFFFFFFF, s24;
	v1 =	vmul.f32 v1, v3;
	v2 =	vmul.f32 v2, v3  }
0xac: {  	v10 =	vmov s25;
	v6 =	vmul.f32 v6, v3;
	v7 =	vmul.f32 v7, v3  }
0xad: {  	v10 =	vand.u32 $0x7E, v10;
	v5 =	vmul.f32 v5, v3;
	[tilespmem:s21+$0x0] =	vst v1;
	v8 =	vmul.f32 v8, v3  }
0xae: {  	v10 =	vor.u32 v0, v10;
	v1 =	vld [tilespmem:s23+$0x0];
	[tilespmem:s21+$0x30] =	vst v6;
	v6 =	vmul.f32 v9, v3;
	v3 =	vmul.f32 v4, v3  }
0xaf: {  	v4 =	vbroadcast v10, $0x0;
	[tilespmem:s21+$0x40] =	vst v8  }
0xb0: {  	v8 =	vld [tilespmem:s23+$0xFFFFFFD0];
	[tilespmem:s21+$0x50] =	vst v5  }
0xb1: {  	v5 =	vld [tilespmem:s23+$0xFFFFFFC0];
	[tilespmem:s21+$0x20] =	vst v7  }
0xb2: {  	v7 =	vld [tilespmem:s23+$0xFFFFFFB0];
	[tilespmem:s21+$0x70] =	vst v3  }
0xb3: {  	v3 =	vld [tilespmem:s23+$0xFFFFFFE0];
	[tilespmem:s21+$0x10] =	vst v2  }
0xb4: {  	v9 =	vld [tilespmem:s23+$0xFFFFFFF0];
	[tilespmem:s21+$0x60] =	vst v6;
	s21 =	smov.u32 s23  }
0xb5: {  	v4 =	vld.idx.msk [tilespmem:v4+s28+$0x0], $0xffff  }
0xb6: {  	v6 =	vld [tilespmem:s23+$0xFFFFFF80]  }
0xb7: {  	v10 =	vld [tilespmem:s23+$0xFFFFFFA0]  }
0xb8: {  	v11 =	vld [tilespmem:s23+$0xFFFFFF90]  }
0xb9: {  	v2 =	vld [tilespmem:s23+$0x10];
	_ =	sdelay $0x1  }
0xba: {  	v9 =	vmul.f32 v9, v4;
	v6 =	vmul.f32 v6, v4  }
0xbb: {  	v12 =	vmov s24;
	v3 =	vmul.f32 v3, v4;
	v10 =	vmul.f32 v10, v4  }
0xbc: {  	v7 =	vmul.f32 v7, v4;
	v11 =	vmul.f32 v11, v4;
	[tilespmem:s23+$0xFFFFFFF0] =	vst v9;
	v9 =	vand.u32 $0x7F, v12  }
0xbd: {  	[tilespmem:s23+$0xFFFFFF80] =	vst v6;
	v6 =	vmul.f32 v5, v4;
	v4 =	vmul.f32 v8, v4;
	v5 =	vor.u32 v0, v9  }
0xbe: {  	[tilespmem:s23+$0xFFFFFFA0] =	vst v10;
	v8 =	vbroadcast v5, $0x0  }
0xbf: {  	[tilespmem:s23+$0xFFFFFFB0] =	vst v7  }
.Ltmp1:
0xc0: {  	[tilespmem:s23+$0xFFFFFFD0] =	vst v4;
	(pc) =	sbr.rel @p0 .LBB2_6-.Ltmp1, $4  }
0xc1: {  	[tilespmem:s23+$0xFFFFFF90] =	vst v11  }
0xc2: {  	[tilespmem:s23+$0xFFFFFFE0] =	vst v3;
	v5 =	vld [tilespmem:s23+$0x50]  }
0xc3: {  	[tilespmem:s23+$0xFFFFFFC0] =	vst v6;
	v4 =	vld [tilespmem:s23+$0x70]  }
0xc4: {  	v3 =	vld.idx.msk [tilespmem:v8+s28+$0x0], $0xffff  }
0xc5: {  	_ =	sdelay $0x2  }
0xc6: {  	v0 =	vld [tilespmem:s21+$0x30]  }
0xc7: {  	v6 =	vld [tilespmem:s21+$0x40];
	v1 =	vmul.f32 v1, v3  }
0xc8: {  	v7 =	vld [tilespmem:s21+$0x20];
	v5 =	vmul.f32 v5, v3  }
0xc9: {  	v8 =	vld [tilespmem:s21+$0x60];
	v62 =	vmul.f32 v4, v3;
	[tilespmem:s21+$0x0] =	vst v1  }
0xca: {  	v2 =	vmul.f32 v2, v3;
	[tilespmem:s21+$0x50] =	vst v5  }
0xcb: {  	v0 =	vmul.f32 v0, v3;
	[tilespmem:s21+$0x70] =	vst v62  }
0xcc: {  	v60 =	vmul.f32 v6, v3;
	[tilespmem:s21+$0x10] =	vst v2  }
0xcd: {  	v61 =	vmul.f32 v7, v3;
	[tilespmem:s21+$0x30] =	vst v0  }
0xce: {  	v63 =	vmul.f32 v8, v3;
	[tilespmem:s21+$0x40] =	vst v60  }
0xcf: {  	s20 =	sand.u32 $0x3FFFFF80, s20;
	s18 =	sadd.s32 $0x1, s18;
	[tilespmem:s21+$0x20] =	vst v61  }
0xd0: {  	s20 =	sadd.s32 $0x1000, s20;
	p0 =	sne.s32 s18, $0xB;
	[tilespmem:s21+$0x60] =	vst v63  }
0xd1: {  	[spmem:s2] =	stream.indirect.scatter.add.f32 [tilespmem:s1], [sflag:$0x3], $0x80, s20, s29, $0xb8;
	[tilespmem:$0x1C000] =	vst v63  }
.Ltmp2:
0xd2: {  	_ = 	snop;
	(pc) =	sbr.rel @p0 .LBB2_3-.Ltmp2, $4  }
0xd3: {  	_ =	swait.ge [sflag:s17], $0x2800  }
0xd4: {  	[sflag:s17] =	ssyncset.done $0x0  }
0xd5: {  	s19 =	sadd.s32 $0x180, s19;
	[sflag:s17] =	ssyncadd.s32 $0xFFFFD800  }
0xd6: {  	[tilespmem:s1], [sflag:$0x2] =	stream.indirect.gather [hbm4b:s4+s29], $0x80, s19, s29, $0xb8;
	[tilespmem:$0x1C000] =	vst v63  }
0xd7: {  	s18 =	simm.s32 $0x0  }
0xd8: {  	v0 =	vmov s18  }
0xd9: {  	v0 =	vand.u32 $0x7E, v0  }
0xda: {  	v0 =	vor.u32 $0xB00, v0  }
0xdb: {  	v1 =	vbroadcast v0, $0x0  }
0xdc: {  	s19 =	simm.s32 $0x1  }
0xdd: {  	_ =	swait.ge [sflag:s19], $0x2800  }
0xde: {  	[sflag:s19] =	ssyncset.done $0x0  }
0xdf: {  	s18 =	simm.s32 $0x3080;
	[sflag:s19] =	ssyncadd.s32 $0xFFFFD800  }
0xe0: {  	v4 =	vld [tilespmem:s18+$0xFFFFFFF0]  }
0xe1: {  	v5 =	vld.idx.msk [tilespmem:v1+s28+$0x0], $0xffff  }
0xe2: {  	v6 =	vld [tilespmem:s18+$0xFFFFFF80]  }
0xe3: {  	v7 =	vld [tilespmem:s18+$0xFFFFFFA0]  }
0xe4: {  	v8 =	vld [tilespmem:s18+$0xFFFFFFB0]  }
0xe5: {  	v2 =	vld [tilespmem:s18+$0xFFFFFFD0]  }
0xe6: {  	v9 =	vld [tilespmem:s18+$0xFFFFFFE0];
	v4 =	vmul.f32 v4, v5  }
0xe7: {  	v11 =	vmov s19;
	v3 =	vld [tilespmem:s18+$0xFFFFFFC0];
	v6 =	vmul.f32 v6, v5  }
0xe8: {  	v10 =	vld [tilespmem:s18+$0xFFFFFF90];
	v7 =	vmul.f32 v7, v5;
	[tilespmem:s18+$0xFFFFFFF0] =	vst v4;
	v4 =	vand.u32 $0x7F, v11  }
0xe9: {  	v8 =	vmul.f32 v8, v5;
	[tilespmem:s18+$0xFFFFFF80] =	vst v6;
	v4 =	vor.u32 $0xB00, v4  }
0xea: {  	v2 =	vmul.f32 v2, v5;
	[tilespmem:s18+$0xFFFFFFA0] =	vst v7;
	v6 =	vbroadcast v4, $0x0  }
0xeb: {  	[tilespmem:s18+$0xFFFFFFB0] =	vst v8;
	v7 =	vmul.f32 v9, v5  }
0xec: {  	v0 =	vld [tilespmem:s18+$0x0];
	[tilespmem:s18+$0xFFFFFFD0] =	vst v2;
	v2 =	vmul.f32 v3, v5  }
0xed: {  	v1 =	vld [tilespmem:s18+$0x10];
	v4 =	vmul.f32 v10, v5;
	[tilespmem:s18+$0xFFFFFFE0] =	vst v7  }
0xee: {  	v3 =	vld [tilespmem:s18+$0x70];
	[tilespmem:s18+$0xFFFFFFC0] =	vst v2  }
0xef: {  	[tilespmem:s18+$0xFFFFFF90] =	vst v4;
	v4 =	vld [tilespmem:s18+$0x50]  }
0xf0: {  	s20 =	simm.s32 $0x3080;
	s19 =	simm.s32 $0x3;
	v2 =	vld.idx.msk [tilespmem:v6+s28+$0x0], $0xffff  }
.LBB2_9:
0xf1: {  	p0 =	sne.s32 s19, $0x4F  }
0xf2: {  	v5 =	vld [tilespmem:s18+$0x30];
	s20 =	sadd.s32 $0x100, s20;
	s21 =	smov.u32 s19;
	s19 =	sadd.s32 $0x2, s19  }
0xf3: {  	v6 =	vld [tilespmem:s18+$0x20]  }
0xf4: {  	v7 =	vld [tilespmem:s18+$0x40]  }
0xf5: {  	v8 =	vld [tilespmem:s18+$0x60];
	_ =	sdelay $0x1  }
0xf6: {  	s22 =	sadd.s32 $0xFFFFFFFF, s21;
	v0 =	vmul.f32 v0, v2;
	v1 =	vmul.f32 v1, v2  }
0xf7: {  	v9 =	vmov s22;
	v5 =	vmul.f32 v5, v2;
	v6 =	vmul.f32 v6, v2  }
0xf8: {  	v9 =	vand.u32 $0x7E, v9;
	v4 =	vmul.f32 v4, v2;
	[tilespmem:s18+$0x0] =	vst v0;
	v7 =	vmul.f32 v7, v2  }
0xf9: {  	v9 =	vor.u32 $0xB00, v9;
	v0 =	vld [tilespmem:s20+$0x0];
	[tilespmem:s18+$0x30] =	vst v5;
	v5 =	vmul.f32 v8, v2;
	v2 =	vmul.f32 v3, v2  }
0xfa: {  	v3 =	vbroadcast v9, $0x0;
	[tilespmem:s18+$0x40] =	vst v7  }
0xfb: {  	v7 =	vld [tilespmem:s20+$0xFFFFFFD0];
	[tilespmem:s18+$0x50] =	vst v4  }
0xfc: {  	v4 =	vld [tilespmem:s20+$0xFFFFFFC0];
	[tilespmem:s18+$0x20] =	vst v6  }
0xfd: {  	v6 =	vld [tilespmem:s20+$0xFFFFFFB0];
	[tilespmem:s18+$0x70] =	vst v2  }
0xfe: {  	v2 =	vld [tilespmem:s20+$0xFFFFFFE0];
	[tilespmem:s18+$0x10] =	vst v1  }
0xff: {  	v8 =	vld [tilespmem:s20+$0xFFFFFFF0];
	[tilespmem:s18+$0x60] =	vst v5;
	s18 =	smov.u32 s20  }
0x100: {  	v3 =	vld.idx.msk [tilespmem:v3+s28+$0x0], $0xffff  }
0x101: {  	v5 =	vld [tilespmem:s20+$0xFFFFFF80]  }
0x102: {  	v9 =	vld [tilespmem:s20+$0xFFFFFFA0]  }
0x103: {  	v10 =	vld [tilespmem:s20+$0xFFFFFF90]  }
0x104: {  	v1 =	vld [tilespmem:s20+$0x10];
	_ =	sdelay $0x1  }
0x105: {  	v8 =	vmul.f32 v8, v3;
	v5 =	vmul.f32 v5, v3  }
0x106: {  	v11 =	vmov s21;
	v2 =	vmul.f32 v2, v3;
	v9 =	vmul.f32 v9, v3  }
0x107: {  	v6 =	vmul.f32 v6, v3;
	v10 =	vmul.f32 v10, v3;
	[tilespmem:s20+$0xFFFFFFF0] =	vst v8;
	v8 =	vand.u32 $0x7F, v11  }
0x108: {  	[tilespmem:s20+$0xFFFFFF80] =	vst v5;
	v5 =	vmul.f32 v4, v3;
	v3 =	vmul.f32 v7, v3;
	v4 =	vor.u32 $0xB00, v8  }
0x109: {  	[tilespmem:s20+$0xFFFFFFA0] =	vst v9;
	v7 =	vbroadcast v4, $0x0  }
0x10a: {  	[tilespmem:s20+$0xFFFFFFB0] =	vst v6  }
.Ltmp3:
0x10b: {  	[tilespmem:s20+$0xFFFFFFD0] =	vst v3;
	(pc) =	sbr.rel @p0 .LBB2_9-.Ltmp3, $4  }
0x10c: {  	[tilespmem:s20+$0xFFFFFF90] =	vst v10  }
0x10d: {  	[tilespmem:s20+$0xFFFFFFE0] =	vst v2;
	v4 =	vld [tilespmem:s20+$0x50]  }
0x10e: {  	[tilespmem:s20+$0xFFFFFFC0] =	vst v5;
	v3 =	vld [tilespmem:s20+$0x70]  }
0x10f: {  	v2 =	vld.idx.msk [tilespmem:v7+s28+$0x0], $0xffff  }
0x110: {  	_ =	sdelay $0x1  }
0x111: {  	v5 =	vld [tilespmem:s18+$0x30]  }
0x112: {  	v6 =	vld [tilespmem:s18+$0x40]  }
0x113: {  	v7 =	vld [tilespmem:s18+$0x20];
	v0 =	vmul.f32 v0, v2  }
0x114: {  	v4 =	vmul.f32 v4, v2  }
0x115: {  	v8 =	vld [tilespmem:s18+$0x60];
	v1 =	vmul.f32 v1, v2;
	[tilespmem:s18+$0x0] =	vst v0  }
0x116: {  	v5 =	vmul.f32 v5, v2;
	[tilespmem:s18+$0x50] =	vst v4  }
0x117: {  	v0 =	vmul.f32 v6, v2;
	[tilespmem:s18+$0x10] =	vst v1  }
0x118: {  	[tilespmem:s18+$0x30] =	vst v5;
	v5 =	vmul.f32 v7, v2  }
0x119: {  	[tilespmem:s18+$0x40] =	vst v0;
	v0 =	vmul.f32 v3, v2  }
0x11a: {  	v2 =	vmul.f32 v8, v2;
	[tilespmem:s18+$0x20] =	vst v5  }
0x11b: {  	[tilespmem:s18+$0x70] =	vst v0  }
0x11c: {  	s25 =	simm.s32 $0x0;
	[tilespmem:s18+$0x60] =	vst v2  }
0x11d: {  	v0 =	vmov s25;
	[spmem:s2] =	stream.indirect.scatter.add.f32 [tilespmem:s30], [sflag:$0x3], $0x80, s11, s29, $0xb8;
	[tilespmem:$0x1C000] =	vst v63  }
0x11e: {  	v0 =	vand.u32 $0x7E, v0;
	_ =	swait.ge [sflag:s17], $0x2800  }
0x11f: {  	v0 =	vor.u32 $0xB80, v0;
	[sflag:s17] =	ssyncset.done $0x0  }
0x120: {  	v1 =	vbroadcast v0, $0x0;
	[sflag:s17] =	ssyncadd.s32 $0xFFFFD800  }
0x121: {  	[tilespmem:s30], [sflag:$0x1] =	stream.indirect.gather [hbm4b:s4+s29], $0x80, s12, s29, $0xb8;
	[tilespmem:$0x1C000] =	vst v63  }
0x122: {  	_ =	swait.ge [sflag:s0], $0x2800  }
0x123: {  	[sflag:s0] =	ssyncset.done $0x0  }
0x124: {  	s18 =	simm.s32 $0x5880;
	[sflag:s0] =	ssyncadd.s32 $0xFFFFD800  }
0x125: {  	v4 =	vld [tilespmem:s18+$0xFFFFFFF0]  }
0x126: {  	v5 =	vld.idx.msk [tilespmem:v1+s28+$0x0], $0xffff  }
0x127: {  	v6 =	vld [tilespmem:s18+$0xFFFFFF80]  }
0x128: {  	v7 =	vld [tilespmem:s18+$0xFFFFFFA0]  }
0x129: {  	v63 =	vld [tilespmem:s18+$0xFFFFFFB0]  }
0x12a: {  	v2 =	vld [tilespmem:s18+$0xFFFFFFD0]  }
0x12b: {  	s19 =	simm.s32 $0x1;
	v9 =	vld [tilespmem:s18+$0xFFFFFFE0];
	v4 =	vmul.f32 v4, v5  }
0x12c: {  	v11 =	vmov s19;
	v3 =	vld [tilespmem:s18+$0xFFFFFFC0];
	v6 =	vmul.f32 v6, v5  }
0x12d: {  	v10 =	vld [tilespmem:s18+$0xFFFFFF90];
	v7 =	vmul.f32 v7, v5;
	[tilespmem:s18+$0xFFFFFFF0] =	vst v4;
	v4 =	vand.u32 $0x7F, v11  }
0x12e: {  	v8 =	vmul.f32 v63, v5;
	[tilespmem:s18+$0xFFFFFF80] =	vst v6;
	v4 =	vor.u32 $0xB80, v4  }
0x12f: {  	v2 =	vmul.f32 v2, v5;
	[tilespmem:s18+$0xFFFFFFA0] =	vst v7;
	v6 =	vbroadcast v4, $0x0  }
0x130: {  	[tilespmem:s18+$0xFFFFFFB0] =	vst v8;
	v7 =	vmul.f32 v9, v5  }
0x131: {  	v0 =	vld [tilespmem:s18+$0x0];
	[tilespmem:s18+$0xFFFFFFD0] =	vst v2;
	v2 =	vmul.f32 v3, v5  }
0x132: {  	v1 =	vld [tilespmem:s18+$0x10];
	v4 =	vmul.f32 v10, v5;
	[tilespmem:s18+$0xFFFFFFE0] =	vst v7  }
0x133: {  	v3 =	vld [tilespmem:s18+$0x70];
	[tilespmem:s18+$0xFFFFFFC0] =	vst v2  }
0x134: {  	[tilespmem:s18+$0xFFFFFF90] =	vst v4;
	v4 =	vld [tilespmem:s18+$0x50]  }
0x135: {  	s20 =	simm.s32 $0x5880;
	s19 =	simm.s32 $0x3;
	v2 =	vld.idx.msk [tilespmem:v6+s28+$0x0], $0xffff  }
.LBB2_11:
0x136: {  	p0 =	sne.s32 s19, $0x4F  }
0x137: {  	v5 =	vld [tilespmem:s18+$0x30];
	s20 =	sadd.s32 $0x100, s20;
	s21 =	smov.u32 s19;
	s19 =	sadd.s32 $0x2, s19  }
0x138: {  	v6 =	vld [tilespmem:s18+$0x20]  }
0x139: {  	v7 =	vld [tilespmem:s18+$0x40]  }
0x13a: {  	v8 =	vld [tilespmem:s18+$0x60];
	_ =	sdelay $0x1  }
0x13b: {  	s22 =	sadd.s32 $0xFFFFFFFF, s21;
	v0 =	vmul.f32 v0, v2;
	v1 =	vmul.f32 v1, v2  }
0x13c: {  	v9 =	vmov s22;
	v5 =	vmul.f32 v5, v2;
	v6 =	vmul.f32 v6, v2  }
0x13d: {  	v9 =	vand.u32 $0x7E, v9;
	v4 =	vmul.f32 v4, v2;
	[tilespmem:s18+$0x0] =	vst v0;
	v7 =	vmul.f32 v7, v2  }
0x13e: {  	v9 =	vor.u32 $0xB80, v9;
	v0 =	vld [tilespmem:s20+$0x0];
	[tilespmem:s18+$0x30] =	vst v5;
	v5 =	vmul.f32 v8, v2;
	v2 =	vmul.f32 v3, v2  }
0x13f: {  	v3 =	vbroadcast v9, $0x0;
	[tilespmem:s18+$0x40] =	vst v7  }
0x140: {  	v7 =	vld [tilespmem:s20+$0xFFFFFFD0];
	[tilespmem:s18+$0x50] =	vst v4  }
0x141: {  	v4 =	vld [tilespmem:s20+$0xFFFFFFC0];
	[tilespmem:s18+$0x20] =	vst v6  }
0x142: {  	v6 =	vld [tilespmem:s20+$0xFFFFFFB0];
	[tilespmem:s18+$0x70] =	vst v2  }
0x143: {  	v2 =	vld [tilespmem:s20+$0xFFFFFFE0];
	[tilespmem:s18+$0x10] =	vst v1  }
0x144: {  	v8 =	vld [tilespmem:s20+$0xFFFFFFF0];
	[tilespmem:s18+$0x60] =	vst v5;
	s18 =	smov.u32 s20  }
0x145: {  	v3 =	vld.idx.msk [tilespmem:v3+s28+$0x0], $0xffff  }
0x146: {  	v5 =	vld [tilespmem:s20+$0xFFFFFF80]  }
0x147: {  	v9 =	vld [tilespmem:s20+$0xFFFFFFA0]  }
0x148: {  	v10 =	vld [tilespmem:s20+$0xFFFFFF90]  }
0x149: {  	v1 =	vld [tilespmem:s20+$0x10];
	_ =	sdelay $0x1  }
0x14a: {  	v8 =	vmul.f32 v8, v3;
	v5 =	vmul.f32 v5, v3  }
0x14b: {  	v11 =	vmov s21;
	v2 =	vmul.f32 v2, v3;
	v9 =	vmul.f32 v9, v3  }
0x14c: {  	v6 =	vmul.f32 v6, v3;
	v10 =	vmul.f32 v10, v3;
	[tilespmem:s20+$0xFFFFFFF0] =	vst v8;
	v8 =	vand.u32 $0x7F, v11  }
0x14d: {  	[tilespmem:s20+$0xFFFFFF80] =	vst v5;
	v5 =	vmul.f32 v4, v3;
	v3 =	vmul.f32 v7, v3;
	v4 =	vor.u32 $0xB80, v8  }
0x14e: {  	[tilespmem:s20+$0xFFFFFFA0] =	vst v9;
	v7 =	vbroadcast v4, $0x0  }
0x14f: {  	[tilespmem:s20+$0xFFFFFFB0] =	vst v6  }
.Ltmp4:
0x150: {  	[tilespmem:s20+$0xFFFFFFD0] =	vst v3;
	(pc) =	sbr.rel @p0 .LBB2_11-.Ltmp4, $4  }
0x151: {  	[tilespmem:s20+$0xFFFFFF90] =	vst v10  }
0x152: {  	[tilespmem:s20+$0xFFFFFFE0] =	vst v2;
	v4 =	vld [tilespmem:s20+$0x50]  }
0x153: {  	[tilespmem:s20+$0xFFFFFFC0] =	vst v5;
	v3 =	vld [tilespmem:s20+$0x70]  }
0x154: {  	v2 =	vld.idx.msk [tilespmem:v7+s28+$0x0], $0xffff  }
0x155: {  	_ =	sdelay $0x1  }
0x156: {  	v5 =	vld [tilespmem:s18+$0x30]  }
0x157: {  	v6 =	vld [tilespmem:s18+$0x40]  }
0x158: {  	v7 =	vld [tilespmem:s18+$0x20];
	v0 =	vmul.f32 v0, v2  }
0x159: {  	v4 =	vmul.f32 v4, v2  }
0x15a: {  	v8 =	vld [tilespmem:s18+$0x60];
	v1 =	vmul.f32 v1, v2;
	[tilespmem:s18+$0x0] =	vst v0  }
0x15b: {  	v5 =	vmul.f32 v5, v2;
	[tilespmem:s18+$0x50] =	vst v4  }
0x15c: {  	v0 =	vmul.f32 v6, v2;
	[tilespmem:s18+$0x10] =	vst v1  }
0x15d: {  	[tilespmem:s18+$0x30] =	vst v5;
	v5 =	vmul.f32 v7, v2  }
0x15e: {  	[tilespmem:s18+$0x40] =	vst v0;
	v0 =	vmul.f32 v3, v2  }
0x15f: {  	v2 =	vmul.f32 v8, v2;
	[tilespmem:s18+$0x20] =	vst v5  }
0x160: {  	s25 =	simm.s32 $0x0;
	[tilespmem:s18+$0x70] =	vst v0  }
0x161: {  	[tilespmem:s18+$0x60] =	vst v2;
	v0 =	vmov s25  }
0x162: {  	[spmem:s2] =	stream.indirect.scatter.add.f32 [tilespmem:s1], [sflag:$0x3], $0x80, s13, s29, $0xb8;
	v0 =	vand.u32 $0x7E, v0;
	[tilespmem:$0x1C000] =	vst v63  }
0x163: {  	_ =	swait.ge [sflag:s17], $0x2800;
	v0 =	vor.u32 $0xC00, v0  }
0x164: {  	[sflag:s17] =	ssyncset.done $0x0;
	v1 =	vbroadcast v0, $0x0  }
0x165: {  	s19 =	simm.s32 $0x1;
	[sflag:s17] =	ssyncadd.s32 $0xFFFFD800  }
0x166: {  	_ =	swait.ge [sflag:s19], $0x2800  }
0x167: {  	[sflag:s19] =	ssyncset.done $0x0  }
0x168: {  	s18 =	simm.s32 $0x3080;
	[sflag:s19] =	ssyncadd.s32 $0xFFFFD800  }
0x169: {  	v4 =	vld [tilespmem:s18+$0xFFFFFFF0]  }
0x16a: {  	v5 =	vld.idx.msk [tilespmem:v1+s28+$0x0], $0xffff  }
0x16b: {  	v6 =	vld [tilespmem:s18+$0xFFFFFF80]  }
0x16c: {  	v7 =	vld [tilespmem:s18+$0xFFFFFFA0]  }
0x16d: {  	v63 =	vld [tilespmem:s18+$0xFFFFFFB0]  }
0x16e: {  	v2 =	vld [tilespmem:s18+$0xFFFFFFD0]  }
0x16f: {  	v9 =	vld [tilespmem:s18+$0xFFFFFFE0];
	v4 =	vmul.f32 v4, v5  }
0x170: {  	v11 =	vmov s19;
	v3 =	vld [tilespmem:s18+$0xFFFFFFC0];
	v6 =	vmul.f32 v6, v5  }
0x171: {  	v10 =	vld [tilespmem:s18+$0xFFFFFF90];
	v7 =	vmul.f32 v7, v5;
	[tilespmem:s18+$0xFFFFFFF0] =	vst v4;
	v4 =	vand.u32 $0x7F, v11  }
0x172: {  	v8 =	vmul.f32 v63, v5;
	[tilespmem:s18+$0xFFFFFF80] =	vst v6;
	v4 =	vor.u32 $0xC00, v4  }
0x173: {  	v2 =	vmul.f32 v2, v5;
	[tilespmem:s18+$0xFFFFFFA0] =	vst v7;
	v6 =	vbroadcast v4, $0x0  }
0x174: {  	[tilespmem:s18+$0xFFFFFFB0] =	vst v8;
	v7 =	vmul.f32 v9, v5  }
0x175: {  	v0 =	vld [tilespmem:s18+$0x0];
	[tilespmem:s18+$0xFFFFFFD0] =	vst v2;
	v2 =	vmul.f32 v3, v5  }
0x176: {  	v1 =	vld [tilespmem:s18+$0x10];
	v4 =	vmul.f32 v10, v5;
	[tilespmem:s18+$0xFFFFFFE0] =	vst v7  }
0x177: {  	v3 =	vld [tilespmem:s18+$0x70];
	[tilespmem:s18+$0xFFFFFFC0] =	vst v2  }
0x178: {  	[tilespmem:s18+$0xFFFFFF90] =	vst v4;
	v4 =	vld [tilespmem:s18+$0x50]  }
0x179: {  	s20 =	simm.s32 $0x3080;
	s19 =	simm.s32 $0x3;
	v2 =	vld.idx.msk [tilespmem:v6+s28+$0x0], $0xffff  }
.LBB2_13:
0x17a: {  	p0 =	sne.s32 s19, $0x4F  }
0x17b: {  	v5 =	vld [tilespmem:s18+$0x30];
	s20 =	sadd.s32 $0x100, s20;
	s21 =	smov.u32 s19;
	s19 =	sadd.s32 $0x2, s19  }
0x17c: {  	v6 =	vld [tilespmem:s18+$0x20]  }
0x17d: {  	v7 =	vld [tilespmem:s18+$0x40]  }
0x17e: {  	v8 =	vld [tilespmem:s18+$0x60];
	_ =	sdelay $0x1  }
0x17f: {  	s22 =	sadd.s32 $0xFFFFFFFF, s21;
	v0 =	vmul.f32 v0, v2;
	v1 =	vmul.f32 v1, v2  }
0x180: {  	v9 =	vmov s22;
	v5 =	vmul.f32 v5, v2;
	v6 =	vmul.f32 v6, v2  }
0x181: {  	v9 =	vand.u32 $0x7E, v9;
	v4 =	vmul.f32 v4, v2;
	[tilespmem:s18+$0x0] =	vst v0;
	v7 =	vmul.f32 v7, v2  }
0x182: {  	v9 =	vor.u32 $0xC00, v9;
	v0 =	vld [tilespmem:s20+$0x0];
	[tilespmem:s18+$0x30] =	vst v5;
	v5 =	vmul.f32 v8, v2;
	v2 =	vmul.f32 v3, v2  }
0x183: {  	v3 =	vbroadcast v9, $0x0;
	[tilespmem:s18+$0x40] =	vst v7  }
0x184: {  	v7 =	vld [tilespmem:s20+$0xFFFFFFD0];
	[tilespmem:s18+$0x50] =	vst v4  }
0x185: {  	v4 =	vld [tilespmem:s20+$0xFFFFFFC0];
	[tilespmem:s18+$0x20] =	vst v6  }
0x186: {  	v6 =	vld [tilespmem:s20+$0xFFFFFFB0];
	[tilespmem:s18+$0x70] =	vst v2  }
0x187: {  	v2 =	vld [tilespmem:s20+$0xFFFFFFE0];
	[tilespmem:s18+$0x10] =	vst v1  }
0x188: {  	v8 =	vld [tilespmem:s20+$0xFFFFFFF0];
	[tilespmem:s18+$0x60] =	vst v5;
	s18 =	smov.u32 s20  }
0x189: {  	v3 =	vld.idx.msk [tilespmem:v3+s28+$0x0], $0xffff  }
0x18a: {  	v5 =	vld [tilespmem:s20+$0xFFFFFF80]  }
0x18b: {  	v9 =	vld [tilespmem:s20+$0xFFFFFFA0]  }
0x18c: {  	v10 =	vld [tilespmem:s20+$0xFFFFFF90]  }
0x18d: {  	v1 =	vld [tilespmem:s20+$0x10];
	_ =	sdelay $0x1  }
0x18e: {  	v8 =	vmul.f32 v8, v3;
	v5 =	vmul.f32 v5, v3  }
0x18f: {  	v11 =	vmov s21;
	v2 =	vmul.f32 v2, v3;
	v9 =	vmul.f32 v9, v3  }
0x190: {  	v6 =	vmul.f32 v6, v3;
	v10 =	vmul.f32 v10, v3;
	[tilespmem:s20+$0xFFFFFFF0] =	vst v8;
	v8 =	vand.u32 $0x7F, v11  }
0x191: {  	[tilespmem:s20+$0xFFFFFF80] =	vst v5;
	v5 =	vmul.f32 v4, v3;
	v3 =	vmul.f32 v7, v3;
	v4 =	vor.u32 $0xC00, v8  }
0x192: {  	[tilespmem:s20+$0xFFFFFFA0] =	vst v9;
	v7 =	vbroadcast v4, $0x0  }
0x193: {  	[tilespmem:s20+$0xFFFFFFB0] =	vst v6  }
.Ltmp5:
0x194: {  	[tilespmem:s20+$0xFFFFFFD0] =	vst v3;
	(pc) =	sbr.rel @p0 .LBB2_13-.Ltmp5, $4  }
0x195: {  	[tilespmem:s20+$0xFFFFFF90] =	vst v10  }
0x196: {  	[tilespmem:s20+$0xFFFFFFE0] =	vst v2;
	v4 =	vld [tilespmem:s20+$0x50]  }
0x197: {  	[tilespmem:s20+$0xFFFFFFC0] =	vst v5;
	v3 =	vld [tilespmem:s20+$0x70]  }
0x198: {  	v2 =	vld.idx.msk [tilespmem:v7+s28+$0x0], $0xffff  }
0x199: {  	_ =	sdelay $0x2  }
0x19a: {  	v5 =	vld [tilespmem:s18+$0x30]  }
0x19b: {  	v6 =	vld [tilespmem:s18+$0x40];
	v0 =	vmul.f32 v0, v2  }
0x19c: {  	v7 =	vld [tilespmem:s18+$0x20];
	v4 =	vmul.f32 v4, v2  }
0x19d: {  	v8 =	vld [tilespmem:s18+$0x60];
	v62 =	vmul.f32 v3, v2;
	[tilespmem:s18+$0x0] =	vst v0  }
0x19e: {  	v1 =	vmul.f32 v1, v2;
	[tilespmem:s18+$0x50] =	vst v4  }
0x19f: {  	v5 =	vmul.f32 v5, v2;
	[tilespmem:s18+$0x70] =	vst v62  }
0x1a0: {  	v60 =	vmul.f32 v6, v2;
	[tilespmem:s18+$0x10] =	vst v1  }
0x1a1: {  	v61 =	vmul.f32 v7, v2;
	[tilespmem:s18+$0x30] =	vst v5  }
0x1a2: {  	s16 =	sadd.s32 $0x1, s16;
	v63 =	vmul.f32 v8, v2;
	[tilespmem:s18+$0x40] =	vst v60  }
0x1a3: {  	p0 =	sne.s32 s16, $0x5;
	[tilespmem:s18+$0x20] =	vst v61  }
.Ltmp6:
0x1a4: {  	[tilespmem:s18+$0x60] =	vst v63;
	(pc) =	sbr.rel @p0 .LBB2_2-.Ltmp6, $4  }
0x1a5: {  	[spmem:s2] =	stream.indirect.scatter.add.f32 [tilespmem:s30], [sflag:$0x3], $0x80, s14, s29, $0xb8;
	[tilespmem:$0x1C000] =	vst v63  }
0x1a6: {  	_ =	swait.ge [sflag:s17], $0x2800  }
0x1a7: {  	[sflag:s17] =	ssyncset.done $0x0  }
0x1a8: {  	[sflag:s17] =	ssyncadd.s32 $0xFFFFD800  }
0x1a9: {  	[bflag:$0x0] =	sbarrier.arrive $0xFFFF  }
0x1aa: {  	s16 =	rddreg [dreg:$0x5]  }
0x1ab: {  	[hbm:s16], [sflag:s7] =	dma.local [spmem:s15], $0x800  }
0x1ac: {  	_ =	swait.ge [sflag:s17], $0x800  }
0x1ad: {  	[sflag:s17] =	ssyncset.done $0x0;
	s16 =	rddreg [dreg:$0x6]  }
0x1ae: {  	s18 =	rddreg [dreg:$0xe];
	[sflag:s17] =	ssyncadd.s32 $0xFFFFF800  }
0x1af: {  	[hbm:s16], [sflag:s7] =	dma.local [spmem:s18], $0x800  }
0x1b0: {  	_ =	swait.ge [sflag:s17], $0x800  }
0x1b1: {  	[sflag:s17] =	ssyncset.done $0x0;
	s19 =	rddreg [dreg:$0x7]  }
0x1b2: {  	s20 =	rddreg [dreg:$0xf];
	[sflag:s17] =	ssyncadd.s32 $0xFFFFF800  }
0x1b3: {  	[hbm:s19], [sflag:s7] =	dma.local [spmem:s20], $0x800  }
0x1b4: {  	_ =	swait.ge [sflag:s17], $0x800  }
0x1b5: {  	[sflag:s17] =	ssyncset.done $0x0;
	s21 =	rddreg [dreg:$0x8]  }
0x1b6: {  	s22 =	rddreg [dreg:$0x10];
	[sflag:s17] =	ssyncadd.s32 $0xFFFFF800  }
0x1b7: {  	[hbm:s21], [sflag:s7] =	dma.local [spmem:s22], $0x800  }
0x1b8: {  	_ =	swait.ge [sflag:s17], $0x800  }
0x1b9: {  	[sflag:s17] =	ssyncset.done $0x0;
	s23 =	rddreg [dreg:$0x9]  }
0x1ba: {  	s24 =	rddreg [dreg:$0x11];
	[sflag:s17] =	ssyncadd.s32 $0xFFFFF800  }
0x1bb: {  	[hbm:s23], [sflag:s7] =	dma.local [spmem:s24], $0x800  }
0x1bc: {  	_ =	swait.ge [sflag:s17], $0x800  }
0x1bd: {  	s3 =	sadd.s32 $0x1, s3;
	s25 =	rddreg [dreg:$0x4]  }
0x1be: {  	p0 =	sne.s32 s3, s25  }
.Ltmp7:
0x1bf: {  	_ = 	snop;
	(pc) =	sbr.rel @p0 .LBB2_1-.Ltmp7, $3  }
0x1c0: {  	_ =	sdelay $0x1  }
0x1c1: {  	[sflag:s17] =	ssyncset.done $0x0  }
0x1c2: {  	[sflag:s17] =	ssyncadd.s32 $0xFFFFF800  }
0x1c3: {  	_ =	sfence.sel $0x180000  }
0x1c4: {  	[bflag:$0x0] =	sbarrier.arrive $0xFFFF  }
0x1c5: {  	_ =	strace $0x90000047  }
0x1c6: {  	s0 =	stileid.u32;
	[bflag:$0x2] =	sbarrier.arrive $0xFFFF  }
0x1c7: {  	p0 =	sne.s32 s0, $0x0;
	s0 =	rddreg [dreg:$0x3]  }
0x1c8: {  	s0 =	sadd.s32 @!p0 $0x100000, s0  }
0x1c9: {  	[sflag:s0] =	ssyncadd.tile.s32 @!p0 $0x1;
	_ =	shalt  }
.Lfunc_end2:
_tile_overlayer_lowered:
.L_overlay_start_2:
0x1ca: {  	(tag) =	ssettag $0x2  }
0x1cb: {  	s0 =	rddreg [dreg:$0x0];
	s2 =	stileid.u32  }
0x1cc: {  	s1 =	rddreg [dreg:$0x1];
	p0 =	sne.s32 s2, $0x0  }
0x1cd: {  	s3 =	rddreg [dreg:$0x2];
	[bflag:$0x3] =	sbarrier.arrive $0xFFFF;
	s2 =	simm.s32 @!p0 $0x1C03  }
0x1ce: {  	[timem:s3], [sflag:s2] =	dma.local @!p0 [hbm:s0], s1  }
0x1cf: {  	s0 =	simm.s32 @!p0 $0x3  }
0x1d0: {  	_ =	swait.ge @!p0 [sflag:s0], s1  }
0x1d1: {  	s1 =	ssub.s32 @!p0 $0x0, s1;
	[sflag:s0] =	ssyncset.done @!p0 $0x0  }
0x1d2: {  	[sflag:s0] =	ssyncadd.s32 @!p0 s1  }
0x1d3: {  	[bflag:$0x3] =	sbarrier.arrive $0xFFFF  }
0x1d4: {  	_ =	shalt  }

// kernel: _run.9.cloned.1.call-start
scs
__scs_entry_jumppad:
0x0: {  	(pc) =	sbr.rel $0x88, $3  }
0x1: {  	(tag) =	ssettag $0x0;
	lr =	simm.s32 $0x1  }
0x2: {  	[smem:$0x3F9C] =	sst lr;
	_ =	strace $0xD0000000  }
0x3: {  	_ = 	snop  }
0x4: {  	_ = 	snop  }
0x5: {  	_ = 	snop  }
0x6: {  	_ = 	snop  }
0x7: {  	_ = 	snop  }
__scs_overlays_trampoline_lowered:
0x8: {  	[smem:$0x3FAB] =	sst s0  }
0x9: {  	[smem:$0x3FAC] =	sst s1  }
0xa: {  	[smem:$0x3FAD] =	sst s2  }
0xb: {  	[smem:$0x3FAE] =	sst s3  }
0xc: {  	[smem:$0x3FAF] =	sst s4  }
0xd: {  	[smem:$0x3FB0] =	sst s5  }
0xe: {  	[smem:$0x3FB1] =	sst s6  }
0xf: {  	[smem:$0x3FB2] =	sst s7  }
0x10: {  	[smem:$0x3FB3] =	sst s8  }
0x11: {  	[smem:$0x3FB4] =	sst s9;
	s0 =	simm.s32 @!p0 $0x0  }
0x12: {  	s1 =	sld [smem:$0x3F9A];
	s0 =	simm.s32 @p0 $0x1  }
0x13: {  	[smem:$0x3FB5] =	sst s0;
	s0 =	simm.s32 @!p1 $0x0  }
0x14: {  	s2 =	sld [smem:$0x3F99];
	s0 =	simm.s32 @p1 $0x1  }
0x15: {  	[smem:$0x3FB6] =	sst s0;
	s0 =	simm.s32 @!p2 $0x0  }
0x16: {  	s3 =	sld [smem:$0x3FDB];
	s0 =	simm.s32 @p2 $0x1  }
0x17: {  	s4 =	simm.s32 $0x1BF5;
	[smem:$0x3FB8] =	sst s0  }
0x18: {  	s0 =	sld [smem:$0x3F9B];
	_ =	swait.ge [sflag:s4], $0x0  }
0x19: {  	s7 =	sld [smem:$0x3F9C]  }
0x1a: {  	s8 =	sadd.s32 $0xFFFFE003, lr  }
0x1b: {  	s9 =	sadd.s32 $0xFFFFFEF7, lr;
	s5 =	simm.s32 $0xFFFFFFFF;
	p2 =	slt.u32 s8, $0xFFFFF086  }
0x1c: {  	p1 =	slt.u32 s9, $0xF7A;
	s5 =	simm.s32 @!p2 $0x0  }
0x1d: {  	s5 =	simm.s32 @p1 $0x1;
	p0 =	seq.s32 s7, s2  }
0x1e: {  	s7 =	smul.u32 @!p0 $0xF7A, s2;
	p2 =	seq.s32 @!p0 s5, $0x0  }
0x1f: {  	s9 =	smul.u32 $0xF7A, s1;
	s8 =	simm.s32 @!p0 $0x1BF5;
	p2 =	por !p2, p0  }
0x20: {  	[sflag:s8] =	ssyncset.s32 @!p0 $0xFFFFF086;
	s6 =	sadd.s32 @!p0 s3, s7;
	s7 =	simm.s32 @!p0 $0x108  }
0x21: {  	s3 =	sadd.s32 s3, s9;
	s6 =	sadd.s32 @!p0 $0x88, s6;
	s7 =	simm.s32 @p2 $0x1082  }
0x22: {  	[simem:s7], [sflag:s8] =	dma.local @!p0 [hbm:s6], $0xF7A  }
0x23: {  	s9 =	sor.u32 $0xD0000000, s2;
	s6 =	simm.s32 $0x108;
	_ =	swait.ge @!p0 [sflag:s8], $0x0  }
0x24: {  	s3 =	sadd.s32 $0x88, s3;
	s6 =	simm.s32 @!p1 $0x1082;
	[sflag:s4] =	ssyncset.s32 $0xFFFFF086  }
0x25: {  	[simem:s6], [sflag:s4] =	dma.local [hbm:s3], $0xF7A  }
0x26: {  	[smem:$0x3F9C] =	sst s1;
	(tag) =	ssettag s2;
	_ =	strace s9  }
0x27: {  	s1 =	sld [smem:$0x3FAC]  }
0x28: {  	s2 =	sld [smem:$0x3FAD]  }
0x29: {  	s4 =	sld [smem:$0x3FAF]  }
0x2a: {  	p0 =	seq.s32 s5, $0x0;
	s5 =	sld [smem:$0x3FB0]  }
0x2b: {  	s6 =	sld [smem:$0x3FB1]  }
0x2c: {  	s7 =	sld [smem:$0x3FB2]  }
0x2d: {  	s3 =	simm.s32 $0x108;
	s8 =	sld [smem:$0x3FB3]  }
0x2e: {  	s3 =	simm.s32 @!p0 $0x1082;
	s9 =	sld [smem:$0x3FB4]  }
0x2f: {  	lr =	sadd.s32 s0, s3;
	s0 =	sld [smem:$0x3FAB]  }
0x30: {  	s3 =	sld [smem:$0x3FAE]  }
0x31: {  	[smem:$0x3FB7] =	sst s10  }
0x32: {  	s10 =	sld [smem:$0x3FB5];
	_ =	sdelay $0x3  }
0x33: {  	p0 =	seq.s32 s10, $0x1;
	s10 =	sld [smem:$0x3FB7];
	_ =	sdelay $0x3  }
0x34: {  	[smem:$0x3FB7] =	sst s10  }
0x35: {  	s10 =	sld [smem:$0x3FB6];
	_ =	sdelay $0x3  }
0x36: {  	p1 =	seq.s32 s10, $0x1;
	s10 =	sld [smem:$0x3FB7];
	_ =	sdelay $0x3  }
0x37: {  	[smem:$0x3FB7] =	sst s10  }
0x38: {  	s10 =	sld [smem:$0x3FB8]  }
0x39: {  	_ = 	snop;
	(pc) =	sbr.ind lr, $3  }
0x3a: {  	_ = 	snop  }
0x3b: {  	_ = 	snop  }
0x3c: {  	p2 =	seq.s32 s10, $0x1;
	s10 =	sld [smem:$0x3FB7]  }
0x3d: {  	_ =	shalt  }
0x3e: {  	_ =	shalt  }
0x3f: {  	_ =	shalt  }
0x40: {  	_ =	shalt  }
0x41: {  	_ =	shalt  }
0x42: {  	_ =	shalt  }
0x43: {  	_ =	shalt  }
0x44: {  	_ =	shalt  }
0x45: {  	_ =	shalt  }
0x46: {  	_ =	shalt  }
0x47: {  	_ =	shalt  }
0x48: {  	_ =	shalt  }
0x49: {  	_ =	shalt  }
0x4a: {  	_ =	shalt  }
0x4b: {  	_ =	shalt  }
0x4c: {  	_ =	shalt  }
0x4d: {  	_ =	shalt  }
0x4e: {  	_ =	shalt  }
0x4f: {  	_ =	shalt  }
0x50: {  	_ =	shalt  }
0x51: {  	_ =	shalt  }
0x52: {  	_ =	shalt  }
0x53: {  	_ =	shalt  }
0x54: {  	_ =	shalt  }
0x55: {  	_ =	shalt  }
0x56: {  	_ =	shalt  }
0x57: {  	_ =	shalt  }
0x58: {  	_ =	shalt  }
0x59: {  	_ =	shalt  }
0x5a: {  	_ =	shalt  }
0x5b: {  	_ =	shalt  }
0x5c: {  	_ =	shalt  }
0x5d: {  	_ =	shalt  }
0x5e: {  	_ =	shalt  }
0x5f: {  	_ =	shalt  }
0x60: {  	_ =	shalt  }
0x61: {  	_ =	shalt  }
0x62: {  	_ =	shalt  }
0x63: {  	_ =	shalt  }
0x64: {  	_ =	shalt  }
0x65: {  	_ =	shalt  }
0x66: {  	_ =	shalt  }
0x67: {  	_ =	shalt  }
0x68: {  	_ =	shalt  }
0x69: {  	_ =	shalt  }
0x6a: {  	_ =	shalt  }
0x6b: {  	_ =	shalt  }
0x6c: {  	_ =	shalt  }
0x6d: {  	_ =	shalt  }
0x6e: {  	_ =	shalt  }
0x6f: {  	_ =	shalt  }
0x70: {  	_ =	shalt  }
0x71: {  	_ =	shalt  }
0x72: {  	_ =	shalt  }
0x73: {  	_ =	shalt  }
0x74: {  	_ =	shalt  }
0x75: {  	_ =	shalt  }
0x76: {  	_ =	shalt  }
0x77: {  	_ =	shalt  }
0x78: {  	_ =	shalt  }
0x79: {  	_ =	shalt  }
0x7a: {  	_ =	shalt  }
0x7b: {  	_ =	shalt  }
0x7c: {  	_ =	shalt  }
0x7d: {  	_ =	shalt  }
0x7e: {  	_ =	shalt  }
0x7f: {  	_ =	shalt  }
0x80: {  	_ =	shalt  }
0x81: {  	_ =	shalt  }
0x82: {  	_ =	shalt  }
0x83: {  	_ =	shalt  }
0x84: {  	_ =	shalt  }
0x85: {  	_ =	shalt  }
0x86: {  	_ =	shalt  }
0x87: {  	_ =	shalt  }
.Lfunc_end0:
.L_simem_size_0:
called_computation.1_lowered:
.L_overlay_start_0:
0x88: {  	s2 =	sld [smem:$0x3FD9]  }
0x89: {  	s3 =	sld [smem:$0x3FFE];
	_ =	sdelay $0x1  }
0x8a: {  	s1 =	srdreg.scid  }
0x8b: {  	s0 =	sand.u32 $0x1, s1  }
0x8c: {  	s17 =	sshll.u32 s0, $0xA;
	s2 =	sadd.s32 s3, s2  }
0x8d: {  	s2 =	sadd.s32 s2, s17  }
0x8e: {  	[smem:$0x3FC3] =	sst s2  }
0x8f: {  	_ = 	snop  }
0x90: {  	s2 =	sld [smem:$0x3FD0];
	(tm) =	ssettm $0x1  }
0x91: {  	s18 =	sld [smem:$0x3FFB];
	_ =	sdelay $0x3  }
0x92: {  	_ =	strace s18  }
0x93: {  	s3 =	sld [smem:$0x3FFC];
	_ =	sdelay $0x3  }
0x94: {  	_ =	strace s3  }
0x95: {  	s3 =	sld [smem:$0x3FFD];
	_ =	sdelay $0x3  }
0x96: {  	_ =	strace s3  }
0x97: {  	_ =	strace $0x8FFFFFFF  }
0x98: {  	s19 =	sld [smem:$0x3FDB];
	_ =	sdelay $0x1  }
0x99: {  	s4 =	simm.s32 $_scs_section_size  }
0x9a: {  	s5 =	simm.s32 $_size__tile_overlayer_lowered;
	s6 =	simm.s32 $_tile_overlayer_lowered  }
0x9b: {  	s22 =	simm.s32 $0x1BFF;
	s21 =	sshll.u32 s6, $0x1;
	s3 =	sadd.s32 s4, s19  }
0x9c: {  	s7 =	simm.s32 $0x0;
	s20 =	sshll.u32 s5, $0x1;
	s5 =	sadd.s32 s21, s3  }
0x9d: {  	[timem:s7], [sflag:s22] =	dma.local [hbm:s5], s20  }
0x9e: {  	_ =	swait.ge [sflag:s22], s20  }
0x9f: {  	s4 =	ssub.s32 $0x0, s20;
	[sflag:s22] =	ssyncset.done $0x0  }
0xa0: {  	[sflag:s22] =	ssyncadd.s32 s4;
	_ =	sdelay $0x1  }
0xa1: {  	s23 =	simm.s32 $0x1B8B  }
0xa2: {  	_ =	swait.ge [sflag:s23], $0x1  }
0xa3: {  	[sflag:s23] =	ssyncset.done $0x0  }
0xa4: {  	s25 =	simm.s32 $0x1B8E;
	s24 =	sld [smem:$0x3FFE];
	[sflag:s23] =	ssyncadd.s32 $0xFFFFFFFF  }
0xa5: {  	s26 =	simm.s32 $execute0_lowered;
	[smem:$0x3FD2] =	sst s25  }
0xa6: {  	s5 =	sshll.u32 s26, $0x1;
	_ =	strace $0x80000049;
	[dreg:$0x1] =	wrdreg $0xFFFFFFFF  }
0xa7: {  	s28 =	simm.s32 $_size_execute0_lowered;
	s3 =	sadd.s32 s3, s5;
	[dreg:$0x0] =	wrdreg $0x0  }
0xa8: {  	s5 =	sshll.u32 s28, $0x1;
	[dreg:$0x2] =	wrdreg s3  }
0xa9: {  	[dreg:$0x3] =	wrdreg s5  }
0xaa: {  	[dreg:$0x4] =	wrdreg $0xC0  }
0xab: {  	_ =	task [dreg:s7], $0x5FFFF  }
0xac: {  	[dreg:$0x1] =	wrdreg $0xFFFFFFFF  }
0xad: {  	[dreg:$0x0] =	wrdreg $0x60  }
0xae: {  	[dreg:$0x2] =	wrdreg s24  }
0xaf: {  	[dreg:$0x3] =	wrdreg s2  }
0xb0: {  	[dreg:$0x4] =	wrdreg $0x80000  }
0xb1: {  	[dreg:$0x5] =	wrdreg $0x9  }
0xb2: {  	_ =	task.clear_ibuf [dreg:s7], $0x6FFFF;
	_ =	strace $0x90000049  }
0xb3: {  	s29 =	simm.s32 $0x9;
	_ =	strace $0x8000004B  }
0xb4: {  	_ =	swait.ge [sflag:s29], $0x1  }
0xb5: {  	[sflag:s29] =	ssyncadd.s32 $0xFFFFFFFF  }
0xb6: {  	_ =	strace $0x9000004B  }
0xb7: {  	_ =	sfence  }
0xb8: {  	s30 =	sld [smem:$0x0];
	_ =	sdelay $0x2  }
0xb9: {  	s31 =	sshll.u32 s1, $0xD;
	s1 =	sshrl.u32 s1, $0x2  }
0xba: {  	s3 =	sand.u32 $0x4000, s31;
	s1 =	sadd.s32 s1, s30  }
0xbb: {  	s0 =	sor.u32 s3, s0;
	s1 =	sshll.u32 s1, $0x11  }
0xbc: {  	s0 =	sor.u32 s1, s0  }
0xbd: {  	s0 =	sadd.s32 $0x8F2B, s0  }
0xbe: {  	[sflag:s0] =	ssyncadd.remote.s32 $0x1  }
0xbf: {  	_ =	sfence.sel $0xFFFF  }
0xc0: {  	[dreg:$0x0] =	wrdreg $0xFFFFFFFF;
	(pc) =	sbr.abs _section_cstart, $3  }
0xc1: {  	[dreg:$0x1] =	wrdreg $0xFFFFFFFF  }
0xc2: {  	_ =	task.clear_ibuf [dreg:s7], $0x2FFFF;
	_ =	strace $0x9FFFFFFF  }
0xc3: {  	(tm) =	ssettm $0x7FFFFFFF  }
tec
execute0_lowered:
.L_overlay_start_1:
0x0: {  	(tag) =	ssettag $0x1  }
0x1: {  	s0 =	srdreg.scid;
	s1 =	rddreg [dreg:$0x0]  }
0x2: {  	s8 =	rddreg [dreg:$0x1];
	s12 =	stileid.u32  }
0x3: {  	s2 =	rddreg [dreg:$0x2];
	s28 =	simm.s32 $0x2000;
	s29 =	simm.s32 $0x50  }
0x4: {  	s30 =	simm.s32 $0x3000;
	s31 =	simm.s32 $0x80;
	s6 =	smul.u32 $0x50000, s12  }
0x5: {  	s0 =	sand.u32 $0x1, s0;
	s7 =	sshll.u32 s12, $0x6;
	s22 =	smul.u32 $0x280, s12  }
0x6: {  	s3 =	sshll.u32 s0, $0x4;
	s5 =	smul.u32 $0x28000, s0;
	s0 =	ssub.s32 $0x2, s0  }
0x7: {  	s7 =	sor.u32 $0x1C03, s7;
	s4 =	sor.u32 s12, s3;
	s3 =	simm.s32 $0x0  }
0x8: {  	s21 =	sshrl.u32 s0, $0x1;
	s6 =	sshrl.u32 s6, $0x2;
	s12 =	smul.u32 $0x2800, s12  }
0x9: {  	s14 =	sadd.s32 $0x80, s22;
	s17 =	sadd.s32 $0x100, s22;
	s20 =	sadd.s32 $0x180, s22  }
0xa: {  	s9 =	smul.u32 $0xA00, s4;
	[smem:$0x7FF] =	sst s3;
	s4 =	sadd.s32 $0x29400, s1  }
0xb: {  	s11 =	sadd.s32 s5, s1;
	s0 =	ssub.s32 s0, s21;
	s5 =	sadd.s32 s6, s2  }
0xc: {  	s6 =	sadd.s32 $0x50500, s1;
	s16 =	sshll.u32 s14, $0x7;
	s19 =	sshll.u32 s17, $0x7  }
0xd: {  	s14 =	sshll.u32 s14, $0x4;
	s17 =	sshll.u32 s17, $0x4;
	s21 =	sshll.u32 s20, $0x7  }
0xe: {  	s20 =	sshll.u32 s20, $0x4;
	_ =	strace $0x8000004A;
	s11 =	sadd.s32 $0x51400, s11  }
0xf: {  	s0 =	smax.u32 s0, $0x1;
	s23 =	sadd.s32 $0x4000, s5;
	s13 =	sadd.s32 $0x8000, s5  }
0x10: {  	s15 =	sadd.s32 $0xC000, s5;
	s18 =	sadd.s32 $0x10000, s5;
	s16 =	sadd.s32 s16, s2  }
0x11: {  	s19 =	sadd.s32 s19, s2;
	[dreg:$0x4] =	wrdreg s0;
	s12 =	sadd.s32 s12, s11  }
0x12: {  	s21 =	sadd.s32 s21, s2;
	s24 =	sadd.s32 s14, s11;
	[dreg:$0x5] =	wrdreg s12  }
0x13: {  	s10 =	sadd.s32 s9, s1;
	s25 =	sadd.s32 s17, s11;
	[dreg:$0x6] =	wrdreg s24  }
0x14: {  	s8 =	sadd.s32 s8, s9;
	s26 =	sadd.s32 s20, s11;
	[dreg:$0x7] =	wrdreg s25  }
0x15: {  	s1 =	sadd.s32 $0x200, s22;
	s0 =	sshrl.u32 s23, $0x3;
	[dreg:$0x8] =	wrdreg s26  }
0x16: {  	s17 =	simm.s32 $0x3;
	s14 =	sshrl.u32 s13, $0x3;
	[dreg:$0xa] =	wrdreg s0  }
0x17: {  	s15 =	sshrl.u32 s15, $0x3;
	s20 =	sshrl.u32 s18, $0x3;
	[dreg:$0xb] =	wrdreg s14  }
0x18: {  	s23 =	sshrl.u32 s16, $0x3;
	s13 =	simm.s32 $0x1B80;
	[dreg:$0xc] =	wrdreg s15  }
0x19: {  	s9 =	sadd.s32 $0x1400, s10;
	s10 =	sadd.s32 $0x15400, s10;
	[dreg:$0xd] =	wrdreg s20  }
0x1a: {  	s22 =	sshll.u32 s1, $0x7;
	s1 =	sshll.u32 s1, $0x4;
	[dreg:$0xe] =	wrdreg s23  }
0x1b: {  	s24 =	sshrl.u32 s19, $0x3;
	s25 =	sshrl.u32 s21, $0x3;
	s0 =	simm.s32 $0x2  }
0x1c: {  	s12 =	simm.s32 $0xC00;
	s14 =	simm.s32 $0x1C00;
	[dreg:$0xf] =	wrdreg s24  }
0x1d: {  	s22 =	sadd.s32 s22, s2;
	s1 =	sadd.s32 s1, s11;
	[dreg:$0x10] =	wrdreg s25  }
0x1e: {  	s11 =	simm.s32 $0x1B00;
	[dreg:$0x9] =	wrdreg s1;
	s26 =	sshrl.u32 s22, $0x3  }
0x1f: {  	s1 =	simm.s32 $0x5800;
	[dreg:$0x11] =	wrdreg s26;
	s26 =	simm.s32 $0x1000  }
.LBB2_1:
0x20: {  	s15 =	sshrl.u32 s5, $0x3  }
0x21: {  	[spmem:s15], [sflag:s7] =	dma.local [hbm:s6], $0x800  }
0x22: {  	_ =	swait.ge [sflag:s17], $0x800  }
0x23: {  	[sflag:s17] =	ssyncset.done $0x0  }
0x24: {  	s16 =	rddreg [dreg:$0xa];
	[sflag:s17] =	ssyncadd.s32 $0xFFFFF800  }
0x25: {  	[spmem:s16], [sflag:s7] =	dma.local [hbm:s6], $0x800  }
0x26: {  	_ =	swait.ge [sflag:s17], $0x800  }
0x27: {  	[sflag:s17] =	ssyncset.done $0x0  }
0x28: {  	s23 =	rddreg [dreg:$0xb];
	[sflag:s17] =	ssyncadd.s32 $0xFFFFF800  }
0x29: {  	[spmem:s23], [sflag:s7] =	dma.local [hbm:s6], $0x800  }
0x2a: {  	_ =	swait.ge [sflag:s17], $0x800  }
0x2b: {  	[sflag:s17] =	ssyncset.done $0x0  }
0x2c: {  	s24 =	rddreg [dreg:$0xc];
	[sflag:s17] =	ssyncadd.s32 $0xFFFFF800  }
0x2d: {  	[spmem:s24], [sflag:s7] =	dma.local [hbm:s6], $0x800  }
0x2e: {  	_ =	swait.ge [sflag:s17], $0x800  }
0x2f: {  	[sflag:s17] =	ssyncset.done $0x0  }
0x30: {  	s25 =	rddreg [dreg:$0xd];
	[sflag:s17] =	ssyncadd.s32 $0xFFFFF800  }
0x31: {  	[spmem:s25], [sflag:s7] =	dma.local [hbm:s6], $0x800  }
0x32: {  	_ =	swait.ge [sflag:s17], $0x800  }
0x33: {  	[sflag:s17] =	ssyncset.done $0x0  }
0x34: {  	[sflag:s17] =	ssyncadd.s32 $0xFFFFF800  }
0x35: {  	s16 =	simm.s32 $0x0;
	[bflag:$0x0] =	sbarrier.arrive $0xFFFF  }
.LBB2_2:
0x36: {  	s19 =	sshll.u32 s16, $0x9  }
0x37: {  	s18 =	simm.s32 $0x0;
	s20 =	sadd.s32 s19, s8  }
0x38: {  	[tilespmem:s18], [sflag:$0x3] =	stream.linear.gather [hbm4b:s20+s18], $0xC80, $0x38;
	[tilespmem:$0x1C000] =	vst v63  }
0x39: {  	_ =	swait.ge [sflag:s17], $0xC80  }
0x3a: {  	[sflag:s17] =	ssyncset.done $0x0  }
0x3b: {  	s25 =	sadd.s32 s19, s9;
	[sflag:s17] =	ssyncadd.s32 $0xFFFFF380  }
0x3c: {  	[tilespmem:s26], [sflag:$0x3] =	stream.linear.gather [hbm4b:s25+s18], $0xC80, $0x38;
	[tilespmem:$0x1C000] =	vst v63  }
0x3d: {  	_ =	swait.ge [sflag:s17], $0xC80  }
0x3e: {  	[sflag:s17] =	ssyncset.done $0x0  }
0x3f: {  	s19 =	sadd.s32 s19, s10;
	[sflag:s17] =	ssyncadd.s32 $0xFFFFF380  }
0x40: {  	[tilespmem:s28], [sflag:$0x3] =	stream.linear.gather [hbm4b:s19+s18], $0xC80, $0x38;
	[tilespmem:$0x1C000] =	vst v63  }
0x41: {  	_ =	swait.ge [sflag:s17], $0xC80  }
0x42: {  	[sflag:s17] =	ssyncset.done $0x0  }
0x43: {  	[sflag:s17] =	ssyncadd.s32 $0xFFFFF380  }
0x44: {  	[tilespmem:s30], [sflag:$0x1] =	stream.indirect.gather [hbm4b:s4+s29], $0x80, s18, s29, $0xb8;
	[tilespmem:$0x1C000] =	vst v63  }
0x45: {  	_ = 	snop  }
0x46: {  	[tilespmem:s1], [sflag:$0x2] =	stream.indirect.gather [hbm4b:s4+s29], $0x80, s31, s29, $0xb8;
	[tilespmem:$0x1C000] =	vst v63  }
.LBB2_3:
0x47: {  	s20 =	simm.s32 $0x0  }
0x48: {  	s19 =	sshll.u32 s18, $0x8;
	v1 =	vmov s20  }
0x49: {  	v0 =	vmov s19;
	v1 =	vand.u32 $0x7E, v1  }
0x4a: {  	v1 =	vor.u32 v0, v1  }
0x4b: {  	v2 =	vbroadcast v1, $0x0  }
0x4c: {  	s21 =	simm.s32 $0x1  }
0x4d: {  	_ =	swait.ge [sflag:s21], $0x2800  }
0x4e: {  	[sflag:s21] =	ssyncset.done $0x0  }
0x4f: {  	s20 =	simm.s32 $0x3080;
	[sflag:s21] =	ssyncadd.s32 $0xFFFFD800  }
0x50: {  	v5 =	vld [tilespmem:s20+$0xFFFFFFF0]  }
0x51: {  	v6 =	vld.idx.msk [tilespmem:v2+s28+$0x0], $0xffff  }
0x52: {  	v7 =	vld [tilespmem:s20+$0xFFFFFF80]  }
0x53: {  	v8 =	vld [tilespmem:s20+$0xFFFFFFA0]  }
0x54: {  	v9 =	vld [tilespmem:s20+$0xFFFFFFB0]  }
0x55: {  	v3 =	vld [tilespmem:s20+$0xFFFFFFD0]  }
0x56: {  	v10 =	vld [tilespmem:s20+$0xFFFFFFE0];
	v5 =	vmul.f32 v5, v6  }
0x57: {  	v12 =	vmov s21;
	v4 =	vld [tilespmem:s20+$0xFFFFFFC0];
	v7 =	vmul.f32 v7, v6  }
0x58: {  	v11 =	vld [tilespmem:s20+$0xFFFFFF90];
	v8 =	vmul.f32 v8, v6;
	[tilespmem:s20+$0xFFFFFFF0] =	vst v5;
	v5 =	vand.u32 $0x7F, v12  }
0x59: {  	v9 =	vmul.f32 v9, v6;
	[tilespmem:s20+$0xFFFFFF80] =	vst v7;
	v5 =	vor.u32 v0, v5  }
0x5a: {  	v3 =	vmul.f32 v3, v6;
	[tilespmem:s20+$0xFFFFFFA0] =	vst v8;
	v7 =	vbroadcast v5, $0x0  }
0x5b: {  	v63 =	vmul.f32 v10, v6;
	[tilespmem:s20+$0xFFFFFFB0] =	vst v9  }
0x5c: {  	v1 =	vld [tilespmem:s20+$0x0];
	[tilespmem:s20+$0xFFFFFFD0] =	vst v3;
	v3 =	vmul.f32 v4, v6  }
0x5d: {  	v2 =	vld [tilespmem:s20+$0x10];
	[tilespmem:s20+$0xFFFFFFE0] =	vst v63;
	v5 =	vmul.f32 v11, v6  }
0x5e: {  	[tilespmem:s20+$0xFFFFFFC0] =	vst v3;
	v3 =	vld [tilespmem:s20+$0x70]  }
0x5f: {  	[tilespmem:s20+$0xFFFFFF90] =	vst v5;
	v5 =	vld [tilespmem:s20+$0x50]  }
0x60: {  	s22 =	simm.s32 $0x3;
	s23 =	simm.s32 $0x3080;
	s21 =	sshll.u32 s18, $0x1;
	v4 =	vld.idx.msk [tilespmem:v7+s28+$0x0], $0xffff  }
.LBB2_4:
0x61: {  	p0 =	sne.s32 s22, $0x4F  }
0x62: {  	v6 =	vld [tilespmem:s20+$0x30];
	s23 =	sadd.s32 $0x100, s23;
	s24 =	smov.u32 s22;
	s22 =	sadd.s32 $0x2, s22  }
0x63: {  	v7 =	vld [tilespmem:s20+$0x20]  }
0x64: {  	v8 =	vld [tilespmem:s20+$0x40]  }
0x65: {  	v9 =	vld [tilespmem:s20+$0x60];
	_ =	sdelay $0x1  }
0x66: {  	s25 =	sadd.s32 $0xFFFFFFFF, s24;
	v1 =	vmul.f32 v1, v4;
	v2 =	vmul.f32 v2, v4  }
0x67: {  	v10 =	vmov s25;
	v6 =	vmul.f32 v6, v4;
	v7 =	vmul.f32 v7, v4  }
0x68: {  	v10 =	vand.u32 $0x7E, v10;
	v5 =	vmul.f32 v5, v4;
	[tilespmem:s20+$0x0] =	vst v1;
	v8 =	vmul.f32 v8, v4  }
0x69: {  	v10 =	vor.u32 v0, v10;
	v3 =	vmul.f32 v3, v4;
	v1 =	vld [tilespmem:s23+$0x0];
	[tilespmem:s20+$0x30] =	vst v6;
	v6 =	vmul.f32 v9, v4  }
0x6a: {  	v4 =	vbroadcast v10, $0x0;
	[tilespmem:s20+$0x40] =	vst v8  }
0x6b: {  	v8 =	vld [tilespmem:s23+$0xFFFFFFD0];
	[tilespmem:s20+$0x50] =	vst v5  }
0x6c: {  	v5 =	vld [tilespmem:s23+$0xFFFFFFC0];
	[tilespmem:s20+$0x20] =	vst v7  }
0x6d: {  	v7 =	vld [tilespmem:s23+$0xFFFFFFB0];
	[tilespmem:s20+$0x70] =	vst v3  }
0x6e: {  	v3 =	vld [tilespmem:s23+$0xFFFFFFE0];
	[tilespmem:s20+$0x10] =	vst v2  }
0x6f: {  	v9 =	vld [tilespmem:s23+$0xFFFFFFF0];
	[tilespmem:s20+$0x60] =	vst v6;
	s20 =	smov.u32 s23  }
0x70: {  	v4 =	vld.idx.msk [tilespmem:v4+s28+$0x0], $0xffff  }
0x71: {  	v6 =	vld [tilespmem:s23+$0xFFFFFF80]  }
0x72: {  	v10 =	vld [tilespmem:s23+$0xFFFFFFA0]  }
0x73: {  	v11 =	vld [tilespmem:s23+$0xFFFFFF90]  }
0x74: {  	v2 =	vld [tilespmem:s23+$0x10];
	_ =	sdelay $0x1  }
0x75: {  	v9 =	vmul.f32 v9, v4;
	v6 =	vmul.f32 v6, v4  }
0x76: {  	v12 =	vmov s24;
	v3 =	vmul.f32 v3, v4;
	v10 =	vmul.f32 v10, v4  }
0x77: {  	v7 =	vmul.f32 v7, v4;
	v11 =	vmul.f32 v11, v4;
	[tilespmem:s23+$0xFFFFFFF0] =	vst v9;
	v9 =	vand.u32 $0x7F, v12  }
0x78: {  	[tilespmem:s23+$0xFFFFFF80] =	vst v6;
	v6 =	vmul.f32 v5, v4;
	v4 =	vmul.f32 v8, v4;
	v5 =	vor.u32 v0, v9  }
0x79: {  	[tilespmem:s23+$0xFFFFFFA0] =	vst v10;
	v8 =	vbroadcast v5, $0x0  }
0x7a: {  	[tilespmem:s23+$0xFFFFFFB0] =	vst v7  }
.Ltmp0:
0x7b: {  	[tilespmem:s23+$0xFFFFFFD0] =	vst v4;
	(pc) =	sbr.rel @p0 .LBB2_4-.Ltmp0, $4  }
0x7c: {  	[tilespmem:s23+$0xFFFFFF90] =	vst v11  }
0x7d: {  	[tilespmem:s23+$0xFFFFFFE0] =	vst v3;
	v5 =	vld [tilespmem:s23+$0x50]  }
0x7e: {  	[tilespmem:s23+$0xFFFFFFC0] =	vst v6;
	v3 =	vld [tilespmem:s23+$0x70]  }
0x7f: {  	v4 =	vld.idx.msk [tilespmem:v8+s28+$0x0], $0xffff  }
0x80: {  	_ =	sdelay $0x1  }
0x81: {  	v0 =	vld [tilespmem:s20+$0x30]  }
0x82: {  	v6 =	vld [tilespmem:s20+$0x40]  }
0x83: {  	v7 =	vld [tilespmem:s20+$0x20];
	v1 =	vmul.f32 v1, v4  }
0x84: {  	v5 =	vmul.f32 v5, v4  }
0x85: {  	v8 =	vld [tilespmem:s20+$0x60];
	v2 =	vmul.f32 v2, v4;
	[tilespmem:s20+$0x0] =	vst v1  }
0x86: {  	v0 =	vmul.f32 v0, v4;
	[tilespmem:s20+$0x50] =	vst v5  }
0x87: {  	v1 =	vmul.f32 v6, v4;
	[tilespmem:s20+$0x10] =	vst v2  }
0x88: {  	[tilespmem:s20+$0x30] =	vst v0;
	v0 =	vmul.f32 v7, v4  }
0x89: {  	[tilespmem:s20+$0x40] =	vst v1;
	v1 =	vmul.f32 v3, v4  }
0x8a: {  	[tilespmem:s20+$0x20] =	vst v0;
	v0 =	vmul.f32 v8, v4  }
0x8b: {  	s19 =	sand.u32 $0x3FFFFF00, s19;
	s23 =	sor.u32 $0x1, s21;
	[tilespmem:s20+$0x70] =	vst v1  }
0x8c: {  	s24 =	simm.s32 $0x0;
	s22 =	sadd.s32 $0x1000, s19;
	[tilespmem:s20+$0x60] =	vst v0;
	s20 =	sshll.u32 s23, $0x7  }
0x8d: {  	v1 =	vmov s24;
	[spmem:s2] =	stream.indirect.scatter.add.f32 [tilespmem:s30], [sflag:$0x3], $0x80, s22, s29, $0xb8;
	[tilespmem:$0x1C000] =	vst v63  }
0x8e: {  	v1 =	vand.u32 $0x7E, v1;
	v0 =	vmov s20;
	_ =	swait.ge [sflag:s17], $0x2800  }
0x8f: {  	v1 =	vor.u32 v0, v1;
	[sflag:s17] =	ssyncset.done $0x0  }
0x90: {  	s22 =	sadd.s32 $0x100, s19;
	v2 =	vbroadcast v1, $0x0;
	[sflag:s17] =	ssyncadd.s32 $0xFFFFD800  }
0x91: {  	[tilespmem:s30], [sflag:$0x1] =	stream.indirect.gather [hbm4b:s4+s29], $0x80, s22, s29, $0xb8;
	[tilespmem:$0x1C000] =	vst v63  }
0x92: {  	_ =	swait.ge [sflag:s0], $0x2800  }
0x93: {  	[sflag:s0] =	ssyncset.done $0x0  }
0x94: {  	s21 =	simm.s32 $0x5880;
	[sflag:s0] =	ssyncadd.s32 $0xFFFFD800  }
0x95: {  	v5 =	vld [tilespmem:s21+$0xFFFFFFF0]  }
0x96: {  	v6 =	vld.idx.msk [tilespmem:v2+s28+$0x0], $0xffff  }
0x97: {  	v7 =	vld [tilespmem:s21+$0xFFFFFF80]  }
0x98: {  	v62 =	vld [tilespmem:s21+$0xFFFFFFA0]  }
0x99: {  	v9 =	vld [tilespmem:s21+$0xFFFFFFB0]  }
0x9a: {  	v3 =	vld [tilespmem:s21+$0xFFFFFFD0]  }
0x9b: {  	s25 =	simm.s32 $0x1;
	v10 =	vld [tilespmem:s21+$0xFFFFFFE0];
	v5 =	vmul.f32 v5, v6  }
0x9c: {  	v12 =	vmov s25;
	v4 =	vld [tilespmem:s21+$0xFFFFFFC0];
	v7 =	vmul.f32 v7, v6  }
0x9d: {  	v11 =	vld [tilespmem:s21+$0xFFFFFF90];
	v8 =	vmul.f32 v62, v6;
	[tilespmem:s21+$0xFFFFFFF0] =	vst v5;
	v5 =	vand.u32 $0x7F, v12  }
0x9e: {  	v9 =	vmul.f32 v9, v6;
	[tilespmem:s21+$0xFFFFFF80] =	vst v7;
	v5 =	vor.u32 v0, v5  }
0x9f: {  	v3 =	vmul.f32 v3, v6;
	[tilespmem:s21+$0xFFFFFFA0] =	vst v8;
	v7 =	vbroadcast v5, $0x0  }
0xa0: {  	v63 =	vmul.f32 v10, v6;
	[tilespmem:s21+$0xFFFFFFB0] =	vst v9  }
0xa1: {  	v1 =	vld [tilespmem:s21+$0x0];
	[tilespmem:s21+$0xFFFFFFD0] =	vst v3;
	v3 =	vmul.f32 v4, v6  }
0xa2: {  	v2 =	vld [tilespmem:s21+$0x10];
	[tilespmem:s21+$0xFFFFFFE0] =	vst v63;
	v5 =	vmul.f32 v11, v6  }
0xa3: {  	v4 =	vld [tilespmem:s21+$0x70];
	[tilespmem:s21+$0xFFFFFFC0] =	vst v3  }
0xa4: {  	[tilespmem:s21+$0xFFFFFF90] =	vst v5;
	v5 =	vld [tilespmem:s21+$0x50]  }
0xa5: {  	s23 =	simm.s32 $0x5880;
	s22 =	simm.s32 $0x3;
	v3 =	vld.idx.msk [tilespmem:v7+s28+$0x0], $0xffff  }
.LBB2_6:
0xa6: {  	p0 =	sne.s32 s22, $0x4F  }
0xa7: {  	v6 =	vld [tilespmem:s21+$0x30];
	s23 =	sadd.s32 $0x100, s23;
	s24 =	smov.u32 s22;
	s22 =	sadd.s32 $0x2, s22  }
0xa8: {  	v7 =	vld [tilespmem:s21+$0x20]  }
0xa9: {  	v8 =	vld [tilespmem:s21+$0x40]  }
0xaa: {  	v9 =	vld [tilespmem:s21+$0x60];
	_ =	sdelay $0x1  }
0xab: {  	s25 =	sadd.s32 $0xFFFFFFFF, s24;
	v1 =	vmul.f32 v1, v3;
	v2 =	vmul.f32 v2, v3  }
0xac: {  	v10 =	vmov s25;
	v6 =	vmul.f32 v6, v3;
	v7 =	vmul.f32 v7, v3  }
0xad: {  	v10 =	vand.u32 $0x7E, v10;
	v5 =	vmul.f32 v5, v3;
	[tilespmem:s21+$0x0] =	vst v1;
	v8 =	vmul.f32 v8, v3  }
0xae: {  	v10 =	vor.u32 v0, v10;
	v1 =	vld [tilespmem:s23+$0x0];
	[tilespmem:s21+$0x30] =	vst v6;
	v6 =	vmul.f32 v9, v3;
	v3 =	vmul.f32 v4, v3  }
0xaf: {  	v4 =	vbroadcast v10, $0x0;
	[tilespmem:s21+$0x40] =	vst v8  }
0xb0: {  	v8 =	vld [tilespmem:s23+$0xFFFFFFD0];
	[tilespmem:s21+$0x50] =	vst v5  }
0xb1: {  	v5 =	vld [tilespmem:s23+$0xFFFFFFC0];
	[tilespmem:s21+$0x20] =	vst v7  }
0xb2: {  	v7 =	vld [tilespmem:s23+$0xFFFFFFB0];
	[tilespmem:s21+$0x70] =	vst v3  }
0xb3: {  	v3 =	vld [tilespmem:s23+$0xFFFFFFE0];
	[tilespmem:s21+$0x10] =	vst v2  }
0xb4: {  	v9 =	vld [tilespmem:s23+$0xFFFFFFF0];
	[tilespmem:s21+$0x60] =	vst v6;
	s21 =	smov.u32 s23  }
0xb5: {  	v4 =	vld.idx.msk [tilespmem:v4+s28+$0x0], $0xffff  }
0xb6: {  	v6 =	vld [tilespmem:s23+$0xFFFFFF80]  }
0xb7: {  	v10 =	vld [tilespmem:s23+$0xFFFFFFA0]  }
0xb8: {  	v11 =	vld [tilespmem:s23+$0xFFFFFF90]  }
0xb9: {  	v2 =	vld [tilespmem:s23+$0x10];
	_ =	sdelay $0x1  }
0xba: {  	v9 =	vmul.f32 v9, v4;
	v6 =	vmul.f32 v6, v4  }
0xbb: {  	v12 =	vmov s24;
	v3 =	vmul.f32 v3, v4;
	v10 =	vmul.f32 v10, v4  }
0xbc: {  	v7 =	vmul.f32 v7, v4;
	v11 =	vmul.f32 v11, v4;
	[tilespmem:s23+$0xFFFFFFF0] =	vst v9;
	v9 =	vand.u32 $0x7F, v12  }
0xbd: {  	[tilespmem:s23+$0xFFFFFF80] =	vst v6;
	v6 =	vmul.f32 v5, v4;
	v4 =	vmul.f32 v8, v4;
	v5 =	vor.u32 v0, v9  }
0xbe: {  	[tilespmem:s23+$0xFFFFFFA0] =	vst v10;
	v8 =	vbroadcast v5, $0x0  }
0xbf: {  	[tilespmem:s23+$0xFFFFFFB0] =	vst v7  }
.Ltmp1:
0xc0: {  	[tilespmem:s23+$0xFFFFFFD0] =	vst v4;
	(pc) =	sbr.rel @p0 .LBB2_6-.Ltmp1, $4  }
0xc1: {  	[tilespmem:s23+$0xFFFFFF90] =	vst v11  }
0xc2: {  	[tilespmem:s23+$0xFFFFFFE0] =	vst v3;
	v5 =	vld [tilespmem:s23+$0x50]  }
0xc3: {  	[tilespmem:s23+$0xFFFFFFC0] =	vst v6;
	v4 =	vld [tilespmem:s23+$0x70]  }
0xc4: {  	v3 =	vld.idx.msk [tilespmem:v8+s28+$0x0], $0xffff  }
0xc5: {  	_ =	sdelay $0x2  }
0xc6: {  	v0 =	vld [tilespmem:s21+$0x30]  }
0xc7: {  	v6 =	vld [tilespmem:s21+$0x40];
	v1 =	vmul.f32 v1, v3  }
0xc8: {  	v7 =	vld [tilespmem:s21+$0x20];
	v5 =	vmul.f32 v5, v3  }
0xc9: {  	v8 =	vld [tilespmem:s21+$0x60];
	v62 =	vmul.f32 v4, v3;
	[tilespmem:s21+$0x0] =	vst v1  }
0xca: {  	v2 =	vmul.f32 v2, v3;
	[tilespmem:s21+$0x50] =	vst v5  }
0xcb: {  	v0 =	vmul.f32 v0, v3;
	[tilespmem:s21+$0x70] =	vst v62  }
0xcc: {  	v60 =	vmul.f32 v6, v3;
	[tilespmem:s21+$0x10] =	vst v2  }
0xcd: {  	v61 =	vmul.f32 v7, v3;
	[tilespmem:s21+$0x30] =	vst v0  }
0xce: {  	v63 =	vmul.f32 v8, v3;
	[tilespmem:s21+$0x40] =	vst v60  }
0xcf: {  	s20 =	sand.u32 $0x3FFFFF80, s20;
	s18 =	sadd.s32 $0x1, s18;
	[tilespmem:s21+$0x20] =	vst v61  }
0xd0: {  	s20 =	sadd.s32 $0x1000, s20;
	p0 =	sne.s32 s18, $0xB;
	[tilespmem:s21+$0x60] =	vst v63  }
0xd1: {  	[spmem:s2] =	stream.indirect.scatter.add.f32 [tilespmem:s1], [sflag:$0x3], $0x80, s20, s29, $0xb8;
	[tilespmem:$0x1C000] =	vst v63  }
.Ltmp2:
0xd2: {  	_ = 	snop;
	(pc) =	sbr.rel @p0 .LBB2_3-.Ltmp2, $4  }
0xd3: {  	_ =	swait.ge [sflag:s17], $0x2800  }
0xd4: {  	[sflag:s17] =	ssyncset.done $0x0  }
0xd5: {  	s19 =	sadd.s32 $0x180, s19;
	[sflag:s17] =	ssyncadd.s32 $0xFFFFD800  }
0xd6: {  	[tilespmem:s1], [sflag:$0x2] =	stream.indirect.gather [hbm4b:s4+s29], $0x80, s19, s29, $0xb8;
	[tilespmem:$0x1C000] =	vst v63  }
0xd7: {  	s18 =	simm.s32 $0x0  }
0xd8: {  	v0 =	vmov s18  }
0xd9: {  	v0 =	vand.u32 $0x7E, v0  }
0xda: {  	v0 =	vor.u32 $0xB00, v0  }
0xdb: {  	v1 =	vbroadcast v0, $0x0  }
0xdc: {  	s19 =	simm.s32 $0x1  }
0xdd: {  	_ =	swait.ge [sflag:s19], $0x2800  }
0xde: {  	[sflag:s19] =	ssyncset.done $0x0  }
0xdf: {  	s18 =	simm.s32 $0x3080;
	[sflag:s19] =	ssyncadd.s32 $0xFFFFD800  }
0xe0: {  	v4 =	vld [tilespmem:s18+$0xFFFFFFF0]  }
0xe1: {  	v5 =	vld.idx.msk [tilespmem:v1+s28+$0x0], $0xffff  }
0xe2: {  	v6 =	vld [tilespmem:s18+$0xFFFFFF80]  }
0xe3: {  	v7 =	vld [tilespmem:s18+$0xFFFFFFA0]  }
0xe4: {  	v8 =	vld [tilespmem:s18+$0xFFFFFFB0]  }
0xe5: {  	v2 =	vld [tilespmem:s18+$0xFFFFFFD0]  }
0xe6: {  	v9 =	vld [tilespmem:s18+$0xFFFFFFE0];
	v4 =	vmul.f32 v4, v5  }
0xe7: {  	v11 =	vmov s19;
	v3 =	vld [tilespmem:s18+$0xFFFFFFC0];
	v6 =	vmul.f32 v6, v5  }
0xe8: {  	v10 =	vld [tilespmem:s18+$0xFFFFFF90];
	v7 =	vmul.f32 v7, v5;
	[tilespmem:s18+$0xFFFFFFF0] =	vst v4;
	v4 =	vand.u32 $0x7F, v11  }
0xe9: {  	v8 =	vmul.f32 v8, v5;
	[tilespmem:s18+$0xFFFFFF80] =	vst v6;
	v4 =	vor.u32 $0xB00, v4  }
0xea: {  	v2 =	vmul.f32 v2, v5;
	[tilespmem:s18+$0xFFFFFFA0] =	vst v7;
	v6 =	vbroadcast v4, $0x0  }
0xeb: {  	[tilespmem:s18+$0xFFFFFFB0] =	vst v8;
	v7 =	vmul.f32 v9, v5  }
0xec: {  	v0 =	vld [tilespmem:s18+$0x0];
	[tilespmem:s18+$0xFFFFFFD0] =	vst v2;
	v2 =	vmul.f32 v3, v5  }
0xed: {  	v1 =	vld [tilespmem:s18+$0x10];
	v4 =	vmul.f32 v10, v5;
	[tilespmem:s18+$0xFFFFFFE0] =	vst v7  }
0xee: {  	v3 =	vld [tilespmem:s18+$0x70];
	[tilespmem:s18+$0xFFFFFFC0] =	vst v2  }
0xef: {  	[tilespmem:s18+$0xFFFFFF90] =	vst v4;
	v4 =	vld [tilespmem:s18+$0x50]  }
0xf0: {  	s20 =	simm.s32 $0x3080;
	s19 =	simm.s32 $0x3;
	v2 =	vld.idx.msk [tilespmem:v6+s28+$0x0], $0xffff  }
.LBB2_9:
0xf1: {  	p0 =	sne.s32 s19, $0x4F  }
0xf2: {  	v5 =	vld [tilespmem:s18+$0x30];
	s20 =	sadd.s32 $0x100, s20;
	s21 =	smov.u32 s19;
	s19 =	sadd.s32 $0x2, s19  }
0xf3: {  	v6 =	vld [tilespmem:s18+$0x20]  }
0xf4: {  	v7 =	vld [tilespmem:s18+$0x40]  }
0xf5: {  	v8 =	vld [tilespmem:s18+$0x60];
	_ =	sdelay $0x1  }
0xf6: {  	s22 =	sadd.s32 $0xFFFFFFFF, s21;
	v0 =	vmul.f32 v0, v2;
	v1 =	vmul.f32 v1, v2  }
0xf7: {  	v9 =	vmov s22;
	v5 =	vmul.f32 v5, v2;
	v6 =	vmul.f32 v6, v2  }
0xf8: {  	v9 =	vand.u32 $0x7E, v9;
	v4 =	vmul.f32 v4, v2;
	[tilespmem:s18+$0x0] =	vst v0;
	v7 =	vmul.f32 v7, v2  }
0xf9: {  	v9 =	vor.u32 $0xB00, v9;
	v0 =	vld [tilespmem:s20+$0x0];
	[tilespmem:s18+$0x30] =	vst v5;
	v5 =	vmul.f32 v8, v2;
	v2 =	vmul.f32 v3, v2  }
0xfa: {  	v3 =	vbroadcast v9, $0x0;
	[tilespmem:s18+$0x40] =	vst v7  }
0xfb: {  	v7 =	vld [tilespmem:s20+$0xFFFFFFD0];
	[tilespmem:s18+$0x50] =	vst v4  }
0xfc: {  	v4 =	vld [tilespmem:s20+$0xFFFFFFC0];
	[tilespmem:s18+$0x20] =	vst v6  }
0xfd: {  	v6 =	vld [tilespmem:s20+$0xFFFFFFB0];
	[tilespmem:s18+$0x70] =	vst v2  }
0xfe: {  	v2 =	vld [tilespmem:s20+$0xFFFFFFE0];
	[tilespmem:s18+$0x10] =	vst v1  }
0xff: {  	v8 =	vld [tilespmem:s20+$0xFFFFFFF0];
	[tilespmem:s18+$0x60] =	vst v5;
	s18 =	smov.u32 s20  }
0x100: {  	v3 =	vld.idx.msk [tilespmem:v3+s28+$0x0], $0xffff  }
0x101: {  	v5 =	vld [tilespmem:s20+$0xFFFFFF80]  }
0x102: {  	v9 =	vld [tilespmem:s20+$0xFFFFFFA0]  }
0x103: {  	v10 =	vld [tilespmem:s20+$0xFFFFFF90]  }
0x104: {  	v1 =	vld [tilespmem:s20+$0x10];
	_ =	sdelay $0x1  }
0x105: {  	v8 =	vmul.f32 v8, v3;
	v5 =	vmul.f32 v5, v3  }
0x106: {  	v11 =	vmov s21;
	v2 =	vmul.f32 v2, v3;
	v9 =	vmul.f32 v9, v3  }
0x107: {  	v6 =	vmul.f32 v6, v3;
	v10 =	vmul.f32 v10, v3;
	[tilespmem:s20+$0xFFFFFFF0] =	vst v8;
	v8 =	vand.u32 $0x7F, v11  }
0x108: {  	[tilespmem:s20+$0xFFFFFF80] =	vst v5;
	v5 =	vmul.f32 v4, v3;
	v3 =	vmul.f32 v7, v3;
	v4 =	vor.u32 $0xB00, v8  }
0x109: {  	[tilespmem:s20+$0xFFFFFFA0] =	vst v9;
	v7 =	vbroadcast v4, $0x0  }
0x10a: {  	[tilespmem:s20+$0xFFFFFFB0] =	vst v6  }
.Ltmp3:
0x10b: {  	[tilespmem:s20+$0xFFFFFFD0] =	vst v3;
	(pc) =	sbr.rel @p0 .LBB2_9-.Ltmp3, $4  }
0x10c: {  	[tilespmem:s20+$0xFFFFFF90] =	vst v10  }
0x10d: {  	[tilespmem:s20+$0xFFFFFFE0] =	vst v2;
	v4 =	vld [tilespmem:s20+$0x50]  }
0x10e: {  	[tilespmem:s20+$0xFFFFFFC0] =	vst v5;
	v3 =	vld [tilespmem:s20+$0x70]  }
0x10f: {  	v2 =	vld.idx.msk [tilespmem:v7+s28+$0x0], $0xffff  }
0x110: {  	_ =	sdelay $0x1  }
0x111: {  	v5 =	vld [tilespmem:s18+$0x30]  }
0x112: {  	v6 =	vld [tilespmem:s18+$0x40]  }
0x113: {  	v7 =	vld [tilespmem:s18+$0x20];
	v0 =	vmul.f32 v0, v2  }
0x114: {  	v4 =	vmul.f32 v4, v2  }
0x115: {  	v8 =	vld [tilespmem:s18+$0x60];
	v1 =	vmul.f32 v1, v2;
	[tilespmem:s18+$0x0] =	vst v0  }
0x116: {  	v5 =	vmul.f32 v5, v2;
	[tilespmem:s18+$0x50] =	vst v4  }
0x117: {  	v0 =	vmul.f32 v6, v2;
	[tilespmem:s18+$0x10] =	vst v1  }
0x118: {  	[tilespmem:s18+$0x30] =	vst v5;
	v5 =	vmul.f32 v7, v2  }
0x119: {  	[tilespmem:s18+$0x40] =	vst v0;
	v0 =	vmul.f32 v3, v2  }
0x11a: {  	v2 =	vmul.f32 v8, v2;
	[tilespmem:s18+$0x20] =	vst v5  }
0x11b: {  	[tilespmem:s18+$0x70] =	vst v0  }
0x11c: {  	s25 =	simm.s32 $0x0;
	[tilespmem:s18+$0x60] =	vst v2  }
0x11d: {  	v0 =	vmov s25;
	[spmem:s2] =	stream.indirect.scatter.add.f32 [tilespmem:s30], [sflag:$0x3], $0x80, s11, s29, $0xb8;
	[tilespmem:$0x1C000] =	vst v63  }
0x11e: {  	v0 =	vand.u32 $0x7E, v0;
	_ =	swait.ge [sflag:s17], $0x2800  }
0x11f: {  	v0 =	vor.u32 $0xB80, v0;
	[sflag:s17] =	ssyncset.done $0x0  }
0x120: {  	v1 =	vbroadcast v0, $0x0;
	[sflag:s17] =	ssyncadd.s32 $0xFFFFD800  }
0x121: {  	[tilespmem:s30], [sflag:$0x1] =	stream.indirect.gather [hbm4b:s4+s29], $0x80, s12, s29, $0xb8;
	[tilespmem:$0x1C000] =	vst v63  }
0x122: {  	_ =	swait.ge [sflag:s0], $0x2800  }
0x123: {  	[sflag:s0] =	ssyncset.done $0x0  }
0x124: {  	s18 =	simm.s32 $0x5880;
	[sflag:s0] =	ssyncadd.s32 $0xFFFFD800  }
0x125: {  	v4 =	vld [tilespmem:s18+$0xFFFFFFF0]  }
0x126: {  	v5 =	vld.idx.msk [tilespmem:v1+s28+$0x0], $0xffff  }
0x127: {  	v6 =	vld [tilespmem:s18+$0xFFFFFF80]  }
0x128: {  	v7 =	vld [tilespmem:s18+$0xFFFFFFA0]  }
0x129: {  	v63 =	vld [tilespmem:s18+$0xFFFFFFB0]  }
0x12a: {  	v2 =	vld [tilespmem:s18+$0xFFFFFFD0]  }
0x12b: {  	s19 =	simm.s32 $0x1;
	v9 =	vld [tilespmem:s18+$0xFFFFFFE0];
	v4 =	vmul.f32 v4, v5  }
0x12c: {  	v11 =	vmov s19;
	v3 =	vld [tilespmem:s18+$0xFFFFFFC0];
	v6 =	vmul.f32 v6, v5  }
0x12d: {  	v10 =	vld [tilespmem:s18+$0xFFFFFF90];
	v7 =	vmul.f32 v7, v5;
	[tilespmem:s18+$0xFFFFFFF0] =	vst v4;
	v4 =	vand.u32 $0x7F, v11  }
0x12e: {  	v8 =	vmul.f32 v63, v5;
	[tilespmem:s18+$0xFFFFFF80] =	vst v6;
	v4 =	vor.u32 $0xB80, v4  }
0x12f: {  	v2 =	vmul.f32 v2, v5;
	[tilespmem:s18+$0xFFFFFFA0] =	vst v7;
	v6 =	vbroadcast v4, $0x0  }
0x130: {  	[tilespmem:s18+$0xFFFFFFB0] =	vst v8;
	v7 =	vmul.f32 v9, v5  }
0x131: {  	v0 =	vld [tilespmem:s18+$0x0];
	[tilespmem:s18+$0xFFFFFFD0] =	vst v2;
	v2 =	vmul.f32 v3, v5  }
0x132: {  	v1 =	vld [tilespmem:s18+$0x10];
	v4 =	vmul.f32 v10, v5;
	[tilespmem:s18+$0xFFFFFFE0] =	vst v7  }
0x133: {  	v3 =	vld [tilespmem:s18+$0x70];
	[tilespmem:s18+$0xFFFFFFC0] =	vst v2  }
0x134: {  	[tilespmem:s18+$0xFFFFFF90] =	vst v4;
	v4 =	vld [tilespmem:s18+$0x50]  }
0x135: {  	s20 =	simm.s32 $0x5880;
	s19 =	simm.s32 $0x3;
	v2 =	vld.idx.msk [tilespmem:v6+s28+$0x0], $0xffff  }
.LBB2_11:
0x136: {  	p0 =	sne.s32 s19, $0x4F  }
0x137: {  	v5 =	vld [tilespmem:s18+$0x30];
	s20 =	sadd.s32 $0x100, s20;
	s21 =	smov.u32 s19;
	s19 =	sadd.s32 $0x2, s19  }
0x138: {  	v6 =	vld [tilespmem:s18+$0x20]  }
0x139: {  	v7 =	vld [tilespmem:s18+$0x40]  }
0x13a: {  	v8 =	vld [tilespmem:s18+$0x60];
	_ =	sdelay $0x1  }
0x13b: {  	s22 =	sadd.s32 $0xFFFFFFFF, s21;
	v0 =	vmul.f32 v0, v2;
	v1 =	vmul.f32 v1, v2  }
0x13c: {  	v9 =	vmov s22;
	v5 =	vmul.f32 v5, v2;
	v6 =	vmul.f32 v6, v2  }
0x13d: {  	v9 =	vand.u32 $0x7E, v9;
	v4 =	vmul.f32 v4, v2;
	[tilespmem:s18+$0x0] =	vst v0;
	v7 =	vmul.f32 v7, v2  }
0x13e: {  	v9 =	vor.u32 $0xB80, v9;
	v0 =	vld [tilespmem:s20+$0x0];
	[tilespmem:s18+$0x30] =	vst v5;
	v5 =	vmul.f32 v8, v2;
	v2 =	vmul.f32 v3, v2  }
0x13f: {  	v3 =	vbroadcast v9, $0x0;
	[tilespmem:s18+$0x40] =	vst v7  }
0x140: {  	v7 =	vld [tilespmem:s20+$0xFFFFFFD0];
	[tilespmem:s18+$0x50] =	vst v4  }
0x141: {  	v4 =	vld [tilespmem:s20+$0xFFFFFFC0];
	[tilespmem:s18+$0x20] =	vst v6  }
0x142: {  	v6 =	vld [tilespmem:s20+$0xFFFFFFB0];
	[tilespmem:s18+$0x70] =	vst v2  }
0x143: {  	v2 =	vld [tilespmem:s20+$0xFFFFFFE0];
	[tilespmem:s18+$0x10] =	vst v1  }
0x144: {  	v8 =	vld [tilespmem:s20+$0xFFFFFFF0];
	[tilespmem:s18+$0x60] =	vst v5;
	s18 =	smov.u32 s20  }
0x145: {  	v3 =	vld.idx.msk [tilespmem:v3+s28+$0x0], $0xffff  }
0x146: {  	v5 =	vld [tilespmem:s20+$0xFFFFFF80]  }
0x147: {  	v9 =	vld [tilespmem:s20+$0xFFFFFFA0]  }
0x148: {  	v10 =	vld [tilespmem:s20+$0xFFFFFF90]  }
0x149: {  	v1 =	vld [tilespmem:s20+$0x10];
	_ =	sdelay $0x1  }
0x14a: {  	v8 =	vmul.f32 v8, v3;
	v5 =	vmul.f32 v5, v3  }
0x14b: {  	v11 =	vmov s21;
	v2 =	vmul.f32 v2, v3;
	v9 =	vmul.f32 v9, v3  }
0x14c: {  	v6 =	vmul.f32 v6, v3;
	v10 =	vmul.f32 v10, v3;
	[tilespmem:s20+$0xFFFFFFF0] =	vst v8;
	v8 =	vand.u32 $0x7F, v11  }
0x14d: {  	[tilespmem:s20+$0xFFFFFF80] =	vst v5;
	v5 =	vmul.f32 v4, v3;
	v3 =	vmul.f32 v7, v3;
	v4 =	vor.u32 $0xB80, v8  }
0x14e: {  	[tilespmem:s20+$0xFFFFFFA0] =	vst v9;
	v7 =	vbroadcast v4, $0x0  }
0x14f: {  	[tilespmem:s20+$0xFFFFFFB0] =	vst v6  }
.Ltmp4:
0x150: {  	[tilespmem:s20+$0xFFFFFFD0] =	vst v3;
	(pc) =	sbr.rel @p0 .LBB2_11-.Ltmp4, $4  }
0x151: {  	[tilespmem:s20+$0xFFFFFF90] =	vst v10  }
0x152: {  	[tilespmem:s20+$0xFFFFFFE0] =	vst v2;
	v4 =	vld [tilespmem:s20+$0x50]  }
0x153: {  	[tilespmem:s20+$0xFFFFFFC0] =	vst v5;
	v3 =	vld [tilespmem:s20+$0x70]  }
0x154: {  	v2 =	vld.idx.msk [tilespmem:v7+s28+$0x0], $0xffff  }
0x155: {  	_ =	sdelay $0x1  }
0x156: {  	v5 =	vld [tilespmem:s18+$0x30]  }
0x157: {  	v6 =	vld [tilespmem:s18+$0x40]  }
0x158: {  	v7 =	vld [tilespmem:s18+$0x20];
	v0 =	vmul.f32 v0, v2  }
0x159: {  	v4 =	vmul.f32 v4, v2  }
0x15a: {  	v8 =	vld [tilespmem:s18+$0x60];
	v1 =	vmul.f32 v1, v2;
	[tilespmem:s18+$0x0] =	vst v0  }
0x15b: {  	v5 =	vmul.f32 v5, v2;
	[tilespmem:s18+$0x50] =	vst v4  }
0x15c: {  	v0 =	vmul.f32 v6, v2;
	[tilespmem:s18+$0x10] =	vst v1  }
0x15d: {  	[tilespmem:s18+$0x30] =	vst v5;
	v5 =	vmul.f32 v7, v2  }
0x15e: {  	[tilespmem:s18+$0x40] =	vst v0;
	v0 =	vmul.f32 v3, v2  }
0x15f: {  	v2 =	vmul.f32 v8, v2;
	[tilespmem:s18+$0x20] =	vst v5  }
0x160: {  	s25 =	simm.s32 $0x0;
	[tilespmem:s18+$0x70] =	vst v0  }
0x161: {  	[tilespmem:s18+$0x60] =	vst v2;
	v0 =	vmov s25  }
0x162: {  	[spmem:s2] =	stream.indirect.scatter.add.f32 [tilespmem:s1], [sflag:$0x3], $0x80, s13, s29, $0xb8;
	v0 =	vand.u32 $0x7E, v0;
	[tilespmem:$0x1C000] =	vst v63  }
0x163: {  	_ =	swait.ge [sflag:s17], $0x2800;
	v0 =	vor.u32 $0xC00, v0  }
0x164: {  	[sflag:s17] =	ssyncset.done $0x0;
	v1 =	vbroadcast v0, $0x0  }
0x165: {  	s19 =	simm.s32 $0x1;
	[sflag:s17] =	ssyncadd.s32 $0xFFFFD800  }
0x166: {  	_ =	swait.ge [sflag:s19], $0x2800  }
0x167: {  	[sflag:s19] =	ssyncset.done $0x0  }
0x168: {  	s18 =	simm.s32 $0x3080;
	[sflag:s19] =	ssyncadd.s32 $0xFFFFD800  }
0x169: {  	v4 =	vld [tilespmem:s18+$0xFFFFFFF0]  }
0x16a: {  	v5 =	vld.idx.msk [tilespmem:v1+s28+$0x0], $0xffff  }
0x16b: {  	v6 =	vld [tilespmem:s18+$0xFFFFFF80]  }
0x16c: {  	v7 =	vld [tilespmem:s18+$0xFFFFFFA0]  }
0x16d: {  	v63 =	vld [tilespmem:s18+$0xFFFFFFB0]  }
0x16e: {  	v2 =	vld [tilespmem:s18+$0xFFFFFFD0]  }
0x16f: {  	v9 =	vld [tilespmem:s18+$0xFFFFFFE0];
	v4 =	vmul.f32 v4, v5  }
0x170: {  	v11 =	vmov s19;
	v3 =	vld [tilespmem:s18+$0xFFFFFFC0];
	v6 =	vmul.f32 v6, v5  }
0x171: {  	v10 =	vld [tilespmem:s18+$0xFFFFFF90];
	v7 =	vmul.f32 v7, v5;
	[tilespmem:s18+$0xFFFFFFF0] =	vst v4;
	v4 =	vand.u32 $0x7F, v11  }
0x172: {  	v8 =	vmul.f32 v63, v5;
	[tilespmem:s18+$0xFFFFFF80] =	vst v6;
	v4 =	vor.u32 $0xC00, v4  }
0x173: {  	v2 =	vmul.f32 v2, v5;
	[tilespmem:s18+$0xFFFFFFA0] =	vst v7;
	v6 =	vbroadcast v4, $0x0  }
0x174: {  	[tilespmem:s18+$0xFFFFFFB0] =	vst v8;
	v7 =	vmul.f32 v9, v5  }
0x175: {  	v0 =	vld [tilespmem:s18+$0x0];
	[tilespmem:s18+$0xFFFFFFD0] =	vst v2;
	v2 =	vmul.f32 v3, v5  }
0x176: {  	v1 =	vld [tilespmem:s18+$0x10];
	v4 =	vmul.f32 v10, v5;
	[tilespmem:s18+$0xFFFFFFE0] =	vst v7  }
0x177: {  	v3 =	vld [tilespmem:s18+$0x70];
	[tilespmem:s18+$0xFFFFFFC0] =	vst v2  }
0x178: {  	[tilespmem:s18+$0xFFFFFF90] =	vst v4;
	v4 =	vld [tilespmem:s18+$0x50]  }
0x179: {  	s20 =	simm.s32 $0x3080;
	s19 =	simm.s32 $0x3;
	v2 =	vld.idx.msk [tilespmem:v6+s28+$0x0], $0xffff  }
.LBB2_13:
0x17a: {  	p0 =	sne.s32 s19, $0x4F  }
0x17b: {  	v5 =	vld [tilespmem:s18+$0x30];
	s20 =	sadd.s32 $0x100, s20;
	s21 =	smov.u32 s19;
	s19 =	sadd.s32 $0x2, s19  }
0x17c: {  	v6 =	vld [tilespmem:s18+$0x20]  }
0x17d: {  	v7 =	vld [tilespmem:s18+$0x40]  }
0x17e: {  	v8 =	vld [tilespmem:s18+$0x60];
	_ =	sdelay $0x1  }
0x17f: {  	s22 =	sadd.s32 $0xFFFFFFFF, s21;
	v0 =	vmul.f32 v0, v2;
	v1 =	vmul.f32 v1, v2  }
0x180: {  	v9 =	vmov s22;
	v5 =	vmul.f32 v5, v2;
	v6 =	vmul.f32 v6, v2  }
0x181: {  	v9 =	vand.u32 $0x7E, v9;
	v4 =	vmul.f32 v4, v2;
	[tilespmem:s18+$0x0] =	vst v0;
	v7 =	vmul.f32 v7, v2  }
0x182: {  	v9 =	vor.u32 $0xC00, v9;
	v0 =	vld [tilespmem:s20+$0x0];
	[tilespmem:s18+$0x30] =	vst v5;
	v5 =	vmul.f32 v8, v2;
	v2 =	vmul.f32 v3, v2  }
0x183: {  	v3 =	vbroadcast v9, $0x0;
	[tilespmem:s18+$0x40] =	vst v7  }
0x184: {  	v7 =	vld [tilespmem:s20+$0xFFFFFFD0];
	[tilespmem:s18+$0x50] =	vst v4  }
0x185: {  	v4 =	vld [tilespmem:s20+$0xFFFFFFC0];
	[tilespmem:s18+$0x20] =	vst v6  }
0x186: {  	v6 =	vld [tilespmem:s20+$0xFFFFFFB0];
	[tilespmem:s18+$0x70] =	vst v2  }
0x187: {  	v2 =	vld [tilespmem:s20+$0xFFFFFFE0];
	[tilespmem:s18+$0x10] =	vst v1  }
0x188: {  	v8 =	vld [tilespmem:s20+$0xFFFFFFF0];
	[tilespmem:s18+$0x60] =	vst v5;
	s18 =	smov.u32 s20  }
0x189: {  	v3 =	vld.idx.msk [tilespmem:v3+s28+$0x0], $0xffff  }
0x18a: {  	v5 =	vld [tilespmem:s20+$0xFFFFFF80]  }
0x18b: {  	v9 =	vld [tilespmem:s20+$0xFFFFFFA0]  }
0x18c: {  	v10 =	vld [tilespmem:s20+$0xFFFFFF90]  }
0x18d: {  	v1 =	vld [tilespmem:s20+$0x10];
	_ =	sdelay $0x1  }
0x18e: {  	v8 =	vmul.f32 v8, v3;
	v5 =	vmul.f32 v5, v3  }
0x18f: {  	v11 =	vmov s21;
	v2 =	vmul.f32 v2, v3;
	v9 =	vmul.f32 v9, v3  }
0x190: {  	v6 =	vmul.f32 v6, v3;
	v10 =	vmul.f32 v10, v3;
	[tilespmem:s20+$0xFFFFFFF0] =	vst v8;
	v8 =	vand.u32 $0x7F, v11  }
0x191: {  	[tilespmem:s20+$0xFFFFFF80] =	vst v5;
	v5 =	vmul.f32 v4, v3;
	v3 =	vmul.f32 v7, v3;
	v4 =	vor.u32 $0xC00, v8  }
0x192: {  	[tilespmem:s20+$0xFFFFFFA0] =	vst v9;
	v7 =	vbroadcast v4, $0x0  }
0x193: {  	[tilespmem:s20+$0xFFFFFFB0] =	vst v6  }
.Ltmp5:
0x194: {  	[tilespmem:s20+$0xFFFFFFD0] =	vst v3;
	(pc) =	sbr.rel @p0 .LBB2_13-.Ltmp5, $4  }
0x195: {  	[tilespmem:s20+$0xFFFFFF90] =	vst v10  }
0x196: {  	[tilespmem:s20+$0xFFFFFFE0] =	vst v2;
	v4 =	vld [tilespmem:s20+$0x50]  }
0x197: {  	[tilespmem:s20+$0xFFFFFFC0] =	vst v5;
	v3 =	vld [tilespmem:s20+$0x70]  }
0x198: {  	v2 =	vld.idx.msk [tilespmem:v7+s28+$0x0], $0xffff  }
0x199: {  	_ =	sdelay $0x2  }
0x19a: {  	v5 =	vld [tilespmem:s18+$0x30]  }
0x19b: {  	v6 =	vld [tilespmem:s18+$0x40];
	v0 =	vmul.f32 v0, v2  }
0x19c: {  	v7 =	vld [tilespmem:s18+$0x20];
	v4 =	vmul.f32 v4, v2  }
0x19d: {  	v8 =	vld [tilespmem:s18+$0x60];
	v62 =	vmul.f32 v3, v2;
	[tilespmem:s18+$0x0] =	vst v0  }
0x19e: {  	v1 =	vmul.f32 v1, v2;
	[tilespmem:s18+$0x50] =	vst v4  }
0x19f: {  	v5 =	vmul.f32 v5, v2;
	[tilespmem:s18+$0x70] =	vst v62  }
0x1a0: {  	v60 =	vmul.f32 v6, v2;
	[tilespmem:s18+$0x10] =	vst v1  }
0x1a1: {  	v61 =	vmul.f32 v7, v2;
	[tilespmem:s18+$0x30] =	vst v5  }
0x1a2: {  	s16 =	sadd.s32 $0x1, s16;
	v63 =	vmul.f32 v8, v2;
	[tilespmem:s18+$0x40] =	vst v60  }
0x1a3: {  	p0 =	sne.s32 s16, $0x5;
	[tilespmem:s18+$0x20] =	vst v61  }
.Ltmp6:
0x1a4: {  	[tilespmem:s18+$0x60] =	vst v63;
	(pc) =	sbr.rel @p0 .LBB2_2-.Ltmp6, $4  }
0x1a5: {  	[spmem:s2] =	stream.indirect.scatter.add.f32 [tilespmem:s30], [sflag:$0x3], $0x80, s14, s29, $0xb8;
	[tilespmem:$0x1C000] =	vst v63  }
0x1a6: {  	_ =	swait.ge [sflag:s17], $0x2800  }
0x1a7: {  	[sflag:s17] =	ssyncset.done $0x0  }
0x1a8: {  	[sflag:s17] =	ssyncadd.s32 $0xFFFFD800  }
0x1a9: {  	[bflag:$0x0] =	sbarrier.arrive $0xFFFF  }
0x1aa: {  	s16 =	rddreg [dreg:$0x5]  }
0x1ab: {  	[hbm:s16], [sflag:s7] =	dma.local [spmem:s15], $0x800  }
0x1ac: {  	_ =	swait.ge [sflag:s17], $0x800  }
0x1ad: {  	[sflag:s17] =	ssyncset.done $0x0;
	s16 =	rddreg [dreg:$0x6]  }
0x1ae: {  	s18 =	rddreg [dreg:$0xe];
	[sflag:s17] =	ssyncadd.s32 $0xFFFFF800  }
0x1af: {  	[hbm:s16], [sflag:s7] =	dma.local [spmem:s18], $0x800  }
0x1b0: {  	_ =	swait.ge [sflag:s17], $0x800  }
0x1b1: {  	[sflag:s17] =	ssyncset.done $0x0;
	s19 =	rddreg [dreg:$0x7]  }
0x1b2: {  	s20 =	rddreg [dreg:$0xf];
	[sflag:s17] =	ssyncadd.s32 $0xFFFFF800  }
0x1b3: {  	[hbm:s19], [sflag:s7] =	dma.local [spmem:s20], $0x800  }
0x1b4: {  	_ =	swait.ge [sflag:s17], $0x800  }
0x1b5: {  	[sflag:s17] =	ssyncset.done $0x0;
	s21 =	rddreg [dreg:$0x8]  }
0x1b6: {  	s22 =	rddreg [dreg:$0x10];
	[sflag:s17] =	ssyncadd.s32 $0xFFFFF800  }
0x1b7: {  	[hbm:s21], [sflag:s7] =	dma.local [spmem:s22], $0x800  }
0x1b8: {  	_ =	swait.ge [sflag:s17], $0x800  }
0x1b9: {  	[sflag:s17] =	ssyncset.done $0x0;
	s23 =	rddreg [dreg:$0x9]  }
0x1ba: {  	s24 =	rddreg [dreg:$0x11];
	[sflag:s17] =	ssyncadd.s32 $0xFFFFF800  }
0x1bb: {  	[hbm:s23], [sflag:s7] =	dma.local [spmem:s24], $0x800  }
0x1bc: {  	_ =	swait.ge [sflag:s17], $0x800  }
0x1bd: {  	s3 =	sadd.s32 $0x1, s3;
	s25 =	rddreg [dreg:$0x4]  }
0x1be: {  	p0 =	sne.s32 s3, s25  }
.Ltmp7:
0x1bf: {  	_ = 	snop;
	(pc) =	sbr.rel @p0 .LBB2_1-.Ltmp7, $3  }
0x1c0: {  	_ =	sdelay $0x1  }
0x1c1: {  	[sflag:s17] =	ssyncset.done $0x0  }
0x1c2: {  	[sflag:s17] =	ssyncadd.s32 $0xFFFFF800  }
0x1c3: {  	_ =	sfence.sel $0x180000  }
0x1c4: {  	[bflag:$0x0] =	sbarrier.arrive $0xFFFF  }
0x1c5: {  	_ =	strace $0x9000004A  }
0x1c6: {  	s0 =	stileid.u32;
	[bflag:$0x2] =	sbarrier.arrive $0xFFFF  }
0x1c7: {  	p0 =	sne.s32 s0, $0x0;
	s0 =	rddreg [dreg:$0x3]  }
0x1c8: {  	s0 =	sadd.s32 @!p0 $0x100000, s0  }
0x1c9: {  	[sflag:s0] =	ssyncadd.tile.s32 @!p0 $0x1;
	_ =	shalt  }
.Lfunc_end2:
_tile_overlayer_lowered:
.L_overlay_start_2:
0x1ca: {  	(tag) =	ssettag $0x2  }
0x1cb: {  	s0 =	rddreg [dreg:$0x0];
	s2 =	stileid.u32  }
0x1cc: {  	s1 =	rddreg [dreg:$0x1];
	p0 =	sne.s32 s2, $0x0  }
0x1cd: {  	s3 =	rddreg [dreg:$0x2];
	[bflag:$0x3] =	sbarrier.arrive $0xFFFF;
	s2 =	simm.s32 @!p0 $0x1C03  }
0x1ce: {  	[timem:s3], [sflag:s2] =	dma.local @!p0 [hbm:s0], s1  }
0x1cf: {  	s0 =	simm.s32 @!p0 $0x3  }
0x1d0: {  	_ =	swait.ge @!p0 [sflag:s0], s1  }
0x1d1: {  	s1 =	ssub.s32 @!p0 $0x0, s1;
	[sflag:s0] =	ssyncset.done @!p0 $0x0  }
0x1d2: {  	[sflag:s0] =	ssyncadd.s32 @!p0 s1  }
0x1d3: {  	[bflag:$0x3] =	sbarrier.arrive $0xFFFF  }
0x1d4: {  	_ =	shalt  }

</sc_bundles>
